<compile_context>
chip_gen: v7x
topology: tpu7x:2x2x1
jax: 0.10.2.dev20260603
libtpu: 0.0.44.dev20260713+nightly
codegen_flags: <defaults>
</compile_context>

<pallas_src>
import functools

import jax
import jax.numpy as jnp
from jax import lax
from jax.experimental import pallas as pl
from jax.experimental.pallas import tpu as pltpu
from jax.experimental.pallas import tpu_sc as plsc

N_NODES = 10000
D = 128
N_EDGES = 320000
NC = 2
NS = 16
NW = NC * NS
CH = 128
K = -(-N_EDGES // (NW * CH))
E_PAD = NW * K * CH
LANES = 16
NPAD = 10240

_mesh = plsc.VectorSubcoreMesh(core_axis_name="c", subcore_axis_name="s")


@functools.partial(
    pl.kernel,
    out_type=jax.ShapeDtypeStruct((NC, NPAD, D), jnp.float32),
    mesh=_mesh,
    scratch_types=[
        pltpu.VMEM((K, CH), jnp.int32),
        pltpu.VMEM((K, CH), jnp.int32),
        pltpu.VMEM((K, CH), jnp.float32),
        pltpu.VMEM((CH, D), jnp.float32),
        pltpu.VMEM_SHARED((NPAD, D), jnp.float32),
    ],
)
def _sc_edge_agg(y_hbm, src_hbm, dst_hbm, w_hbm, out_hbm,
                 src_v, dst_v, w_v, rows_v, acc):
    c = lax.axis_index("c")
    s = lax.axis_index("s")
    wid = c * NS + s

    def _zero_row(e, carry):
        for t in range(D // LANES):
            rows_v[e, pl.ds(t * LANES, LANES)] = jnp.zeros((LANES,),
                                                           jnp.float32)
        return carry
    lax.fori_loop(0, CH, _zero_row, 0)

    rpt = NPAD // NS
    base = s * rpt
    for r in range(rpt // CH):
        pltpu.sync_copy(rows_v, acc.at[pl.ds(base + r * CH, CH)])
    plsc.subcore_barrier()

    pltpu.sync_copy(src_hbm.at[wid], src_v)
    pltpu.sync_copy(dst_hbm.at[wid], dst_v)
    pltpu.sync_copy(w_hbm.at[wid], w_v)

    def _chunk(j, carry):
        pltpu.sync_copy(y_hbm.at[src_v.at[j]], rows_v)

        def _scale(g, inner):
            w16 = w_v[j, pl.ds(g * LANES, LANES)]
            for i in range(LANES):
                e = g * LANES + i
                for t in range(D // LANES):
                    sl = pl.ds(t * LANES, LANES)
                    rows_v[e, sl] = rows_v[e, sl] * w16[i]
            return inner
        lax.fori_loop(0, CH // LANES, _scale, 0)

        pltpu.sync_copy(rows_v, acc.at[dst_v.at[j]], add=True)
        return carry
    lax.fori_loop(0, K, _chunk, 0)
    plsc.subcore_barrier()

    pltpu.sync_copy(acc.at[pl.ds(base, rpt)], out_hbm.at[c, pl.ds(base, rpt)])


BM = 1000


def _mm_body(x_ref, w_ref, o_ref):
    o_ref[...] = jnp.dot(x_ref[...], w_ref[...],
                         preferred_element_type=jnp.float32)


def _tc_mm(x, w):
    return pl.pallas_call(
        _mm_body,
        grid=(N_NODES // BM,),
        in_specs=[pl.BlockSpec((BM, D), lambda i: (i, 0)),
                  pl.BlockSpec((D, D), lambda i: (0, 0))],
        out_specs=pl.BlockSpec((BM, D), lambda i: (i, 0)),
        out_shape=jax.ShapeDtypeStruct((N_NODES, D), jnp.float32),
    )(x, w)


def _mid_body(p_ref, x_ref, b_ref, w1r_ref, w2_ref, w2r_ref, y2_ref, r2_ref):
    h = (p_ref[0] + p_ref[1] + b_ref[...]
         + jnp.dot(x_ref[...], w1r_ref[...],
                   preferred_element_type=jnp.float32))
    h = jnp.where(h > 0, h, jnp.exp(jnp.minimum(h, 0.0)) - 1.0)
    y2_ref[...] = jnp.dot(h, w2_ref[...], preferred_element_type=jnp.float32)
    r2_ref[...] = jnp.dot(h, w2r_ref[...], preferred_element_type=jnp.float32)


def _tc_mid(p, x, b1, w1r, w2, w2r):
    return pl.pallas_call(
        _mid_body,
        grid=(N_NODES // BM,),
        in_specs=[pl.BlockSpec((NC, BM, D), lambda i: (0, i, 0)),
                  pl.BlockSpec((BM, D), lambda i: (i, 0)),
                  pl.BlockSpec((1, D), lambda i: (0, 0)),
                  pl.BlockSpec((D, D), lambda i: (0, 0)),
                  pl.BlockSpec((D, D), lambda i: (0, 0)),
                  pl.BlockSpec((D, D), lambda i: (0, 0))],
        out_specs=[pl.BlockSpec((BM, D), lambda i: (i, 0)),
                   pl.BlockSpec((BM, D), lambda i: (i, 0))],
        out_shape=[jax.ShapeDtypeStruct((N_NODES, D), jnp.float32),
                   jax.ShapeDtypeStruct((N_NODES, D), jnp.float32)],
    )(p, x, b1, w1r, w2, w2r)


def _fin_body(q_ref, r2_ref, b_ref, o_ref):
    o_ref[...] = q_ref[0] + q_ref[1] + r2_ref[...] + b_ref[...]


def _tc_fin(q, r2, b2):
    return pl.pallas_call(
        _fin_body,
        grid=(N_NODES // BM,),
        in_specs=[pl.BlockSpec((NC, BM, D), lambda i: (0, i, 0)),
                  pl.BlockSpec((BM, D), lambda i: (i, 0)),
                  pl.BlockSpec((1, D), lambda i: (0, 0))],
        out_specs=pl.BlockSpec((BM, D), lambda i: (i, 0)),
        out_shape=jax.ShapeDtypeStruct((N_NODES, D), jnp.float32),
    )(q, r2, b2)


def kernel(x, edge_index, edge_weights,
           W1_rel, b1_rel, W1_root, W2_rel, b2_rel, W2_root):
    src = edge_index[0].astype(jnp.int32)
    dst = edge_index[1].astype(jnp.int32)
    w = edge_weights.astype(jnp.float32)
    pad = E_PAD - N_EDGES
    src_m = jnp.pad(src, (0, pad)).reshape(NW, K, CH)
    dst_m = jnp.pad(dst, (0, pad)).reshape(NW, K, CH)
    w_m = jnp.pad(w, (0, pad)).reshape(NW, K, CH)
    b1r = b1_rel.reshape(1, D)
    b2r = b2_rel.reshape(1, D)

    y1 = _tc_mm(x, W1_rel)
    p1 = _sc_edge_agg(y1, src_m, dst_m, w_m)
    y2, r2 = _tc_mid(p1, x, b1r, W1_root, W2_rel, W2_root)
    p2 = _sc_edge_agg(y2, src_m, dst_m, w_m)
    return _tc_fin(p2, r2, b2r)

# --- scband reference (transcript-rebuilt; emitter-appended) ---
"""Pipeline reference for scband-graph-conv-net-5566277616453 (READ-ONLY COPY).

The authoritative reference and input builder live on the scoring server;
editing this copy changes nothing except your own understanding.
"""

import jax, jax.numpy as jnp
import numpy as np

N_NODES = 10000
N_EDGES = 320000
D_IN = 128
D_HID = 128


def setup_inputs(seed: int = 0) -> dict:
    key = jax.random.key(seed)
    ks = jax.random.split(key, 10)
    x = jax.random.normal(ks[0], (N_NODES, D_IN), dtype=jnp.float32)
    edge_index = jax.random.randint(ks[1], (2, N_EDGES), 0, N_NODES, dtype=jnp.int64)
    edge_weights = jax.random.uniform(ks[2], (N_EDGES,), dtype=jnp.float32)
    # Layer 1 params (GraphConv: lin_rel with bias, lin_root without bias)
    s1 = 1.0 / np.sqrt(D_IN)
    W1_rel = jax.random.uniform(ks[3], (D_IN, D_HID), minval=-s1, maxval=s1, dtype=jnp.float32)
    b1_rel = jax.random.uniform(ks[4], (D_HID,), minval=-s1, maxval=s1, dtype=jnp.float32)
    W1_root = jax.random.uniform(ks[5], (D_IN, D_HID), minval=-s1, maxval=s1, dtype=jnp.float32)
    # Layer 2 params
    s2 = 1.0 / np.sqrt(D_HID)
    W2_rel = jax.random.uniform(ks[6], (D_HID, D_HID), minval=-s2, maxval=s2, dtype=jnp.float32)
    b2_rel = jax.random.uniform(ks[7], (D_HID,), minval=-s2, maxval=s2, dtype=jnp.float32)
    W2_root = jax.random.uniform(ks[8], (D_HID, D_HID), minval=-s2, maxval=s2, dtype=jnp.float32)
    return {"x": x, "edge_index": edge_index, "edge_weights": edge_weights,
            "W1_rel": W1_rel, "b1_rel": b1_rel, "W1_root": W1_root,
            "W2_rel": W2_rel, "b2_rel": b2_rel, "W2_root": W2_root}


def _graph_conv(h, edge_index, edge_weights, W_rel, b_rel, W_root):
    # PyG GraphConv: out_i = lin_rel( sum_{j in N(i)} e_ji * h_j ) + lin_root(h_i)
    src = edge_index[0]
    dst = edge_index[1]
    msg = h[src] * edge_weights[:, None]              # gather + scale (SparseCore gather)
    agg = jnp.zeros_like(h).at[dst].add(msg)          # scatter-add (SparseCore scatter)
    return agg @ W_rel + b_rel + h @ W_root


def reference(x, edge_index, edge_weights, W1_rel, b1_rel, W1_root, W2_rel, b2_rel, W2_root):
    h = _graph_conv(x, edge_index, edge_weights, W1_rel, b1_rel, W1_root)
    h = jax.nn.elu(h)
    h = _graph_conv(h, edge_index, edge_weights, W2_rel, b2_rel, W2_root)
    return h

if __name__ == "__main__":
    import jax
    _d = setup_inputs()
    print(jax.jit(kernel)(*tuple(_d.values())))

</pallas_src>

<mosaic_0001>
#map = affine_map<(d0, d1) -> (0, 0)>
#map1 = affine_map<(d0, d1) -> (0, 0, 0)>
module attributes {stable_mosaic.version = 14 : i64} {
  func.func @_sc_edge_agg(%arg0: i32, %arg1: i32, %arg2: memref<10000x128xf32, #tpu.memory_space<hbm>>, %arg3: memref<32x79x128xi32, #tpu.memory_space<hbm>>, %arg4: memref<32x79x128xi32, #tpu.memory_space<hbm>>, %arg5: memref<32x79x128xf32, #tpu.memory_space<hbm>>, %arg6: memref<2x10240x128xf32, #tpu.memory_space<hbm>>, %arg7: memref<79x128xi32, #tpu.memory_space<vmem>>, %arg8: memref<79x128xi32, #tpu.memory_space<vmem>>, %arg9: memref<79x128xf32, #tpu.memory_space<vmem>>, %arg10: memref<128x128xf32, #tpu.memory_space<vmem>>, %arg11: memref<10240x128xf32, #tpu.memory_space<vmem_shared>>) attributes {dimension_semantics = [#tpu.dimension_semantics<core_parallel>, #tpu.dimension_semantics<subcore_parallel>], iteration_bounds = array<i64: 2, 16>, scalar_prefetch = 0 : i64, scratch_operands = 5 : i64, tpu.core_type = #tpu.core_type<sc_vector_subcore>, window_params = [{transform_indices = #map}, {transform_indices = #map1}, {transform_indices = #map1}, {transform_indices = #map1}, {transform_indices = #map1}]} {
    %mul3A = arith.constant 16 : i32
    %mul3A_0 = arith.muli %arg0, %mul3A : i32
    %add3A = arith.addi %mul3A_0, %arg1 : i32
    %scan3A = arith.constant 0 : i32
    %scan3A_1 = arith.constant 0 : i32
    %scan3A_2 = arith.constant 128 : i32
    %scan3A_3 = arith.addi %scan3A_1, %scan3A_2 : i32
    %scan3A_4 = arith.constant 1 : i32
    scf.for %scan3A_25 = %scan3A_1 to %scan3A_3 step %scan3A_4  : i32 {
      %broadcast_in_dim3A = arith.constant 0.000000e+00 : f32
      %broadcast_in_dim3A_26 = vector.broadcast %broadcast_in_dim3A : f32 to vector<16xf32>
      %swap3A = arith.index_cast %scan3A_25 : i32 to index
      %swap3A_27 = arith.constant 0 : index
      %swap3A_28 = tpu.vector_load %arg10[%swap3A, %swap3A_27] {strides = array<i32>} : memref<128x128xf32, #tpu.memory_space<vmem>>, vector<1x16xf32>,
      %swap3A_29 = vector.shape_cast %swap3A_28 : vector<1x16xf32> to vector<16xf32>
      %swap3A_30 = vector.shape_cast %broadcast_in_dim3A_26 : vector<16xf32> to vector<1x16xf32>
      tpu.vector_store %arg10[%swap3A, %swap3A_27], %swap3A_30 {strides = array<i32>} : memref<128x128xf32, #tpu.memory_space<vmem>>, vector<1x16xf32>,
      %broadcast_in_dim3A_31 = arith.constant 0.000000e+00 : f32
      %broadcast_in_dim3A_32 = vector.broadcast %broadcast_in_dim3A_31 : f32 to vector<16xf32>
      %swap3A_33 = arith.index_cast %scan3A_25 : i32 to index
      %swap3A_34 = arith.constant 16 : index
      %swap3A_35 = tpu.vector_load %arg10[%swap3A_33, %swap3A_34] {strides = array<i32>} : memref<128x128xf32, #tpu.memory_space<vmem>>, vector<1x16xf32>,
      %swap3A_36 = vector.shape_cast %swap3A_35 : vector<1x16xf32> to vector<16xf32>
      %swap3A_37 = vector.shape_cast %broadcast_in_dim3A_32 : vector<16xf32> to vector<1x16xf32>
      tpu.vector_store %arg10[%swap3A_33, %swap3A_34], %swap3A_37 {strides = array<i32>} : memref<128x128xf32, #tpu.memory_space<vmem>>, vector<1x16xf32>,
      %broadcast_in_dim3A_38 = arith.constant 0.000000e+00 : f32
      %broadcast_in_dim3A_39 = vector.broadcast %broadcast_in_dim3A_38 : f32 to vector<16xf32>
      %swap3A_40 = arith.index_cast %scan3A_25 : i32 to index
      %swap3A_41 = arith.constant 32 : index
      %swap3A_42 = tpu.vector_load %arg10[%swap3A_40, %swap3A_41] {strides = array<i32>} : memref<128x128xf32, #tpu.memory_space<vmem>>, vector<1x16xf32>,
      %swap3A_43 = vector.shape_cast %swap3A_42 : vector<1x16xf32> to vector<16xf32>
      %swap3A_44 = vector.shape_cast %broadcast_in_dim3A_39 : vector<16xf32> to vector<1x16xf32>
      tpu.vector_store %arg10[%swap3A_40, %swap3A_41], %swap3A_44 {strides = array<i32>} : memref<128x128xf32, #tpu.memory_space<vmem>>, vector<1x16xf32>,
      %broadcast_in_dim3A_45 = arith.constant 0.000000e+00 : f32
      %broadcast_in_dim3A_46 = vector.broadcast %broadcast_in_dim3A_45 : f32 to vector<16xf32>
      %swap3A_47 = arith.index_cast %scan3A_25 : i32 to index
      %swap3A_48 = arith.constant 48 : index
      %swap3A_49 = tpu.vector_load %arg10[%swap3A_47, %swap3A_48] {strides = array<i32>} : memref<128x128xf32, #tpu.memory_space<vmem>>, vector<1x16xf32>,
      %swap3A_50 = vector.shape_cast %swap3A_49 : vector<1x16xf32> to vector<16xf32>
      %swap3A_51 = vector.shape_cast %broadcast_in_dim3A_46 : vector<16xf32> to vector<1x16xf32>
      tpu.vector_store %arg10[%swap3A_47, %swap3A_48], %swap3A_51 {strides = array<i32>} : memref<128x128xf32, #tpu.memory_space<vmem>>, vector<1x16xf32>,
      %broadcast_in_dim3A_52 = arith.constant 0.000000e+00 : f32
      %broadcast_in_dim3A_53 = vector.broadcast %broadcast_in_dim3A_52 : f32 to vector<16xf32>
      %swap3A_54 = arith.index_cast %scan3A_25 : i32 to index
      %swap3A_55 = arith.constant 64 : index
      %swap3A_56 = tpu.vector_load %arg10[%swap3A_54, %swap3A_55] {strides = array<i32>} : memref<128x128xf32, #tpu.memory_space<vmem>>, vector<1x16xf32>,
      %swap3A_57 = vector.shape_cast %swap3A_56 : vector<1x16xf32> to vector<16xf32>
      %swap3A_58 = vector.shape_cast %broadcast_in_dim3A_53 : vector<16xf32> to vector<1x16xf32>
      tpu.vector_store %arg10[%swap3A_54, %swap3A_55], %swap3A_58 {strides = array<i32>} : memref<128x128xf32, #tpu.memory_space<vmem>>, vector<1x16xf32>,
      %broadcast_in_dim3A_59 = arith.constant 0.000000e+00 : f32
      %broadcast_in_dim3A_60 = vector.broadcast %broadcast_in_dim3A_59 : f32 to vector<16xf32>
      %swap3A_61 = arith.index_cast %scan3A_25 : i32 to index
      %swap3A_62 = arith.constant 80 : index
      %swap3A_63 = tpu.vector_load %arg10[%swap3A_61, %swap3A_62] {strides = array<i32>} : memref<128x128xf32, #tpu.memory_space<vmem>>, vector<1x16xf32>,
      %swap3A_64 = vector.shape_cast %swap3A_63 : vector<1x16xf32> to vector<16xf32>
      %swap3A_65 = vector.shape_cast %broadcast_in_dim3A_60 : vector<16xf32> to vector<1x16xf32>
      tpu.vector_store %arg10[%swap3A_61, %swap3A_62], %swap3A_65 {strides = array<i32>} : memref<128x128xf32, #tpu.memory_space<vmem>>, vector<1x16xf32>,
      %broadcast_in_dim3A_66 = arith.constant 0.000000e+00 : f32
      %broadcast_in_dim3A_67 = vector.broadcast %broadcast_in_dim3A_66 : f32 to vector<16xf32>
      %swap3A_68 = arith.index_cast %scan3A_25 : i32 to index
      %swap3A_69 = arith.constant 96 : index
      %swap3A_70 = tpu.vector_load %arg10[%swap3A_68, %swap3A_69] {strides = array<i32>} : memref<128x128xf32, #tpu.memory_space<vmem>>, vector<1x16xf32>,
      %swap3A_71 = vector.shape_cast %swap3A_70 : vector<1x16xf32> to vector<16xf32>
      %swap3A_72 = vector.shape_cast %broadcast_in_dim3A_67 : vector<16xf32> to vector<1x16xf32>
      tpu.vector_store %arg10[%swap3A_68, %swap3A_69], %swap3A_72 {strides = array<i32>} : memref<128x128xf32, #tpu.memory_space<vmem>>, vector<1x16xf32>,
      %broadcast_in_dim3A_73 = arith.constant 0.000000e+00 : f32
      %broadcast_in_dim3A_74 = vector.broadcast %broadcast_in_dim3A_73 : f32 to vector<16xf32>
      %swap3A_75 = arith.index_cast %scan3A_25 : i32 to index
      %swap3A_76 = arith.constant 112 : index
      %swap3A_77 = tpu.vector_load %arg10[%swap3A_75, %swap3A_76] {strides = array<i32>} : memref<128x128xf32, #tpu.memory_space<vmem>>, vector<1x16xf32>,
      %swap3A_78 = vector.shape_cast %swap3A_77 : vector<1x16xf32> to vector<16xf32>
      %swap3A_79 = vector.shape_cast %broadcast_in_dim3A_74 : vector<16xf32> to vector<1x16xf32>
      tpu.vector_store %arg10[%swap3A_75, %swap3A_76], %swap3A_79 {strides = array<i32>} : memref<128x128xf32, #tpu.memory_space<vmem>>, vector<1x16xf32>,
    }
    %scan3A_5 = arith.constant 128 : i32
    %mul3A_6 = arith.constant 640 : i32
    %mul3A_7 = arith.muli %arg1, %mul3A_6 : i32
    %add3A_8 = arith.constant 0 : i32
    %add3A_9 = arith.addi %mul3A_7, %add3A_8 : i32
    "tpu.region"() ({
      %run_scoped3A = tpu.sem_alloc : memref<!tpu.dma_semaphore, #tpu.memory_space<semaphore_mem>>
      %dma_start3A = arith.constant 0 : i32
      %dma_start3A_25 = tpu.memref_slice %arg11[%add3A_9, %dma_start3A] : memref<10240x128xf32, #tpu.memory_space<vmem_shared>> -> memref<128x128xf32, #tpu.memory_space<vmem_shared>>
      %dma_start3A_26 = arith.constant 0 : i32
      %dma_start3A_27 = tpu.memref_slice %arg11[%add3A_9, %dma_start3A_26] : memref<10240x128xf32, #tpu.memory_space<vmem_shared>> -> memref<128x128xf32, #tpu.memory_space<vmem_shared>>
      tpu.enqueue_dma source(%arg10 : memref<128x128xf32, #tpu.memory_space<vmem>>) target(%dma_start3A_27 : memref<128x128xf32, #tpu.memory_space<vmem_shared>>) target_semaphore(%run_scoped3A : memref<!tpu.dma_semaphore, #tpu.memory_space<semaphore_mem>>)
      %dma_wait3A = arith.constant 0 : i32
      %dma_wait3A_28 = tpu.memref_slice %arg11[%add3A_9, %dma_wait3A] : memref<10240x128xf32, #tpu.memory_space<vmem_shared>> -> memref<128x128xf32, #tpu.memory_space<vmem_shared>>
      %dma_wait3A_29 = arith.constant 0 : i32
      %dma_wait3A_30 = tpu.memref_slice %arg11[%add3A_9, %dma_wait3A_29] : memref<10240x128xf32, #tpu.memory_space<vmem_shared>> -> memref<128x128xf32, #tpu.memory_space<vmem_shared>>
      tpu.wait_dma2 semaphore(%run_scoped3A : memref<!tpu.dma_semaphore, #tpu.memory_space<semaphore_mem>>) src(%arg10 : memref<128x128xf32, #tpu.memory_space<vmem>>) dst(%dma_wait3A_30 : memref<128x128xf32, #tpu.memory_space<vmem_shared>>)
      tpu.yield
    }) : () -> ()
    %add3A_10 = arith.constant 128 : i32
    %add3A_11 = arith.addi %mul3A_7, %add3A_10 : i32
    "tpu.region"() ({
      %run_scoped3A = tpu.sem_alloc : memref<!tpu.dma_semaphore, #tpu.memory_space<semaphore_mem>>
      %dma_start3A = arith.constant 0 : i32
      %dma_start3A_25 = tpu.memref_slice %arg11[%add3A_11, %dma_start3A] : memref<10240x128xf32, #tpu.memory_space<vmem_shared>> -> memref<128x128xf32, #tpu.memory_space<vmem_shared>>
      %dma_start3A_26 = arith.constant 0 : i32
      %dma_start3A_27 = tpu.memref_slice %arg11[%add3A_11, %dma_start3A_26] : memref<10240x128xf32, #tpu.memory_space<vmem_shared>> -> memref<128x128xf32, #tpu.memory_space<vmem_shared>>
      tpu.enqueue_dma source(%arg10 : memref<128x128xf32, #tpu.memory_space<vmem>>) target(%dma_start3A_27 : memref<128x128xf32, #tpu.memory_space<vmem_shared>>) target_semaphore(%run_scoped3A : memref<!tpu.dma_semaphore, #tpu.memory_space<semaphore_mem>>)
      %dma_wait3A = arith.constant 0 : i32
      %dma_wait3A_28 = tpu.memref_slice %arg11[%add3A_11, %dma_wait3A] : memref<10240x128xf32, #tpu.memory_space<vmem_shared>> -> memref<128x128xf32, #tpu.memory_space<vmem_shared>>
      %dma_wait3A_29 = arith.constant 0 : i32
      %dma_wait3A_30 = tpu.memref_slice %arg11[%add3A_11, %dma_wait3A_29] : memref<10240x128xf32, #tpu.memory_space<vmem_shared>> -> memref<128x128xf32, #tpu.memory_space<vmem_shared>>
      tpu.wait_dma2 semaphore(%run_scoped3A : memref<!tpu.dma_semaphore, #tpu.memory_space<semaphore_mem>>) src(%arg10 : memref<128x128xf32, #tpu.memory_space<vmem>>) dst(%dma_wait3A_30 : memref<128x128xf32, #tpu.memory_space<vmem_shared>>)
      tpu.yield
    }) : () -> ()
    %add3A_12 = arith.constant 256 : i32
    %add3A_13 = arith.addi %mul3A_7, %add3A_12 : i32
    "tpu.region"() ({
      %run_scoped3A = tpu.sem_alloc : memref<!tpu.dma_semaphore, #tpu.memory_space<semaphore_mem>>
      %dma_start3A = arith.constant 0 : i32
      %dma_start3A_25 = tpu.memref_slice %arg11[%add3A_13, %dma_start3A] : memref<10240x128xf32, #tpu.memory_space<vmem_shared>> -> memref<128x128xf32, #tpu.memory_space<vmem_shared>>
      %dma_start3A_26 = arith.constant 0 : i32
      %dma_start3A_27 = tpu.memref_slice %arg11[%add3A_13, %dma_start3A_26] : memref<10240x128xf32, #tpu.memory_space<vmem_shared>> -> memref<128x128xf32, #tpu.memory_space<vmem_shared>>
      tpu.enqueue_dma source(%arg10 : memref<128x128xf32, #tpu.memory_space<vmem>>) target(%dma_start3A_27 : memref<128x128xf32, #tpu.memory_space<vmem_shared>>) target_semaphore(%run_scoped3A : memref<!tpu.dma_semaphore, #tpu.memory_space<semaphore_mem>>)
      %dma_wait3A = arith.constant 0 : i32
      %dma_wait3A_28 = tpu.memref_slice %arg11[%add3A_13, %dma_wait3A] : memref<10240x128xf32, #tpu.memory_space<vmem_shared>> -> memref<128x128xf32, #tpu.memory_space<vmem_shared>>
      %dma_wait3A_29 = arith.constant 0 : i32
      %dma_wait3A_30 = tpu.memref_slice %arg11[%add3A_13, %dma_wait3A_29] : memref<10240x128xf32, #tpu.memory_space<vmem_shared>> -> memref<128x128xf32, #tpu.memory_space<vmem_shared>>
      tpu.wait_dma2 semaphore(%run_scoped3A : memref<!tpu.dma_semaphore, #tpu.memory_space<semaphore_mem>>) src(%arg10 : memref<128x128xf32, #tpu.memory_space<vmem>>) dst(%dma_wait3A_30 : memref<128x128xf32, #tpu.memory_space<vmem_shared>>)
      tpu.yield
    }) : () -> ()
    %add3A_14 = arith.constant 384 : i32
    %add3A_15 = arith.addi %mul3A_7, %add3A_14 : i32
    "tpu.region"() ({
      %run_scoped3A = tpu.sem_alloc : memref<!tpu.dma_semaphore, #tpu.memory_space<semaphore_mem>>
      %dma_start3A = arith.constant 0 : i32
      %dma_start3A_25 = tpu.memref_slice %arg11[%add3A_15, %dma_start3A] : memref<10240x128xf32, #tpu.memory_space<vmem_shared>> -> memref<128x128xf32, #tpu.memory_space<vmem_shared>>
      %dma_start3A_26 = arith.constant 0 : i32
      %dma_start3A_27 = tpu.memref_slice %arg11[%add3A_15, %dma_start3A_26] : memref<10240x128xf32, #tpu.memory_space<vmem_shared>> -> memref<128x128xf32, #tpu.memory_space<vmem_shared>>
      tpu.enqueue_dma source(%arg10 : memref<128x128xf32, #tpu.memory_space<vmem>>) target(%dma_start3A_27 : memref<128x128xf32, #tpu.memory_space<vmem_shared>>) target_semaphore(%run_scoped3A : memref<!tpu.dma_semaphore, #tpu.memory_space<semaphore_mem>>)
      %dma_wait3A = arith.constant 0 : i32
      %dma_wait3A_28 = tpu.memref_slice %arg11[%add3A_15, %dma_wait3A] : memref<10240x128xf32, #tpu.memory_space<vmem_shared>> -> memref<128x128xf32, #tpu.memory_space<vmem_shared>>
      %dma_wait3A_29 = arith.constant 0 : i32
      %dma_wait3A_30 = tpu.memref_slice %arg11[%add3A_15, %dma_wait3A_29] : memref<10240x128xf32, #tpu.memory_space<vmem_shared>> -> memref<128x128xf32, #tpu.memory_space<vmem_shared>>
      tpu.wait_dma2 semaphore(%run_scoped3A : memref<!tpu.dma_semaphore, #tpu.memory_space<semaphore_mem>>) src(%arg10 : memref<128x128xf32, #tpu.memory_space<vmem>>) dst(%dma_wait3A_30 : memref<128x128xf32, #tpu.memory_space<vmem_shared>>)
      tpu.yield
    }) : () -> ()
    %add3A_16 = arith.constant 512 : i32
    %add3A_17 = arith.addi %mul3A_7, %add3A_16 : i32
    "tpu.region"() ({
      %run_scoped3A = tpu.sem_alloc : memref<!tpu.dma_semaphore, #tpu.memory_space<semaphore_mem>>
      %dma_start3A = arith.constant 0 : i32
      %dma_start3A_25 = tpu.memref_slice %arg11[%add3A_17, %dma_start3A] : memref<10240x128xf32, #tpu.memory_space<vmem_shared>> -> memref<128x128xf32, #tpu.memory_space<vmem_shared>>
      %dma_start3A_26 = arith.constant 0 : i32
      %dma_start3A_27 = tpu.memref_slice %arg11[%add3A_17, %dma_start3A_26] : memref<10240x128xf32, #tpu.memory_space<vmem_shared>> -> memref<128x128xf32, #tpu.memory_space<vmem_shared>>
      tpu.enqueue_dma source(%arg10 : memref<128x128xf32, #tpu.memory_space<vmem>>) target(%dma_start3A_27 : memref<128x128xf32, #tpu.memory_space<vmem_shared>>) target_semaphore(%run_scoped3A : memref<!tpu.dma_semaphore, #tpu.memory_space<semaphore_mem>>)
      %dma_wait3A = arith.constant 0 : i32
      %dma_wait3A_28 = tpu.memref_slice %arg11[%add3A_17, %dma_wait3A] : memref<10240x128xf32, #tpu.memory_space<vmem_shared>> -> memref<128x128xf32, #tpu.memory_space<vmem_shared>>
      %dma_wait3A_29 = arith.constant 0 : i32
      %dma_wait3A_30 = tpu.memref_slice %arg11[%add3A_17, %dma_wait3A_29] : memref<10240x128xf32, #tpu.memory_space<vmem_shared>> -> memref<128x128xf32, #tpu.memory_space<vmem_shared>>
      tpu.wait_dma2 semaphore(%run_scoped3A : memref<!tpu.dma_semaphore, #tpu.memory_space<semaphore_mem>>) src(%arg10 : memref<128x128xf32, #tpu.memory_space<vmem>>) dst(%dma_wait3A_30 : memref<128x128xf32, #tpu.memory_space<vmem_shared>>)
      tpu.yield
    }) : () -> ()
    %barrier3A = arith.constant 0 : index
    tpu.barrier barrier_id(%barrier3A)
    "tpu.region"() ({
      %run_scoped3A = tpu.sem_alloc : memref<!tpu.dma_semaphore, #tpu.memory_space<semaphore_mem>>
      %dma_start3A = arith.constant 0 : i32
      %dma_start3A_25 = arith.constant 0 : i32
      %dma_start3A_26 = tpu.memref_slice %arg3[%add3A, %dma_start3A, %dma_start3A_25] : memref<32x79x128xi32, #tpu.memory_space<hbm>> -> memref<1x79x128xi32, #tpu.memory_space<hbm>>
      %dma_start3A_27 = tpu.memref_squeeze %dma_start3A_26 : memref<1x79x128xi32, #tpu.memory_space<hbm>> -> memref<79x128xi32, #tpu.memory_space<hbm>>
      %dma_start3A_28 = arith.constant 0 : i32
      %dma_start3A_29 = arith.constant 0 : i32
      %dma_start3A_30 = tpu.memref_slice %arg3[%add3A, %dma_start3A_28, %dma_start3A_29] : memref<32x79x128xi32, #tpu.memory_space<hbm>> -> memref<1x79x128xi32, #tpu.memory_space<hbm>>
      %dma_start3A_31 = tpu.memref_squeeze %dma_start3A_30 : memref<1x79x128xi32, #tpu.memory_space<hbm>> -> memref<79x128xi32, #tpu.memory_space<hbm>>
      tpu.enqueue_dma source(%dma_start3A_31 : memref<79x128xi32, #tpu.memory_space<hbm>>) target(%arg7 : memref<79x128xi32, #tpu.memory_space<vmem>>) target_semaphore(%run_scoped3A : memref<!tpu.dma_semaphore, #tpu.memory_space<semaphore_mem>>)
      %dma_wait3A = arith.constant 0 : i32
      %dma_wait3A_32 = arith.constant 0 : i32
      %dma_wait3A_33 = tpu.memref_slice %arg3[%add3A, %dma_wait3A, %dma_wait3A_32] : memref<32x79x128xi32, #tpu.memory_space<hbm>> -> memref<1x79x128xi32, #tpu.memory_space<hbm>>
      %dma_wait3A_34 = tpu.memref_squeeze %dma_wait3A_33 : memref<1x79x128xi32, #tpu.memory_space<hbm>> -> memref<79x128xi32, #tpu.memory_space<hbm>>
      %dma_wait3A_35 = arith.constant 0 : i32
      %dma_wait3A_36 = arith.constant 0 : i32
      %dma_wait3A_37 = tpu.memref_slice %arg3[%add3A, %dma_wait3A_35, %dma_wait3A_36] : memref<32x79x128xi32, #tpu.memory_space<hbm>> -> memref<1x79x128xi32, #tpu.memory_space<hbm>>
      %dma_wait3A_38 = tpu.memref_squeeze %dma_wait3A_37 : memref<1x79x128xi32, #tpu.memory_space<hbm>> -> memref<79x128xi32, #tpu.memory_space<hbm>>
      tpu.wait_dma2 semaphore(%run_scoped3A : memref<!tpu.dma_semaphore, #tpu.memory_space<semaphore_mem>>) src(%dma_wait3A_38 : memref<79x128xi32, #tpu.memory_space<hbm>>) dst(%arg7 : memref<79x128xi32, #tpu.memory_space<vmem>>)
      tpu.yield
    }) : () -> ()
    "tpu.region"() ({
      %run_scoped3A = tpu.sem_alloc : memref<!tpu.dma_semaphore, #tpu.memory_space<semaphore_mem>>
      %dma_start3A = arith.constant 0 : i32
      %dma_start3A_25 = arith.constant 0 : i32
      %dma_start3A_26 = tpu.memref_slice %arg4[%add3A, %dma_start3A, %dma_start3A_25] : memref<32x79x128xi32, #tpu.memory_space<hbm>> -> memref<1x79x128xi32, #tpu.memory_space<hbm>>
      %dma_start3A_27 = tpu.memref_squeeze %dma_start3A_26 : memref<1x79x128xi32, #tpu.memory_space<hbm>> -> memref<79x128xi32, #tpu.memory_space<hbm>>
      %dma_start3A_28 = arith.constant 0 : i32
      %dma_start3A_29 = arith.constant 0 : i32
      %dma_start3A_30 = tpu.memref_slice %arg4[%add3A, %dma_start3A_28, %dma_start3A_29] : memref<32x79x128xi32, #tpu.memory_space<hbm>> -> memref<1x79x128xi32, #tpu.memory_space<hbm>>
      %dma_start3A_31 = tpu.memref_squeeze %dma_start3A_30 : memref<1x79x128xi32, #tpu.memory_space<hbm>> -> memref<79x128xi32, #tpu.memory_space<hbm>>
      tpu.enqueue_dma source(%dma_start3A_31 : memref<79x128xi32, #tpu.memory_space<hbm>>) target(%arg8 : memref<79x128xi32, #tpu.memory_space<vmem>>) target_semaphore(%run_scoped3A : memref<!tpu.dma_semaphore, #tpu.memory_space<semaphore_mem>>)
      %dma_wait3A = arith.constant 0 : i32
      %dma_wait3A_32 = arith.constant 0 : i32
      %dma_wait3A_33 = tpu.memref_slice %arg4[%add3A, %dma_wait3A, %dma_wait3A_32] : memref<32x79x128xi32, #tpu.memory_space<hbm>> -> memref<1x79x128xi32, #tpu.memory_space<hbm>>
      %dma_wait3A_34 = tpu.memref_squeeze %dma_wait3A_33 : memref<1x79x128xi32, #tpu.memory_space<hbm>> -> memref<79x128xi32, #tpu.memory_space<hbm>>
      %dma_wait3A_35 = arith.constant 0 : i32
      %dma_wait3A_36 = arith.constant 0 : i32
      %dma_wait3A_37 = tpu.memref_slice %arg4[%add3A, %dma_wait3A_35, %dma_wait3A_36] : memref<32x79x128xi32, #tpu.memory_space<hbm>> -> memref<1x79x128xi32, #tpu.memory_space<hbm>>
      %dma_wait3A_38 = tpu.memref_squeeze %dma_wait3A_37 : memref<1x79x128xi32, #tpu.memory_space<hbm>> -> memref<79x128xi32, #tpu.memory_space<hbm>>
      tpu.wait_dma2 semaphore(%run_scoped3A : memref<!tpu.dma_semaphore, #tpu.memory_space<semaphore_mem>>) src(%dma_wait3A_38 : memref<79x128xi32, #tpu.memory_space<hbm>>) dst(%arg8 : memref<79x128xi32, #tpu.memory_space<vmem>>)
      tpu.yield
    }) : () -> ()
    "tpu.region"() ({
      %run_scoped3A = tpu.sem_alloc : memref<!tpu.dma_semaphore, #tpu.memory_space<semaphore_mem>>
      %dma_start3A = arith.constant 0 : i32
      %dma_start3A_25 = arith.constant 0 : i32
      %dma_start3A_26 = tpu.memref_slice %arg5[%add3A, %dma_start3A, %dma_start3A_25] : memref<32x79x128xf32, #tpu.memory_space<hbm>> -> memref<1x79x128xf32, #tpu.memory_space<hbm>>
      %dma_start3A_27 = tpu.memref_squeeze %dma_start3A_26 : memref<1x79x128xf32, #tpu.memory_space<hbm>> -> memref<79x128xf32, #tpu.memory_space<hbm>>
      %dma_start3A_28 = arith.constant 0 : i32
      %dma_start3A_29 = arith.constant 0 : i32
      %dma_start3A_30 = tpu.memref_slice %arg5[%add3A, %dma_start3A_28, %dma_start3A_29] : memref<32x79x128xf32, #tpu.memory_space<hbm>> -> memref<1x79x128xf32, #tpu.memory_space<hbm>>
      %dma_start3A_31 = tpu.memref_squeeze %dma_start3A_30 : memref<1x79x128xf32, #tpu.memory_space<hbm>> -> memref<79x128xf32, #tpu.memory_space<hbm>>
      tpu.enqueue_dma source(%dma_start3A_31 : memref<79x128xf32, #tpu.memory_space<hbm>>) target(%arg9 : memref<79x128xf32, #tpu.memory_space<vmem>>) target_semaphore(%run_scoped3A : memref<!tpu.dma_semaphore, #tpu.memory_space<semaphore_mem>>)
      %dma_wait3A = arith.constant 0 : i32
      %dma_wait3A_32 = arith.constant 0 : i32
      %dma_wait3A_33 = tpu.memref_slice %arg5[%add3A, %dma_wait3A, %dma_wait3A_32] : memref<32x79x128xf32, #tpu.memory_space<hbm>> -> memref<1x79x128xf32, #tpu.memory_space<hbm>>
      %dma_wait3A_34 = tpu.memref_squeeze %dma_wait3A_33 : memref<1x79x128xf32, #tpu.memory_space<hbm>> -> memref<79x128xf32, #tpu.memory_space<hbm>>
      %dma_wait3A_35 = arith.constant 0 : i32
      %dma_wait3A_36 = arith.constant 0 : i32
      %dma_wait3A_37 = tpu.memref_slice %arg5[%add3A, %dma_wait3A_35, %dma_wait3A_36] : memref<32x79x128xf32, #tpu.memory_space<hbm>> -> memref<1x79x128xf32, #tpu.memory_space<hbm>>
      %dma_wait3A_38 = tpu.memref_squeeze %dma_wait3A_37 : memref<1x79x128xf32, #tpu.memory_space<hbm>> -> memref<79x128xf32, #tpu.memory_space<hbm>>
      tpu.wait_dma2 semaphore(%run_scoped3A : memref<!tpu.dma_semaphore, #tpu.memory_space<semaphore_mem>>) src(%dma_wait3A_38 : memref<79x128xf32, #tpu.memory_space<hbm>>) dst(%arg9 : memref<79x128xf32, #tpu.memory_space<vmem>>)
      tpu.yield
    }) : () -> ()
    %scan3A_18 = arith.constant 0 : i32
    %scan3A_19 = arith.constant 0 : i32
    %scan3A_20 = arith.constant 79 : i32
    %scan3A_21 = arith.addi %scan3A_19, %scan3A_20 : i32
    %scan3A_22 = arith.constant 1 : i32
    scf.for %scan3A_25 = %scan3A_19 to %scan3A_21 step %scan3A_22  : i32 {
      "tpu.region"() ({
        %run_scoped3A = tpu.sem_alloc : memref<!tpu.dma_semaphore, #tpu.memory_space<semaphore_mem>>
        %dma_start3A = arith.constant 0 : i32
        %dma_start3A_32 = tpu.memref_slice %arg7[%scan3A_25, %dma_start3A] : memref<79x128xi32, #tpu.memory_space<vmem>> -> memref<1x128xi32, #tpu.memory_space<vmem>>
        %dma_start3A_33 = tpu.memref_squeeze %dma_start3A_32 : memref<1x128xi32, #tpu.memory_space<vmem>> -> memref<128xi32, #tpu.memory_space<vmem>>
        %dma_start3A_34 = arith.constant 0 : i32
        %dma_start3A_35 = arith.constant 0 : i32
        %dma_start3A_36 = tpu.memref_slice %arg2[%dma_start3A_34, %dma_start3A_35] : memref<10000x128xf32, #tpu.memory_space<hbm>> -> memref<10000x128xf32, #tpu.memory_space<hbm>>
        tpu.enqueue_indirect_dma source(%dma_start3A_36 : memref<10000x128xf32, #tpu.memory_space<hbm>>) target(%arg10 : memref<128x128xf32, #tpu.memory_space<vmem>>) offsets(%dma_start3A_33 : memref<128xi32, #tpu.memory_space<vmem>>) semaphore(%run_scoped3A : memref<!tpu.dma_semaphore, #tpu.memory_space<semaphore_mem>>)
        %dma_wait3A = arith.constant 0 : i32
        %dma_wait3A_37 = tpu.memref_slice %arg7[%scan3A_25, %dma_wait3A] : memref<79x128xi32, #tpu.memory_space<vmem>> -> memref<1x128xi32, #tpu.memory_space<vmem>>
        %dma_wait3A_38 = tpu.memref_squeeze %dma_wait3A_37 : memref<1x128xi32, #tpu.memory_space<vmem>> -> memref<128xi32, #tpu.memory_space<vmem>>
        %dma_wait3A_39 = arith.constant 0 : i32
        %dma_wait3A_40 = arith.constant 0 : i32
        %dma_wait3A_41 = tpu.memref_slice %arg2[%dma_wait3A_39, %dma_wait3A_40] : memref<10000x128xf32, #tpu.memory_space<hbm>> -> memref<10000x128xf32, #tpu.memory_space<hbm>>
        tpu.wait_indirect_dma semaphore(%run_scoped3A : memref<!tpu.dma_semaphore, #tpu.memory_space<semaphore_mem>>) src(%dma_wait3A_41 : memref<10000x128xf32, #tpu.memory_space<hbm>>) dst(%arg10 : memref<128x128xf32, #tpu.memory_space<vmem>>)
        tpu.yield
      }) : () -> ()
      %scan3A_26 = arith.constant 0 : i32
      %scan3A_27 = arith.constant 0 : i32
      %scan3A_28 = arith.constant 8 : i32
      %scan3A_29 = arith.addi %scan3A_27, %scan3A_28 : i32
      %scan3A_30 = arith.constant 1 : i32
      scf.for %scan3A_32 = %scan3A_27 to %scan3A_29 step %scan3A_30  : i32 {
        %mul3A_33 = arith.constant 16 : i32
        %mul3A_34 = arith.muli %scan3A_32, %mul3A_33 : i32
        %get3A = arith.index_cast %scan3A_25 : i32 to index
        %get3A_35 = arith.index_cast %mul3A_34 : i32 to index
        %get3A_36 = tpu.vector_load %arg9[%get3A, %get3A_35] {strides = array<i32>} : memref<79x128xf32, #tpu.memory_space<vmem>>, vector<1x16xf32>,
        %get3A_37 = vector.shape_cast %get3A_36 : vector<1x16xf32> to vector<16xf32>
        %mul3A_38 = arith.constant 16 : i32
        %mul3A_39 = arith.muli %scan3A_32, %mul3A_38 : i32
        %add3A_40 = arith.constant 0 : i32
        %add3A_41 = arith.addi %mul3A_39, %add3A_40 : i32
        %get3A_42 = arith.index_cast %add3A_41 : i32 to index
        %get3A_43 = arith.constant 0 : index
        %get3A_44 = tpu.vector_load %arg10[%get3A_42, %get3A_43] {strides = array<i32>} : memref<128x128xf32, #tpu.memory_space<vmem>>, vector<1x16xf32>,
        %get3A_45 = vector.shape_cast %get3A_44 : vector<1x16xf32> to vector<16xf32>
        %slice3A = vector.extract_strided_slice %get3A_37 {offsets = [0], sizes = [1], strides = [1]} : vector<16xf32> to vector<1xf32>
        %squeeze3A = vector.extract %slice3A[0] : f32 from vector<1xf32>
        %mul3A_46 = vector.broadcast %squeeze3A : f32 to vector<16xf32>
        %mul3A_47 = arith.mulf %get3A_45, %mul3A_46 : vector<16xf32>
        %swap3A = arith.index_cast %add3A_41 : i32 to index
        %swap3A_48 = arith.constant 0 : index
        %swap3A_49 = tpu.vector_load %arg10[%swap3A, %swap3A_48] {strides = array<i32>} : memref<128x128xf32, #tpu.memory_space<vmem>>, vector<1x16xf32>,
        %swap3A_50 = vector.shape_cast %swap3A_49 : vector<1x16xf32> to vector<16xf32>
        %swap3A_51 = vector.shape_cast %mul3A_47 : vector<16xf32> to vector<1x16xf32>
        tpu.vector_store %arg10[%swap3A, %swap3A_48], %swap3A_51 {strides = array<i32>} : memref<128x128xf32, #tpu.memory_space<vmem>>, vector<1x16xf32>,
        %get3A_52 = arith.index_cast %add3A_41 : i32 to index
        %get3A_53 = arith.constant 16 : index
        %get3A_54 = tpu.vector_load %arg10[%get3A_52, %get3A_53] {strides = array<i32>} : memref<128x128xf32, #tpu.memory_space<vmem>>, vector<1x16xf32>,
        %get3A_55 = vector.shape_cast %get3A_54 : vector<1x16xf32> to vector<16xf32>
        %slice3A_56 = vector.extract_strided_slice %get3A_37 {offsets = [0], sizes = [1], strides = [1]} : vector<16xf32> to vector<1xf32>
        %squeeze3A_57 = vector.extract %slice3A_56[0] : f32 from vector<1xf32>
        %mul3A_58 = vector.broadcast %squeeze3A_57 : f32 to vector<16xf32>
        %mul3A_59 = arith.mulf %get3A_55, %mul3A_58 : vector<16xf32>
        %swap3A_60 = arith.index_cast %add3A_41 : i32 to index
        %swap3A_61 = arith.constant 16 : index
        %swap3A_62 = tpu.vector_load %arg10[%swap3A_60, %swap3A_61] {strides = array<i32>} : memref<128x128xf32, #tpu.memory_space<vmem>>, vector<1x16xf32>,
        %swap3A_63 = vector.shape_cast %swap3A_62 : vector<1x16xf32> to vector<16xf32>
        %swap3A_64 = vector.shape_cast %mul3A_59 : vector<16xf32> to vector<1x16xf32>
        tpu.vector_store %arg10[%swap3A_60, %swap3A_61], %swap3A_64 {strides = array<i32>} : memref<128x128xf32, #tpu.memory_space<vmem>>, vector<1x16xf32>,
        %get3A_65 = arith.index_cast %add3A_41 : i32 to index
        %get3A_66 = arith.constant 32 : index
        %get3A_67 = tpu.vector_load %arg10[%get3A_65, %get3A_66] {strides = array<i32>} : memref<128x128xf32, #tpu.memory_space<vmem>>, vector<1x16xf32>,
        %get3A_68 = vector.shape_cast %get3A_67 : vector<1x16xf32> to vector<16xf32>
        %slice3A_69 = vector.extract_strided_slice %get3A_37 {offsets = [0], sizes = [1], strides = [1]} : vector<16xf32> to vector<1xf32>
        %squeeze3A_70 = vector.extract %slice3A_69[0] : f32 from vector<1xf32>
        %mul3A_71 = vector.broadcast %squeeze3A_70 : f32 to vector<16xf32>
        %mul3A_72 = arith.mulf %get3A_68, %mul3A_71 : vector<16xf32>
        %swap3A_73 = arith.index_cast %add3A_41 : i32 to index
        %swap3A_74 = arith.constant 32 : index
        %swap3A_75 = tpu.vector_load %arg10[%swap3A_73, %swap3A_74] {strides = array<i32>} : memref<128x128xf32, #tpu.memory_space<vmem>>, vector<1x16xf32>,
        %swap3A_76 = vector.shape_cast %swap3A_75 : vector<1x16xf32> to vector<16xf32>
        %swap3A_77 = vector.shape_cast %mul3A_72 : vector<16xf32> to vector<1x16xf32>
        tpu.vector_store %arg10[%swap3A_73, %swap3A_74], %swap3A_77 {strides = array<i32>} : memref<128x128xf32, #tpu.memory_space<vmem>>, vector<1x16xf32>,
        %get3A_78 = arith.index_cast %add3A_41 : i32 to index
        %get3A_79 = arith.constant 48 : index
        %get3A_80 = tpu.vector_load %arg10[%get3A_78, %get3A_79] {strides = array<i32>} : memref<128x128xf32, #tpu.memory_space<vmem>>, vector<1x16xf32>,
        %get3A_81 = vector.shape_cast %get3A_80 : vector<1x16xf32> to vector<16xf32>
        %slice3A_82 = vector.extract_strided_slice %get3A_37 {offsets = [0], sizes = [1], strides = [1]} : vector<16xf32> to vector<1xf32>
        %squeeze3A_83 = vector.extract %slice3A_82[0] : f32 from vector<1xf32>
        %mul3A_84 = vector.broadcast %squeeze3A_83 : f32 to vector<16xf32>
        %mul3A_85 = arith.mulf %get3A_81, %mul3A_84 : vector<16xf32>
        %swap3A_86 = arith.index_cast %add3A_41 : i32 to index
        %swap3A_87 = arith.constant 48 : index
        %swap3A_88 = tpu.vector_load %arg10[%swap3A_86, %swap3A_87] {strides = array<i32>} : memref<128x128xf32, #tpu.memory_space<vmem>>, vector<1x16xf32>,
        %swap3A_89 = vector.shape_cast %swap3A_88 : vector<1x16xf32> to vector<16xf32>
        %swap3A_90 = vector.shape_cast %mul3A_85 : vector<16xf32> to vector<1x16xf32>
        tpu.vector_store %arg10[%swap3A_86, %swap3A_87], %swap3A_90 {strides = array<i32>} : memref<128x128xf32, #tpu.memory_space<vmem>>, vector<1x16xf32>,
        %get3A_91 = arith.index_cast %add3A_41 : i32 to index
        %get3A_92 = arith.constant 64 : index
        %get3A_93 = tpu.vector_load %arg10[%get3A_91, %get3A_92] {strides = array<i32>} : memref<128x128xf32, #tpu.memory_space<vmem>>, vector<1x16xf32>,
        %get3A_94 = vector.shape_cast %get3A_93 : vector<1x16xf32> to vector<16xf32>
        %slice3A_95 = vector.extract_strided_slice %get3A_37 {offsets = [0], sizes = [1], strides = [1]} : vector<16xf32> to vector<1xf32>
        %squeeze3A_96 = vector.extract %slice3A_95[0] : f32 from vector<1xf32>
        %mul3A_97 = vector.broadcast %squeeze3A_96 : f32 to vector<16xf32>
        %mul3A_98 = arith.mulf %get3A_94, %mul3A_97 : vector<16xf32>
        %swap3A_99 = arith.index_cast %add3A_41 : i32 to index
        %swap3A_100 = arith.constant 64 : index
        %swap3A_101 = tpu.vector_load %arg10[%swap3A_99, %swap3A_100] {strides = array<i32>} : memref<128x128xf32, #tpu.memory_space<vmem>>, vector<1x16xf32>,
        %swap3A_102 = vector.shape_cast %swap3A_101 : vector<1x16xf32> to vector<16xf32>
        %swap3A_103 = vector.shape_cast %mul3A_98 : vector<16xf32> to vector<1x16xf32>
        tpu.vector_store %arg10[%swap3A_99, %swap3A_100], %swap3A_103 {strides = array<i32>} : memref<128x128xf32, #tpu.memory_space<vmem>>, vector<1x16xf32>,
        %get3A_104 = arith.index_cast %add3A_41 : i32 to index
        %get3A_105 = arith.constant 80 : index
        %get3A_106 = tpu.vector_load %arg10[%get3A_104, %get3A_105] {strides = array<i32>} : memref<128x128xf32, #tpu.memory_space<vmem>>, vector<1x16xf32>,
        %get3A_107 = vector.shape_cast %get3A_106 : vector<1x16xf32> to vector<16xf32>
        %slice3A_108 = vector.extract_strided_slice %get3A_37 {offsets = [0], sizes = [1], strides = [1]} : vector<16xf32> to vector<1xf32>
        %squeeze3A_109 = vector.extract %slice3A_108[0] : f32 from vector<1xf32>
        %mul3A_110 = vector.broadcast %squeeze3A_109 : f32 to vector<16xf32>
        %mul3A_111 = arith.mulf %get3A_107, %mul3A_110 : vector<16xf32>
        %swap3A_112 = arith.index_cast %add3A_41 : i32 to index
        %swap3A_113 = arith.constant 80 : index
        %swap3A_114 = tpu.vector_load %arg10[%swap3A_112, %swap3A_113] {strides = array<i32>} : memref<128x128xf32, #tpu.memory_space<vmem>>, vector<1x16xf32>,
        %swap3A_115 = vector.shape_cast %swap3A_114 : vector<1x16xf32> to vector<16xf32>
        %swap3A_116 = vector.shape_cast %mul3A_111 : vector<16xf32> to vector<1x16xf32>
        tpu.vector_store %arg10[%swap3A_112, %swap3A_113], %swap3A_116 {strides = array<i32>} : memref<128x128xf32, #tpu.memory_space<vmem>>, vector<1x16xf32>,
        %get3A_117 = arith.index_cast %add3A_41 : i32 to index
        %get3A_118 = arith.constant 96 : index
        %get3A_119 = tpu.vector_load %arg10[%get3A_117, %get3A_118] {strides = array<i32>} : memref<128x128xf32, #tpu.memory_space<vmem>>, vector<1x16xf32>,
        %get3A_120 = vector.shape_cast %get3A_119 : vector<1x16xf32> to vector<16xf32>
        %slice3A_121 = vector.extract_strided_slice %get3A_37 {offsets = [0], sizes = [1], strides = [1]} : vector<16xf32> to vector<1xf32>
        %squeeze3A_122 = vector.extract %slice3A_121[0] : f32 from vector<1xf32>
        %mul3A_123 = vector.broadcast %squeeze3A_122 : f32 to vector<16xf32>
        %mul3A_124 = arith.mulf %get3A_120, %mul3A_123 : vector<16xf32>
        %swap3A_125 = arith.index_cast %add3A_41 : i32 to index
        %swap3A_126 = arith.constant 96 : index
        %swap3A_127 = tpu.vector_load %arg10[%swap3A_125, %swap3A_126] {strides = array<i32>} : memref<128x128xf32, #tpu.memory_space<vmem>>, vector<1x16xf32>,
        %swap3A_128 = vector.shape_cast %swap3A_127 : vector<1x16xf32> to vector<16xf32>
        %swap3A_129 = vector.shape_cast %mul3A_124 : vector<16xf32> to vector<1x16xf32>
        tpu.vector_store %arg10[%swap3A_125, %swap3A_126], %swap3A_129 {strides = array<i32>} : memref<128x128xf32, #tpu.memory_space<vmem>>, vector<1x16xf32>,
        %get3A_130 = arith.index_cast %add3A_41 : i32 to index
        %get3A_131 = arith.constant 112 : index
        %get3A_132 = tpu.vector_load %arg10[%get3A_130, %get3A_131] {strides = array<i32>} : memref<128x128xf32, #tpu.memory_space<vmem>>, vector<1x16xf32>,
        %get3A_133 = vector.shape_cast %get3A_132 : vector<1x16xf32> to vector<16xf32>
        %slice3A_134 = vector.extract_strided_slice %get3A_37 {offsets = [0], sizes = [1], strides = [1]} : vector<16xf32> to vector<1xf32>
        %squeeze3A_135 = vector.extract %slice3A_134[0] : f32 from vector<1xf32>
        %mul3A_136 = vector.broadcast %squeeze3A_135 : f32 to vector<16xf32>
        %mul3A_137 = arith.mulf %get3A_133, %mul3A_136 : vector<16xf32>
        %swap3A_138 = arith.index_cast %add3A_41 : i32 to index
        %swap3A_139 = arith.constant 112 : index
        %swap3A_140 = tpu.vector_load %arg10[%swap3A_138, %swap3A_139] {strides = array<i32>} : memref<128x128xf32, #tpu.memory_space<vmem>>, vector<1x16xf32>,
        %swap3A_141 = vector.shape_cast %swap3A_140 : vector<1x16xf32> to vector<16xf32>
        %swap3A_142 = vector.shape_cast %mul3A_137 : vector<16xf32> to vector<1x16xf32>
        tpu.vector_store %arg10[%swap3A_138, %swap3A_139], %swap3A_142 {strides = array<i32>} : memref<128x128xf32, #tpu.memory_space<vmem>>, vector<1x16xf32>,
        %mul3A_143 = arith.constant 16 : i32
        %mul3A_144 = arith.muli %scan3A_32, %mul3A_143 : i32
        %add3A_145 = arith.constant 1 : i32
        %add3A_146 = arith.addi %mul3A_144, %add3A_145 : i32
        %get3A_147 = arith.index_cast %add3A_146 : i32 to index
        %get3A_148 = arith.constant 0 : index
        %get3A_149 = tpu.vector_load %arg10[%get3A_147, %get3A_148] {strides = array<i32>} : memref<128x128xf32, #tpu.memory_space<vmem>>, vector<1x16xf32>,
        %get3A_150 = vector.shape_cast %get3A_149 : vector<1x16xf32> to vector<16xf32>
        %slice3A_151 = vector.extract_strided_slice %get3A_37 {offsets = [1], sizes = [1], strides = [1]} : vector<16xf32> to vector<1xf32>
        %squeeze3A_152 = vector.extract %slice3A_151[0] : f32 from vector<1xf32>
        %mul3A_153 = vector.broadcast %squeeze3A_152 : f32 to vector<16xf32>
        %mul3A_154 = arith.mulf %get3A_150, %mul3A_153 : vector<16xf32>
        %swap3A_155 = arith.index_cast %add3A_146 : i32 to index
        %swap3A_156 = arith.constant 0 : index
        %swap3A_157 = tpu.vector_load %arg10[%swap3A_155, %swap3A_156] {strides = array<i32>} : memref<128x128xf32, #tpu.memory_space<vmem>>, vector<1x16xf32>,
        %swap3A_158 = vector.shape_cast %swap3A_157 : vector<1x16xf32> to vector<16xf32>
        %swap3A_159 = vector.shape_cast %mul3A_154 : vector<16xf32> to vector<1x16xf32>
        tpu.vector_store %arg10[%swap3A_155, %swap3A_156], %swap3A_159 {strides = array<i32>} : memref<128x128xf32, #tpu.memory_space<vmem>>, vector<1x16xf32>,
        %get3A_160 = arith.index_cast %add3A_146 : i32 to index
        %get3A_161 = arith.constant 16 : index
        %get3A_162 = tpu.vector_load %arg10[%get3A_160, %get3A_161] {strides = array<i32>} : memref<128x128xf32, #tpu.memory_space<vmem>>, vector<1x16xf32>,
        %get3A_163 = vector.shape_cast %get3A_162 : vector<1x16xf32> to vector<16xf32>
        %slice3A_164 = vector.extract_strided_slice %get3A_37 {offsets = [1], sizes = [1], strides = [1]} : vector<16xf32> to vector<1xf32>
        %squeeze3A_165 = vector.extract %slice3A_164[0] : f32 from vector<1xf32>
        %mul3A_166 = vector.broadcast %squeeze3A_165 : f32 to vector<16xf32>
        %mul3A_167 = arith.mulf %get3A_163, %mul3A_166 : vector<16xf32>
        %swap3A_168 = arith.index_cast %add3A_146 : i32 to index
        %swap3A_169 = arith.constant 16 : index
        %swap3A_170 = tpu.vector_load %arg10[%swap3A_168, %swap3A_169] {strides = array<i32>} : memref<128x128xf32, #tpu.memory_space<vmem>>, vector<1x16xf32>,
        %swap3A_171 = vector.shape_cast %swap3A_170 : vector<1x16xf32> to vector<16xf32>
        %swap3A_172 = vector.shape_cast %mul3A_167 : vector<16xf32> to vector<1x16xf32>
        tpu.vector_store %arg10[%swap3A_168, %swap3A_169], %swap3A_172 {strides = array<i32>} : memref<128x128xf32, #tpu.memory_space<vmem>>, vector<1x16xf32>,
        %get3A_173 = arith.index_cast %add3A_146 : i32 to index
        %get3A_174 = arith.constant 32 : index
        %get3A_175 = tpu.vector_load %arg10[%get3A_173, %get3A_174] {strides = array<i32>} : memref<128x128xf32, #tpu.memory_space<vmem>>, vector<1x16xf32>,
        %get3A_176 = vector.shape_cast %get3A_175 : vector<1x16xf32> to vector<16xf32>
        %slice3A_177 = vector.extract_strided_slice %get3A_37 {offsets = [1], sizes = [1], strides = [1]} : vector<16xf32> to vector<1xf32>
        %squeeze3A_178 = vector.extract %slice3A_177[0] : f32 from vector<1xf32>
        %mul3A_179 = vector.broadcast %squeeze3A_178 : f32 to vector<16xf32>
        %mul3A_180 = arith.mulf %get3A_176, %mul3A_179 : vector<16xf32>
        %swap3A_181 = arith.index_cast %add3A_146 : i32 to index
        %swap3A_182 = arith.constant 32 : index
        %swap3A_183 = tpu.vector_load %arg10[%swap3A_181, %swap3A_182] {strides = array<i32>} : memref<128x128xf32, #tpu.memory_space<vmem>>, vector<1x16xf32>,
        %swap3A_184 = vector.shape_cast %swap3A_183 : vector<1x16xf32> to vector<16xf32>
        %swap3A_185 = vector.shape_cast %mul3A_180 : vector<16xf32> to vector<1x16xf32>
        tpu.vector_store %arg10[%swap3A_181, %swap3A_182], %swap3A_185 {strides = array<i32>} : memref<128x128xf32, #tpu.memory_space<vmem>>, vector<1x16xf32>,
        %get3A_186 = arith.index_cast %add3A_146 : i32 to index
        %get3A_187 = arith.constant 48 : index
        %get3A_188 = tpu.vector_load %arg10[%get3A_186, %get3A_187] {strides = array<i32>} : memref<128x128xf32, #tpu.memory_space<vmem>>, vector<1x16xf32>,
        %get3A_189 = vector.shape_cast %get3A_188 : vector<1x16xf32> to vector<16xf32>
        %slice3A_190 = vector.extract_strided_slice %get3A_37 {offsets = [1], sizes = [1], strides = [1]} : vector<16xf32> to vector<1xf32>
        %squeeze3A_191 = vector.extract %slice3A_190[0] : f32 from vector<1xf32>
        %mul3A_192 = vector.broadcast %squeeze3A_191 : f32 to vector<16xf32>
        %mul3A_193 = arith.mulf %get3A_189, %mul3A_192 : vector<16xf32>
        %swap3A_194 = arith.index_cast %add3A_146 : i32 to index
        %swap3A_195 = arith.constant 48 : index
        %swap3A_196 = tpu.vector_load %arg10[%swap3A_194, %swap3A_195] {strides = array<i32>} : memref<128x128xf32, #tpu.memory_space<vmem>>, vector<1x16xf32>,
        %swap3A_197 = vector.shape_cast %swap3A_196 : vector<1x16xf32> to vector<16xf32>
        %swap3A_198 = vector.shape_cast %mul3A_193 : vector<16xf32> to vector<1x16xf32>
        tpu.vector_store %arg10[%swap3A_194, %swap3A_195], %swap3A_198 {strides = array<i32>} : memref<128x128xf32, #tpu.memory_space<vmem>>, vector<1x16xf32>,
        %get3A_199 = arith.index_cast %add3A_146 : i32 to index
        %get3A_200 = arith.constant 64 : index
        %get3A_201 = tpu.vector_load %arg10[%get3A_199, %get3A_200] {strides = array<i32>} : memref<128x128xf32, #tpu.memory_space<vmem>>, vector<1x16xf32>,
        %get3A_202 = vector.shape_cast %get3A_201 : vector<1x16xf32> to vector<16xf32>
        %slice3A_203 = vector.extract_strided_slice %get3A_37 {offsets = [1], sizes = [1], strides = [1]} : vector<16xf32> to vector<1xf32>
        %squeeze3A_204 = vector.extract %slice3A_203[0] : f32 from vector<1xf32>
        %mul3A_205 = vector.broadcast %squeeze3A_204 : f32 to vector<16xf32>
        %mul3A_206 = arith.mulf %get3A_202, %mul3A_205 : vector<16xf32>
        %swap3A_207 = arith.index_cast %add3A_146 : i32 to index
        %swap3A_208 = arith.constant 64 : index
        %swap3A_209 = tpu.vector_load %arg10[%swap3A_207, %swap3A_208] {strides = array<i32>} : memref<128x128xf32, #tpu.memory_space<vmem>>, vector<1x16xf32>,
        %swap3A_210 = vector.shape_cast %swap3A_209 : vector<1x16xf32> to vector<16xf32>
        %swap3A_211 = vector.shape_cast %mul3A_206 : vector<16xf32> to vector<1x16xf32>
        tpu.vector_store %arg10[%swap3A_207, %swap3A_208], %swap3A_211 {strides = array<i32>} : memref<128x128xf32, #tpu.memory_space<vmem>>, vector<1x16xf32>,
        %get3A_212 = arith.index_cast %add3A_146 : i32 to index
        %get3A_213 = arith.constant 80 : index
        %get3A_214 = tpu.vector_load %arg10[%get3A_212, %get3A_213] {strides = array<i32>} : memref<128x128xf32, #tpu.memory_space<vmem>>, vector<1x16xf32>,
        %get3A_215 = vector.shape_cast %get3A_214 : vector<1x16xf32> to vector<16xf32>
        %slice3A_216 = vector.extract_strided_slice %get3A_37 {offsets = [1], sizes = [1], strides = [1]} : vector<16xf32> to vector<1xf32>
        %squeeze3A_217 = vector.extract %slice3A_216[0] : f32 from vector<1xf32>
        %mul3A_218 = vector.broadcast %squeeze3A_217 : f32 to vector<16xf32>
        %mul3A_219 = arith.mulf %get3A_215, %mul3A_218 : vector<16xf32>
        %swap3A_220 = arith.index_cast %add3A_146 : i32 to index
        %swap3A_221 = arith.constant 80 : index
        %swap3A_222 = tpu.vector_load %arg10[%swap3A_220, %swap3A_221] {strides = array<i32>} : memref<128x128xf32, #tpu.memory_space<vmem>>, vector<1x16xf32>,
        %swap3A_223 = vector.shape_cast %swap3A_222 : vector<1x16xf32> to vector<16xf32>
        %swap3A_224 = vector.shape_cast %mul3A_219 : vector<16xf32> to vector<1x16xf32>
        tpu.vector_store %arg10[%swap3A_220, %swap3A_221], %swap3A_224 {strides = array<i32>} : memref<128x128xf32, #tpu.memory_space<vmem>>, vector<1x16xf32>,
        %get3A_225 = arith.index_cast %add3A_146 : i32 to index
        %get3A_226 = arith.constant 96 : index
        %get3A_227 = tpu.vector_load %arg10[%get3A_225, %get3A_226] {strides = array<i32>} : memref<128x128xf32, #tpu.memory_space<vmem>>, vector<1x16xf32>,
        %get3A_228 = vector.shape_cast %get3A_227 : vector<1x16xf32> to vector<16xf32>
        %slice3A_229 = vector.extract_strided_slice %get3A_37 {offsets = [1], sizes = [1], strides = [1]} : vector<16xf32> to vector<1xf32>
        %squeeze3A_230 = vector.extract %slice3A_229[0] : f32 from vector<1xf32>
        %mul3A_231 = vector.broadcast %squeeze3A_230 : f32 to vector<16xf32>
        %mul3A_232 = arith.mulf %get3A_228, %mul3A_231 : vector<16xf32>
        %swap3A_233 = arith.index_cast %add3A_146 : i32 to index
        %swap3A_234 = arith.constant 96 : index
        %swap3A_235 = tpu.vector_load %arg10[%swap3A_233, %swap3A_234] {strides = array<i32>} : memref<128x128xf32, #tpu.memory_space<vmem>>, vector<1x16xf32>,
        %swap3A_236 = vector.shape_cast %swap3A_235 : vector<1x16xf32> to vector<16xf32>
        %swap3A_237 = vector.shape_cast %mul3A_232 : vector<16xf32> to vector<1x16xf32>
        tpu.vector_store %arg10[%swap3A_233, %swap3A_234], %swap3A_237 {strides = array<i32>} : memref<128x128xf32, #tpu.memory_space<vmem>>, vector<1x16xf32>,
        %get3A_238 = arith.index_cast %add3A_146 : i32 to index
        %get3A_239 = arith.constant 112 : index
        %get3A_240 = tpu.vector_load %arg10[%get3A_238, %get3A_239] {strides = array<i32>} : memref<128x128xf32, #tpu.memory_space<vmem>>, vector<1x16xf32>,
        %get3A_241 = vector.shape_cast %get3A_240 : vector<1x16xf32> to vector<16xf32>
        %slice3A_242 = vector.extract_strided_slice %get3A_37 {offsets = [1], sizes = [1], strides = [1]} : vector<16xf32> to vector<1xf32>
        %squeeze3A_243 = vector.extract %slice3A_242[0] : f32 from vector<1xf32>
        %mul3A_244 = vector.broadcast %squeeze3A_243 : f32 to vector<16xf32>
        %mul3A_245 = arith.mulf %get3A_241, %mul3A_244 : vector<16xf32>
        %swap3A_246 = arith.index_cast %add3A_146 : i32 to index
        %swap3A_247 = arith.constant 112 : index
        %swap3A_248 = tpu.vector_load %arg10[%swap3A_246, %swap3A_247] {strides = array<i32>} : memref<128x128xf32, #tpu.memory_space<vmem>>, vector<1x16xf32>,
        %swap3A_249 = vector.shape_cast %swap3A_248 : vector<1x16xf32> to vector<16xf32>
        %swap3A_250 = vector.shape_cast %mul3A_245 : vector<16xf32> to vector<1x16xf32>
        tpu.vector_store %arg10[%swap3A_246, %swap3A_247], %swap3A_250 {strides = array<i32>} : memref<128x128xf32, #tpu.memory_space<vmem>>, vector<1x16xf32>,
        %mul3A_251 = arith.constant 16 : i32
        %mul3A_252 = arith.muli %scan3A_32, %mul3A_251 : i32
        %add3A_253 = arith.constant 2 : i32
        %add3A_254 = arith.addi %mul3A_252, %add3A_253 : i32
        %get3A_255 = arith.index_cast %add3A_254 : i32 to index
        %get3A_256 = arith.constant 0 : index
        %get3A_257 = tpu.vector_load %arg10[%get3A_255, %get3A_256] {strides = array<i32>} : memref<128x128xf32, #tpu.memory_space<vmem>>, vector<1x16xf32>,
        %get3A_258 = vector.shape_cast %get3A_257 : vector<1x16xf32> to vector<16xf32>
        %slice3A_259 = vector.extract_strided_slice %get3A_37 {offsets = [2], sizes = [1], strides = [1]} : vector<16xf32> to vector<1xf32>
        %squeeze3A_260 = vector.extract %slice3A_259[0] : f32 from vector<1xf32>
        %mul3A_261 = vector.broadcast %squeeze3A_260 : f32 to vector<16xf32>
        %mul3A_262 = arith.mulf %get3A_258, %mul3A_261 : vector<16xf32>
        %swap3A_263 = arith.index_cast %add3A_254 : i32 to index
        %swap3A_264 = arith.constant 0 : index
        %swap3A_265 = tpu.vector_load %arg10[%swap3A_263, %swap3A_264] {strides = array<i32>} : memref<128x128xf32, #tpu.memory_space<vmem>>, vector<1x16xf32>,
        %swap3A_266 = vector.shape_cast %swap3A_265 : vector<1x16xf32> to vector<16xf32>
        %swap3A_267 = vector.shape_cast %mul3A_262 : vector<16xf32> to vector<1x16xf32>
        tpu.vector_store %arg10[%swap3A_263, %swap3A_264], %swap3A_267 {strides = array<i32>} : memref<128x128xf32, #tpu.memory_space<vmem>>, vector<1x16xf32>,
        %get3A_268 = arith.index_cast %add3A_254 : i32 to index
        %get3A_269 = arith.constant 16 : index
        %get3A_270 = tpu.vector_load %arg10[%get3A_268, %get3A_269] {strides = array<i32>} : memref<128x128xf32, #tpu.memory_space<vmem>>, vector<1x16xf32>,
        %get3A_271 = vector.shape_cast %get3A_270 : vector<1x16xf32> to vector<16xf32>
        %slice3A_272 = vector.extract_strided_slice %get3A_37 {offsets = [2], sizes = [1], strides = [1]} : vector<16xf32> to vector<1xf32>
        %squeeze3A_273 = vector.extract %slice3A_272[0] : f32 from vector<1xf32>
        %mul3A_274 = vector.broadcast %squeeze3A_273 : f32 to vector<16xf32>
        %mul3A_275 = arith.mulf %get3A_271, %mul3A_274 : vector<16xf32>
        %swap3A_276 = arith.index_cast %add3A_254 : i32 to index
        %swap3A_277 = arith.constant 16 : index
        %swap3A_278 = tpu.vector_load %arg10[%swap3A_276, %swap3A_277] {strides = array<i32>} : memref<128x128xf32, #tpu.memory_space<vmem>>, vector<1x16xf32>,
        %swap3A_279 = vector.shape_cast %swap3A_278 : vector<1x16xf32> to vector<16xf32>
        %swap3A_280 = vector.shape_cast %mul3A_275 : vector<16xf32> to vector<1x16xf32>
        tpu.vector_store %arg10[%swap3A_276, %swap3A_277], %swap3A_280 {strides = array<i32>} : memref<128x128xf32, #tpu.memory_space<vmem>>, vector<1x16xf32>,
        %get3A_281 = arith.index_cast %add3A_254 : i32 to index
        %get3A_282 = arith.constant 32 : index
        %get3A_283 = tpu.vector_load %arg10[%get3A_281, %get3A_282] {strides = array<i32>} : memref<128x128xf32, #tpu.memory_space<vmem>>, vector<1x16xf32>,
        %get3A_284 = vector.shape_cast %get3A_283 : vector<1x16xf32> to vector<16xf32>
        %slice3A_285 = vector.extract_strided_slice %get3A_37 {offsets = [2], sizes = [1], strides = [1]} : vector<16xf32> to vector<1xf32>
        %squeeze3A_286 = vector.extract %slice3A_285[0] : f32 from vector<1xf32>
        %mul3A_287 = vector.broadcast %squeeze3A_286 : f32 to vector<16xf32>
        %mul3A_288 = arith.mulf %get3A_284, %mul3A_287 : vector<16xf32>
        %swap3A_289 = arith.index_cast %add3A_254 : i32 to index
        %swap3A_290 = arith.constant 32 : index
        %swap3A_291 = tpu.vector_load %arg10[%swap3A_289, %swap3A_290] {strides = array<i32>} : memref<128x128xf32, #tpu.memory_space<vmem>>, vector<1x16xf32>,
        %swap3A_292 = vector.shape_cast %swap3A_291 : vector<1x16xf32> to vector<16xf32>
        %swap3A_293 = vector.shape_cast %mul3A_288 : vector<16xf32> to vector<1x16xf32>
        tpu.vector_store %arg10[%swap3A_289, %swap3A_290], %swap3A_293 {strides = array<i32>} : memref<128x128xf32, #tpu.memory_space<vmem>>, vector<1x16xf32>,
        %get3A_294 = arith.index_cast %add3A_254 : i32 to index
        %get3A_295 = arith.constant 48 : index
        %get3A_296 = tpu.vector_load %arg10[%get3A_294, %get3A_295] {strides = array<i32>} : memref<128x128xf32, #tpu.memory_space<vmem>>, vector<1x16xf32>,
        %get3A_297 = vector.shape_cast %get3A_296 : vector<1x16xf32> to vector<16xf32>
        %slice3A_298 = vector.extract_strided_slice %get3A_37 {offsets = [2], sizes = [1], strides = [1]} : vector<16xf32> to vector<1xf32>
        %squeeze3A_299 = vector.extract %slice3A_298[0] : f32 from vector<1xf32>
        %mul3A_300 = vector.broadcast %squeeze3A_299 : f32 to vector<16xf32>
        %mul3A_301 = arith.mulf %get3A_297, %mul3A_300 : vector<16xf32>
        %swap3A_302 = arith.index_cast %add3A_254 : i32 to index
        %swap3A_303 = arith.constant 48 : index
        %swap3A_304 = tpu.vector_load %arg10[%swap3A_302, %swap3A_303] {strides = array<i32>} : memref<128x128xf32, #tpu.memory_space<vmem>>, vector<1x16xf32>,
        %swap3A_305 = vector.shape_cast %swap3A_304 : vector<1x16xf32> to vector<16xf32>
        %swap3A_306 = vector.shape_cast %mul3A_301 : vector<16xf32> to vector<1x16xf32>
        tpu.vector_store %arg10[%swap3A_302, %swap3A_303], %swap3A_306 {strides = array<i32>} : memref<128x128xf32, #tpu.memory_space<vmem>>, vector<1x16xf32>,
        %get3A_307 = arith.index_cast %add3A_254 : i32 to index
        %get3A_308 = arith.constant 64 : index
        %get3A_309 = tpu.vector_load %arg10[%get3A_307, %get3A_308] {strides = array<i32>} : memref<128x128xf32, #tpu.memory_space<vmem>>, vector<1x16xf32>,
        %get3A_310 = vector.shape_cast %get3A_309 : vector<1x16xf32> to vector<16xf32>
        %slice3A_311 = vector.extract_strided_slice %get3A_37 {offsets = [2], sizes = [1], strides = [1]} : vector<16xf32> to vector<1xf32>
        %squeeze3A_312 = vector.extract %slice3A_311[0] : f32 from vector<1xf32>
        %mul3A_313 = vector.broadcast %squeeze3A_312 : f32 to vector<16xf32>
        %mul3A_314 = arith.mulf %get3A_310, %mul3A_313 : vector<16xf32>
        %swap3A_315 = arith.index_cast %add3A_254 : i32 to index
        %swap3A_316 = arith.constant 64 : index
        %swap3A_317 = tpu.vector_load %arg10[%swap3A_315, %swap3A_316] {strides = array<i32>} : memref<128x128xf32, #tpu.memory_space<vmem>>, vector<1x16xf32>,
        %swap3A_318 = vector.shape_cast %swap3A_317 : vector<1x16xf32> to vector<16xf32>
        %swap3A_319 = vector.shape_cast %mul3A_314 : vector<16xf32> to vector<1x16xf32>
        tpu.vector_store %arg10[%swap3A_315, %swap3A_316], %swap3A_319 {strides = array<i32>} : memref<128x128xf32, #tpu.memory_space<vmem>>, vector<1x16xf32>,
        %get3A_320 = arith.index_cast %add3A_254 : i32 to index
        %get3A_321 = arith.constant 80 : index
        %get3A_322 = tpu.vector_load %arg10[%get3A_320, %get3A_321] {strides = array<i32>} : memref<128x128xf32, #tpu.memory_space<vmem>>, vector<1x16xf32>,
        %get3A_323 = vector.shape_cast %get3A_322 : vector<1x16xf32> to vector<16xf32>
        %slice3A_324 = vector.extract_strided_slice %get3A_37 {offsets = [2], sizes = [1], strides = [1]} : vector<16xf32> to vector<1xf32>
        %squeeze3A_325 = vector.extract %slice3A_324[0] : f32 from vector<1xf32>
        %mul3A_326 = vector.broadcast %squeeze3A_325 : f32 to vector<16xf32>
        %mul3A_327 = arith.mulf %get3A_323, %mul3A_326 : vector<16xf32>
        %swap3A_328 = arith.index_cast %add3A_254 : i32 to index
        %swap3A_329 = arith.constant 80 : index
        %swap3A_330 = tpu.vector_load %arg10[%swap3A_328, %swap3A_329] {strides = array<i32>} : memref<128x128xf32, #tpu.memory_space<vmem>>, vector<1x16xf32>,
        %swap3A_331 = vector.shape_cast %swap3A_330 : vector<1x16xf32> to vector<16xf32>
        %swap3A_332 = vector.shape_cast %mul3A_327 : vector<16xf32> to vector<1x16xf32>
        tpu.vector_store %arg10[%swap3A_328, %swap3A_329], %swap3A_332 {strides = array<i32>} : memref<128x128xf32, #tpu.memory_space<vmem>>, vector<1x16xf32>,
        %get3A_333 = arith.index_cast %add3A_254 : i32 to index
        %get3A_334 = arith.constant 96 : index
        %get3A_335 = tpu.vector_load %arg10[%get3A_333, %get3A_334] {strides = array<i32>} : memref<128x128xf32, #tpu.memory_space<vmem>>, vector<1x16xf32>,
        %get3A_336 = vector.shape_cast %get3A_335 : vector<1x16xf32> to vector<16xf32>
        %slice3A_337 = vector.extract_strided_slice %get3A_37 {offsets = [2], sizes = [1], strides = [1]} : vector<16xf32> to vector<1xf32>
        %squeeze3A_338 = vector.extract %slice3A_337[0] : f32 from vector<1xf32>
        %mul3A_339 = vector.broadcast %squeeze3A_338 : f32 to vector<16xf32>
        %mul3A_340 = arith.mulf %get3A_336, %mul3A_339 : vector<16xf32>
        %swap3A_341 = arith.index_cast %add3A_254 : i32 to index
        %swap3A_342 = arith.constant 96 : index
        %swap3A_343 = tpu.vector_load %arg10[%swap3A_341, %swap3A_342] {strides = array<i32>} : memref<128x128xf32, #tpu.memory_space<vmem>>, vector<1x16xf32>,
        %swap3A_344 = vector.shape_cast %swap3A_343 : vector<1x16xf32> to vector<16xf32>
        %swap3A_345 = vector.shape_cast %mul3A_340 : vector<16xf32> to vector<1x16xf32>
        tpu.vector_store %arg10[%swap3A_341, %swap3A_342], %swap3A_345 {strides = array<i32>} : memref<128x128xf32, #tpu.memory_space<vmem>>, vector<1x16xf32>,
        %get3A_346 = arith.index_cast %add3A_254 : i32 to index
        %get3A_347 = arith.constant 112 : index
        %get3A_348 = tpu.vector_load %arg10[%get3A_346, %get3A_347] {strides = array<i32>} : memref<128x128xf32, #tpu.memory_space<vmem>>, vector<1x16xf32>,
        %get3A_349 = vector.shape_cast %get3A_348 : vector<1x16xf32> to vector<16xf32>
        %slice3A_350 = vector.extract_strided_slice %get3A_37 {offsets = [2], sizes = [1], strides = [1]} : vector<16xf32> to vector<1xf32>
        %squeeze3A_351 = vector.extract %slice3A_350[0] : f32 from vector<1xf32>
        %mul3A_352 = vector.broadcast %squeeze3A_351 : f32 to vector<16xf32>
        %mul3A_353 = arith.mulf %get3A_349, %mul3A_352 : vector<16xf32>
        %swap3A_354 = arith.index_cast %add3A_254 : i32 to index
        %swap3A_355 = arith.constant 112 : index
        %swap3A_356 = tpu.vector_load %arg10[%swap3A_354, %swap3A_355] {strides = array<i32>} : memref<128x128xf32, #tpu.memory_space<vmem>>, vector<1x16xf32>,
        %swap3A_357 = vector.shape_cast %swap3A_356 : vector<1x16xf32> to vector<16xf32>
        %swap3A_358 = vector.shape_cast %mul3A_353 : vector<16xf32> to vector<1x16xf32>
        tpu.vector_store %arg10[%swap3A_354, %swap3A_355], %swap3A_358 {strides = array<i32>} : memref<128x128xf32, #tpu.memory_space<vmem>>, vector<1x16xf32>,
        %mul3A_359 = arith.constant 16 : i32
        %mul3A_360 = arith.muli %scan3A_32, %mul3A_359 : i32
        %add3A_361 = arith.constant 3 : i32
        %add3A_362 = arith.addi %mul3A_360, %add3A_361 : i32
        %get3A_363 = arith.index_cast %add3A_362 : i32 to index
        %get3A_364 = arith.constant 0 : index
        %get3A_365 = tpu.vector_load %arg10[%get3A_363, %get3A_364] {strides = array<i32>} : memref<128x128xf32, #tpu.memory_space<vmem>>, vector<1x16xf32>,
        %get3A_366 = vector.shape_cast %get3A_365 : vector<1x16xf32> to vector<16xf32>
        %slice3A_367 = vector.extract_strided_slice %get3A_37 {offsets = [3], sizes = [1], strides = [1]} : vector<16xf32> to vector<1xf32>
        %squeeze3A_368 = vector.extract %slice3A_367[0] : f32 from vector<1xf32>
        %mul3A_369 = vector.broadcast %squeeze3A_368 : f32 to vector<16xf32>
        %mul3A_370 = arith.mulf %get3A_366, %mul3A_369 : vector<16xf32>
        %swap3A_371 = arith.index_cast %add3A_362 : i32 to index
        %swap3A_372 = arith.constant 0 : index
        %swap3A_373 = tpu.vector_load %arg10[%swap3A_371, %swap3A_372] {strides = array<i32>} : memref<128x128xf32, #tpu.memory_space<vmem>>, vector<1x16xf32>,
        %swap3A_374 = vector.shape_cast %swap3A_373 : vector<1x16xf32> to vector<16xf32>
        %swap3A_375 = vector.shape_cast %mul3A_370 : vector<16xf32> to vector<1x16xf32>
        tpu.vector_store %arg10[%swap3A_371, %swap3A_372], %swap3A_375 {strides = array<i32>} : memref<128x128xf32, #tpu.memory_space<vmem>>, vector<1x16xf32>,
        %get3A_376 = arith.index_cast %add3A_362 : i32 to index
        %get3A_377 = arith.constant 16 : index
        %get3A_378 = tpu.vector_load %arg10[%get3A_376, %get3A_377] {strides = array<i32>} : memref<128x128xf32, #tpu.memory_space<vmem>>, vector<1x16xf32>,
        %get3A_379 = vector.shape_cast %get3A_378 : vector<1x16xf32> to vector<16xf32>
        %slice3A_380 = vector.extract_strided_slice %get3A_37 {offsets = [3], sizes = [1], strides = [1]} : vector<16xf32> to vector<1xf32>
        %squeeze3A_381 = vector.extract %slice3A_380[0] : f32 from vector<1xf32>
        %mul3A_382 = vector.broadcast %squeeze3A_381 : f32 to vector<16xf32>
        %mul3A_383 = arith.mulf %get3A_379, %mul3A_382 : vector<16xf32>
        %swap3A_384 = arith.index_cast %add3A_362 : i32 to index
        %swap3A_385 = arith.constant 16 : index
        %swap3A_386 = tpu.vector_load %arg10[%swap3A_384, %swap3A_385] {strides = array<i32>} : memref<128x128xf32, #tpu.memory_space<vmem>>, vector<1x16xf32>,
        %swap3A_387 = vector.shape_cast %swap3A_386 : vector<1x16xf32> to vector<16xf32>
        %swap3A_388 = vector.shape_cast %mul3A_383 : vector<16xf32> to vector<1x16xf32>
        tpu.vector_store %arg10[%swap3A_384, %swap3A_385], %swap3A_388 {strides = array<i32>} : memref<128x128xf32, #tpu.memory_space<vmem>>, vector<1x16xf32>,
        %get3A_389 = arith.index_cast %add3A_362 : i32 to index
        %get3A_390 = arith.constant 32 : index
        %get3A_391 = tpu.vector_load %arg10[%get3A_389, %get3A_390] {strides = array<i32>} : memref<128x128xf32, #tpu.memory_space<vmem>>, vector<1x16xf32>,
        %get3A_392 = vector.shape_cast %get3A_391 : vector<1x16xf32> to vector<16xf32>
        %slice3A_393 = vector.extract_strided_slice %get3A_37 {offsets = [3], sizes = [1], strides = [1]} : vector<16xf32> to vector<1xf32>
        %squeeze3A_394 = vector.extract %slice3A_393[0] : f32 from vector<1xf32>
        %mul3A_395 = vector.broadcast %squeeze3A_394 : f32 to vector<16xf32>
        %mul3A_396 = arith.mulf %get3A_392, %mul3A_395 : vector<16xf32>
        %swap3A_397 = arith.index_cast %add3A_362 : i32 to index
        %swap3A_398 = arith.constant 32 : index
        %swap3A_399 = tpu.vector_load %arg10[%swap3A_397, %swap3A_398] {strides = array<i32>} : memref<128x128xf32, #tpu.memory_space<vmem>>, vector<1x16xf32>,
        %swap3A_400 = vector.shape_cast %swap3A_399 : vector<1x16xf32> to vector<16xf32>
        %swap3A_401 = vector.shape_cast %mul3A_396 : vector<16xf32> to vector<1x16xf32>
        tpu.vector_store %arg10[%swap3A_397, %swap3A_398], %swap3A_401 {strides = array<i32>} : memref<128x128xf32, #tpu.memory_space<vmem>>, vector<1x16xf32>,
        %get3A_402 = arith.index_cast %add3A_362 : i32 to index
        %get3A_403 = arith.constant 48 : index
        %get3A_404 = tpu.vector_load %arg10[%get3A_402, %get3A_403] {strides = array<i32>} : memref<128x128xf32, #tpu.memory_space<vmem>>, vector<1x16xf32>,
        %get3A_405 = vector.shape_cast %get3A_404 : vector<1x16xf32> to vector<16xf32>
        %slice3A_406 = vector.extract_strided_slice %get3A_37 {offsets = [3], sizes = [1], strides = [1]} : vector<16xf32> to vector<1xf32>
        %squeeze3A_407 = vector.extract %slice3A_406[0] : f32 from vector<1xf32>
        %mul3A_408 = vector.broadcast %squeeze3A_407 : f32 to vector<16xf32>
        %mul3A_409 = arith.mulf %get3A_405, %mul3A_408 : vector<16xf32>
        %swap3A_410 = arith.index_cast %add3A_362 : i32 to index
        %swap3A_411 = arith.constant 48 : index
        %swap3A_412 = tpu.vector_load %arg10[%swap3A_410, %swap3A_411] {strides = array<i32>} : memref<128x128xf32, #tpu.memory_space<vmem>>, vector<1x16xf32>,
        %swap3A_413 = vector.shape_cast %swap3A_412 : vector<1x16xf32> to vector<16xf32>
        %swap3A_414 = vector.shape_cast %mul3A_409 : vector<16xf32> to vector<1x16xf32>
        tpu.vector_store %arg10[%swap3A_410, %swap3A_411], %swap3A_414 {strides = array<i32>} : memref<128x128xf32, #tpu.memory_space<vmem>>, vector<1x16xf32>,
        %get3A_415 = arith.index_cast %add3A_362 : i32 to index
        %get3A_416 = arith.constant 64 : index
        %get3A_417 = tpu.vector_load %arg10[%get3A_415, %get3A_416] {strides = array<i32>} : memref<128x128xf32, #tpu.memory_space<vmem>>, vector<1x16xf32>,
        %get3A_418 = vector.shape_cast %get3A_417 : vector<1x16xf32> to vector<16xf32>
        %slice3A_419 = vector.extract_strided_slice %get3A_37 {offsets = [3], sizes = [1], strides = [1]} : vector<16xf32> to vector<1xf32>
        %squeeze3A_420 = vector.extract %slice3A_419[0] : f32 from vector<1xf32>
        %mul3A_421 = vector.broadcast %squeeze3A_420 : f32 to vector<16xf32>
        %mul3A_422 = arith.mulf %get3A_418, %mul3A_421 : vector<16xf32>
        %swap3A_423 = arith.index_cast %add3A_362 : i32 to index
        %swap3A_424 = arith.constant 64 : index
        %swap3A_425 = tpu.vector_load %arg10[%swap3A_423, %swap3A_424] {strides = array<i32>} : memref<128x128xf32, #tpu.memory_space<vmem>>, vector<1x16xf32>,
        %swap3A_426 = vector.shape_cast %swap3A_425 : vector<1x16xf32> to vector<16xf32>
        %swap3A_427 = vector.shape_cast %mul3A_422 : vector<16xf32> to vector<1x16xf32>
        tpu.vector_store %arg10[%swap3A_423, %swap3A_424], %swap3A_427 {strides = array<i32>} : memref<128x128xf32, #tpu.memory_space<vmem>>, vector<1x16xf32>,
        %get3A_428 = arith.index_cast %add3A_362 : i32 to index
        %get3A_429 = arith.constant 80 : index
        %get3A_430 = tpu.vector_load %arg10[%get3A_428, %get3A_429] {strides = array<i32>} : memref<128x128xf32, #tpu.memory_space<vmem>>, vector<1x16xf32>,
        %get3A_431 = vector.shape_cast %get3A_430 : vector<1x16xf32> to vector<16xf32>
        %slice3A_432 = vector.extract_strided_slice %get3A_37 {offsets = [3], sizes = [1], strides = [1]} : vector<16xf32> to vector<1xf32>
        %squeeze3A_433 = vector.extract %slice3A_432[0] : f32 from vector<1xf32>
        %mul3A_434 = vector.broadcast %squeeze3A_433 : f32 to vector<16xf32>
        %mul3A_435 = arith.mulf %get3A_431, %mul3A_434 : vector<16xf32>
        %swap3A_436 = arith.index_cast %add3A_362 : i32 to index
        %swap3A_437 = arith.constant 80 : index
        %swap3A_438 = tpu.vector_load %arg10[%swap3A_436, %swap3A_437] {strides = array<i32>} : memref<128x128xf32, #tpu.memory_space<vmem>>, vector<1x16xf32>,
        %swap3A_439 = vector.shape_cast %swap3A_438 : vector<1x16xf32> to vector<16xf32>
        %swap3A_440 = vector.shape_cast %mul3A_435 : vector<16xf32> to vector<1x16xf32>
        tpu.vector_store %arg10[%swap3A_436, %swap3A_437], %swap3A_440 {strides = array<i32>} : memref<128x128xf32, #tpu.memory_space<vmem>>, vector<1x16xf32>,
        %get3A_441 = arith.index_cast %add3A_362 : i32 to index
        %get3A_442 = arith.constant 96 : index
        %get3A_443 = tpu.vector_load %arg10[%get3A_441, %get3A_442] {strides = array<i32>} : memref<128x128xf32, #tpu.memory_space<vmem>>, vector<1x16xf32>,
        %get3A_444 = vector.shape_cast %get3A_443 : vector<1x16xf32> to vector<16xf32>
        %slice3A_445 = vector.extract_strided_slice %get3A_37 {offsets = [3], sizes = [1], strides = [1]} : vector<16xf32> to vector<1xf32>
        %squeeze3A_446 = vector.extract %slice3A_445[0] : f32 from vector<1xf32>
        %mul3A_447 = vector.broadcast %squeeze3A_446 : f32 to vector<16xf32>
        %mul3A_448 = arith.mulf %get3A_444, %mul3A_447 : vector<16xf32>
        %swap3A_449 = arith.index_cast %add3A_362 : i32 to index
        %swap3A_450 = arith.constant 96 : index
        %swap3A_451 = tpu.vector_load %arg10[%swap3A_449, %swap3A_450] {strides = array<i32>} : memref<128x128xf32, #tpu.memory_space<vmem>>, vector<1x16xf32>,
        %swap3A_452 = vector.shape_cast %swap3A_451 : vector<1x16xf32> to vector<16xf32>
        %swap3A_453 = vector.shape_cast %mul3A_448 : vector<16xf32> to vector<1x16xf32>
        tpu.vector_store %arg10[%swap3A_449, %swap3A_450], %swap3A_453 {strides = array<i32>} : memref<128x128xf32, #tpu.memory_space<vmem>>, vector<1x16xf32>,
        %get3A_454 = arith.index_cast %add3A_362 : i32 to index
        %get3A_455 = arith.constant 112 : index
        %get3A_456 = tpu.vector_load %arg10[%get3A_454, %get3A_455] {strides = array<i32>} : memref<128x128xf32, #tpu.memory_space<vmem>>, vector<1x16xf32>,
        %get3A_457 = vector.shape_cast %get3A_456 : vector<1x16xf32> to vector<16xf32>
        %slice3A_458 = vector.extract_strided_slice %get3A_37 {offsets = [3], sizes = [1], strides = [1]} : vector<16xf32> to vector<1xf32>
        %squeeze3A_459 = vector.extract %slice3A_458[0] : f32 from vector<1xf32>
        %mul3A_460 = vector.broadcast %squeeze3A_459 : f32 to vector<16xf32>
        %mul3A_461 = arith.mulf %get3A_457, %mul3A_460 : vector<16xf32>
        %swap3A_462 = arith.index_cast %add3A_362 : i32 to index
        %swap3A_463 = arith.constant 112 : index
        %swap3A_464 = tpu.vector_load %arg10[%swap3A_462, %swap3A_463] {strides = array<i32>} : memref<128x128xf32, #tpu.memory_space<vmem>>, vector<1x16xf32>,
        %swap3A_465 = vector.shape_cast %swap3A_464 : vector<1x16xf32> to vector<16xf32>
        %swap3A_466 = vector.shape_cast %mul3A_461 : vector<16xf32> to vector<1x16xf32>
        tpu.vector_store %arg10[%swap3A_462, %swap3A_463], %swap3A_466 {strides = array<i32>} : memref<128x128xf32, #tpu.memory_space<vmem>>, vector<1x16xf32>,
        %mul3A_467 = arith.constant 16 : i32
        %mul3A_468 = arith.muli %scan3A_32, %mul3A_467 : i32
        %add3A_469 = arith.constant 4 : i32
        %add3A_470 = arith.addi %mul3A_468, %add3A_469 : i32
        %get3A_471 = arith.index_cast %add3A_470 : i32 to index
        %get3A_472 = arith.constant 0 : index
        %get3A_473 = tpu.vector_load %arg10[%get3A_471, %get3A_472] {strides = array<i32>} : memref<128x128xf32, #tpu.memory_space<vmem>>, vector<1x16xf32>,
        %get3A_474 = vector.shape_cast %get3A_473 : vector<1x16xf32> to vector<16xf32>
        %slice3A_475 = vector.extract_strided_slice %get3A_37 {offsets = [4], sizes = [1], strides = [1]} : vector<16xf32> to vector<1xf32>
        %squeeze3A_476 = vector.extract %slice3A_475[0] : f32 from vector<1xf32>
        %mul3A_477 = vector.broadcast %squeeze3A_476 : f32 to vector<16xf32>
        %mul3A_478 = arith.mulf %get3A_474, %mul3A_477 : vector<16xf32>
        %swap3A_479 = arith.index_cast %add3A_470 : i32 to index
        %swap3A_480 = arith.constant 0 : index
        %swap3A_481 = tpu.vector_load %arg10[%swap3A_479, %swap3A_480] {strides = array<i32>} : memref<128x128xf32, #tpu.memory_space<vmem>>, vector<1x16xf32>,
        %swap3A_482 = vector.shape_cast %swap3A_481 : vector<1x16xf32> to vector<16xf32>
        %swap3A_483 = vector.shape_cast %mul3A_478 : vector<16xf32> to vector<1x16xf32>
        tpu.vector_store %arg10[%swap3A_479, %swap3A_480], %swap3A_483 {strides = array<i32>} : memref<128x128xf32, #tpu.memory_space<vmem>>, vector<1x16xf32>,
        %get3A_484 = arith.index_cast %add3A_470 : i32 to index
        %get3A_485 = arith.constant 16 : index
        %get3A_486 = tpu.vector_load %arg10[%get3A_484, %get3A_485] {strides = array<i32>} : memref<128x128xf32, #tpu.memory_space<vmem>>, vector<1x16xf32>,
        %get3A_487 = vector.shape_cast %get3A_486 : vector<1x16xf32> to vector<16xf32>
        %slice3A_488 = vector.extract_strided_slice %get3A_37 {offsets = [4], sizes = [1], strides = [1]} : vector<16xf32> to vector<1xf32>
        %squeeze3A_489 = vector.extract %slice3A_488[0] : f32 from vector<1xf32>
        %mul3A_490 = vector.broadcast %squeeze3A_489 : f32 to vector<16xf32>
        %mul3A_491 = arith.mulf %get3A_487, %mul3A_490 : vector<16xf32>
        %swap3A_492 = arith.index_cast %add3A_470 : i32 to index
        %swap3A_493 = arith.constant 16 : index
        %swap3A_494 = tpu.vector_load %arg10[%swap3A_492, %swap3A_493] {strides = array<i32>} : memref<128x128xf32, #tpu.memory_space<vmem>>, vector<1x16xf32>,
        %swap3A_495 = vector.shape_cast %swap3A_494 : vector<1x16xf32> to vector<16xf32>
        %swap3A_496 = vector.shape_cast %mul3A_491 : vector<16xf32> to vector<1x16xf32>
        tpu.vector_store %arg10[%swap3A_492, %swap3A_493], %swap3A_496 {strides = array<i32>} : memref<128x128xf32, #tpu.memory_space<vmem>>, vector<1x16xf32>,
        %get3A_497 = arith.index_cast %add3A_470 : i32 to index
        %get3A_498 = arith.constant 32 : index
        %get3A_499 = tpu.vector_load %arg10[%get3A_497, %get3A_498] {strides = array<i32>} : memref<128x128xf32, #tpu.memory_space<vmem>>, vector<1x16xf32>,
        %get3A_500 = vector.shape_cast %get3A_499 : vector<1x16xf32> to vector<16xf32>
        %slice3A_501 = vector.extract_strided_slice %get3A_37 {offsets = [4], sizes = [1], strides = [1]} : vector<16xf32> to vector<1xf32>
        %squeeze3A_502 = vector.extract %slice3A_501[0] : f32 from vector<1xf32>
        %mul3A_503 = vector.broadcast %squeeze3A_502 : f32 to vector<16xf32>
        %mul3A_504 = arith.mulf %get3A_500, %mul3A_503 : vector<16xf32>
        %swap3A_505 = arith.index_cast %add3A_470 : i32 to index
        %swap3A_506 = arith.constant 32 : index
        %swap3A_507 = tpu.vector_load %arg10[%swap3A_505, %swap3A_506] {strides = array<i32>} : memref<128x128xf32, #tpu.memory_space<vmem>>, vector<1x16xf32>,
        %swap3A_508 = vector.shape_cast %swap3A_507 : vector<1x16xf32> to vector<16xf32>
        %swap3A_509 = vector.shape_cast %mul3A_504 : vector<16xf32> to vector<1x16xf32>
        tpu.vector_store %arg10[%swap3A_505, %swap3A_506], %swap3A_509 {strides = array<i32>} : memref<128x128xf32, #tpu.memory_space<vmem>>, vector<1x16xf32>,
        %get3A_510 = arith.index_cast %add3A_470 : i32 to index
        %get3A_511 = arith.constant 48 : index
        %get3A_512 = tpu.vector_load %arg10[%get3A_510, %get3A_511] {strides = array<i32>} : memref<128x128xf32, #tpu.memory_space<vmem>>, vector<1x16xf32>,
        %get3A_513 = vector.shape_cast %get3A_512 : vector<1x16xf32> to vector<16xf32>
        %slice3A_514 = vector.extract_strided_slice %get3A_37 {offsets = [4], sizes = [1], strides = [1]} : vector<16xf32> to vector<1xf32>
        %squeeze3A_515 = vector.extract %slice3A_514[0] : f32 from vector<1xf32>
        %mul3A_516 = vector.broadcast %squeeze3A_515 : f32 to vector<16xf32>
        %mul3A_517 = arith.mulf %get3A_513, %mul3A_516 : vector<16xf32>
        %swap3A_518 = arith.index_cast %add3A_470 : i32 to index
        %swap3A_519 = arith.constant 48 : index
        %swap3A_520 = tpu.vector_load %arg10[%swap3A_518, %swap3A_519] {strides = array<i32>} : memref<128x128xf32, #tpu.memory_space<vmem>>, vector<1x16xf32>,
        %swap3A_521 = vector.shape_cast %swap3A_520 : vector<1x16xf32> to vector<16xf32>
        %swap3A_522 = vector.shape_cast %mul3A_517 : vector<16xf32> to vector<1x16xf32>
        tpu.vector_store %arg10[%swap3A_518, %swap3A_519], %swap3A_522 {strides = array<i32>} : memref<128x128xf32, #tpu.memory_space<vmem>>, vector<1x16xf32>,
        %get3A_523 = arith.index_cast %add3A_470 : i32 to index
        %get3A_524 = arith.constant 64 : index
        %get3A_525 = tpu.vector_load %arg10[%get3A_523, %get3A_524] {strides = array<i32>} : memref<128x128xf32, #tpu.memory_space<vmem>>, vector<1x16xf32>,
        %get3A_526 = vector.shape_cast %get3A_525 : vector<1x16xf32> to vector<16xf32>
        %slice3A_527 = vector.extract_strided_slice %get3A_37 {offsets = [4], sizes = [1], strides = [1]} : vector<16xf32> to vector<1xf32>
        %squeeze3A_528 = vector.extract %slice3A_527[0] : f32 from vector<1xf32>
        %mul3A_529 = vector.broadcast %squeeze3A_528 : f32 to vector<16xf32>
        %mul3A_530 = arith.mulf %get3A_526, %mul3A_529 : vector<16xf32>
        %swap3A_531 = arith.index_cast %add3A_470 : i32 to index
        %swap3A_532 = arith.constant 64 : index
        %swap3A_533 = tpu.vector_load %arg10[%swap3A_531, %swap3A_532] {strides = array<i32>} : memref<128x128xf32, #tpu.memory_space<vmem>>, vector<1x16xf32>,
        %swap3A_534 = vector.shape_cast %swap3A_533 : vector<1x16xf32> to vector<16xf32>
        %swap3A_535 = vector.shape_cast %mul3A_530 : vector<16xf32> to vector<1x16xf32>
        tpu.vector_store %arg10[%swap3A_531, %swap3A_532], %swap3A_535 {strides = array<i32>} : memref<128x128xf32, #tpu.memory_space<vmem>>, vector<1x16xf32>,
        %get3A_536 = arith.index_cast %add3A_470 : i32 to index
        %get3A_537 = arith.constant 80 : index
        %get3A_538 = tpu.vector_load %arg10[%get3A_536, %get3A_537] {strides = array<i32>} : memref<128x128xf32, #tpu.memory_space<vmem>>, vector<1x16xf32>,
        %get3A_539 = vector.shape_cast %get3A_538 : vector<1x16xf32> to vector<16xf32>
        %slice3A_540 = vector.extract_strided_slice %get3A_37 {offsets = [4], sizes = [1], strides = [1]} : vector<16xf32> to vector<1xf32>
        %squeeze3A_541 = vector.extract %slice3A_540[0] : f32 from vector<1xf32>
        %mul3A_542 = vector.broadcast %squeeze3A_541 : f32 to vector<16xf32>
        %mul3A_543 = arith.mulf %get3A_539, %mul3A_542 : vector<16xf32>
        %swap3A_544 = arith.index_cast %add3A_470 : i32 to index
        %swap3A_545 = arith.constant 80 : index
        %swap3A_546 = tpu.vector_load %arg10[%swap3A_544, %swap3A_545] {strides = array<i32>} : memref<128x128xf32, #tpu.memory_space<vmem>>, vector<1x16xf32>,
        %swap3A_547 = vector.shape_cast %swap3A_546 : vector<1x16xf32> to vector<16xf32>
        %swap3A_548 = vector.shape_cast %mul3A_543 : vector<16xf32> to vector<1x16xf32>
        tpu.vector_store %arg10[%swap3A_544, %swap3A_545], %swap3A_548 {strides = array<i32>} : memref<128x128xf32, #tpu.memory_space<vmem>>, vector<1x16xf32>,
        %get3A_549 = arith.index_cast %add3A_470 : i32 to index
        %get3A_550 = arith.constant 96 : index
        %get3A_551 = tpu.vector_load %arg10[%get3A_549, %get3A_550] {strides = array<i32>} : memref<128x128xf32, #tpu.memory_space<vmem>>, vector<1x16xf32>,
        %get3A_552 = vector.shape_cast %get3A_551 : vector<1x16xf32> to vector<16xf32>
        %slice3A_553 = vector.extract_strided_slice %get3A_37 {offsets = [4], sizes = [1], strides = [1]} : vector<16xf32> to vector<1xf32>
        %squeeze3A_554 = vector.extract %slice3A_553[0] : f32 from vector<1xf32>
        %mul3A_555 = vector.broadcast %squeeze3A_554 : f32 to vector<16xf32>
        %mul3A_556 = arith.mulf %get3A_552, %mul3A_555 : vector<16xf32>
        %swap3A_557 = arith.index_cast %add3A_470 : i32 to index
        %swap3A_558 = arith.constant 96 : index
        %swap3A_559 = tpu.vector_load %arg10[%swap3A_557, %swap3A_558] {strides = array<i32>} : memref<128x128xf32, #tpu.memory_space<vmem>>, vector<1x16xf32>,
        %swap3A_560 = vector.shape_cast %swap3A_559 : vector<1x16xf32> to vector<16xf32>
        %swap3A_561 = vector.shape_cast %mul3A_556 : vector<16xf32> to vector<1x16xf32>
        tpu.vector_store %arg10[%swap3A_557, %swap3A_558], %swap3A_561 {strides = array<i32>} : memref<128x128xf32, #tpu.memory_space<vmem>>, vector<1x16xf32>,
        %get3A_562 = arith.index_cast %add3A_470 : i32 to index
        %get3A_563 = arith.constant 112 : index
        %get3A_564 = tpu.vector_load %arg10[%get3A_562, %get3A_563] {strides = array<i32>} : memref<128x128xf32, #tpu.memory_space<vmem>>, vector<1x16xf32>,
        %get3A_565 = vector.shape_cast %get3A_564 : vector<1x16xf32> to vector<16xf32>
        %slice3A_566 = vector.extract_strided_slice %get3A_37 {offsets = [4], sizes = [1], strides = [1]} : vector<16xf32> to vector<1xf32>
        %squeeze3A_567 = vector.extract %slice3A_566[0] : f32 from vector<1xf32>
        %mul3A_568 = vector.broadcast %squeeze3A_567 : f32 to vector<16xf32>
        %mul3A_569 = arith.mulf %get3A_565, %mul3A_568 : vector<16xf32>
        %swap3A_570 = arith.index_cast %add3A_470 : i32 to index
        %swap3A_571 = arith.constant 112 : index
        %swap3A_572 = tpu.vector_load %arg10[%swap3A_570, %swap3A_571] {strides = array<i32>} : memref<128x128xf32, #tpu.memory_space<vmem>>, vector<1x16xf32>,
        %swap3A_573 = vector.shape_cast %swap3A_572 : vector<1x16xf32> to vector<16xf32>
        %swap3A_574 = vector.shape_cast %mul3A_569 : vector<16xf32> to vector<1x16xf32>
        tpu.vector_store %arg10[%swap3A_570, %swap3A_571], %swap3A_574 {strides = array<i32>} : memref<128x128xf32, #tpu.memory_space<vmem>>, vector<1x16xf32>,
        %mul3A_575 = arith.constant 16 : i32
        %mul3A_576 = arith.muli %scan3A_32, %mul3A_575 : i32
        %add3A_577 = arith.constant 5 : i32
        %add3A_578 = arith.addi %mul3A_576, %add3A_577 : i32
        %get3A_579 = arith.index_cast %add3A_578 : i32 to index
        %get3A_580 = arith.constant 0 : index
        %get3A_581 = tpu.vector_load %arg10[%get3A_579, %get3A_580] {strides = array<i32>} : memref<128x128xf32, #tpu.memory_space<vmem>>, vector<1x16xf32>,
        %get3A_582 = vector.shape_cast %get3A_581 : vector<1x16xf32> to vector<16xf32>
        %slice3A_583 = vector.extract_strided_slice %get3A_37 {offsets = [5], sizes = [1], strides = [1]} : vector<16xf32> to vector<1xf32>
        %squeeze3A_584 = vector.extract %slice3A_583[0] : f32 from vector<1xf32>
        %mul3A_585 = vector.broadcast %squeeze3A_584 : f32 to vector<16xf32>
        %mul3A_586 = arith.mulf %get3A_582, %mul3A_585 : vector<16xf32>
        %swap3A_587 = arith.index_cast %add3A_578 : i32 to index
        %swap3A_588 = arith.constant 0 : index
        %swap3A_589 = tpu.vector_load %arg10[%swap3A_587, %swap3A_588] {strides = array<i32>} : memref<128x128xf32, #tpu.memory_space<vmem>>, vector<1x16xf32>,
        %swap3A_590 = vector.shape_cast %swap3A_589 : vector<1x16xf32> to vector<16xf32>
        %swap3A_591 = vector.shape_cast %mul3A_586 : vector<16xf32> to vector<1x16xf32>
        tpu.vector_store %arg10[%swap3A_587, %swap3A_588], %swap3A_591 {strides = array<i32>} : memref<128x128xf32, #tpu.memory_space<vmem>>, vector<1x16xf32>,
        %get3A_592 = arith.index_cast %add3A_578 : i32 to index
        %get3A_593 = arith.constant 16 : index
        %get3A_594 = tpu.vector_load %arg10[%get3A_592, %get3A_593] {strides = array<i32>} : memref<128x128xf32, #tpu.memory_space<vmem>>, vector<1x16xf32>,
        %get3A_595 = vector.shape_cast %get3A_594 : vector<1x16xf32> to vector<16xf32>
        %slice3A_596 = vector.extract_strided_slice %get3A_37 {offsets = [5], sizes = [1], strides = [1]} : vector<16xf32> to vector<1xf32>
        %squeeze3A_597 = vector.extract %slice3A_596[0] : f32 from vector<1xf32>
        %mul3A_598 = vector.broadcast %squeeze3A_597 : f32 to vector<16xf32>
        %mul3A_599 = arith.mulf %get3A_595, %mul3A_598 : vector<16xf32>
        %swap3A_600 = arith.index_cast %add3A_578 : i32 to index
        %swap3A_601 = arith.constant 16 : index
        %swap3A_602 = tpu.vector_load %arg10[%swap3A_600, %swap3A_601] {strides = array<i32>} : memref<128x128xf32, #tpu.memory_space<vmem>>, vector<1x16xf32>,
        %swap3A_603 = vector.shape_cast %swap3A_602 : vector<1x16xf32> to vector<16xf32>
        %swap3A_604 = vector.shape_cast %mul3A_599 : vector<16xf32> to vector<1x16xf32>
        tpu.vector_store %arg10[%swap3A_600, %swap3A_601], %swap3A_604 {strides = array<i32>} : memref<128x128xf32, #tpu.memory_space<vmem>>, vector<1x16xf32>,
        %get3A_605 = arith.index_cast %add3A_578 : i32 to index
        %get3A_606 = arith.constant 32 : index
        %get3A_607 = tpu.vector_load %arg10[%get3A_605, %get3A_606] {strides = array<i32>} : memref<128x128xf32, #tpu.memory_space<vmem>>, vector<1x16xf32>,
        %get3A_608 = vector.shape_cast %get3A_607 : vector<1x16xf32> to vector<16xf32>
        %slice3A_609 = vector.extract_strided_slice %get3A_37 {offsets = [5], sizes = [1], strides = [1]} : vector<16xf32> to vector<1xf32>
        %squeeze3A_610 = vector.extract %slice3A_609[0] : f32 from vector<1xf32>
        %mul3A_611 = vector.broadcast %squeeze3A_610 : f32 to vector<16xf32>
        %mul3A_612 = arith.mulf %get3A_608, %mul3A_611 : vector<16xf32>
        %swap3A_613 = arith.index_cast %add3A_578 : i32 to index
        %swap3A_614 = arith.constant 32 : index
        %swap3A_615 = tpu.vector_load %arg10[%swap3A_613, %swap3A_614] {strides = array<i32>} : memref<128x128xf32, #tpu.memory_space<vmem>>, vector<1x16xf32>,
        %swap3A_616 = vector.shape_cast %swap3A_615 : vector<1x16xf32> to vector<16xf32>
        %swap3A_617 = vector.shape_cast %mul3A_612 : vector<16xf32> to vector<1x16xf32>
        tpu.vector_store %arg10[%swap3A_613, %swap3A_614], %swap3A_617 {strides = array<i32>} : memref<128x128xf32, #tpu.memory_space<vmem>>, vector<1x16xf32>,
        %get3A_618 = arith.index_cast %add3A_578 : i32 to index
        %get3A_619 = arith.constant 48 : index
        %get3A_620 = tpu.vector_load %arg10[%get3A_618, %get3A_619] {strides = array<i32>} : memref<128x128xf32, #tpu.memory_space<vmem>>, vector<1x16xf32>,
        %get3A_621 = vector.shape_cast %get3A_620 : vector<1x16xf32> to vector<16xf32>
        %slice3A_622 = vector.extract_strided_slice %get3A_37 {offsets = [5], sizes = [1], strides = [1]} : vector<16xf32> to vector<1xf32>
        %squeeze3A_623 = vector.extract %slice3A_622[0] : f32 from vector<1xf32>
        %mul3A_624 = vector.broadcast %squeeze3A_623 : f32 to vector<16xf32>
        %mul3A_625 = arith.mulf %get3A_621, %mul3A_624 : vector<16xf32>
        %swap3A_626 = arith.index_cast %add3A_578 : i32 to index
        %swap3A_627 = arith.constant 48 : index
        %swap3A_628 = tpu.vector_load %arg10[%swap3A_626, %swap3A_627] {strides = array<i32>} : memref<128x128xf32, #tpu.memory_space<vmem>>, vector<1x16xf32>,
        %swap3A_629 = vector.shape_cast %swap3A_628 : vector<1x16xf32> to vector<16xf32>
        %swap3A_630 = vector.shape_cast %mul3A_625 : vector<16xf32> to vector<1x16xf32>
        tpu.vector_store %arg10[%swap3A_626, %swap3A_627], %swap3A_630 {strides = array<i32>} : memref<128x128xf32, #tpu.memory_space<vmem>>, vector<1x16xf32>,
        %get3A_631 = arith.index_cast %add3A_578 : i32 to index
        %get3A_632 = arith.constant 64 : index
        %get3A_633 = tpu.vector_load %arg10[%get3A_631, %get3A_632] {strides = array<i32>} : memref<128x128xf32, #tpu.memory_space<vmem>>, vector<1x16xf32>,
        %get3A_634 = vector.shape_cast %get3A_633 : vector<1x16xf32> to vector<16xf32>
        %slice3A_635 = vector.extract_strided_slice %get3A_37 {offsets = [5], sizes = [1], strides = [1]} : vector<16xf32> to vector<1xf32>
        %squeeze3A_636 = vector.extract %slice3A_635[0] : f32 from vector<1xf32>
        %mul3A_637 = vector.broadcast %squeeze3A_636 : f32 to vector<16xf32>
        %mul3A_638 = arith.mulf %get3A_634, %mul3A_637 : vector<16xf32>
        %swap3A_639 = arith.index_cast %add3A_578 : i32 to index
        %swap3A_640 = arith.constant 64 : index
        %swap3A_641 = tpu.vector_load %arg10[%swap3A_639, %swap3A_640] {strides = array<i32>} : memref<128x128xf32, #tpu.memory_space<vmem>>, vector<1x16xf32>,
        %swap3A_642 = vector.shape_cast %swap3A_641 : vector<1x16xf32> to vector<16xf32>
        %swap3A_643 = vector.shape_cast %mul3A_638 : vector<16xf32> to vector<1x16xf32>
        tpu.vector_store %arg10[%swap3A_639, %swap3A_640], %swap3A_643 {strides = array<i32>} : memref<128x128xf32, #tpu.memory_space<vmem>>, vector<1x16xf32>,
        %get3A_644 = arith.index_cast %add3A_578 : i32 to index
        %get3A_645 = arith.constant 80 : index
        %get3A_646 = tpu.vector_load %arg10[%get3A_644, %get3A_645] {strides = array<i32>} : memref<128x128xf32, #tpu.memory_space<vmem>>, vector<1x16xf32>,
        %get3A_647 = vector.shape_cast %get3A_646 : vector<1x16xf32> to vector<16xf32>
        %slice3A_648 = vector.extract_strided_slice %get3A_37 {offsets = [5], sizes = [1], strides = [1]} : vector<16xf32> to vector<1xf32>
        %squeeze3A_649 = vector.extract %slice3A_648[0] : f32 from vector<1xf32>
        %mul3A_650 = vector.broadcast %squeeze3A_649 : f32 to vector<16xf32>
        %mul3A_651 = arith.mulf %get3A_647, %mul3A_650 : vector<16xf32>
        %swap3A_652 = arith.index_cast %add3A_578 : i32 to index
        %swap3A_653 = arith.constant 80 : index
        %swap3A_654 = tpu.vector_load %arg10[%swap3A_652, %swap3A_653] {strides = array<i32>} : memref<128x128xf32, #tpu.memory_space<vmem>>, vector<1x16xf32>,
        %swap3A_655 = vector.shape_cast %swap3A_654 : vector<1x16xf32> to vector<16xf32>
        %swap3A_656 = vector.shape_cast %mul3A_651 : vector<16xf32> to vector<1x16xf32>
        tpu.vector_store %arg10[%swap3A_652, %swap3A_653], %swap3A_656 {strides = array<i32>} : memref<128x128xf32, #tpu.memory_space<vmem>>, vector<1x16xf32>,
        %get3A_657 = arith.index_cast %add3A_578 : i32 to index
        %get3A_658 = arith.constant 96 : index
        %get3A_659 = tpu.vector_load %arg10[%get3A_657, %get3A_658] {strides = array<i32>} : memref<128x128xf32, #tpu.memory_space<vmem>>, vector<1x16xf32>,
        %get3A_660 = vector.shape_cast %get3A_659 : vector<1x16xf32> to vector<16xf32>
        %slice3A_661 = vector.extract_strided_slice %get3A_37 {offsets = [5], sizes = [1], strides = [1]} : vector<16xf32> to vector<1xf32>
        %squeeze3A_662 = vector.extract %slice3A_661[0] : f32 from vector<1xf32>
        %mul3A_663 = vector.broadcast %squeeze3A_662 : f32 to vector<16xf32>
        %mul3A_664 = arith.mulf %get3A_660, %mul3A_663 : vector<16xf32>
        %swap3A_665 = arith.index_cast %add3A_578 : i32 to index
        %swap3A_666 = arith.constant 96 : index
        %swap3A_667 = tpu.vector_load %arg10[%swap3A_665, %swap3A_666] {strides = array<i32>} : memref<128x128xf32, #tpu.memory_space<vmem>>, vector<1x16xf32>,
        %swap3A_668 = vector.shape_cast %swap3A_667 : vector<1x16xf32> to vector<16xf32>
        %swap3A_669 = vector.shape_cast %mul3A_664 : vector<16xf32> to vector<1x16xf32>
        tpu.vector_store %arg10[%swap3A_665, %swap3A_666], %swap3A_669 {strides = array<i32>} : memref<128x128xf32, #tpu.memory_space<vmem>>, vector<1x16xf32>,
        %get3A_670 = arith.index_cast %add3A_578 : i32 to index
        %get3A_671 = arith.constant 112 : index
        %get3A_672 = tpu.vector_load %arg10[%get3A_670, %get3A_671] {strides = array<i32>} : memref<128x128xf32, #tpu.memory_space<vmem>>, vector<1x16xf32>,
        %get3A_673 = vector.shape_cast %get3A_672 : vector<1x16xf32> to vector<16xf32>
        %slice3A_674 = vector.extract_strided_slice %get3A_37 {offsets = [5], sizes = [1], strides = [1]} : vector<16xf32> to vector<1xf32>
        %squeeze3A_675 = vector.extract %slice3A_674[0] : f32 from vector<1xf32>
        %mul3A_676 = vector.broadcast %squeeze3A_675 : f32 to vector<16xf32>
        %mul3A_677 = arith.mulf %get3A_673, %mul3A_676 : vector<16xf32>
        %swap3A_678 = arith.index_cast %add3A_578 : i32 to index
        %swap3A_679 = arith.constant 112 : index
        %swap3A_680 = tpu.vector_load %arg10[%swap3A_678, %swap3A_679] {strides = array<i32>} : memref<128x128xf32, #tpu.memory_space<vmem>>, vector<1x16xf32>,
        %swap3A_681 = vector.shape_cast %swap3A_680 : vector<1x16xf32> to vector<16xf32>
        %swap3A_682 = vector.shape_cast %mul3A_677 : vector<16xf32> to vector<1x16xf32>
        tpu.vector_store %arg10[%swap3A_678, %swap3A_679], %swap3A_682 {strides = array<i32>} : memref<128x128xf32, #tpu.memory_space<vmem>>, vector<1x16xf32>,
        %mul3A_683 = arith.constant 16 : i32
        %mul3A_684 = arith.muli %scan3A_32, %mul3A_683 : i32
        %add3A_685 = arith.constant 6 : i32
        %add3A_686 = arith.addi %mul3A_684, %add3A_685 : i32
        %get3A_687 = arith.index_cast %add3A_686 : i32 to index
        %get3A_688 = arith.constant 0 : index
        %get3A_689 = tpu.vector_load %arg10[%get3A_687, %get3A_688] {strides = array<i32>} : memref<128x128xf32, #tpu.memory_space<vmem>>, vector<1x16xf32>,
        %get3A_690 = vector.shape_cast %get3A_689 : vector<1x16xf32> to vector<16xf32>
        %slice3A_691 = vector.extract_strided_slice %get3A_37 {offsets = [6], sizes = [1], strides = [1]} : vector<16xf32> to vector<1xf32>
        %squeeze3A_692 = vector.extract %slice3A_691[0] : f32 from vector<1xf32>
        %mul3A_693 = vector.broadcast %squeeze3A_692 : f32 to vector<16xf32>
        %mul3A_694 = arith.mulf %get3A_690, %mul3A_693 : vector<16xf32>
        %swap3A_695 = arith.index_cast %add3A_686 : i32 to index
        %swap3A_696 = arith.constant 0 : index
        %swap3A_697 = tpu.vector_load %arg10[%swap3A_695, %swap3A_696] {strides = array<i32>} : memref<128x128xf32, #tpu.memory_space<vmem>>, vector<1x16xf32>,
        %swap3A_698 = vector.shape_cast %swap3A_697 : vector<1x16xf32> to vector<16xf32>
        %swap3A_699 = vector.shape_cast %mul3A_694 : vector<16xf32> to vector<1x16xf32>
        tpu.vector_store %arg10[%swap3A_695, %swap3A_696], %swap3A_699 {strides = array<i32>} : memref<128x128xf32, #tpu.memory_space<vmem>>, vector<1x16xf32>,
        %get3A_700 = arith.index_cast %add3A_686 : i32 to index
        %get3A_701 = arith.constant 16 : index
        %get3A_702 = tpu.vector_load %arg10[%get3A_700, %get3A_701] {strides = array<i32>} : memref<128x128xf32, #tpu.memory_space<vmem>>, vector<1x16xf32>,
        %get3A_703 = vector.shape_cast %get3A_702 : vector<1x16xf32> to vector<16xf32>
        %slice3A_704 = vector.extract_strided_slice %get3A_37 {offsets = [6], sizes = [1], strides = [1]} : vector<16xf32> to vector<1xf32>
        %squeeze3A_705 = vector.extract %slice3A_704[0] : f32 from vector<1xf32>
        %mul3A_706 = vector.broadcast %squeeze3A_705 : f32 to vector<16xf32>
        %mul3A_707 = arith.mulf %get3A_703, %mul3A_706 : vector<16xf32>
        %swap3A_708 = arith.index_cast %add3A_686 : i32 to index
        %swap3A_709 = arith.constant 16 : index
        %swap3A_710 = tpu.vector_load %arg10[%swap3A_708, %swap3A_709] {strides = array<i32>} : memref<128x128xf32, #tpu.memory_space<vmem>>, vector<1x16xf32>,
        %swap3A_711 = vector.shape_cast %swap3A_710 : vector<1x16xf32> to vector<16xf32>
        %swap3A_712 = vector.shape_cast %mul3A_707 : vector<16xf32> to vector<1x16xf32>
        tpu.vector_store %arg10[%swap3A_708, %swap3A_709], %swap3A_712 {strides = array<i32>} : memref<128x128xf32, #tpu.memory_space<vmem>>, vector<1x16xf32>,
        %get3A_713 = arith.index_cast %add3A_686 : i32 to index
        %get3A_714 = arith.constant 32 : index
        %get3A_715 = tpu.vector_load %arg10[%get3A_713, %get3A_714] {strides = array<i32>} : memref<128x128xf32, #tpu.memory_space<vmem>>, vector<1x16xf32>,
        %get3A_716 = vector.shape_cast %get3A_715 : vector<1x16xf32> to vector<16xf32>
        %slice3A_717 = vector.extract_strided_slice %get3A_37 {offsets = [6], sizes = [1], strides = [1]} : vector<16xf32> to vector<1xf32>
        %squeeze3A_718 = vector.extract %slice3A_717[0] : f32 from vector<1xf32>
        %mul3A_719 = vector.broadcast %squeeze3A_718 : f32 to vector<16xf32>
        %mul3A_720 = arith.mulf %get3A_716, %mul3A_719 : vector<16xf32>
        %swap3A_721 = arith.index_cast %add3A_686 : i32 to index
        %swap3A_722 = arith.constant 32 : index
        %swap3A_723 = tpu.vector_load %arg10[%swap3A_721, %swap3A_722] {strides = array<i32>} : memref<128x128xf32, #tpu.memory_space<vmem>>, vector<1x16xf32>,
        %swap3A_724 = vector.shape_cast %swap3A_723 : vector<1x16xf32> to vector<16xf32>
        %swap3A_725 = vector.shape_cast %mul3A_720 : vector<16xf32> to vector<1x16xf32>
        tpu.vector_store %arg10[%swap3A_721, %swap3A_722], %swap3A_725 {strides = array<i32>} : memref<128x128xf32, #tpu.memory_space<vmem>>, vector<1x16xf32>,
        %get3A_726 = arith.index_cast %add3A_686 : i32 to index
        %get3A_727 = arith.constant 48 : index
        %get3A_728 = tpu.vector_load %arg10[%get3A_726, %get3A_727] {strides = array<i32>} : memref<128x128xf32, #tpu.memory_space<vmem>>, vector<1x16xf32>,
        %get3A_729 = vector.shape_cast %get3A_728 : vector<1x16xf32> to vector<16xf32>
        %slice3A_730 = vector.extract_strided_slice %get3A_37 {offsets = [6], sizes = [1], strides = [1]} : vector<16xf32> to vector<1xf32>
        %squeeze3A_731 = vector.extract %slice3A_730[0] : f32 from vector<1xf32>
        %mul3A_732 = vector.broadcast %squeeze3A_731 : f32 to vector<16xf32>
        %mul3A_733 = arith.mulf %get3A_729, %mul3A_732 : vector<16xf32>
        %swap3A_734 = arith.index_cast %add3A_686 : i32 to index
        %swap3A_735 = arith.constant 48 : index
        %swap3A_736 = tpu.vector_load %arg10[%swap3A_734, %swap3A_735] {strides = array<i32>} : memref<128x128xf32, #tpu.memory_space<vmem>>, vector<1x16xf32>,
        %swap3A_737 = vector.shape_cast %swap3A_736 : vector<1x16xf32> to vector<16xf32>
        %swap3A_738 = vector.shape_cast %mul3A_733 : vector<16xf32> to vector<1x16xf32>
        tpu.vector_store %arg10[%swap3A_734, %swap3A_735], %swap3A_738 {strides = array<i32>} : memref<128x128xf32, #tpu.memory_space<vmem>>, vector<1x16xf32>,
        %get3A_739 = arith.index_cast %add3A_686 : i32 to index
        %get3A_740 = arith.constant 64 : index
        %get3A_741 = tpu.vector_load %arg10[%get3A_739, %get3A_740] {strides = array<i32>} : memref<128x128xf32, #tpu.memory_space<vmem>>, vector<1x16xf32>,
        %get3A_742 = vector.shape_cast %get3A_741 : vector<1x16xf32> to vector<16xf32>
        %slice3A_743 = vector.extract_strided_slice %get3A_37 {offsets = [6], sizes = [1], strides = [1]} : vector<16xf32> to vector<1xf32>
        %squeeze3A_744 = vector.extract %slice3A_743[0] : f32 from vector<1xf32>
        %mul3A_745 = vector.broadcast %squeeze3A_744 : f32 to vector<16xf32>
        %mul3A_746 = arith.mulf %get3A_742, %mul3A_745 : vector<16xf32>
        %swap3A_747 = arith.index_cast %add3A_686 : i32 to index
        %swap3A_748 = arith.constant 64 : index
        %swap3A_749 = tpu.vector_load %arg10[%swap3A_747, %swap3A_748] {strides = array<i32>} : memref<128x128xf32, #tpu.memory_space<vmem>>, vector<1x16xf32>,
        %swap3A_750 = vector.shape_cast %swap3A_749 : vector<1x16xf32> to vector<16xf32>
        %swap3A_751 = vector.shape_cast %mul3A_746 : vector<16xf32> to vector<1x16xf32>
        tpu.vector_store %arg10[%swap3A_747, %swap3A_748], %swap3A_751 {strides = array<i32>} : memref<128x128xf32, #tpu.memory_space<vmem>>, vector<1x16xf32>,
        %get3A_752 = arith.index_cast %add3A_686 : i32 to index
        %get3A_753 = arith.constant 80 : index
        %get3A_754 = tpu.vector_load %arg10[%get3A_752, %get3A_753] {strides = array<i32>} : memref<128x128xf32, #tpu.memory_space<vmem>>, vector<1x16xf32>,
        %get3A_755 = vector.shape_cast %get3A_754 : vector<1x16xf32> to vector<16xf32>
        %slice3A_756 = vector.extract_strided_slice %get3A_37 {offsets = [6], sizes = [1], strides = [1]} : vector<16xf32> to vector<1xf32>
        %squeeze3A_757 = vector.extract %slice3A_756[0] : f32 from vector<1xf32>
        %mul3A_758 = vector.broadcast %squeeze3A_757 : f32 to vector<16xf32>
        %mul3A_759 = arith.mulf %get3A_755, %mul3A_758 : vector<16xf32>
        %swap3A_760 = arith.index_cast %add3A_686 : i32 to index
        %swap3A_761 = arith.constant 80 : index
        %swap3A_762 = tpu.vector_load %arg10[%swap3A_760, %swap3A_761] {strides = array<i32>} : memref<128x128xf32, #tpu.memory_space<vmem>>, vector<1x16xf32>,
        %swap3A_763 = vector.shape_cast %swap3A_762 : vector<1x16xf32> to vector<16xf32>
        %swap3A_764 = vector.shape_cast %mul3A_759 : vector<16xf32> to vector<1x16xf32>
        tpu.vector_store %arg10[%swap3A_760, %swap3A_761], %swap3A_764 {strides = array<i32>} : memref<128x128xf32, #tpu.memory_space<vmem>>, vector<1x16xf32>,
        %get3A_765 = arith.index_cast %add3A_686 : i32 to index
        %get3A_766 = arith.constant 96 : index
        %get3A_767 = tpu.vector_load %arg10[%get3A_765, %get3A_766] {strides = array<i32>} : memref<128x128xf32, #tpu.memory_space<vmem>>, vector<1x16xf32>,
        %get3A_768 = vector.shape_cast %get3A_767 : vector<1x16xf32> to vector<16xf32>
        %slice3A_769 = vector.extract_strided_slice %get3A_37 {offsets = [6], sizes = [1], strides = [1]} : vector<16xf32> to vector<1xf32>
        %squeeze3A_770 = vector.extract %slice3A_769[0] : f32 from vector<1xf32>
        %mul3A_771 = vector.broadcast %squeeze3A_770 : f32 to vector<16xf32>
        %mul3A_772 = arith.mulf %get3A_768, %mul3A_771 : vector<16xf32>
        %swap3A_773 = arith.index_cast %add3A_686 : i32 to index
        %swap3A_774 = arith.constant 96 : index
        %swap3A_775 = tpu.vector_load %arg10[%swap3A_773, %swap3A_774] {strides = array<i32>} : memref<128x128xf32, #tpu.memory_space<vmem>>, vector<1x16xf32>,
        %swap3A_776 = vector.shape_cast %swap3A_775 : vector<1x16xf32> to vector<16xf32>
        %swap3A_777 = vector.shape_cast %mul3A_772 : vector<16xf32> to vector<1x16xf32>
        tpu.vector_store %arg10[%swap3A_773, %swap3A_774], %swap3A_777 {strides = array<i32>} : memref<128x128xf32, #tpu.memory_space<vmem>>, vector<1x16xf32>,
        %get3A_778 = arith.index_cast %add3A_686 : i32 to index
        %get3A_779 = arith.constant 112 : index
        %get3A_780 = tpu.vector_load %arg10[%get3A_778, %get3A_779] {strides = array<i32>} : memref<128x128xf32, #tpu.memory_space<vmem>>, vector<1x16xf32>,
        %get3A_781 = vector.shape_cast %get3A_780 : vector<1x16xf32> to vector<16xf32>
        %slice3A_782 = vector.extract_strided_slice %get3A_37 {offsets = [6], sizes = [1], strides = [1]} : vector<16xf32> to vector<1xf32>
        %squeeze3A_783 = vector.extract %slice3A_782[0] : f32 from vector<1xf32>
        %mul3A_784 = vector.broadcast %squeeze3A_783 : f32 to vector<16xf32>
        %mul3A_785 = arith.mulf %get3A_781, %mul3A_784 : vector<16xf32>
        %swap3A_786 = arith.index_cast %add3A_686 : i32 to index
        %swap3A_787 = arith.constant 112 : index
        %swap3A_788 = tpu.vector_load %arg10[%swap3A_786, %swap3A_787] {strides = array<i32>} : memref<128x128xf32, #tpu.memory_space<vmem>>, vector<1x16xf32>,
        %swap3A_789 = vector.shape_cast %swap3A_788 : vector<1x16xf32> to vector<16xf32>
        %swap3A_790 = vector.shape_cast %mul3A_785 : vector<16xf32> to vector<1x16xf32>
        tpu.vector_store %arg10[%swap3A_786, %swap3A_787], %swap3A_790 {strides = array<i32>} : memref<128x128xf32, #tpu.memory_space<vmem>>, vector<1x16xf32>,
        %mul3A_791 = arith.constant 16 : i32
        %mul3A_792 = arith.muli %scan3A_32, %mul3A_791 : i32
        %add3A_793 = arith.constant 7 : i32
        %add3A_794 = arith.addi %mul3A_792, %add3A_793 : i32
        %get3A_795 = arith.index_cast %add3A_794 : i32 to index
        %get3A_796 = arith.constant 0 : index
        %get3A_797 = tpu.vector_load %arg10[%get3A_795, %get3A_796] {strides = array<i32>} : memref<128x128xf32, #tpu.memory_space<vmem>>, vector<1x16xf32>,
        %get3A_798 = vector.shape_cast %get3A_797 : vector<1x16xf32> to vector<16xf32>
        %slice3A_799 = vector.extract_strided_slice %get3A_37 {offsets = [7], sizes = [1], strides = [1]} : vector<16xf32> to vector<1xf32>
        %squeeze3A_800 = vector.extract %slice3A_799[0] : f32 from vector<1xf32>
        %mul3A_801 = vector.broadcast %squeeze3A_800 : f32 to vector<16xf32>
        %mul3A_802 = arith.mulf %get3A_798, %mul3A_801 : vector<16xf32>
        %swap3A_803 = arith.index_cast %add3A_794 : i32 to index
        %swap3A_804 = arith.constant 0 : index
        %swap3A_805 = tpu.vector_load %arg10[%swap3A_803, %swap3A_804] {strides = array<i32>} : memref<128x128xf32, #tpu.memory_space<vmem>>, vector<1x16xf32>,
        %swap3A_806 = vector.shape_cast %swap3A_805 : vector<1x16xf32> to vector<16xf32>
        %swap3A_807 = vector.shape_cast %mul3A_802 : vector<16xf32> to vector<1x16xf32>
        tpu.vector_store %arg10[%swap3A_803, %swap3A_804], %swap3A_807 {strides = array<i32>} : memref<128x128xf32, #tpu.memory_space<vmem>>, vector<1x16xf32>,
        %get3A_808 = arith.index_cast %add3A_794 : i32 to index
        %get3A_809 = arith.constant 16 : index
        %get3A_810 = tpu.vector_load %arg10[%get3A_808, %get3A_809] {strides = array<i32>} : memref<128x128xf32, #tpu.memory_space<vmem>>, vector<1x16xf32>,
        %get3A_811 = vector.shape_cast %get3A_810 : vector<1x16xf32> to vector<16xf32>
        %slice3A_812 = vector.extract_strided_slice %get3A_37 {offsets = [7], sizes = [1], strides = [1]} : vector<16xf32> to vector<1xf32>
        %squeeze3A_813 = vector.extract %slice3A_812[0] : f32 from vector<1xf32>
        %mul3A_814 = vector.broadcast %squeeze3A_813 : f32 to vector<16xf32>
        %mul3A_815 = arith.mulf %get3A_811, %mul3A_814 : vector<16xf32>
        %swap3A_816 = arith.index_cast %add3A_794 : i32 to index
        %swap3A_817 = arith.constant 16 : index
        %swap3A_818 = tpu.vector_load %arg10[%swap3A_816, %swap3A_817] {strides = array<i32>} : memref<128x128xf32, #tpu.memory_space<vmem>>, vector<1x16xf32>,
        %swap3A_819 = vector.shape_cast %swap3A_818 : vector<1x16xf32> to vector<16xf32>
        %swap3A_820 = vector.shape_cast %mul3A_815 : vector<16xf32> to vector<1x16xf32>
        tpu.vector_store %arg10[%swap3A_816, %swap3A_817], %swap3A_820 {strides = array<i32>} : memref<128x128xf32, #tpu.memory_space<vmem>>, vector<1x16xf32>,
        %get3A_821 = arith.index_cast %add3A_794 : i32 to index
        %get3A_822 = arith.constant 32 : index
        %get3A_823 = tpu.vector_load %arg10[%get3A_821, %get3A_822] {strides = array<i32>} : memref<128x128xf32, #tpu.memory_space<vmem>>, vector<1x16xf32>,
        %get3A_824 = vector.shape_cast %get3A_823 : vector<1x16xf32> to vector<16xf32>
        %slice3A_825 = vector.extract_strided_slice %get3A_37 {offsets = [7], sizes = [1], strides = [1]} : vector<16xf32> to vector<1xf32>
        %squeeze3A_826 = vector.extract %slice3A_825[0] : f32 from vector<1xf32>
        %mul3A_827 = vector.broadcast %squeeze3A_826 : f32 to vector<16xf32>
        %mul3A_828 = arith.mulf %get3A_824, %mul3A_827 : vector<16xf32>
        %swap3A_829 = arith.index_cast %add3A_794 : i32 to index
        %swap3A_830 = arith.constant 32 : index
        %swap3A_831 = tpu.vector_load %arg10[%swap3A_829, %swap3A_830] {strides = array<i32>} : memref<128x128xf32, #tpu.memory_space<vmem>>, vector<1x16xf32>,
        %swap3A_832 = vector.shape_cast %swap3A_831 : vector<1x16xf32> to vector<16xf32>
        %swap3A_833 = vector.shape_cast %mul3A_828 : vector<16xf32> to vector<1x16xf32>
        tpu.vector_store %arg10[%swap3A_829, %swap3A_830], %swap3A_833 {strides = array<i32>} : memref<128x128xf32, #tpu.memory_space<vmem>>, vector<1x16xf32>,
        %get3A_834 = arith.index_cast %add3A_794 : i32 to index
        %get3A_835 = arith.constant 48 : index
        %get3A_836 = tpu.vector_load %arg10[%get3A_834, %get3A_835] {strides = array<i32>} : memref<128x128xf32, #tpu.memory_space<vmem>>, vector<1x16xf32>,
        %get3A_837 = vector.shape_cast %get3A_836 : vector<1x16xf32> to vector<16xf32>
        %slice3A_838 = vector.extract_strided_slice %get3A_37 {offsets = [7], sizes = [1], strides = [1]} : vector<16xf32> to vector<1xf32>
        %squeeze3A_839 = vector.extract %slice3A_838[0] : f32 from vector<1xf32>
        %mul3A_840 = vector.broadcast %squeeze3A_839 : f32 to vector<16xf32>
        %mul3A_841 = arith.mulf %get3A_837, %mul3A_840 : vector<16xf32>
        %swap3A_842 = arith.index_cast %add3A_794 : i32 to index
        %swap3A_843 = arith.constant 48 : index
        %swap3A_844 = tpu.vector_load %arg10[%swap3A_842, %swap3A_843] {strides = array<i32>} : memref<128x128xf32, #tpu.memory_space<vmem>>, vector<1x16xf32>,
        %swap3A_845 = vector.shape_cast %swap3A_844 : vector<1x16xf32> to vector<16xf32>
        %swap3A_846 = vector.shape_cast %mul3A_841 : vector<16xf32> to vector<1x16xf32>
        tpu.vector_store %arg10[%swap3A_842, %swap3A_843], %swap3A_846 {strides = array<i32>} : memref<128x128xf32, #tpu.memory_space<vmem>>, vector<1x16xf32>,
        %get3A_847 = arith.index_cast %add3A_794 : i32 to index
        %get3A_848 = arith.constant 64 : index
        %get3A_849 = tpu.vector_load %arg10[%get3A_847, %get3A_848] {strides = array<i32>} : memref<128x128xf32, #tpu.memory_space<vmem>>, vector<1x16xf32>,
        %get3A_850 = vector.shape_cast %get3A_849 : vector<1x16xf32> to vector<16xf32>
        %slice3A_851 = vector.extract_strided_slice %get3A_37 {offsets = [7], sizes = [1], strides = [1]} : vector<16xf32> to vector<1xf32>
        %squeeze3A_852 = vector.extract %slice3A_851[0] : f32 from vector<1xf32>
        %mul3A_853 = vector.broadcast %squeeze3A_852 : f32 to vector<16xf32>
        %mul3A_854 = arith.mulf %get3A_850, %mul3A_853 : vector<16xf32>
        %swap3A_855 = arith.index_cast %add3A_794 : i32 to index
        %swap3A_856 = arith.constant 64 : index
        %swap3A_857 = tpu.vector_load %arg10[%swap3A_855, %swap3A_856] {strides = array<i32>} : memref<128x128xf32, #tpu.memory_space<vmem>>, vector<1x16xf32>,
        %swap3A_858 = vector.shape_cast %swap3A_857 : vector<1x16xf32> to vector<16xf32>
        %swap3A_859 = vector.shape_cast %mul3A_854 : vector<16xf32> to vector<1x16xf32>
        tpu.vector_store %arg10[%swap3A_855, %swap3A_856], %swap3A_859 {strides = array<i32>} : memref<128x128xf32, #tpu.memory_space<vmem>>, vector<1x16xf32>,
        %get3A_860 = arith.index_cast %add3A_794 : i32 to index
        %get3A_861 = arith.constant 80 : index
        %get3A_862 = tpu.vector_load %arg10[%get3A_860, %get3A_861] {strides = array<i32>} : memref<128x128xf32, #tpu.memory_space<vmem>>, vector<1x16xf32>,
        %get3A_863 = vector.shape_cast %get3A_862 : vector<1x16xf32> to vector<16xf32>
        %slice3A_864 = vector.extract_strided_slice %get3A_37 {offsets = [7], sizes = [1], strides = [1]} : vector<16xf32> to vector<1xf32>
        %squeeze3A_865 = vector.extract %slice3A_864[0] : f32 from vector<1xf32>
        %mul3A_866 = vector.broadcast %squeeze3A_865 : f32 to vector<16xf32>
        %mul3A_867 = arith.mulf %get3A_863, %mul3A_866 : vector<16xf32>
        %swap3A_868 = arith.index_cast %add3A_794 : i32 to index
        %swap3A_869 = arith.constant 80 : index
        %swap3A_870 = tpu.vector_load %arg10[%swap3A_868, %swap3A_869] {strides = array<i32>} : memref<128x128xf32, #tpu.memory_space<vmem>>, vector<1x16xf32>,
        %swap3A_871 = vector.shape_cast %swap3A_870 : vector<1x16xf32> to vector<16xf32>
        %swap3A_872 = vector.shape_cast %mul3A_867 : vector<16xf32> to vector<1x16xf32>
        tpu.vector_store %arg10[%swap3A_868, %swap3A_869], %swap3A_872 {strides = array<i32>} : memref<128x128xf32, #tpu.memory_space<vmem>>, vector<1x16xf32>,
        %get3A_873 = arith.index_cast %add3A_794 : i32 to index
        %get3A_874 = arith.constant 96 : index
        %get3A_875 = tpu.vector_load %arg10[%get3A_873, %get3A_874] {strides = array<i32>} : memref<128x128xf32, #tpu.memory_space<vmem>>, vector<1x16xf32>,
        %get3A_876 = vector.shape_cast %get3A_875 : vector<1x16xf32> to vector<16xf32>
        %slice3A_877 = vector.extract_strided_slice %get3A_37 {offsets = [7], sizes = [1], strides = [1]} : vector<16xf32> to vector<1xf32>
        %squeeze3A_878 = vector.extract %slice3A_877[0] : f32 from vector<1xf32>
        %mul3A_879 = vector.broadcast %squeeze3A_878 : f32 to vector<16xf32>
        %mul3A_880 = arith.mulf %get3A_876, %mul3A_879 : vector<16xf32>
        %swap3A_881 = arith.index_cast %add3A_794 : i32 to index
        %swap3A_882 = arith.constant 96 : index
        %swap3A_883 = tpu.vector_load %arg10[%swap3A_881, %swap3A_882] {strides = array<i32>} : memref<128x128xf32, #tpu.memory_space<vmem>>, vector<1x16xf32>,
        %swap3A_884 = vector.shape_cast %swap3A_883 : vector<1x16xf32> to vector<16xf32>
        %swap3A_885 = vector.shape_cast %mul3A_880 : vector<16xf32> to vector<1x16xf32>
        tpu.vector_store %arg10[%swap3A_881, %swap3A_882], %swap3A_885 {strides = array<i32>} : memref<128x128xf32, #tpu.memory_space<vmem>>, vector<1x16xf32>,
        %get3A_886 = arith.index_cast %add3A_794 : i32 to index
        %get3A_887 = arith.constant 112 : index
        %get3A_888 = tpu.vector_load %arg10[%get3A_886, %get3A_887] {strides = array<i32>} : memref<128x128xf32, #tpu.memory_space<vmem>>, vector<1x16xf32>,
        %get3A_889 = vector.shape_cast %get3A_888 : vector<1x16xf32> to vector<16xf32>
        %slice3A_890 = vector.extract_strided_slice %get3A_37 {offsets = [7], sizes = [1], strides = [1]} : vector<16xf32> to vector<1xf32>
        %squeeze3A_891 = vector.extract %slice3A_890[0] : f32 from vector<1xf32>
        %mul3A_892 = vector.broadcast %squeeze3A_891 : f32 to vector<16xf32>
        %mul3A_893 = arith.mulf %get3A_889, %mul3A_892 : vector<16xf32>
        %swap3A_894 = arith.index_cast %add3A_794 : i32 to index
        %swap3A_895 = arith.constant 112 : index
        %swap3A_896 = tpu.vector_load %arg10[%swap3A_894, %swap3A_895] {strides = array<i32>} : memref<128x128xf32, #tpu.memory_space<vmem>>, vector<1x16xf32>,
        %swap3A_897 = vector.shape_cast %swap3A_896 : vector<1x16xf32> to vector<16xf32>
        %swap3A_898 = vector.shape_cast %mul3A_893 : vector<16xf32> to vector<1x16xf32>
        tpu.vector_store %arg10[%swap3A_894, %swap3A_895], %swap3A_898 {strides = array<i32>} : memref<128x128xf32, #tpu.memory_space<vmem>>, vector<1x16xf32>,
        %mul3A_899 = arith.constant 16 : i32
        %mul3A_900 = arith.muli %scan3A_32, %mul3A_899 : i32
        %add3A_901 = arith.constant 8 : i32
        %add3A_902 = arith.addi %mul3A_900, %add3A_901 : i32
        %get3A_903 = arith.index_cast %add3A_902 : i32 to index
        %get3A_904 = arith.constant 0 : index
        %get3A_905 = tpu.vector_load %arg10[%get3A_903, %get3A_904] {strides = array<i32>} : memref<128x128xf32, #tpu.memory_space<vmem>>, vector<1x16xf32>,
        %get3A_906 = vector.shape_cast %get3A_905 : vector<1x16xf32> to vector<16xf32>
        %slice3A_907 = vector.extract_strided_slice %get3A_37 {offsets = [8], sizes = [1], strides = [1]} : vector<16xf32> to vector<1xf32>
        %squeeze3A_908 = vector.extract %slice3A_907[0] : f32 from vector<1xf32>
        %mul3A_909 = vector.broadcast %squeeze3A_908 : f32 to vector<16xf32>
        %mul3A_910 = arith.mulf %get3A_906, %mul3A_909 : vector<16xf32>
        %swap3A_911 = arith.index_cast %add3A_902 : i32 to index
        %swap3A_912 = arith.constant 0 : index
        %swap3A_913 = tpu.vector_load %arg10[%swap3A_911, %swap3A_912] {strides = array<i32>} : memref<128x128xf32, #tpu.memory_space<vmem>>, vector<1x16xf32>,
        %swap3A_914 = vector.shape_cast %swap3A_913 : vector<1x16xf32> to vector<16xf32>
        %swap3A_915 = vector.shape_cast %mul3A_910 : vector<16xf32> to vector<1x16xf32>
        tpu.vector_store %arg10[%swap3A_911, %swap3A_912], %swap3A_915 {strides = array<i32>} : memref<128x128xf32, #tpu.memory_space<vmem>>, vector<1x16xf32>,
        %get3A_916 = arith.index_cast %add3A_902 : i32 to index
        %get3A_917 = arith.constant 16 : index
        %get3A_918 = tpu.vector_load %arg10[%get3A_916, %get3A_917] {strides = array<i32>} : memref<128x128xf32, #tpu.memory_space<vmem>>, vector<1x16xf32>,
        %get3A_919 = vector.shape_cast %get3A_918 : vector<1x16xf32> to vector<16xf32>
        %slice3A_920 = vector.extract_strided_slice %get3A_37 {offsets = [8], sizes = [1], strides = [1]} : vector<16xf32> to vector<1xf32>
        %squeeze3A_921 = vector.extract %slice3A_920[0] : f32 from vector<1xf32>
        %mul3A_922 = vector.broadcast %squeeze3A_921 : f32 to vector<16xf32>
        %mul3A_923 = arith.mulf %get3A_919, %mul3A_922 : vector<16xf32>
        %swap3A_924 = arith.index_cast %add3A_902 : i32 to index
        %swap3A_925 = arith.constant 16 : index
        %swap3A_926 = tpu.vector_load %arg10[%swap3A_924, %swap3A_925] {strides = array<i32>} : memref<128x128xf32, #tpu.memory_space<vmem>>, vector<1x16xf32>,
        %swap3A_927 = vector.shape_cast %swap3A_926 : vector<1x16xf32> to vector<16xf32>
        %swap3A_928 = vector.shape_cast %mul3A_923 : vector<16xf32> to vector<1x16xf32>
        tpu.vector_store %arg10[%swap3A_924, %swap3A_925], %swap3A_928 {strides = array<i32>} : memref<128x128xf32, #tpu.memory_space<vmem>>, vector<1x16xf32>,
        %get3A_929 = arith.index_cast %add3A_902 : i32 to index
        %get3A_930 = arith.constant 32 : index
        %get3A_931 = tpu.vector_load %arg10[%get3A_929, %get3A_930] {strides = array<i32>} : memref<128x128xf32, #tpu.memory_space<vmem>>, vector<1x16xf32>,
        %get3A_932 = vector.shape_cast %get3A_931 : vector<1x16xf32> to vector<16xf32>
        %slice3A_933 = vector.extract_strided_slice %get3A_37 {offsets = [8], sizes = [1], strides = [1]} : vector<16xf32> to vector<1xf32>
        %squeeze3A_934 = vector.extract %slice3A_933[0] : f32 from vector<1xf32>
        %mul3A_935 = vector.broadcast %squeeze3A_934 : f32 to vector<16xf32>
        %mul3A_936 = arith.mulf %get3A_932, %mul3A_935 : vector<16xf32>
        %swap3A_937 = arith.index_cast %add3A_902 : i32 to index
        %swap3A_938 = arith.constant 32 : index
        %swap3A_939 = tpu.vector_load %arg10[%swap3A_937, %swap3A_938] {strides = array<i32>} : memref<128x128xf32, #tpu.memory_space<vmem>>, vector<1x16xf32>,
        %swap3A_940 = vector.shape_cast %swap3A_939 : vector<1x16xf32> to vector<16xf32>
        %swap3A_941 = vector.shape_cast %mul3A_936 : vector<16xf32> to vector<1x16xf32>
        tpu.vector_store %arg10[%swap3A_937, %swap3A_938], %swap3A_941 {strides = array<i32>} : memref<128x128xf32, #tpu.memory_space<vmem>>, vector<1x16xf32>,
        %get3A_942 = arith.index_cast %add3A_902 : i32 to index
        %get3A_943 = arith.constant 48 : index
        %get3A_944 = tpu.vector_load %arg10[%get3A_942, %get3A_943] {strides = array<i32>} : memref<128x128xf32, #tpu.memory_space<vmem>>, vector<1x16xf32>,
        %get3A_945 = vector.shape_cast %get3A_944 : vector<1x16xf32> to vector<16xf32>
        %slice3A_946 = vector.extract_strided_slice %get3A_37 {offsets = [8], sizes = [1], strides = [1]} : vector<16xf32> to vector<1xf32>
        %squeeze3A_947 = vector.extract %slice3A_946[0] : f32 from vector<1xf32>
        %mul3A_948 = vector.broadcast %squeeze3A_947 : f32 to vector<16xf32>
        %mul3A_949 = arith.mulf %get3A_945, %mul3A_948 : vector<16xf32>
        %swap3A_950 = arith.index_cast %add3A_902 : i32 to index
        %swap3A_951 = arith.constant 48 : index
        %swap3A_952 = tpu.vector_load %arg10[%swap3A_950, %swap3A_951] {strides = array<i32>} : memref<128x128xf32, #tpu.memory_space<vmem>>, vector<1x16xf32>,
        %swap3A_953 = vector.shape_cast %swap3A_952 : vector<1x16xf32> to vector<16xf32>
        %swap3A_954 = vector.shape_cast %mul3A_949 : vector<16xf32> to vector<1x16xf32>
        tpu.vector_store %arg10[%swap3A_950, %swap3A_951], %swap3A_954 {strides = array<i32>} : memref<128x128xf32, #tpu.memory_space<vmem>>, vector<1x16xf32>,
        %get3A_955 = arith.index_cast %add3A_902 : i32 to index
        %get3A_956 = arith.constant 64 : index
        %get3A_957 = tpu.vector_load %arg10[%get3A_955, %get3A_956] {strides = array<i32>} : memref<128x128xf32, #tpu.memory_space<vmem>>, vector<1x16xf32>,
        %get3A_958 = vector.shape_cast %get3A_957 : vector<1x16xf32> to vector<16xf32>
        %slice3A_959 = vector.extract_strided_slice %get3A_37 {offsets = [8], sizes = [1], strides = [1]} : vector<16xf32> to vector<1xf32>
        %squeeze3A_960 = vector.extract %slice3A_959[0] : f32 from vector<1xf32>
        %mul3A_961 = vector.broadcast %squeeze3A_960 : f32 to vector<16xf32>
        %mul3A_962 = arith.mulf %get3A_958, %mul3A_961 : vector<16xf32>
        %swap3A_963 = arith.index_cast %add3A_902 : i32 to index
        %swap3A_964 = arith.constant 64 : index
        %swap3A_965 = tpu.vector_load %arg10[%swap3A_963, %swap3A_964] {strides = array<i32>} : memref<128x128xf32, #tpu.memory_space<vmem>>, vector<1x16xf32>,
        %swap3A_966 = vector.shape_cast %swap3A_965 : vector<1x16xf32> to vector<16xf32>
        %swap3A_967 = vector.shape_cast %mul3A_962 : vector<16xf32> to vector<1x16xf32>
        tpu.vector_store %arg10[%swap3A_963, %swap3A_964], %swap3A_967 {strides = array<i32>} : memref<128x128xf32, #tpu.memory_space<vmem>>, vector<1x16xf32>,
        %get3A_968 = arith.index_cast %add3A_902 : i32 to index
        %get3A_969 = arith.constant 80 : index
        %get3A_970 = tpu.vector_load %arg10[%get3A_968, %get3A_969] {strides = array<i32>} : memref<128x128xf32, #tpu.memory_space<vmem>>, vector<1x16xf32>,
        %get3A_971 = vector.shape_cast %get3A_970 : vector<1x16xf32> to vector<16xf32>
        %slice3A_972 = vector.extract_strided_slice %get3A_37 {offsets = [8], sizes = [1], strides = [1]} : vector<16xf32> to vector<1xf32>
        %squeeze3A_973 = vector.extract %slice3A_972[0] : f32 from vector<1xf32>
        %mul3A_974 = vector.broadcast %squeeze3A_973 : f32 to vector<16xf32>
        %mul3A_975 = arith.mulf %get3A_971, %mul3A_974 : vector<16xf32>
        %swap3A_976 = arith.index_cast %add3A_902 : i32 to index
        %swap3A_977 = arith.constant 80 : index
        %swap3A_978 = tpu.vector_load %arg10[%swap3A_976, %swap3A_977] {strides = array<i32>} : memref<128x128xf32, #tpu.memory_space<vmem>>, vector<1x16xf32>,
        %swap3A_979 = vector.shape_cast %swap3A_978 : vector<1x16xf32> to vector<16xf32>
        %swap3A_980 = vector.shape_cast %mul3A_975 : vector<16xf32> to vector<1x16xf32>
        tpu.vector_store %arg10[%swap3A_976, %swap3A_977], %swap3A_980 {strides = array<i32>} : memref<128x128xf32, #tpu.memory_space<vmem>>, vector<1x16xf32>,
        %get3A_981 = arith.index_cast %add3A_902 : i32 to index
        %get3A_982 = arith.constant 96 : index
        %get3A_983 = tpu.vector_load %arg10[%get3A_981, %get3A_982] {strides = array<i32>} : memref<128x128xf32, #tpu.memory_space<vmem>>, vector<1x16xf32>,
        %get3A_984 = vector.shape_cast %get3A_983 : vector<1x16xf32> to vector<16xf32>
        %slice3A_985 = vector.extract_strided_slice %get3A_37 {offsets = [8], sizes = [1], strides = [1]} : vector<16xf32> to vector<1xf32>
        %squeeze3A_986 = vector.extract %slice3A_985[0] : f32 from vector<1xf32>
        %mul3A_987 = vector.broadcast %squeeze3A_986 : f32 to vector<16xf32>
        %mul3A_988 = arith.mulf %get3A_984, %mul3A_987 : vector<16xf32>
        %swap3A_989 = arith.index_cast %add3A_902 : i32 to index
        %swap3A_990 = arith.constant 96 : index
        %swap3A_991 = tpu.vector_load %arg10[%swap3A_989, %swap3A_990] {strides = array<i32>} : memref<128x128xf32, #tpu.memory_space<vmem>>, vector<1x16xf32>,
        %swap3A_992 = vector.shape_cast %swap3A_991 : vector<1x16xf32> to vector<16xf32>
        %swap3A_993 = vector.shape_cast %mul3A_988 : vector<16xf32> to vector<1x16xf32>
        tpu.vector_store %arg10[%swap3A_989, %swap3A_990], %swap3A_993 {strides = array<i32>} : memref<128x128xf32, #tpu.memory_space<vmem>>, vector<1x16xf32>,
        %get3A_994 = arith.index_cast %add3A_902 : i32 to index
        %get3A_995 = arith.constant 112 : index
        %get3A_996 = tpu.vector_load %arg10[%get3A_994, %get3A_995] {strides = array<i32>} : memref<128x128xf32, #tpu.memory_space<vmem>>, vector<1x16xf32>,
        %get3A_997 = vector.shape_cast %get3A_996 : vector<1x16xf32> to vector<16xf32>
        %slice3A_998 = vector.extract_strided_slice %get3A_37 {offsets = [8], sizes = [1], strides = [1]} : vector<16xf32> to vector<1xf32>
        %squeeze3A_999 = vector.extract %slice3A_998[0] : f32 from vector<1xf32>
        %mul3A_1000 = vector.broadcast %squeeze3A_999 : f32 to vector<16xf32>
        %mul3A_1001 = arith.mulf %get3A_997, %mul3A_1000 : vector<16xf32>
        %swap3A_1002 = arith.index_cast %add3A_902 : i32 to index
        %swap3A_1003 = arith.constant 112 : index
        %swap3A_1004 = tpu.vector_load %arg10[%swap3A_1002, %swap3A_1003] {strides = array<i32>} : memref<128x128xf32, #tpu.memory_space<vmem>>, vector<1x16xf32>,
        %swap3A_1005 = vector.shape_cast %swap3A_1004 : vector<1x16xf32> to vector<16xf32>
        %swap3A_1006 = vector.shape_cast %mul3A_1001 : vector<16xf32> to vector<1x16xf32>
        tpu.vector_store %arg10[%swap3A_1002, %swap3A_1003], %swap3A_1006 {strides = array<i32>} : memref<128x128xf32, #tpu.memory_space<vmem>>, vector<1x16xf32>,
        %mul3A_1007 = arith.constant 16 : i32
        %mul3A_1008 = arith.muli %scan3A_32, %mul3A_1007 : i32
        %add3A_1009 = arith.constant 9 : i32
        %add3A_1010 = arith.addi %mul3A_1008, %add3A_1009 : i32
        %get3A_1011 = arith.index_cast %add3A_1010 : i32 to index
        %get3A_1012 = arith.constant 0 : index
        %get3A_1013 = tpu.vector_load %arg10[%get3A_1011, %get3A_1012] {strides = array<i32>} : memref<128x128xf32, #tpu.memory_space<vmem>>, vector<1x16xf32>,
        %get3A_1014 = vector.shape_cast %get3A_1013 : vector<1x16xf32> to vector<16xf32>
        %slice3A_1015 = vector.extract_strided_slice %get3A_37 {offsets = [9], sizes = [1], strides = [1]} : vector<16xf32> to vector<1xf32>
        %squeeze3A_1016 = vector.extract %slice3A_1015[0] : f32 from vector<1xf32>
        %mul3A_1017 = vector.broadcast %squeeze3A_1016 : f32 to vector<16xf32>
        %mul3A_1018 = arith.mulf %get3A_1014, %mul3A_1017 : vector<16xf32>
        %swap3A_1019 = arith.index_cast %add3A_1010 : i32 to index
        %swap3A_1020 = arith.constant 0 : index
        %swap3A_1021 = tpu.vector_load %arg10[%swap3A_1019, %swap3A_1020] {strides = array<i32>} : memref<128x128xf32, #tpu.memory_space<vmem>>, vector<1x16xf32>,
        %swap3A_1022 = vector.shape_cast %swap3A_1021 : vector<1x16xf32> to vector<16xf32>
        %swap3A_1023 = vector.shape_cast %mul3A_1018 : vector<16xf32> to vector<1x16xf32>
        tpu.vector_store %arg10[%swap3A_1019, %swap3A_1020], %swap3A_1023 {strides = array<i32>} : memref<128x128xf32, #tpu.memory_space<vmem>>, vector<1x16xf32>,
        %get3A_1024 = arith.index_cast %add3A_1010 : i32 to index
        %get3A_1025 = arith.constant 16 : index
        %get3A_1026 = tpu.vector_load %arg10[%get3A_1024, %get3A_1025] {strides = array<i32>} : memref<128x128xf32, #tpu.memory_space<vmem>>, vector<1x16xf32>,
        %get3A_1027 = vector.shape_cast %get3A_1026 : vector<1x16xf32> to vector<16xf32>
        %slice3A_1028 = vector.extract_strided_slice %get3A_37 {offsets = [9], sizes = [1], strides = [1]} : vector<16xf32> to vector<1xf32>
        %squeeze3A_1029 = vector.extract %slice3A_1028[0] : f32 from vector<1xf32>
        %mul3A_1030 = vector.broadcast %squeeze3A_1029 : f32 to vector<16xf32>
        %mul3A_1031 = arith.mulf %get3A_1027, %mul3A_1030 : vector<16xf32>
        %swap3A_1032 = arith.index_cast %add3A_1010 : i32 to index
        %swap3A_1033 = arith.constant 16 : index
        %swap3A_1034 = tpu.vector_load %arg10[%swap3A_1032, %swap3A_1033] {strides = array<i32>} : memref<128x128xf32, #tpu.memory_space<vmem>>, vector<1x16xf32>,
        %swap3A_1035 = vector.shape_cast %swap3A_1034 : vector<1x16xf32> to vector<16xf32>
        %swap3A_1036 = vector.shape_cast %mul3A_1031 : vector<16xf32> to vector<1x16xf32>
        tpu.vector_store %arg10[%swap3A_1032, %swap3A_1033], %swap3A_1036 {strides = array<i32>} : memref<128x128xf32, #tpu.memory_space<vmem>>, vector<1x16xf32>,
        %get3A_1037 = arith.index_cast %add3A_1010 : i32 to index
        %get3A_1038 = arith.constant 32 : index
        %get3A_1039 = tpu.vector_load %arg10[%get3A_1037, %get3A_1038] {strides = array<i32>} : memref<128x128xf32, #tpu.memory_space<vmem>>, vector<1x16xf32>,
        %get3A_1040 = vector.shape_cast %get3A_1039 : vector<1x16xf32> to vector<16xf32>
        %slice3A_1041 = vector.extract_strided_slice %get3A_37 {offsets = [9], sizes = [1], strides = [1]} : vector<16xf32> to vector<1xf32>
        %squeeze3A_1042 = vector.extract %slice3A_1041[0] : f32 from vector<1xf32>
        %mul3A_1043 = vector.broadcast %squeeze3A_1042 : f32 to vector<16xf32>
        %mul3A_1044 = arith.mulf %get3A_1040, %mul3A_1043 : vector<16xf32>
        %swap3A_1045 = arith.index_cast %add3A_1010 : i32 to index
        %swap3A_1046 = arith.constant 32 : index
        %swap3A_1047 = tpu.vector_load %arg10[%swap3A_1045, %swap3A_1046] {strides = array<i32>} : memref<128x128xf32, #tpu.memory_space<vmem>>, vector<1x16xf32>,
        %swap3A_1048 = vector.shape_cast %swap3A_1047 : vector<1x16xf32> to vector<16xf32>
        %swap3A_1049 = vector.shape_cast %mul3A_1044 : vector<16xf32> to vector<1x16xf32>
        tpu.vector_store %arg10[%swap3A_1045, %swap3A_1046], %swap3A_1049 {strides = array<i32>} : memref<128x128xf32, #tpu.memory_space<vmem>>, vector<1x16xf32>,
        %get3A_1050 = arith.index_cast %add3A_1010 : i32 to index
        %get3A_1051 = arith.constant 48 : index
        %get3A_1052 = tpu.vector_load %arg10[%get3A_1050, %get3A_1051] {strides = array<i32>} : memref<128x128xf32, #tpu.memory_space<vmem>>, vector<1x16xf32>,
        %get3A_1053 = vector.shape_cast %get3A_1052 : vector<1x16xf32> to vector<16xf32>
        %slice3A_1054 = vector.extract_strided_slice %get3A_37 {offsets = [9], sizes = [1], strides = [1]} : vector<16xf32> to vector<1xf32>
        %squeeze3A_1055 = vector.extract %slice3A_1054[0] : f32 from vector<1xf32>
        %mul3A_1056 = vector.broadcast %squeeze3A_1055 : f32 to vector<16xf32>
        %mul3A_1057 = arith.mulf %get3A_1053, %mul3A_1056 : vector<16xf32>
        %swap3A_1058 = arith.index_cast %add3A_1010 : i32 to index
        %swap3A_1059 = arith.constant 48 : index
        %swap3A_1060 = tpu.vector_load %arg10[%swap3A_1058, %swap3A_1059] {strides = array<i32>} : memref<128x128xf32, #tpu.memory_space<vmem>>, vector<1x16xf32>,
        %swap3A_1061 = vector.shape_cast %swap3A_1060 : vector<1x16xf32> to vector<16xf32>
        %swap3A_1062 = vector.shape_cast %mul3A_1057 : vector<16xf32> to vector<1x16xf32>
        tpu.vector_store %arg10[%swap3A_1058, %swap3A_1059], %swap3A_1062 {strides = array<i32>} : memref<128x128xf32, #tpu.memory_space<vmem>>, vector<1x16xf32>,
        %get3A_1063 = arith.index_cast %add3A_1010 : i32 to index
        %get3A_1064 = arith.constant 64 : index
        %get3A_1065 = tpu.vector_load %arg10[%get3A_1063, %get3A_1064] {strides = array<i32>} : memref<128x128xf32, #tpu.memory_space<vmem>>, vector<1x16xf32>,
        %get3A_1066 = vector.shape_cast %get3A_1065 : vector<1x16xf32> to vector<16xf32>
        %slice3A_1067 = vector.extract_strided_slice %get3A_37 {offsets = [9], sizes = [1], strides = [1]} : vector<16xf32> to vector<1xf32>
        %squeeze3A_1068 = vector.extract %slice3A_1067[0] : f32 from vector<1xf32>
        %mul3A_1069 = vector.broadcast %squeeze3A_1068 : f32 to vector<16xf32>
        %mul3A_1070 = arith.mulf %get3A_1066, %mul3A_1069 : vector<16xf32>
        %swap3A_1071 = arith.index_cast %add3A_1010 : i32 to index
        %swap3A_1072 = arith.constant 64 : index
        %swap3A_1073 = tpu.vector_load %arg10[%swap3A_1071, %swap3A_1072] {strides = array<i32>} : memref<128x128xf32, #tpu.memory_space<vmem>>, vector<1x16xf32>,
        %swap3A_1074 = vector.shape_cast %swap3A_1073 : vector<1x16xf32> to vector<16xf32>
        %swap3A_1075 = vector.shape_cast %mul3A_1070 : vector<16xf32> to vector<1x16xf32>
        tpu.vector_store %arg10[%swap3A_1071, %swap3A_1072], %swap3A_1075 {strides = array<i32>} : memref<128x128xf32, #tpu.memory_space<vmem>>, vector<1x16xf32>,
        %get3A_1076 = arith.index_cast %add3A_1010 : i32 to index
        %get3A_1077 = arith.constant 80 : index
        %get3A_1078 = tpu.vector_load %arg10[%get3A_1076, %get3A_1077] {strides = array<i32>} : memref<128x128xf32, #tpu.memory_space<vmem>>, vector<1x16xf32>,
        %get3A_1079 = vector.shape_cast %get3A_1078 : vector<1x16xf32> to vector<16xf32>
        %slice3A_1080 = vector.extract_strided_slice %get3A_37 {offsets = [9], sizes = [1], strides = [1]} : vector<16xf32> to vector<1xf32>
        %squeeze3A_1081 = vector.extract %slice3A_1080[0] : f32 from vector<1xf32>
        %mul3A_1082 = vector.broadcast %squeeze3A_1081 : f32 to vector<16xf32>
        %mul3A_1083 = arith.mulf %get3A_1079, %mul3A_1082 : vector<16xf32>
        %swap3A_1084 = arith.index_cast %add3A_1010 : i32 to index
        %swap3A_1085 = arith.constant 80 : index
        %swap3A_1086 = tpu.vector_load %arg10[%swap3A_1084, %swap3A_1085] {strides = array<i32>} : memref<128x128xf32, #tpu.memory_space<vmem>>, vector<1x16xf32>,
        %swap3A_1087 = vector.shape_cast %swap3A_1086 : vector<1x16xf32> to vector<16xf32>
        %swap3A_1088 = vector.shape_cast %mul3A_1083 : vector<16xf32> to vector<1x16xf32>
        tpu.vector_store %arg10[%swap3A_1084, %swap3A_1085], %swap3A_1088 {strides = array<i32>} : memref<128x128xf32, #tpu.memory_space<vmem>>, vector<1x16xf32>,
        %get3A_1089 = arith.index_cast %add3A_1010 : i32 to index
        %get3A_1090 = arith.constant 96 : index
        %get3A_1091 = tpu.vector_load %arg10[%get3A_1089, %get3A_1090] {strides = array<i32>} : memref<128x128xf32, #tpu.memory_space<vmem>>, vector<1x16xf32>,
        %get3A_1092 = vector.shape_cast %get3A_1091 : vector<1x16xf32> to vector<16xf32>
        %slice3A_1093 = vector.extract_strided_slice %get3A_37 {offsets = [9], sizes = [1], strides = [1]} : vector<16xf32> to vector<1xf32>
        %squeeze3A_1094 = vector.extract %slice3A_1093[0] : f32 from vector<1xf32>
        %mul3A_1095 = vector.broadcast %squeeze3A_1094 : f32 to vector<16xf32>
        %mul3A_1096 = arith.mulf %get3A_1092, %mul3A_1095 : vector<16xf32>
        %swap3A_1097 = arith.index_cast %add3A_1010 : i32 to index
        %swap3A_1098 = arith.constant 96 : index
        %swap3A_1099 = tpu.vector_load %arg10[%swap3A_1097, %swap3A_1098] {strides = array<i32>} : memref<128x128xf32, #tpu.memory_space<vmem>>, vector<1x16xf32>,
        %swap3A_1100 = vector.shape_cast %swap3A_1099 : vector<1x16xf32> to vector<16xf32>
        %swap3A_1101 = vector.shape_cast %mul3A_1096 : vector<16xf32> to vector<1x16xf32>
        tpu.vector_store %arg10[%swap3A_1097, %swap3A_1098], %swap3A_1101 {strides = array<i32>} : memref<128x128xf32, #tpu.memory_space<vmem>>, vector<1x16xf32>,
        %get3A_1102 = arith.index_cast %add3A_1010 : i32 to index
        %get3A_1103 = arith.constant 112 : index
        %get3A_1104 = tpu.vector_load %arg10[%get3A_1102, %get3A_1103] {strides = array<i32>} : memref<128x128xf32, #tpu.memory_space<vmem>>, vector<1x16xf32>,
        %get3A_1105 = vector.shape_cast %get3A_1104 : vector<1x16xf32> to vector<16xf32>
        %slice3A_1106 = vector.extract_strided_slice %get3A_37 {offsets = [9], sizes = [1], strides = [1]} : vector<16xf32> to vector<1xf32>
        %squeeze3A_1107 = vector.extract %slice3A_1106[0] : f32 from vector<1xf32>
        %mul3A_1108 = vector.broadcast %squeeze3A_1107 : f32 to vector<16xf32>
        %mul3A_1109 = arith.mulf %get3A_1105, %mul3A_1108 : vector<16xf32>
        %swap3A_1110 = arith.index_cast %add3A_1010 : i32 to index
        %swap3A_1111 = arith.constant 112 : index
        %swap3A_1112 = tpu.vector_load %arg10[%swap3A_1110, %swap3A_1111] {strides = array<i32>} : memref<128x128xf32, #tpu.memory_space<vmem>>, vector<1x16xf32>,
        %swap3A_1113 = vector.shape_cast %swap3A_1112 : vector<1x16xf32> to vector<16xf32>
        %swap3A_1114 = vector.shape_cast %mul3A_1109 : vector<16xf32> to vector<1x16xf32>
        tpu.vector_store %arg10[%swap3A_1110, %swap3A_1111], %swap3A_1114 {strides = array<i32>} : memref<128x128xf32, #tpu.memory_space<vmem>>, vector<1x16xf32>,
        %mul3A_1115 = arith.constant 16 : i32
        %mul3A_1116 = arith.muli %scan3A_32, %mul3A_1115 : i32
        %add3A_1117 = arith.constant 10 : i32
        %add3A_1118 = arith.addi %mul3A_1116, %add3A_1117 : i32
        %get3A_1119 = arith.index_cast %add3A_1118 : i32 to index
        %get3A_1120 = arith.constant 0 : index
        %get3A_1121 = tpu.vector_load %arg10[%get3A_1119, %get3A_1120] {strides = array<i32>} : memref<128x128xf32, #tpu.memory_space<vmem>>, vector<1x16xf32>,
        %get3A_1122 = vector.shape_cast %get3A_1121 : vector<1x16xf32> to vector<16xf32>
        %slice3A_1123 = vector.extract_strided_slice %get3A_37 {offsets = [10], sizes = [1], strides = [1]} : vector<16xf32> to vector<1xf32>
        %squeeze3A_1124 = vector.extract %slice3A_1123[0] : f32 from vector<1xf32>
        %mul3A_1125 = vector.broadcast %squeeze3A_1124 : f32 to vector<16xf32>
        %mul3A_1126 = arith.mulf %get3A_1122, %mul3A_1125 : vector<16xf32>
        %swap3A_1127 = arith.index_cast %add3A_1118 : i32 to index
        %swap3A_1128 = arith.constant 0 : index
        %swap3A_1129 = tpu.vector_load %arg10[%swap3A_1127, %swap3A_1128] {strides = array<i32>} : memref<128x128xf32, #tpu.memory_space<vmem>>, vector<1x16xf32>,
        %swap3A_1130 = vector.shape_cast %swap3A_1129 : vector<1x16xf32> to vector<16xf32>
        %swap3A_1131 = vector.shape_cast %mul3A_1126 : vector<16xf32> to vector<1x16xf32>
        tpu.vector_store %arg10[%swap3A_1127, %swap3A_1128], %swap3A_1131 {strides = array<i32>} : memref<128x128xf32, #tpu.memory_space<vmem>>, vector<1x16xf32>,
        %get3A_1132 = arith.index_cast %add3A_1118 : i32 to index
        %get3A_1133 = arith.constant 16 : index
        %get3A_1134 = tpu.vector_load %arg10[%get3A_1132, %get3A_1133] {strides = array<i32>} : memref<128x128xf32, #tpu.memory_space<vmem>>, vector<1x16xf32>,
        %get3A_1135 = vector.shape_cast %get3A_1134 : vector<1x16xf32> to vector<16xf32>
        %slice3A_1136 = vector.extract_strided_slice %get3A_37 {offsets = [10], sizes = [1], strides = [1]} : vector<16xf32> to vector<1xf32>
        %squeeze3A_1137 = vector.extract %slice3A_1136[0] : f32 from vector<1xf32>
        %mul3A_1138 = vector.broadcast %squeeze3A_1137 : f32 to vector<16xf32>
        %mul3A_1139 = arith.mulf %get3A_1135, %mul3A_1138 : vector<16xf32>
        %swap3A_1140 = arith.index_cast %add3A_1118 : i32 to index
        %swap3A_1141 = arith.constant 16 : index
        %swap3A_1142 = tpu.vector_load %arg10[%swap3A_1140, %swap3A_1141] {strides = array<i32>} : memref<128x128xf32, #tpu.memory_space<vmem>>, vector<1x16xf32>,
        %swap3A_1143 = vector.shape_cast %swap3A_1142 : vector<1x16xf32> to vector<16xf32>
        %swap3A_1144 = vector.shape_cast %mul3A_1139 : vector<16xf32> to vector<1x16xf32>
        tpu.vector_store %arg10[%swap3A_1140, %swap3A_1141], %swap3A_1144 {strides = array<i32>} : memref<128x128xf32, #tpu.memory_space<vmem>>, vector<1x16xf32>,
        %get3A_1145 = arith.index_cast %add3A_1118 : i32 to index
        %get3A_1146 = arith.constant 32 : index
        %get3A_1147 = tpu.vector_load %arg10[%get3A_1145, %get3A_1146] {strides = array<i32>} : memref<128x128xf32, #tpu.memory_space<vmem>>, vector<1x16xf32>,
        %get3A_1148 = vector.shape_cast %get3A_1147 : vector<1x16xf32> to vector<16xf32>
        %slice3A_1149 = vector.extract_strided_slice %get3A_37 {offsets = [10], sizes = [1], strides = [1]} : vector<16xf32> to vector<1xf32>
        %squeeze3A_1150 = vector.extract %slice3A_1149[0] : f32 from vector<1xf32>
        %mul3A_1151 = vector.broadcast %squeeze3A_1150 : f32 to vector<16xf32>
        %mul3A_1152 = arith.mulf %get3A_1148, %mul3A_1151 : vector<16xf32>
        %swap3A_1153 = arith.index_cast %add3A_1118 : i32 to index
        %swap3A_1154 = arith.constant 32 : index
        %swap3A_1155 = tpu.vector_load %arg10[%swap3A_1153, %swap3A_1154] {strides = array<i32>} : memref<128x128xf32, #tpu.memory_space<vmem>>, vector<1x16xf32>,
        %swap3A_1156 = vector.shape_cast %swap3A_1155 : vector<1x16xf32> to vector<16xf32>
        %swap3A_1157 = vector.shape_cast %mul3A_1152 : vector<16xf32> to vector<1x16xf32>
        tpu.vector_store %arg10[%swap3A_1153, %swap3A_1154], %swap3A_1157 {strides = array<i32>} : memref<128x128xf32, #tpu.memory_space<vmem>>, vector<1x16xf32>,
        %get3A_1158 = arith.index_cast %add3A_1118 : i32 to index
        %get3A_1159 = arith.constant 48 : index
        %get3A_1160 = tpu.vector_load %arg10[%get3A_1158, %get3A_1159] {strides = array<i32>} : memref<128x128xf32, #tpu.memory_space<vmem>>, vector<1x16xf32>,
        %get3A_1161 = vector.shape_cast %get3A_1160 : vector<1x16xf32> to vector<16xf32>
        %slice3A_1162 = vector.extract_strided_slice %get3A_37 {offsets = [10], sizes = [1], strides = [1]} : vector<16xf32> to vector<1xf32>
        %squeeze3A_1163 = vector.extract %slice3A_1162[0] : f32 from vector<1xf32>
        %mul3A_1164 = vector.broadcast %squeeze3A_1163 : f32 to vector<16xf32>
        %mul3A_1165 = arith.mulf %get3A_1161, %mul3A_1164 : vector<16xf32>
        %swap3A_1166 = arith.index_cast %add3A_1118 : i32 to index
        %swap3A_1167 = arith.constant 48 : index
        %swap3A_1168 = tpu.vector_load %arg10[%swap3A_1166, %swap3A_1167] {strides = array<i32>} : memref<128x128xf32, #tpu.memory_space<vmem>>, vector<1x16xf32>,
        %swap3A_1169 = vector.shape_cast %swap3A_1168 : vector<1x16xf32> to vector<16xf32>
        %swap3A_1170 = vector.shape_cast %mul3A_1165 : vector<16xf32> to vector<1x16xf32>
        tpu.vector_store %arg10[%swap3A_1166, %swap3A_1167], %swap3A_1170 {strides = array<i32>} : memref<128x128xf32, #tpu.memory_space<vmem>>, vector<1x16xf32>,
        %get3A_1171 = arith.index_cast %add3A_1118 : i32 to index
        %get3A_1172 = arith.constant 64 : index
        %get3A_1173 = tpu.vector_load %arg10[%get3A_1171, %get3A_1172] {strides = array<i32>} : memref<128x128xf32, #tpu.memory_space<vmem>>, vector<1x16xf32>,
        %get3A_1174 = vector.shape_cast %get3A_1173 : vector<1x16xf32> to vector<16xf32>
        %slice3A_1175 = vector.extract_strided_slice %get3A_37 {offsets = [10], sizes = [1], strides = [1]} : vector<16xf32> to vector<1xf32>
        %squeeze3A_1176 = vector.extract %slice3A_1175[0] : f32 from vector<1xf32>
        %mul3A_1177 = vector.broadcast %squeeze3A_1176 : f32 to vector<16xf32>
        %mul3A_1178 = arith.mulf %get3A_1174, %mul3A_1177 : vector<16xf32>
        %swap3A_1179 = arith.index_cast %add3A_1118 : i32 to index
        %swap3A_1180 = arith.constant 64 : index
        %swap3A_1181 = tpu.vector_load %arg10[%swap3A_1179, %swap3A_1180] {strides = array<i32>} : memref<128x128xf32, #tpu.memory_space<vmem>>, vector<1x16xf32>,
        %swap3A_1182 = vector.shape_cast %swap3A_1181 : vector<1x16xf32> to vector<16xf32>
        %swap3A_1183 = vector.shape_cast %mul3A_1178 : vector<16xf32> to vector<1x16xf32>
        tpu.vector_store %arg10[%swap3A_1179, %swap3A_1180], %swap3A_1183 {strides = array<i32>} : memref<128x128xf32, #tpu.memory_space<vmem>>, vector<1x16xf32>,
        %get3A_1184 = arith.index_cast %add3A_1118 : i32 to index
        %get3A_1185 = arith.constant 80 : index
        %get3A_1186 = tpu.vector_load %arg10[%get3A_1184, %get3A_1185] {strides = array<i32>} : memref<128x128xf32, #tpu.memory_space<vmem>>, vector<1x16xf32>,
        %get3A_1187 = vector.shape_cast %get3A_1186 : vector<1x16xf32> to vector<16xf32>
        %slice3A_1188 = vector.extract_strided_slice %get3A_37 {offsets = [10], sizes = [1], strides = [1]} : vector<16xf32> to vector<1xf32>
        %squeeze3A_1189 = vector.extract %slice3A_1188[0] : f32 from vector<1xf32>
        %mul3A_1190 = vector.broadcast %squeeze3A_1189 : f32 to vector<16xf32>
        %mul3A_1191 = arith.mulf %get3A_1187, %mul3A_1190 : vector<16xf32>
        %swap3A_1192 = arith.index_cast %add3A_1118 : i32 to index
        %swap3A_1193 = arith.constant 80 : index
        %swap3A_1194 = tpu.vector_load %arg10[%swap3A_1192, %swap3A_1193] {strides = array<i32>} : memref<128x128xf32, #tpu.memory_space<vmem>>, vector<1x16xf32>,
        %swap3A_1195 = vector.shape_cast %swap3A_1194 : vector<1x16xf32> to vector<16xf32>
        %swap3A_1196 = vector.shape_cast %mul3A_1191 : vector<16xf32> to vector<1x16xf32>
        tpu.vector_store %arg10[%swap3A_1192, %swap3A_1193], %swap3A_1196 {strides = array<i32>} : memref<128x128xf32, #tpu.memory_space<vmem>>, vector<1x16xf32>,
        %get3A_1197 = arith.index_cast %add3A_1118 : i32 to index
        %get3A_1198 = arith.constant 96 : index
        %get3A_1199 = tpu.vector_load %arg10[%get3A_1197, %get3A_1198] {strides = array<i32>} : memref<128x128xf32, #tpu.memory_space<vmem>>, vector<1x16xf32>,
        %get3A_1200 = vector.shape_cast %get3A_1199 : vector<1x16xf32> to vector<16xf32>
        %slice3A_1201 = vector.extract_strided_slice %get3A_37 {offsets = [10], sizes = [1], strides = [1]} : vector<16xf32> to vector<1xf32>
        %squeeze3A_1202 = vector.extract %slice3A_1201[0] : f32 from vector<1xf32>
        %mul3A_1203 = vector.broadcast %squeeze3A_1202 : f32 to vector<16xf32>
        %mul3A_1204 = arith.mulf %get3A_1200, %mul3A_1203 : vector<16xf32>
        %swap3A_1205 = arith.index_cast %add3A_1118 : i32 to index
        %swap3A_1206 = arith.constant 96 : index
        %swap3A_1207 = tpu.vector_load %arg10[%swap3A_1205, %swap3A_1206] {strides = array<i32>} : memref<128x128xf32, #tpu.memory_space<vmem>>, vector<1x16xf32>,
        %swap3A_1208 = vector.shape_cast %swap3A_1207 : vector<1x16xf32> to vector<16xf32>
        %swap3A_1209 = vector.shape_cast %mul3A_1204 : vector<16xf32> to vector<1x16xf32>
        tpu.vector_store %arg10[%swap3A_1205, %swap3A_1206], %swap3A_1209 {strides = array<i32>} : memref<128x128xf32, #tpu.memory_space<vmem>>, vector<1x16xf32>,
        %get3A_1210 = arith.index_cast %add3A_1118 : i32 to index
        %get3A_1211 = arith.constant 112 : index
        %get3A_1212 = tpu.vector_load %arg10[%get3A_1210, %get3A_1211] {strides = array<i32>} : memref<128x128xf32, #tpu.memory_space<vmem>>, vector<1x16xf32>,
        %get3A_1213 = vector.shape_cast %get3A_1212 : vector<1x16xf32> to vector<16xf32>
        %slice3A_1214 = vector.extract_strided_slice %get3A_37 {offsets = [10], sizes = [1], strides = [1]} : vector<16xf32> to vector<1xf32>
        %squeeze3A_1215 = vector.extract %slice3A_1214[0] : f32 from vector<1xf32>
        %mul3A_1216 = vector.broadcast %squeeze3A_1215 : f32 to vector<16xf32>
        %mul3A_1217 = arith.mulf %get3A_1213, %mul3A_1216 : vector<16xf32>
        %swap3A_1218 = arith.index_cast %add3A_1118 : i32 to index
        %swap3A_1219 = arith.constant 112 : index
        %swap3A_1220 = tpu.vector_load %arg10[%swap3A_1218, %swap3A_1219] {strides = array<i32>} : memref<128x128xf32, #tpu.memory_space<vmem>>, vector<1x16xf32>,
        %swap3A_1221 = vector.shape_cast %swap3A_1220 : vector<1x16xf32> to vector<16xf32>
        %swap3A_1222 = vector.shape_cast %mul3A_1217 : vector<16xf32> to vector<1x16xf32>
        tpu.vector_store %arg10[%swap3A_1218, %swap3A_1219], %swap3A_1222 {strides = array<i32>} : memref<128x128xf32, #tpu.memory_space<vmem>>, vector<1x16xf32>,
        %mul3A_1223 = arith.constant 16 : i32
        %mul3A_1224 = arith.muli %scan3A_32, %mul3A_1223 : i32
        %add3A_1225 = arith.constant 11 : i32
        %add3A_1226 = arith.addi %mul3A_1224, %add3A_1225 : i32
        %get3A_1227 = arith.index_cast %add3A_1226 : i32 to index
        %get3A_1228 = arith.constant 0 : index
        %get3A_1229 = tpu.vector_load %arg10[%get3A_1227, %get3A_1228] {strides = array<i32>} : memref<128x128xf32, #tpu.memory_space<vmem>>, vector<1x16xf32>,
        %get3A_1230 = vector.shape_cast %get3A_1229 : vector<1x16xf32> to vector<16xf32>
        %slice3A_1231 = vector.extract_strided_slice %get3A_37 {offsets = [11], sizes = [1], strides = [1]} : vector<16xf32> to vector<1xf32>
        %squeeze3A_1232 = vector.extract %slice3A_1231[0] : f32 from vector<1xf32>
        %mul3A_1233 = vector.broadcast %squeeze3A_1232 : f32 to vector<16xf32>
        %mul3A_1234 = arith.mulf %get3A_1230, %mul3A_1233 : vector<16xf32>
        %swap3A_1235 = arith.index_cast %add3A_1226 : i32 to index
        %swap3A_1236 = arith.constant 0 : index
        %swap3A_1237 = tpu.vector_load %arg10[%swap3A_1235, %swap3A_1236] {strides = array<i32>} : memref<128x128xf32, #tpu.memory_space<vmem>>, vector<1x16xf32>,
        %swap3A_1238 = vector.shape_cast %swap3A_1237 : vector<1x16xf32> to vector<16xf32>
        %swap3A_1239 = vector.shape_cast %mul3A_1234 : vector<16xf32> to vector<1x16xf32>
        tpu.vector_store %arg10[%swap3A_1235, %swap3A_1236], %swap3A_1239 {strides = array<i32>} : memref<128x128xf32, #tpu.memory_space<vmem>>, vector<1x16xf32>,
        %get3A_1240 = arith.index_cast %add3A_1226 : i32 to index
        %get3A_1241 = arith.constant 16 : index
        %get3A_1242 = tpu.vector_load %arg10[%get3A_1240, %get3A_1241] {strides = array<i32>} : memref<128x128xf32, #tpu.memory_space<vmem>>, vector<1x16xf32>,
        %get3A_1243 = vector.shape_cast %get3A_1242 : vector<1x16xf32> to vector<16xf32>
        %slice3A_1244 = vector.extract_strided_slice %get3A_37 {offsets = [11], sizes = [1], strides = [1]} : vector<16xf32> to vector<1xf32>
        %squeeze3A_1245 = vector.extract %slice3A_1244[0] : f32 from vector<1xf32>
        %mul3A_1246 = vector.broadcast %squeeze3A_1245 : f32 to vector<16xf32>
        %mul3A_1247 = arith.mulf %get3A_1243, %mul3A_1246 : vector<16xf32>
        %swap3A_1248 = arith.index_cast %add3A_1226 : i32 to index
        %swap3A_1249 = arith.constant 16 : index
        %swap3A_1250 = tpu.vector_load %arg10[%swap3A_1248, %swap3A_1249] {strides = array<i32>} : memref<128x128xf32, #tpu.memory_space<vmem>>, vector<1x16xf32>,
        %swap3A_1251 = vector.shape_cast %swap3A_1250 : vector<1x16xf32> to vector<16xf32>
        %swap3A_1252 = vector.shape_cast %mul3A_1247 : vector<16xf32> to vector<1x16xf32>
        tpu.vector_store %arg10[%swap3A_1248, %swap3A_1249], %swap3A_1252 {strides = array<i32>} : memref<128x128xf32, #tpu.memory_space<vmem>>, vector<1x16xf32>,
        %get3A_1253 = arith.index_cast %add3A_1226 : i32 to index
        %get3A_1254 = arith.constant 32 : index
        %get3A_1255 = tpu.vector_load %arg10[%get3A_1253, %get3A_1254] {strides = array<i32>} : memref<128x128xf32, #tpu.memory_space<vmem>>, vector<1x16xf32>,
        %get3A_1256 = vector.shape_cast %get3A_1255 : vector<1x16xf32> to vector<16xf32>
        %slice3A_1257 = vector.extract_strided_slice %get3A_37 {offsets = [11], sizes = [1], strides = [1]} : vector<16xf32> to vector<1xf32>
        %squeeze3A_1258 = vector.extract %slice3A_1257[0] : f32 from vector<1xf32>
        %mul3A_1259 = vector.broadcast %squeeze3A_1258 : f32 to vector<16xf32>
        %mul3A_1260 = arith.mulf %get3A_1256, %mul3A_1259 : vector<16xf32>
        %swap3A_1261 = arith.index_cast %add3A_1226 : i32 to index
        %swap3A_1262 = arith.constant 32 : index
        %swap3A_1263 = tpu.vector_load %arg10[%swap3A_1261, %swap3A_1262] {strides = array<i32>} : memref<128x128xf32, #tpu.memory_space<vmem>>, vector<1x16xf32>,
        %swap3A_1264 = vector.shape_cast %swap3A_1263 : vector<1x16xf32> to vector<16xf32>
        %swap3A_1265 = vector.shape_cast %mul3A_1260 : vector<16xf32> to vector<1x16xf32>
        tpu.vector_store %arg10[%swap3A_1261, %swap3A_1262], %swap3A_1265 {strides = array<i32>} : memref<128x128xf32, #tpu.memory_space<vmem>>, vector<1x16xf32>,
        %get3A_1266 = arith.index_cast %add3A_1226 : i32 to index
        %get3A_1267 = arith.constant 48 : index
        %get3A_1268 = tpu.vector_load %arg10[%get3A_1266, %get3A_1267] {strides = array<i32>} : memref<128x128xf32, #tpu.memory_space<vmem>>, vector<1x16xf32>,
        %get3A_1269 = vector.shape_cast %get3A_1268 : vector<1x16xf32> to vector<16xf32>
        %slice3A_1270 = vector.extract_strided_slice %get3A_37 {offsets = [11], sizes = [1], strides = [1]} : vector<16xf32> to vector<1xf32>
        %squeeze3A_1271 = vector.extract %slice3A_1270[0] : f32 from vector<1xf32>
        %mul3A_1272 = vector.broadcast %squeeze3A_1271 : f32 to vector<16xf32>
        %mul3A_1273 = arith.mulf %get3A_1269, %mul3A_1272 : vector<16xf32>
        %swap3A_1274 = arith.index_cast %add3A_1226 : i32 to index
        %swap3A_1275 = arith.constant 48 : index
        %swap3A_1276 = tpu.vector_load %arg10[%swap3A_1274, %swap3A_1275] {strides = array<i32>} : memref<128x128xf32, #tpu.memory_space<vmem>>, vector<1x16xf32>,
        %swap3A_1277 = vector.shape_cast %swap3A_1276 : vector<1x16xf32> to vector<16xf32>
        %swap3A_1278 = vector.shape_cast %mul3A_1273 : vector<16xf32> to vector<1x16xf32>
        tpu.vector_store %arg10[%swap3A_1274, %swap3A_1275], %swap3A_1278 {strides = array<i32>} : memref<128x128xf32, #tpu.memory_space<vmem>>, vector<1x16xf32>,
        %get3A_1279 = arith.index_cast %add3A_1226 : i32 to index
        %get3A_1280 = arith.constant 64 : index
        %get3A_1281 = tpu.vector_load %arg10[%get3A_1279, %get3A_1280] {strides = array<i32>} : memref<128x128xf32, #tpu.memory_space<vmem>>, vector<1x16xf32>,
        %get3A_1282 = vector.shape_cast %get3A_1281 : vector<1x16xf32> to vector<16xf32>
        %slice3A_1283 = vector.extract_strided_slice %get3A_37 {offsets = [11], sizes = [1], strides = [1]} : vector<16xf32> to vector<1xf32>
        %squeeze3A_1284 = vector.extract %slice3A_1283[0] : f32 from vector<1xf32>
        %mul3A_1285 = vector.broadcast %squeeze3A_1284 : f32 to vector<16xf32>
        %mul3A_1286 = arith.mulf %get3A_1282, %mul3A_1285 : vector<16xf32>
        %swap3A_1287 = arith.index_cast %add3A_1226 : i32 to index
        %swap3A_1288 = arith.constant 64 : index
        %swap3A_1289 = tpu.vector_load %arg10[%swap3A_1287, %swap3A_1288] {strides = array<i32>} : memref<128x128xf32, #tpu.memory_space<vmem>>, vector<1x16xf32>,
        %swap3A_1290 = vector.shape_cast %swap3A_1289 : vector<1x16xf32> to vector<16xf32>
        %swap3A_1291 = vector.shape_cast %mul3A_1286 : vector<16xf32> to vector<1x16xf32>
        tpu.vector_store %arg10[%swap3A_1287, %swap3A_1288], %swap3A_1291 {strides = array<i32>} : memref<128x128xf32, #tpu.memory_space<vmem>>, vector<1x16xf32>,
        %get3A_1292 = arith.index_cast %add3A_1226 : i32 to index
        %get3A_1293 = arith.constant 80 : index
        %get3A_1294 = tpu.vector_load %arg10[%get3A_1292, %get3A_1293] {strides = array<i32>} : memref<128x128xf32, #tpu.memory_space<vmem>>, vector<1x16xf32>,
        %get3A_1295 = vector.shape_cast %get3A_1294 : vector<1x16xf32> to vector<16xf32>
        %slice3A_1296 = vector.extract_strided_slice %get3A_37 {offsets = [11], sizes = [1], strides = [1]} : vector<16xf32> to vector<1xf32>
        %squeeze3A_1297 = vector.extract %slice3A_1296[0] : f32 from vector<1xf32>
        %mul3A_1298 = vector.broadcast %squeeze3A_1297 : f32 to vector<16xf32>
        %mul3A_1299 = arith.mulf %get3A_1295, %mul3A_1298 : vector<16xf32>
        %swap3A_1300 = arith.index_cast %add3A_1226 : i32 to index
        %swap3A_1301 = arith.constant 80 : index
        %swap3A_1302 = tpu.vector_load %arg10[%swap3A_1300, %swap3A_1301] {strides = array<i32>} : memref<128x128xf32, #tpu.memory_space<vmem>>, vector<1x16xf32>,
        %swap3A_1303 = vector.shape_cast %swap3A_1302 : vector<1x16xf32> to vector<16xf32>
        %swap3A_1304 = vector.shape_cast %mul3A_1299 : vector<16xf32> to vector<1x16xf32>
        tpu.vector_store %arg10[%swap3A_1300, %swap3A_1301], %swap3A_1304 {strides = array<i32>} : memref<128x128xf32, #tpu.memory_space<vmem>>, vector<1x16xf32>,
        %get3A_1305 = arith.index_cast %add3A_1226 : i32 to index
        %get3A_1306 = arith.constant 96 : index
        %get3A_1307 = tpu.vector_load %arg10[%get3A_1305, %get3A_1306] {strides = array<i32>} : memref<128x128xf32, #tpu.memory_space<vmem>>, vector<1x16xf32>,
        %get3A_1308 = vector.shape_cast %get3A_1307 : vector<1x16xf32> to vector<16xf32>
        %slice3A_1309 = vector.extract_strided_slice %get3A_37 {offsets = [11], sizes = [1], strides = [1]} : vector<16xf32> to vector<1xf32>
        %squeeze3A_1310 = vector.extract %slice3A_1309[0] : f32 from vector<1xf32>
        %mul3A_1311 = vector.broadcast %squeeze3A_1310 : f32 to vector<16xf32>
        %mul3A_1312 = arith.mulf %get3A_1308, %mul3A_1311 : vector<16xf32>
        %swap3A_1313 = arith.index_cast %add3A_1226 : i32 to index
        %swap3A_1314 = arith.constant 96 : index
        %swap3A_1315 = tpu.vector_load %arg10[%swap3A_1313, %swap3A_1314] {strides = array<i32>} : memref<128x128xf32, #tpu.memory_space<vmem>>, vector<1x16xf32>,
        %swap3A_1316 = vector.shape_cast %swap3A_1315 : vector<1x16xf32> to vector<16xf32>
        %swap3A_1317 = vector.shape_cast %mul3A_1312 : vector<16xf32> to vector<1x16xf32>
        tpu.vector_store %arg10[%swap3A_1313, %swap3A_1314], %swap3A_1317 {strides = array<i32>} : memref<128x128xf32, #tpu.memory_space<vmem>>, vector<1x16xf32>,
        %get3A_1318 = arith.index_cast %add3A_1226 : i32 to index
        %get3A_1319 = arith.constant 112 : index
        %get3A_1320 = tpu.vector_load %arg10[%get3A_1318, %get3A_1319] {strides = array<i32>} : memref<128x128xf32, #tpu.memory_space<vmem>>, vector<1x16xf32>,
        %get3A_1321 = vector.shape_cast %get3A_1320 : vector<1x16xf32> to vector<16xf32>
        %slice3A_1322 = vector.extract_strided_slice %get3A_37 {offsets = [11], sizes = [1], strides = [1]} : vector<16xf32> to vector<1xf32>
        %squeeze3A_1323 = vector.extract %slice3A_1322[0] : f32 from vector<1xf32>
        %mul3A_1324 = vector.broadcast %squeeze3A_1323 : f32 to vector<16xf32>
        %mul3A_1325 = arith.mulf %get3A_1321, %mul3A_1324 : vector<16xf32>
        %swap3A_1326 = arith.index_cast %add3A_1226 : i32 to index
        %swap3A_1327 = arith.constant 112 : index
        %swap3A_1328 = tpu.vector_load %arg10[%swap3A_1326, %swap3A_1327] {strides = array<i32>} : memref<128x128xf32, #tpu.memory_space<vmem>>, vector<1x16xf32>,
        %swap3A_1329 = vector.shape_cast %swap3A_1328 : vector<1x16xf32> to vector<16xf32>
        %swap3A_1330 = vector.shape_cast %mul3A_1325 : vector<16xf32> to vector<1x16xf32>
        tpu.vector_store %arg10[%swap3A_1326, %swap3A_1327], %swap3A_1330 {strides = array<i32>} : memref<128x128xf32, #tpu.memory_space<vmem>>, vector<1x16xf32>,
        %mul3A_1331 = arith.constant 16 : i32
        %mul3A_1332 = arith.muli %scan3A_32, %mul3A_1331 : i32
        %add3A_1333 = arith.constant 12 : i32
        %add3A_1334 = arith.addi %mul3A_1332, %add3A_1333 : i32
        %get3A_1335 = arith.index_cast %add3A_1334 : i32 to index
        %get3A_1336 = arith.constant 0 : index
        %get3A_1337 = tpu.vector_load %arg10[%get3A_1335, %get3A_1336] {strides = array<i32>} : memref<128x128xf32, #tpu.memory_space<vmem>>, vector<1x16xf32>,
        %get3A_1338 = vector.shape_cast %get3A_1337 : vector<1x16xf32> to vector<16xf32>
        %slice3A_1339 = vector.extract_strided_slice %get3A_37 {offsets = [12], sizes = [1], strides = [1]} : vector<16xf32> to vector<1xf32>
        %squeeze3A_1340 = vector.extract %slice3A_1339[0] : f32 from vector<1xf32>
        %mul3A_1341 = vector.broadcast %squeeze3A_1340 : f32 to vector<16xf32>
        %mul3A_1342 = arith.mulf %get3A_1338, %mul3A_1341 : vector<16xf32>
        %swap3A_1343 = arith.index_cast %add3A_1334 : i32 to index
        %swap3A_1344 = arith.constant 0 : index
        %swap3A_1345 = tpu.vector_load %arg10[%swap3A_1343, %swap3A_1344] {strides = array<i32>} : memref<128x128xf32, #tpu.memory_space<vmem>>, vector<1x16xf32>,
        %swap3A_1346 = vector.shape_cast %swap3A_1345 : vector<1x16xf32> to vector<16xf32>
        %swap3A_1347 = vector.shape_cast %mul3A_1342 : vector<16xf32> to vector<1x16xf32>
        tpu.vector_store %arg10[%swap3A_1343, %swap3A_1344], %swap3A_1347 {strides = array<i32>} : memref<128x128xf32, #tpu.memory_space<vmem>>, vector<1x16xf32>,
        %get3A_1348 = arith.index_cast %add3A_1334 : i32 to index
        %get3A_1349 = arith.constant 16 : index
        %get3A_1350 = tpu.vector_load %arg10[%get3A_1348, %get3A_1349] {strides = array<i32>} : memref<128x128xf32, #tpu.memory_space<vmem>>, vector<1x16xf32>,
        %get3A_1351 = vector.shape_cast %get3A_1350 : vector<1x16xf32> to vector<16xf32>
        %slice3A_1352 = vector.extract_strided_slice %get3A_37 {offsets = [12], sizes = [1], strides = [1]} : vector<16xf32> to vector<1xf32>
        %squeeze3A_1353 = vector.extract %slice3A_1352[0] : f32 from vector<1xf32>
        %mul3A_1354 = vector.broadcast %squeeze3A_1353 : f32 to vector<16xf32>
        %mul3A_1355 = arith.mulf %get3A_1351, %mul3A_1354 : vector<16xf32>
        %swap3A_1356 = arith.index_cast %add3A_1334 : i32 to index
        %swap3A_1357 = arith.constant 16 : index
        %swap3A_1358 = tpu.vector_load %arg10[%swap3A_1356, %swap3A_1357] {strides = array<i32>} : memref<128x128xf32, #tpu.memory_space<vmem>>, vector<1x16xf32>,
        %swap3A_1359 = vector.shape_cast %swap3A_1358 : vector<1x16xf32> to vector<16xf32>
        %swap3A_1360 = vector.shape_cast %mul3A_1355 : vector<16xf32> to vector<1x16xf32>
        tpu.vector_store %arg10[%swap3A_1356, %swap3A_1357], %swap3A_1360 {strides = array<i32>} : memref<128x128xf32, #tpu.memory_space<vmem>>, vector<1x16xf32>,
        %get3A_1361 = arith.index_cast %add3A_1334 : i32 to index
        %get3A_1362 = arith.constant 32 : index
        %get3A_1363 = tpu.vector_load %arg10[%get3A_1361, %get3A_1362] {strides = array<i32>} : memref<128x128xf32, #tpu.memory_space<vmem>>, vector<1x16xf32>,
        %get3A_1364 = vector.shape_cast %get3A_1363 : vector<1x16xf32> to vector<16xf32>
        %slice3A_1365 = vector.extract_strided_slice %get3A_37 {offsets = [12], sizes = [1], strides = [1]} : vector<16xf32> to vector<1xf32>
        %squeeze3A_1366 = vector.extract %slice3A_1365[0] : f32 from vector<1xf32>
        %mul3A_1367 = vector.broadcast %squeeze3A_1366 : f32 to vector<16xf32>
        %mul3A_1368 = arith.mulf %get3A_1364, %mul3A_1367 : vector<16xf32>
        %swap3A_1369 = arith.index_cast %add3A_1334 : i32 to index
        %swap3A_1370 = arith.constant 32 : index
        %swap3A_1371 = tpu.vector_load %arg10[%swap3A_1369, %swap3A_1370] {strides = array<i32>} : memref<128x128xf32, #tpu.memory_space<vmem>>, vector<1x16xf32>,
        %swap3A_1372 = vector.shape_cast %swap3A_1371 : vector<1x16xf32> to vector<16xf32>
        %swap3A_1373 = vector.shape_cast %mul3A_1368 : vector<16xf32> to vector<1x16xf32>
        tpu.vector_store %arg10[%swap3A_1369, %swap3A_1370], %swap3A_1373 {strides = array<i32>} : memref<128x128xf32, #tpu.memory_space<vmem>>, vector<1x16xf32>,
        %get3A_1374 = arith.index_cast %add3A_1334 : i32 to index
        %get3A_1375 = arith.constant 48 : index
        %get3A_1376 = tpu.vector_load %arg10[%get3A_1374, %get3A_1375] {strides = array<i32>} : memref<128x128xf32, #tpu.memory_space<vmem>>, vector<1x16xf32>,
        %get3A_1377 = vector.shape_cast %get3A_1376 : vector<1x16xf32> to vector<16xf32>
        %slice3A_1378 = vector.extract_strided_slice %get3A_37 {offsets = [12], sizes = [1], strides = [1]} : vector<16xf32> to vector<1xf32>
        %squeeze3A_1379 = vector.extract %slice3A_1378[0] : f32 from vector<1xf32>
        %mul3A_1380 = vector.broadcast %squeeze3A_1379 : f32 to vector<16xf32>
        %mul3A_1381 = arith.mulf %get3A_1377, %mul3A_1380 : vector<16xf32>
        %swap3A_1382 = arith.index_cast %add3A_1334 : i32 to index
        %swap3A_1383 = arith.constant 48 : index
        %swap3A_1384 = tpu.vector_load %arg10[%swap3A_1382, %swap3A_1383] {strides = array<i32>} : memref<128x128xf32, #tpu.memory_space<vmem>>, vector<1x16xf32>,
        %swap3A_1385 = vector.shape_cast %swap3A_1384 : vector<1x16xf32> to vector<16xf32>
        %swap3A_1386 = vector.shape_cast %mul3A_1381 : vector<16xf32> to vector<1x16xf32>
        tpu.vector_store %arg10[%swap3A_1382, %swap3A_1383], %swap3A_1386 {strides = array<i32>} : memref<128x128xf32, #tpu.memory_space<vmem>>, vector<1x16xf32>,
        %get3A_1387 = arith.index_cast %add3A_1334 : i32 to index
        %get3A_1388 = arith.constant 64 : index
        %get3A_1389 = tpu.vector_load %arg10[%get3A_1387, %get3A_1388] {strides = array<i32>} : memref<128x128xf32, #tpu.memory_space<vmem>>, vector<1x16xf32>,
        %get3A_1390 = vector.shape_cast %get3A_1389 : vector<1x16xf32> to vector<16xf32>
        %slice3A_1391 = vector.extract_strided_slice %get3A_37 {offsets = [12], sizes = [1], strides = [1]} : vector<16xf32> to vector<1xf32>
        %squeeze3A_1392 = vector.extract %slice3A_1391[0] : f32 from vector<1xf32>
        %mul3A_1393 = vector.broadcast %squeeze3A_1392 : f32 to vector<16xf32>
        %mul3A_1394 = arith.mulf %get3A_1390, %mul3A_1393 : vector<16xf32>
        %swap3A_1395 = arith.index_cast %add3A_1334 : i32 to index
        %swap3A_1396 = arith.constant 64 : index
        %swap3A_1397 = tpu.vector_load %arg10[%swap3A_1395, %swap3A_1396] {strides = array<i32>} : memref<128x128xf32, #tpu.memory_space<vmem>>, vector<1x16xf32>,
        %swap3A_1398 = vector.shape_cast %swap3A_1397 : vector<1x16xf32> to vector<16xf32>
        %swap3A_1399 = vector.shape_cast %mul3A_1394 : vector<16xf32> to vector<1x16xf32>
        tpu.vector_store %arg10[%swap3A_1395, %swap3A_1396], %swap3A_1399 {strides = array<i32>} : memref<128x128xf32, #tpu.memory_space<vmem>>, vector<1x16xf32>,
        %get3A_1400 = arith.index_cast %add3A_1334 : i32 to index
        %get3A_1401 = arith.constant 80 : index
        %get3A_1402 = tpu.vector_load %arg10[%get3A_1400, %get3A_1401] {strides = array<i32>} : memref<128x128xf32, #tpu.memory_space<vmem>>, vector<1x16xf32>,
        %get3A_1403 = vector.shape_cast %get3A_1402 : vector<1x16xf32> to vector<16xf32>
        %slice3A_1404 = vector.extract_strided_slice %get3A_37 {offsets = [12], sizes = [1], strides = [1]} : vector<16xf32> to vector<1xf32>
        %squeeze3A_1405 = vector.extract %slice3A_1404[0] : f32 from vector<1xf32>
        %mul3A_1406 = vector.broadcast %squeeze3A_1405 : f32 to vector<16xf32>
        %mul3A_1407 = arith.mulf %get3A_1403, %mul3A_1406 : vector<16xf32>
        %swap3A_1408 = arith.index_cast %add3A_1334 : i32 to index
        %swap3A_1409 = arith.constant 80 : index
        %swap3A_1410 = tpu.vector_load %arg10[%swap3A_1408, %swap3A_1409] {strides = array<i32>} : memref<128x128xf32, #tpu.memory_space<vmem>>, vector<1x16xf32>,
        %swap3A_1411 = vector.shape_cast %swap3A_1410 : vector<1x16xf32> to vector<16xf32>
        %swap3A_1412 = vector.shape_cast %mul3A_1407 : vector<16xf32> to vector<1x16xf32>
        tpu.vector_store %arg10[%swap3A_1408, %swap3A_1409], %swap3A_1412 {strides = array<i32>} : memref<128x128xf32, #tpu.memory_space<vmem>>, vector<1x16xf32>,
        %get3A_1413 = arith.index_cast %add3A_1334 : i32 to index
        %get3A_1414 = arith.constant 96 : index
        %get3A_1415 = tpu.vector_load %arg10[%get3A_1413, %get3A_1414] {strides = array<i32>} : memref<128x128xf32, #tpu.memory_space<vmem>>, vector<1x16xf32>,
        %get3A_1416 = vector.shape_cast %get3A_1415 : vector<1x16xf32> to vector<16xf32>
        %slice3A_1417 = vector.extract_strided_slice %get3A_37 {offsets = [12], sizes = [1], strides = [1]} : vector<16xf32> to vector<1xf32>
        %squeeze3A_1418 = vector.extract %slice3A_1417[0] : f32 from vector<1xf32>
        %mul3A_1419 = vector.broadcast %squeeze3A_1418 : f32 to vector<16xf32>
        %mul3A_1420 = arith.mulf %get3A_1416, %mul3A_1419 : vector<16xf32>
        %swap3A_1421 = arith.index_cast %add3A_1334 : i32 to index
        %swap3A_1422 = arith.constant 96 : index
        %swap3A_1423 = tpu.vector_load %arg10[%swap3A_1421, %swap3A_1422] {strides = array<i32>} : memref<128x128xf32, #tpu.memory_space<vmem>>, vector<1x16xf32>,
        %swap3A_1424 = vector.shape_cast %swap3A_1423 : vector<1x16xf32> to vector<16xf32>
        %swap3A_1425 = vector.shape_cast %mul3A_1420 : vector<16xf32> to vector<1x16xf32>
        tpu.vector_store %arg10[%swap3A_1421, %swap3A_1422], %swap3A_1425 {strides = array<i32>} : memref<128x128xf32, #tpu.memory_space<vmem>>, vector<1x16xf32>,
        %get3A_1426 = arith.index_cast %add3A_1334 : i32 to index
        %get3A_1427 = arith.constant 112 : index
        %get3A_1428 = tpu.vector_load %arg10[%get3A_1426, %get3A_1427] {strides = array<i32>} : memref<128x128xf32, #tpu.memory_space<vmem>>, vector<1x16xf32>,
        %get3A_1429 = vector.shape_cast %get3A_1428 : vector<1x16xf32> to vector<16xf32>
        %slice3A_1430 = vector.extract_strided_slice %get3A_37 {offsets = [12], sizes = [1], strides = [1]} : vector<16xf32> to vector<1xf32>
        %squeeze3A_1431 = vector.extract %slice3A_1430[0] : f32 from vector<1xf32>
        %mul3A_1432 = vector.broadcast %squeeze3A_1431 : f32 to vector<16xf32>
        %mul3A_1433 = arith.mulf %get3A_1429, %mul3A_1432 : vector<16xf32>
        %swap3A_1434 = arith.index_cast %add3A_1334 : i32 to index
        %swap3A_1435 = arith.constant 112 : index
        %swap3A_1436 = tpu.vector_load %arg10[%swap3A_1434, %swap3A_1435] {strides = array<i32>} : memref<128x128xf32, #tpu.memory_space<vmem>>, vector<1x16xf32>,
        %swap3A_1437 = vector.shape_cast %swap3A_1436 : vector<1x16xf32> to vector<16xf32>
        %swap3A_1438 = vector.shape_cast %mul3A_1433 : vector<16xf32> to vector<1x16xf32>
        tpu.vector_store %arg10[%swap3A_1434, %swap3A_1435], %swap3A_1438 {strides = array<i32>} : memref<128x128xf32, #tpu.memory_space<vmem>>, vector<1x16xf32>,
        %mul3A_1439 = arith.constant 16 : i32
        %mul3A_1440 = arith.muli %scan3A_32, %mul3A_1439 : i32
        %add3A_1441 = arith.constant 13 : i32
        %add3A_1442 = arith.addi %mul3A_1440, %add3A_1441 : i32
        %get3A_1443 = arith.index_cast %add3A_1442 : i32 to index
        %get3A_1444 = arith.constant 0 : index
        %get3A_1445 = tpu.vector_load %arg10[%get3A_1443, %get3A_1444] {strides = array<i32>} : memref<128x128xf32, #tpu.memory_space<vmem>>, vector<1x16xf32>,
        %get3A_1446 = vector.shape_cast %get3A_1445 : vector<1x16xf32> to vector<16xf32>
        %slice3A_1447 = vector.extract_strided_slice %get3A_37 {offsets = [13], sizes = [1], strides = [1]} : vector<16xf32> to vector<1xf32>
        %squeeze3A_1448 = vector.extract %slice3A_1447[0] : f32 from vector<1xf32>
        %mul3A_1449 = vector.broadcast %squeeze3A_1448 : f32 to vector<16xf32>
        %mul3A_1450 = arith.mulf %get3A_1446, %mul3A_1449 : vector<16xf32>
        %swap3A_1451 = arith.index_cast %add3A_1442 : i32 to index
        %swap3A_1452 = arith.constant 0 : index
        %swap3A_1453 = tpu.vector_load %arg10[%swap3A_1451, %swap3A_1452] {strides = array<i32>} : memref<128x128xf32, #tpu.memory_space<vmem>>, vector<1x16xf32>,
        %swap3A_1454 = vector.shape_cast %swap3A_1453 : vector<1x16xf32> to vector<16xf32>
        %swap3A_1455 = vector.shape_cast %mul3A_1450 : vector<16xf32> to vector<1x16xf32>
        tpu.vector_store %arg10[%swap3A_1451, %swap3A_1452], %swap3A_1455 {strides = array<i32>} : memref<128x128xf32, #tpu.memory_space<vmem>>, vector<1x16xf32>,
        %get3A_1456 = arith.index_cast %add3A_1442 : i32 to index
        %get3A_1457 = arith.constant 16 : index
        %get3A_1458 = tpu.vector_load %arg10[%get3A_1456, %get3A_1457] {strides = array<i32>} : memref<128x128xf32, #tpu.memory_space<vmem>>, vector<1x16xf32>,
        %get3A_1459 = vector.shape_cast %get3A_1458 : vector<1x16xf32> to vector<16xf32>
        %slice3A_1460 = vector.extract_strided_slice %get3A_37 {offsets = [13], sizes = [1], strides = [1]} : vector<16xf32> to vector<1xf32>
        %squeeze3A_1461 = vector.extract %slice3A_1460[0] : f32 from vector<1xf32>
        %mul3A_1462 = vector.broadcast %squeeze3A_1461 : f32 to vector<16xf32>
        %mul3A_1463 = arith.mulf %get3A_1459, %mul3A_1462 : vector<16xf32>
        %swap3A_1464 = arith.index_cast %add3A_1442 : i32 to index
        %swap3A_1465 = arith.constant 16 : index
        %swap3A_1466 = tpu.vector_load %arg10[%swap3A_1464, %swap3A_1465] {strides = array<i32>} : memref<128x128xf32, #tpu.memory_space<vmem>>, vector<1x16xf32>,
        %swap3A_1467 = vector.shape_cast %swap3A_1466 : vector<1x16xf32> to vector<16xf32>
        %swap3A_1468 = vector.shape_cast %mul3A_1463 : vector<16xf32> to vector<1x16xf32>
        tpu.vector_store %arg10[%swap3A_1464, %swap3A_1465], %swap3A_1468 {strides = array<i32>} : memref<128x128xf32, #tpu.memory_space<vmem>>, vector<1x16xf32>,
        %get3A_1469 = arith.index_cast %add3A_1442 : i32 to index
        %get3A_1470 = arith.constant 32 : index
        %get3A_1471 = tpu.vector_load %arg10[%get3A_1469, %get3A_1470] {strides = array<i32>} : memref<128x128xf32, #tpu.memory_space<vmem>>, vector<1x16xf32>,
        %get3A_1472 = vector.shape_cast %get3A_1471 : vector<1x16xf32> to vector<16xf32>
        %slice3A_1473 = vector.extract_strided_slice %get3A_37 {offsets = [13], sizes = [1], strides = [1]} : vector<16xf32> to vector<1xf32>
        %squeeze3A_1474 = vector.extract %slice3A_1473[0] : f32 from vector<1xf32>
        %mul3A_1475 = vector.broadcast %squeeze3A_1474 : f32 to vector<16xf32>
        %mul3A_1476 = arith.mulf %get3A_1472, %mul3A_1475 : vector<16xf32>
        %swap3A_1477 = arith.index_cast %add3A_1442 : i32 to index
        %swap3A_1478 = arith.constant 32 : index
        %swap3A_1479 = tpu.vector_load %arg10[%swap3A_1477, %swap3A_1478] {strides = array<i32>} : memref<128x128xf32, #tpu.memory_space<vmem>>, vector<1x16xf32>,
        %swap3A_1480 = vector.shape_cast %swap3A_1479 : vector<1x16xf32> to vector<16xf32>
        %swap3A_1481 = vector.shape_cast %mul3A_1476 : vector<16xf32> to vector<1x16xf32>
        tpu.vector_store %arg10[%swap3A_1477, %swap3A_1478], %swap3A_1481 {strides = array<i32>} : memref<128x128xf32, #tpu.memory_space<vmem>>, vector<1x16xf32>,
        %get3A_1482 = arith.index_cast %add3A_1442 : i32 to index
        %get3A_1483 = arith.constant 48 : index
        %get3A_1484 = tpu.vector_load %arg10[%get3A_1482, %get3A_1483] {strides = array<i32>} : memref<128x128xf32, #tpu.memory_space<vmem>>, vector<1x16xf32>,
        %get3A_1485 = vector.shape_cast %get3A_1484 : vector<1x16xf32> to vector<16xf32>
        %slice3A_1486 = vector.extract_strided_slice %get3A_37 {offsets = [13], sizes = [1], strides = [1]} : vector<16xf32> to vector<1xf32>
        %squeeze3A_1487 = vector.extract %slice3A_1486[0] : f32 from vector<1xf32>
        %mul3A_1488 = vector.broadcast %squeeze3A_1487 : f32 to vector<16xf32>
        %mul3A_1489 = arith.mulf %get3A_1485, %mul3A_1488 : vector<16xf32>
        %swap3A_1490 = arith.index_cast %add3A_1442 : i32 to index
        %swap3A_1491 = arith.constant 48 : index
        %swap3A_1492 = tpu.vector_load %arg10[%swap3A_1490, %swap3A_1491] {strides = array<i32>} : memref<128x128xf32, #tpu.memory_space<vmem>>, vector<1x16xf32>,
        %swap3A_1493 = vector.shape_cast %swap3A_1492 : vector<1x16xf32> to vector<16xf32>
        %swap3A_1494 = vector.shape_cast %mul3A_1489 : vector<16xf32> to vector<1x16xf32>
        tpu.vector_store %arg10[%swap3A_1490, %swap3A_1491], %swap3A_1494 {strides = array<i32>} : memref<128x128xf32, #tpu.memory_space<vmem>>, vector<1x16xf32>,
        %get3A_1495 = arith.index_cast %add3A_1442 : i32 to index
        %get3A_1496 = arith.constant 64 : index
        %get3A_1497 = tpu.vector_load %arg10[%get3A_1495, %get3A_1496] {strides = array<i32>} : memref<128x128xf32, #tpu.memory_space<vmem>>, vector<1x16xf32>,
        %get3A_1498 = vector.shape_cast %get3A_1497 : vector<1x16xf32> to vector<16xf32>
        %slice3A_1499 = vector.extract_strided_slice %get3A_37 {offsets = [13], sizes = [1], strides = [1]} : vector<16xf32> to vector<1xf32>
        %squeeze3A_1500 = vector.extract %slice3A_1499[0] : f32 from vector<1xf32>
        %mul3A_1501 = vector.broadcast %squeeze3A_1500 : f32 to vector<16xf32>
        %mul3A_1502 = arith.mulf %get3A_1498, %mul3A_1501 : vector<16xf32>
        %swap3A_1503 = arith.index_cast %add3A_1442 : i32 to index
        %swap3A_1504 = arith.constant 64 : index
        %swap3A_1505 = tpu.vector_load %arg10[%swap3A_1503, %swap3A_1504] {strides = array<i32>} : memref<128x128xf32, #tpu.memory_space<vmem>>, vector<1x16xf32>,
        %swap3A_1506 = vector.shape_cast %swap3A_1505 : vector<1x16xf32> to vector<16xf32>
        %swap3A_1507 = vector.shape_cast %mul3A_1502 : vector<16xf32> to vector<1x16xf32>
        tpu.vector_store %arg10[%swap3A_1503, %swap3A_1504], %swap3A_1507 {strides = array<i32>} : memref<128x128xf32, #tpu.memory_space<vmem>>, vector<1x16xf32>,
        %get3A_1508 = arith.index_cast %add3A_1442 : i32 to index
        %get3A_1509 = arith.constant 80 : index
        %get3A_1510 = tpu.vector_load %arg10[%get3A_1508, %get3A_1509] {strides = array<i32>} : memref<128x128xf32, #tpu.memory_space<vmem>>, vector<1x16xf32>,
        %get3A_1511 = vector.shape_cast %get3A_1510 : vector<1x16xf32> to vector<16xf32>
        %slice3A_1512 = vector.extract_strided_slice %get3A_37 {offsets = [13], sizes = [1], strides = [1]} : vector<16xf32> to vector<1xf32>
        %squeeze3A_1513 = vector.extract %slice3A_1512[0] : f32 from vector<1xf32>
        %mul3A_1514 = vector.broadcast %squeeze3A_1513 : f32 to vector<16xf32>
        %mul3A_1515 = arith.mulf %get3A_1511, %mul3A_1514 : vector<16xf32>
        %swap3A_1516 = arith.index_cast %add3A_1442 : i32 to index
        %swap3A_1517 = arith.constant 80 : index
        %swap3A_1518 = tpu.vector_load %arg10[%swap3A_1516, %swap3A_1517] {strides = array<i32>} : memref<128x128xf32, #tpu.memory_space<vmem>>, vector<1x16xf32>,
        %swap3A_1519 = vector.shape_cast %swap3A_1518 : vector<1x16xf32> to vector<16xf32>
        %swap3A_1520 = vector.shape_cast %mul3A_1515 : vector<16xf32> to vector<1x16xf32>
        tpu.vector_store %arg10[%swap3A_1516, %swap3A_1517], %swap3A_1520 {strides = array<i32>} : memref<128x128xf32, #tpu.memory_space<vmem>>, vector<1x16xf32>,
        %get3A_1521 = arith.index_cast %add3A_1442 : i32 to index
        %get3A_1522 = arith.constant 96 : index
        %get3A_1523 = tpu.vector_load %arg10[%get3A_1521, %get3A_1522] {strides = array<i32>} : memref<128x128xf32, #tpu.memory_space<vmem>>, vector<1x16xf32>,
        %get3A_1524 = vector.shape_cast %get3A_1523 : vector<1x16xf32> to vector<16xf32>
        %slice3A_1525 = vector.extract_strided_slice %get3A_37 {offsets = [13], sizes = [1], strides = [1]} : vector<16xf32> to vector<1xf32>
        %squeeze3A_1526 = vector.extract %slice3A_1525[0] : f32 from vector<1xf32>
        %mul3A_1527 = vector.broadcast %squeeze3A_1526 : f32 to vector<16xf32>
        %mul3A_1528 = arith.mulf %get3A_1524, %mul3A_1527 : vector<16xf32>
        %swap3A_1529 = arith.index_cast %add3A_1442 : i32 to index
        %swap3A_1530 = arith.constant 96 : index
        %swap3A_1531 = tpu.vector_load %arg10[%swap3A_1529, %swap3A_1530] {strides = array<i32>} : memref<128x128xf32, #tpu.memory_space<vmem>>, vector<1x16xf32>,
        %swap3A_1532 = vector.shape_cast %swap3A_1531 : vector<1x16xf32> to vector<16xf32>
        %swap3A_1533 = vector.shape_cast %mul3A_1528 : vector<16xf32> to vector<1x16xf32>
        tpu.vector_store %arg10[%swap3A_1529, %swap3A_1530], %swap3A_1533 {strides = array<i32>} : memref<128x128xf32, #tpu.memory_space<vmem>>, vector<1x16xf32>,
        %get3A_1534 = arith.index_cast %add3A_1442 : i32 to index
        %get3A_1535 = arith.constant 112 : index
        %get3A_1536 = tpu.vector_load %arg10[%get3A_1534, %get3A_1535] {strides = array<i32>} : memref<128x128xf32, #tpu.memory_space<vmem>>, vector<1x16xf32>,
        %get3A_1537 = vector.shape_cast %get3A_1536 : vector<1x16xf32> to vector<16xf32>
        %slice3A_1538 = vector.extract_strided_slice %get3A_37 {offsets = [13], sizes = [1], strides = [1]} : vector<16xf32> to vector<1xf32>
        %squeeze3A_1539 = vector.extract %slice3A_1538[0] : f32 from vector<1xf32>
        %mul3A_1540 = vector.broadcast %squeeze3A_1539 : f32 to vector<16xf32>
        %mul3A_1541 = arith.mulf %get3A_1537, %mul3A_1540 : vector<16xf32>
        %swap3A_1542 = arith.index_cast %add3A_1442 : i32 to index
        %swap3A_1543 = arith.constant 112 : index
        %swap3A_1544 = tpu.vector_load %arg10[%swap3A_1542, %swap3A_1543] {strides = array<i32>} : memref<128x128xf32, #tpu.memory_space<vmem>>, vector<1x16xf32>,
        %swap3A_1545 = vector.shape_cast %swap3A_1544 : vector<1x16xf32> to vector<16xf32>
        %swap3A_1546 = vector.shape_cast %mul3A_1541 : vector<16xf32> to vector<1x16xf32>
        tpu.vector_store %arg10[%swap3A_1542, %swap3A_1543], %swap3A_1546 {strides = array<i32>} : memref<128x128xf32, #tpu.memory_space<vmem>>, vector<1x16xf32>,
        %mul3A_1547 = arith.constant 16 : i32
        %mul3A_1548 = arith.muli %scan3A_32, %mul3A_1547 : i32
        %add3A_1549 = arith.constant 14 : i32
        %add3A_1550 = arith.addi %mul3A_1548, %add3A_1549 : i32
        %get3A_1551 = arith.index_cast %add3A_1550 : i32 to index
        %get3A_1552 = arith.constant 0 : index
        %get3A_1553 = tpu.vector_load %arg10[%get3A_1551, %get3A_1552] {strides = array<i32>} : memref<128x128xf32, #tpu.memory_space<vmem>>, vector<1x16xf32>,
        %get3A_1554 = vector.shape_cast %get3A_1553 : vector<1x16xf32> to vector<16xf32>
        %slice3A_1555 = vector.extract_strided_slice %get3A_37 {offsets = [14], sizes = [1], strides = [1]} : vector<16xf32> to vector<1xf32>
        %squeeze3A_1556 = vector.extract %slice3A_1555[0] : f32 from vector<1xf32>
        %mul3A_1557 = vector.broadcast %squeeze3A_1556 : f32 to vector<16xf32>
        %mul3A_1558 = arith.mulf %get3A_1554, %mul3A_1557 : vector<16xf32>
        %swap3A_1559 = arith.index_cast %add3A_1550 : i32 to index
        %swap3A_1560 = arith.constant 0 : index
        %swap3A_1561 = tpu.vector_load %arg10[%swap3A_1559, %swap3A_1560] {strides = array<i32>} : memref<128x128xf32, #tpu.memory_space<vmem>>, vector<1x16xf32>,
        %swap3A_1562 = vector.shape_cast %swap3A_1561 : vector<1x16xf32> to vector<16xf32>
        %swap3A_1563 = vector.shape_cast %mul3A_1558 : vector<16xf32> to vector<1x16xf32>
        tpu.vector_store %arg10[%swap3A_1559, %swap3A_1560], %swap3A_1563 {strides = array<i32>} : memref<128x128xf32, #tpu.memory_space<vmem>>, vector<1x16xf32>,
        %get3A_1564 = arith.index_cast %add3A_1550 : i32 to index
        %get3A_1565 = arith.constant 16 : index
        %get3A_1566 = tpu.vector_load %arg10[%get3A_1564, %get3A_1565] {strides = array<i32>} : memref<128x128xf32, #tpu.memory_space<vmem>>, vector<1x16xf32>,
        %get3A_1567 = vector.shape_cast %get3A_1566 : vector<1x16xf32> to vector<16xf32>
        %slice3A_1568 = vector.extract_strided_slice %get3A_37 {offsets = [14], sizes = [1], strides = [1]} : vector<16xf32> to vector<1xf32>
        %squeeze3A_1569 = vector.extract %slice3A_1568[0] : f32 from vector<1xf32>
        %mul3A_1570 = vector.broadcast %squeeze3A_1569 : f32 to vector<16xf32>
        %mul3A_1571 = arith.mulf %get3A_1567, %mul3A_1570 : vector<16xf32>
        %swap3A_1572 = arith.index_cast %add3A_1550 : i32 to index
        %swap3A_1573 = arith.constant 16 : index
        %swap3A_1574 = tpu.vector_load %arg10[%swap3A_1572, %swap3A_1573] {strides = array<i32>} : memref<128x128xf32, #tpu.memory_space<vmem>>, vector<1x16xf32>,
        %swap3A_1575 = vector.shape_cast %swap3A_1574 : vector<1x16xf32> to vector<16xf32>
        %swap3A_1576 = vector.shape_cast %mul3A_1571 : vector<16xf32> to vector<1x16xf32>
        tpu.vector_store %arg10[%swap3A_1572, %swap3A_1573], %swap3A_1576 {strides = array<i32>} : memref<128x128xf32, #tpu.memory_space<vmem>>, vector<1x16xf32>,
        %get3A_1577 = arith.index_cast %add3A_1550 : i32 to index
        %get3A_1578 = arith.constant 32 : index
        %get3A_1579 = tpu.vector_load %arg10[%get3A_1577, %get3A_1578] {strides = array<i32>} : memref<128x128xf32, #tpu.memory_space<vmem>>, vector<1x16xf32>,
        %get3A_1580 = vector.shape_cast %get3A_1579 : vector<1x16xf32> to vector<16xf32>
        %slice3A_1581 = vector.extract_strided_slice %get3A_37 {offsets = [14], sizes = [1], strides = [1]} : vector<16xf32> to vector<1xf32>
        %squeeze3A_1582 = vector.extract %slice3A_1581[0] : f32 from vector<1xf32>
        %mul3A_1583 = vector.broadcast %squeeze3A_1582 : f32 to vector<16xf32>
        %mul3A_1584 = arith.mulf %get3A_1580, %mul3A_1583 : vector<16xf32>
        %swap3A_1585 = arith.index_cast %add3A_1550 : i32 to index
        %swap3A_1586 = arith.constant 32 : index
        %swap3A_1587 = tpu.vector_load %arg10[%swap3A_1585, %swap3A_1586] {strides = array<i32>} : memref<128x128xf32, #tpu.memory_space<vmem>>, vector<1x16xf32>,
        %swap3A_1588 = vector.shape_cast %swap3A_1587 : vector<1x16xf32> to vector<16xf32>
        %swap3A_1589 = vector.shape_cast %mul3A_1584 : vector<16xf32> to vector<1x16xf32>
        tpu.vector_store %arg10[%swap3A_1585, %swap3A_1586], %swap3A_1589 {strides = array<i32>} : memref<128x128xf32, #tpu.memory_space<vmem>>, vector<1x16xf32>,
        %get3A_1590 = arith.index_cast %add3A_1550 : i32 to index
        %get3A_1591 = arith.constant 48 : index
        %get3A_1592 = tpu.vector_load %arg10[%get3A_1590, %get3A_1591] {strides = array<i32>} : memref<128x128xf32, #tpu.memory_space<vmem>>, vector<1x16xf32>,
        %get3A_1593 = vector.shape_cast %get3A_1592 : vector<1x16xf32> to vector<16xf32>
        %slice3A_1594 = vector.extract_strided_slice %get3A_37 {offsets = [14], sizes = [1], strides = [1]} : vector<16xf32> to vector<1xf32>
        %squeeze3A_1595 = vector.extract %slice3A_1594[0] : f32 from vector<1xf32>
        %mul3A_1596 = vector.broadcast %squeeze3A_1595 : f32 to vector<16xf32>
        %mul3A_1597 = arith.mulf %get3A_1593, %mul3A_1596 : vector<16xf32>
        %swap3A_1598 = arith.index_cast %add3A_1550 : i32 to index
        %swap3A_1599 = arith.constant 48 : index
        %swap3A_1600 = tpu.vector_load %arg10[%swap3A_1598, %swap3A_1599] {strides = array<i32>} : memref<128x128xf32, #tpu.memory_space<vmem>>, vector<1x16xf32>,
        %swap3A_1601 = vector.shape_cast %swap3A_1600 : vector<1x16xf32> to vector<16xf32>
        %swap3A_1602 = vector.shape_cast %mul3A_1597 : vector<16xf32> to vector<1x16xf32>
        tpu.vector_store %arg10[%swap3A_1598, %swap3A_1599], %swap3A_1602 {strides = array<i32>} : memref<128x128xf32, #tpu.memory_space<vmem>>, vector<1x16xf32>,
        %get3A_1603 = arith.index_cast %add3A_1550 : i32 to index
        %get3A_1604 = arith.constant 64 : index
        %get3A_1605 = tpu.vector_load %arg10[%get3A_1603, %get3A_1604] {strides = array<i32>} : memref<128x128xf32, #tpu.memory_space<vmem>>, vector<1x16xf32>,
        %get3A_1606 = vector.shape_cast %get3A_1605 : vector<1x16xf32> to vector<16xf32>
        %slice3A_1607 = vector.extract_strided_slice %get3A_37 {offsets = [14], sizes = [1], strides = [1]} : vector<16xf32> to vector<1xf32>
        %squeeze3A_1608 = vector.extract %slice3A_1607[0] : f32 from vector<1xf32>
        %mul3A_1609 = vector.broadcast %squeeze3A_1608 : f32 to vector<16xf32>
        %mul3A_1610 = arith.mulf %get3A_1606, %mul3A_1609 : vector<16xf32>
        %swap3A_1611 = arith.index_cast %add3A_1550 : i32 to index
        %swap3A_1612 = arith.constant 64 : index
        %swap3A_1613 = tpu.vector_load %arg10[%swap3A_1611, %swap3A_1612] {strides = array<i32>} : memref<128x128xf32, #tpu.memory_space<vmem>>, vector<1x16xf32>,
        %swap3A_1614 = vector.shape_cast %swap3A_1613 : vector<1x16xf32> to vector<16xf32>
        %swap3A_1615 = vector.shape_cast %mul3A_1610 : vector<16xf32> to vector<1x16xf32>
        tpu.vector_store %arg10[%swap3A_1611, %swap3A_1612], %swap3A_1615 {strides = array<i32>} : memref<128x128xf32, #tpu.memory_space<vmem>>, vector<1x16xf32>,
        %get3A_1616 = arith.index_cast %add3A_1550 : i32 to index
        %get3A_1617 = arith.constant 80 : index
        %get3A_1618 = tpu.vector_load %arg10[%get3A_1616, %get3A_1617] {strides = array<i32>} : memref<128x128xf32, #tpu.memory_space<vmem>>, vector<1x16xf32>,
        %get3A_1619 = vector.shape_cast %get3A_1618 : vector<1x16xf32> to vector<16xf32>
        %slice3A_1620 = vector.extract_strided_slice %get3A_37 {offsets = [14], sizes = [1], strides = [1]} : vector<16xf32> to vector<1xf32>
        %squeeze3A_1621 = vector.extract %slice3A_1620[0] : f32 from vector<1xf32>
        %mul3A_1622 = vector.broadcast %squeeze3A_1621 : f32 to vector<16xf32>
        %mul3A_1623 = arith.mulf %get3A_1619, %mul3A_1622 : vector<16xf32>
        %swap3A_1624 = arith.index_cast %add3A_1550 : i32 to index
        %swap3A_1625 = arith.constant 80 : index
        %swap3A_1626 = tpu.vector_load %arg10[%swap3A_1624, %swap3A_1625] {strides = array<i32>} : memref<128x128xf32, #tpu.memory_space<vmem>>, vector<1x16xf32>,
        %swap3A_1627 = vector.shape_cast %swap3A_1626 : vector<1x16xf32> to vector<16xf32>
        %swap3A_1628 = vector.shape_cast %mul3A_1623 : vector<16xf32> to vector<1x16xf32>
        tpu.vector_store %arg10[%swap3A_1624, %swap3A_1625], %swap3A_1628 {strides = array<i32>} : memref<128x128xf32, #tpu.memory_space<vmem>>, vector<1x16xf32>,
        %get3A_1629 = arith.index_cast %add3A_1550 : i32 to index
        %get3A_1630 = arith.constant 96 : index
        %get3A_1631 = tpu.vector_load %arg10[%get3A_1629, %get3A_1630] {strides = array<i32>} : memref<128x128xf32, #tpu.memory_space<vmem>>, vector<1x16xf32>,
        %get3A_1632 = vector.shape_cast %get3A_1631 : vector<1x16xf32> to vector<16xf32>
        %slice3A_1633 = vector.extract_strided_slice %get3A_37 {offsets = [14], sizes = [1], strides = [1]} : vector<16xf32> to vector<1xf32>
        %squeeze3A_1634 = vector.extract %slice3A_1633[0] : f32 from vector<1xf32>
        %mul3A_1635 = vector.broadcast %squeeze3A_1634 : f32 to vector<16xf32>
        %mul3A_1636 = arith.mulf %get3A_1632, %mul3A_1635 : vector<16xf32>
        %swap3A_1637 = arith.index_cast %add3A_1550 : i32 to index
        %swap3A_1638 = arith.constant 96 : index
        %swap3A_1639 = tpu.vector_load %arg10[%swap3A_1637, %swap3A_1638] {strides = array<i32>} : memref<128x128xf32, #tpu.memory_space<vmem>>, vector<1x16xf32>,
        %swap3A_1640 = vector.shape_cast %swap3A_1639 : vector<1x16xf32> to vector<16xf32>
        %swap3A_1641 = vector.shape_cast %mul3A_1636 : vector<16xf32> to vector<1x16xf32>
        tpu.vector_store %arg10[%swap3A_1637, %swap3A_1638], %swap3A_1641 {strides = array<i32>} : memref<128x128xf32, #tpu.memory_space<vmem>>, vector<1x16xf32>,
        %get3A_1642 = arith.index_cast %add3A_1550 : i32 to index
        %get3A_1643 = arith.constant 112 : index
        %get3A_1644 = tpu.vector_load %arg10[%get3A_1642, %get3A_1643] {strides = array<i32>} : memref<128x128xf32, #tpu.memory_space<vmem>>, vector<1x16xf32>,
        %get3A_1645 = vector.shape_cast %get3A_1644 : vector<1x16xf32> to vector<16xf32>
        %slice3A_1646 = vector.extract_strided_slice %get3A_37 {offsets = [14], sizes = [1], strides = [1]} : vector<16xf32> to vector<1xf32>
        %squeeze3A_1647 = vector.extract %slice3A_1646[0] : f32 from vector<1xf32>
        %mul3A_1648 = vector.broadcast %squeeze3A_1647 : f32 to vector<16xf32>
        %mul3A_1649 = arith.mulf %get3A_1645, %mul3A_1648 : vector<16xf32>
        %swap3A_1650 = arith.index_cast %add3A_1550 : i32 to index
        %swap3A_1651 = arith.constant 112 : index
        %swap3A_1652 = tpu.vector_load %arg10[%swap3A_1650, %swap3A_1651] {strides = array<i32>} : memref<128x128xf32, #tpu.memory_space<vmem>>, vector<1x16xf32>,
        %swap3A_1653 = vector.shape_cast %swap3A_1652 : vector<1x16xf32> to vector<16xf32>
        %swap3A_1654 = vector.shape_cast %mul3A_1649 : vector<16xf32> to vector<1x16xf32>
        tpu.vector_store %arg10[%swap3A_1650, %swap3A_1651], %swap3A_1654 {strides = array<i32>} : memref<128x128xf32, #tpu.memory_space<vmem>>, vector<1x16xf32>,
        %mul3A_1655 = arith.constant 16 : i32
        %mul3A_1656 = arith.muli %scan3A_32, %mul3A_1655 : i32
        %add3A_1657 = arith.constant 15 : i32
        %add3A_1658 = arith.addi %mul3A_1656, %add3A_1657 : i32
        %get3A_1659 = arith.index_cast %add3A_1658 : i32 to index
        %get3A_1660 = arith.constant 0 : index
        %get3A_1661 = tpu.vector_load %arg10[%get3A_1659, %get3A_1660] {strides = array<i32>} : memref<128x128xf32, #tpu.memory_space<vmem>>, vector<1x16xf32>,
        %get3A_1662 = vector.shape_cast %get3A_1661 : vector<1x16xf32> to vector<16xf32>
        %slice3A_1663 = vector.extract_strided_slice %get3A_37 {offsets = [15], sizes = [1], strides = [1]} : vector<16xf32> to vector<1xf32>
        %squeeze3A_1664 = vector.extract %slice3A_1663[0] : f32 from vector<1xf32>
        %mul3A_1665 = vector.broadcast %squeeze3A_1664 : f32 to vector<16xf32>
        %mul3A_1666 = arith.mulf %get3A_1662, %mul3A_1665 : vector<16xf32>
        %swap3A_1667 = arith.index_cast %add3A_1658 : i32 to index
        %swap3A_1668 = arith.constant 0 : index
        %swap3A_1669 = tpu.vector_load %arg10[%swap3A_1667, %swap3A_1668] {strides = array<i32>} : memref<128x128xf32, #tpu.memory_space<vmem>>, vector<1x16xf32>,
        %swap3A_1670 = vector.shape_cast %swap3A_1669 : vector<1x16xf32> to vector<16xf32>
        %swap3A_1671 = vector.shape_cast %mul3A_1666 : vector<16xf32> to vector<1x16xf32>
        tpu.vector_store %arg10[%swap3A_1667, %swap3A_1668], %swap3A_1671 {strides = array<i32>} : memref<128x128xf32, #tpu.memory_space<vmem>>, vector<1x16xf32>,
        %get3A_1672 = arith.index_cast %add3A_1658 : i32 to index
        %get3A_1673 = arith.constant 16 : index
        %get3A_1674 = tpu.vector_load %arg10[%get3A_1672, %get3A_1673] {strides = array<i32>} : memref<128x128xf32, #tpu.memory_space<vmem>>, vector<1x16xf32>,
        %get3A_1675 = vector.shape_cast %get3A_1674 : vector<1x16xf32> to vector<16xf32>
        %slice3A_1676 = vector.extract_strided_slice %get3A_37 {offsets = [15], sizes = [1], strides = [1]} : vector<16xf32> to vector<1xf32>
        %squeeze3A_1677 = vector.extract %slice3A_1676[0] : f32 from vector<1xf32>
        %mul3A_1678 = vector.broadcast %squeeze3A_1677 : f32 to vector<16xf32>
        %mul3A_1679 = arith.mulf %get3A_1675, %mul3A_1678 : vector<16xf32>
        %swap3A_1680 = arith.index_cast %add3A_1658 : i32 to index
        %swap3A_1681 = arith.constant 16 : index
        %swap3A_1682 = tpu.vector_load %arg10[%swap3A_1680, %swap3A_1681] {strides = array<i32>} : memref<128x128xf32, #tpu.memory_space<vmem>>, vector<1x16xf32>,
        %swap3A_1683 = vector.shape_cast %swap3A_1682 : vector<1x16xf32> to vector<16xf32>
        %swap3A_1684 = vector.shape_cast %mul3A_1679 : vector<16xf32> to vector<1x16xf32>
        tpu.vector_store %arg10[%swap3A_1680, %swap3A_1681], %swap3A_1684 {strides = array<i32>} : memref<128x128xf32, #tpu.memory_space<vmem>>, vector<1x16xf32>,
        %get3A_1685 = arith.index_cast %add3A_1658 : i32 to index
        %get3A_1686 = arith.constant 32 : index
        %get3A_1687 = tpu.vector_load %arg10[%get3A_1685, %get3A_1686] {strides = array<i32>} : memref<128x128xf32, #tpu.memory_space<vmem>>, vector<1x16xf32>,
        %get3A_1688 = vector.shape_cast %get3A_1687 : vector<1x16xf32> to vector<16xf32>
        %slice3A_1689 = vector.extract_strided_slice %get3A_37 {offsets = [15], sizes = [1], strides = [1]} : vector<16xf32> to vector<1xf32>
        %squeeze3A_1690 = vector.extract %slice3A_1689[0] : f32 from vector<1xf32>
        %mul3A_1691 = vector.broadcast %squeeze3A_1690 : f32 to vector<16xf32>
        %mul3A_1692 = arith.mulf %get3A_1688, %mul3A_1691 : vector<16xf32>
        %swap3A_1693 = arith.index_cast %add3A_1658 : i32 to index
        %swap3A_1694 = arith.constant 32 : index
        %swap3A_1695 = tpu.vector_load %arg10[%swap3A_1693, %swap3A_1694] {strides = array<i32>} : memref<128x128xf32, #tpu.memory_space<vmem>>, vector<1x16xf32>,
        %swap3A_1696 = vector.shape_cast %swap3A_1695 : vector<1x16xf32> to vector<16xf32>
        %swap3A_1697 = vector.shape_cast %mul3A_1692 : vector<16xf32> to vector<1x16xf32>
        tpu.vector_store %arg10[%swap3A_1693, %swap3A_1694], %swap3A_1697 {strides = array<i32>} : memref<128x128xf32, #tpu.memory_space<vmem>>, vector<1x16xf32>,
        %get3A_1698 = arith.index_cast %add3A_1658 : i32 to index
        %get3A_1699 = arith.constant 48 : index
        %get3A_1700 = tpu.vector_load %arg10[%get3A_1698, %get3A_1699] {strides = array<i32>} : memref<128x128xf32, #tpu.memory_space<vmem>>, vector<1x16xf32>,
        %get3A_1701 = vector.shape_cast %get3A_1700 : vector<1x16xf32> to vector<16xf32>
        %slice3A_1702 = vector.extract_strided_slice %get3A_37 {offsets = [15], sizes = [1], strides = [1]} : vector<16xf32> to vector<1xf32>
        %squeeze3A_1703 = vector.extract %slice3A_1702[0] : f32 from vector<1xf32>
        %mul3A_1704 = vector.broadcast %squeeze3A_1703 : f32 to vector<16xf32>
        %mul3A_1705 = arith.mulf %get3A_1701, %mul3A_1704 : vector<16xf32>
        %swap3A_1706 = arith.index_cast %add3A_1658 : i32 to index
        %swap3A_1707 = arith.constant 48 : index
        %swap3A_1708 = tpu.vector_load %arg10[%swap3A_1706, %swap3A_1707] {strides = array<i32>} : memref<128x128xf32, #tpu.memory_space<vmem>>, vector<1x16xf32>,
        %swap3A_1709 = vector.shape_cast %swap3A_1708 : vector<1x16xf32> to vector<16xf32>
        %swap3A_1710 = vector.shape_cast %mul3A_1705 : vector<16xf32> to vector<1x16xf32>
        tpu.vector_store %arg10[%swap3A_1706, %swap3A_1707], %swap3A_1710 {strides = array<i32>} : memref<128x128xf32, #tpu.memory_space<vmem>>, vector<1x16xf32>,
        %get3A_1711 = arith.index_cast %add3A_1658 : i32 to index
        %get3A_1712 = arith.constant 64 : index
        %get3A_1713 = tpu.vector_load %arg10[%get3A_1711, %get3A_1712] {strides = array<i32>} : memref<128x128xf32, #tpu.memory_space<vmem>>, vector<1x16xf32>,
        %get3A_1714 = vector.shape_cast %get3A_1713 : vector<1x16xf32> to vector<16xf32>
        %slice3A_1715 = vector.extract_strided_slice %get3A_37 {offsets = [15], sizes = [1], strides = [1]} : vector<16xf32> to vector<1xf32>
        %squeeze3A_1716 = vector.extract %slice3A_1715[0] : f32 from vector<1xf32>
        %mul3A_1717 = vector.broadcast %squeeze3A_1716 : f32 to vector<16xf32>
        %mul3A_1718 = arith.mulf %get3A_1714, %mul3A_1717 : vector<16xf32>
        %swap3A_1719 = arith.index_cast %add3A_1658 : i32 to index
        %swap3A_1720 = arith.constant 64 : index
        %swap3A_1721 = tpu.vector_load %arg10[%swap3A_1719, %swap3A_1720] {strides = array<i32>} : memref<128x128xf32, #tpu.memory_space<vmem>>, vector<1x16xf32>,
        %swap3A_1722 = vector.shape_cast %swap3A_1721 : vector<1x16xf32> to vector<16xf32>
        %swap3A_1723 = vector.shape_cast %mul3A_1718 : vector<16xf32> to vector<1x16xf32>
        tpu.vector_store %arg10[%swap3A_1719, %swap3A_1720], %swap3A_1723 {strides = array<i32>} : memref<128x128xf32, #tpu.memory_space<vmem>>, vector<1x16xf32>,
        %get3A_1724 = arith.index_cast %add3A_1658 : i32 to index
        %get3A_1725 = arith.constant 80 : index
        %get3A_1726 = tpu.vector_load %arg10[%get3A_1724, %get3A_1725] {strides = array<i32>} : memref<128x128xf32, #tpu.memory_space<vmem>>, vector<1x16xf32>,
        %get3A_1727 = vector.shape_cast %get3A_1726 : vector<1x16xf32> to vector<16xf32>
        %slice3A_1728 = vector.extract_strided_slice %get3A_37 {offsets = [15], sizes = [1], strides = [1]} : vector<16xf32> to vector<1xf32>
        %squeeze3A_1729 = vector.extract %slice3A_1728[0] : f32 from vector<1xf32>
        %mul3A_1730 = vector.broadcast %squeeze3A_1729 : f32 to vector<16xf32>
        %mul3A_1731 = arith.mulf %get3A_1727, %mul3A_1730 : vector<16xf32>
        %swap3A_1732 = arith.index_cast %add3A_1658 : i32 to index
        %swap3A_1733 = arith.constant 80 : index
        %swap3A_1734 = tpu.vector_load %arg10[%swap3A_1732, %swap3A_1733] {strides = array<i32>} : memref<128x128xf32, #tpu.memory_space<vmem>>, vector<1x16xf32>,
        %swap3A_1735 = vector.shape_cast %swap3A_1734 : vector<1x16xf32> to vector<16xf32>
        %swap3A_1736 = vector.shape_cast %mul3A_1731 : vector<16xf32> to vector<1x16xf32>
        tpu.vector_store %arg10[%swap3A_1732, %swap3A_1733], %swap3A_1736 {strides = array<i32>} : memref<128x128xf32, #tpu.memory_space<vmem>>, vector<1x16xf32>,
        %get3A_1737 = arith.index_cast %add3A_1658 : i32 to index
        %get3A_1738 = arith.constant 96 : index
        %get3A_1739 = tpu.vector_load %arg10[%get3A_1737, %get3A_1738] {strides = array<i32>} : memref<128x128xf32, #tpu.memory_space<vmem>>, vector<1x16xf32>,
        %get3A_1740 = vector.shape_cast %get3A_1739 : vector<1x16xf32> to vector<16xf32>
        %slice3A_1741 = vector.extract_strided_slice %get3A_37 {offsets = [15], sizes = [1], strides = [1]} : vector<16xf32> to vector<1xf32>
        %squeeze3A_1742 = vector.extract %slice3A_1741[0] : f32 from vector<1xf32>
        %mul3A_1743 = vector.broadcast %squeeze3A_1742 : f32 to vector<16xf32>
        %mul3A_1744 = arith.mulf %get3A_1740, %mul3A_1743 : vector<16xf32>
        %swap3A_1745 = arith.index_cast %add3A_1658 : i32 to index
        %swap3A_1746 = arith.constant 96 : index
        %swap3A_1747 = tpu.vector_load %arg10[%swap3A_1745, %swap3A_1746] {strides = array<i32>} : memref<128x128xf32, #tpu.memory_space<vmem>>, vector<1x16xf32>,
        %swap3A_1748 = vector.shape_cast %swap3A_1747 : vector<1x16xf32> to vector<16xf32>
        %swap3A_1749 = vector.shape_cast %mul3A_1744 : vector<16xf32> to vector<1x16xf32>
        tpu.vector_store %arg10[%swap3A_1745, %swap3A_1746], %swap3A_1749 {strides = array<i32>} : memref<128x128xf32, #tpu.memory_space<vmem>>, vector<1x16xf32>,
        %get3A_1750 = arith.index_cast %add3A_1658 : i32 to index
        %get3A_1751 = arith.constant 112 : index
        %get3A_1752 = tpu.vector_load %arg10[%get3A_1750, %get3A_1751] {strides = array<i32>} : memref<128x128xf32, #tpu.memory_space<vmem>>, vector<1x16xf32>,
        %get3A_1753 = vector.shape_cast %get3A_1752 : vector<1x16xf32> to vector<16xf32>
        %slice3A_1754 = vector.extract_strided_slice %get3A_37 {offsets = [15], sizes = [1], strides = [1]} : vector<16xf32> to vector<1xf32>
        %squeeze3A_1755 = vector.extract %slice3A_1754[0] : f32 from vector<1xf32>
        %mul3A_1756 = vector.broadcast %squeeze3A_1755 : f32 to vector<16xf32>
        %mul3A_1757 = arith.mulf %get3A_1753, %mul3A_1756 : vector<16xf32>
        %swap3A_1758 = arith.index_cast %add3A_1658 : i32 to index
        %swap3A_1759 = arith.constant 112 : index
        %swap3A_1760 = tpu.vector_load %arg10[%swap3A_1758, %swap3A_1759] {strides = array<i32>} : memref<128x128xf32, #tpu.memory_space<vmem>>, vector<1x16xf32>,
        %swap3A_1761 = vector.shape_cast %swap3A_1760 : vector<1x16xf32> to vector<16xf32>
        %swap3A_1762 = vector.shape_cast %mul3A_1757 : vector<16xf32> to vector<1x16xf32>
        tpu.vector_store %arg10[%swap3A_1758, %swap3A_1759], %swap3A_1762 {strides = array<i32>} : memref<128x128xf32, #tpu.memory_space<vmem>>, vector<1x16xf32>,
      }
      %scan3A_31 = arith.constant 8 : i32
      "tpu.region"() ({
        %run_scoped3A = tpu.sem_alloc : memref<!tpu.dma_semaphore, #tpu.memory_space<semaphore_mem>>
        %dma_start3A = arith.constant 0 : i32
        %dma_start3A_32 = tpu.memref_slice %arg8[%scan3A_25, %dma_start3A] : memref<79x128xi32, #tpu.memory_space<vmem>> -> memref<1x128xi32, #tpu.memory_space<vmem>>
        %dma_start3A_33 = tpu.memref_squeeze %dma_start3A_32 : memref<1x128xi32, #tpu.memory_space<vmem>> -> memref<128xi32, #tpu.memory_space<vmem>>
        %dma_start3A_34 = arith.constant 0 : i32
        %dma_start3A_35 = arith.constant 0 : i32
        %dma_start3A_36 = tpu.memref_slice %arg11[%dma_start3A_34, %dma_start3A_35] : memref<10240x128xf32, #tpu.memory_space<vmem_shared>> -> memref<10240x128xf32, #tpu.memory_space<vmem_shared>>
        tpu.enqueue_indirect_dma source(%arg10 : memref<128x128xf32, #tpu.memory_space<vmem>>) target(%dma_start3A_36 : memref<10240x128xf32, #tpu.memory_space<vmem_shared>>) offsets(%dma_start3A_33 : memref<128xi32, #tpu.memory_space<vmem>>) semaphore(%run_scoped3A : memref<!tpu.dma_semaphore, #tpu.memory_space<semaphore_mem>>) {add = true}
        %dma_wait3A = arith.constant 0 : i32
        %dma_wait3A_37 = tpu.memref_slice %arg8[%scan3A_25, %dma_wait3A] : memref<79x128xi32, #tpu.memory_space<vmem>> -> memref<1x128xi32, #tpu.memory_space<vmem>>
        %dma_wait3A_38 = tpu.memref_squeeze %dma_wait3A_37 : memref<1x128xi32, #tpu.memory_space<vmem>> -> memref<128xi32, #tpu.memory_space<vmem>>
        %dma_wait3A_39 = arith.constant 0 : i32
        %dma_wait3A_40 = arith.constant 0 : i32
        %dma_wait3A_41 = tpu.memref_slice %arg11[%dma_wait3A_39, %dma_wait3A_40] : memref<10240x128xf32, #tpu.memory_space<vmem_shared>> -> memref<10240x128xf32, #tpu.memory_space<vmem_shared>>
        tpu.wait_indirect_dma semaphore(%run_scoped3A : memref<!tpu.dma_semaphore, #tpu.memory_space<semaphore_mem>>) src(%arg10 : memref<128x128xf32, #tpu.memory_space<vmem>>) dst(%dma_wait3A_41 : memref<10240x128xf32, #tpu.memory_space<vmem_shared>>)
        tpu.yield
      }) : () -> ()
    }
    %scan3A_23 = arith.constant 79 : i32
    %barrier3A_24 = arith.constant 0 : index
    tpu.barrier barrier_id(%barrier3A_24)
    "tpu.region"() ({
      %run_scoped3A = tpu.sem_alloc : memref<!tpu.dma_semaphore, #tpu.memory_space<semaphore_mem>>
      %dma_start3A = arith.constant 0 : i32
      %dma_start3A_25 = tpu.memref_slice %arg6[%arg0, %mul3A_7, %dma_start3A] : memref<2x10240x128xf32, #tpu.memory_space<hbm>> -> memref<1x640x128xf32, #tpu.memory_space<hbm>>
      %dma_start3A_26 = tpu.memref_squeeze %dma_start3A_25 : memref<1x640x128xf32, #tpu.memory_space<hbm>> -> memref<640x128xf32, #tpu.memory_space<hbm>>
      %dma_start3A_27 = arith.constant 0 : i32
      %dma_start3A_28 = tpu.memref_slice %arg11[%mul3A_7, %dma_start3A_27] : memref<10240x128xf32, #tpu.memory_space<vmem_shared>> -> memref<640x128xf32, #tpu.memory_space<vmem_shared>>
      tpu.enqueue_dma source(%dma_start3A_28 : memref<640x128xf32, #tpu.memory_space<vmem_shared>>) target(%dma_start3A_26 : memref<640x128xf32, #tpu.memory_space<hbm>>) target_semaphore(%run_scoped3A : memref<!tpu.dma_semaphore, #tpu.memory_space<semaphore_mem>>)
      %dma_wait3A = arith.constant 0 : i32
      %dma_wait3A_29 = tpu.memref_slice %arg6[%arg0, %mul3A_7, %dma_wait3A] : memref<2x10240x128xf32, #tpu.memory_space<hbm>> -> memref<1x640x128xf32, #tpu.memory_space<hbm>>
      %dma_wait3A_30 = tpu.memref_squeeze %dma_wait3A_29 : memref<1x640x128xf32, #tpu.memory_space<hbm>> -> memref<640x128xf32, #tpu.memory_space<hbm>>
      %dma_wait3A_31 = arith.constant 0 : i32
      %dma_wait3A_32 = tpu.memref_slice %arg11[%mul3A_7, %dma_wait3A_31] : memref<10240x128xf32, #tpu.memory_space<vmem_shared>> -> memref<640x128xf32, #tpu.memory_space<vmem_shared>>
      tpu.wait_dma2 semaphore(%run_scoped3A : memref<!tpu.dma_semaphore, #tpu.memory_space<semaphore_mem>>) src(%dma_wait3A_32 : memref<640x128xf32, #tpu.memory_space<vmem_shared>>) dst(%dma_wait3A_30 : memref<640x128xf32, #tpu.memory_space<hbm>>)
      tpu.yield
    }) : () -> ()
    return
  }
}

#map = affine_map<(d0, d1) -> (0, 0)>
#map1 = affine_map<(d0, d1) -> (0, 0, 0)>
module attributes {stable_mosaic.version = 14 : i64} {
  func.func @_sc_edge_agg(%arg0: i32, %arg1: i32, %arg2: memref<10000x128xf32, #tpu.memory_space<hbm>>, %arg3: memref<32x79x128xi32, #tpu.memory_space<hbm>>, %arg4: memref<32x79x128xi32, #tpu.memory_space<hbm>>, %arg5: memref<32x79x128xf32, #tpu.memory_space<hbm>>, %arg6: memref<2x10240x128xf32, #tpu.memory_space<hbm>>, %arg7: memref<79x128xi32, #tpu.memory_space<vmem>>, %arg8: memref<79x128xi32, #tpu.memory_space<vmem>>, %arg9: memref<79x128xf32, #tpu.memory_space<vmem>>, %arg10: memref<128x128xf32, #tpu.memory_space<vmem>>, %arg11: memref<10240x128xf32, #tpu.memory_space<vmem_shared>>) attributes {dimension_semantics = [#tpu.dimension_semantics<core_parallel>, #tpu.dimension_semantics<subcore_parallel>], iteration_bounds = array<i64: 2, 16>, scalar_prefetch = 0 : i64, scratch_operands = 5 : i64, tpu.core_type = #tpu.core_type<sc_vector_subcore>, window_params = [{transform_indices = #map}, {transform_indices = #map1}, {transform_indices = #map1}, {transform_indices = #map1}, {transform_indices = #map1}]} {
    %mul3A = arith.constant 16 : i32
    %mul3A_0 = arith.muli %arg0, %mul3A : i32
    %add3A = arith.addi %mul3A_0, %arg1 : i32
    %scan3A = arith.constant 0 : i32
    %scan3A_1 = arith.constant 0 : i32
    %scan3A_2 = arith.constant 128 : i32
    %scan3A_3 = arith.addi %scan3A_1, %scan3A_2 : i32
    %scan3A_4 = arith.constant 1 : i32
    scf.for %scan3A_25 = %scan3A_1 to %scan3A_3 step %scan3A_4  : i32 {
      %broadcast_in_dim3A = arith.constant 0.000000e+00 : f32
      %broadcast_in_dim3A_26 = vector.broadcast %broadcast_in_dim3A : f32 to vector<16xf32>
      %swap3A = arith.index_cast %scan3A_25 : i32 to index
      %swap3A_27 = arith.constant 0 : index
      %swap3A_28 = tpu.vector_load %arg10[%swap3A, %swap3A_27] {strides = array<i32>} : memref<128x128xf32, #tpu.memory_space<vmem>>, vector<1x16xf32>,
      %swap3A_29 = vector.shape_cast %swap3A_28 : vector<1x16xf32> to vector<16xf32>
      %swap3A_30 = vector.shape_cast %broadcast_in_dim3A_26 : vector<16xf32> to vector<1x16xf32>
      tpu.vector_store %arg10[%swap3A, %swap3A_27], %swap3A_30 {strides = array<i32>} : memref<128x128xf32, #tpu.memory_space<vmem>>, vector<1x16xf32>,
      %broadcast_in_dim3A_31 = arith.constant 0.000000e+00 : f32
      %broadcast_in_dim3A_32 = vector.broadcast %broadcast_in_dim3A_31 : f32 to vector<16xf32>
      %swap3A_33 = arith.index_cast %scan3A_25 : i32 to index
      %swap3A_34 = arith.constant 16 : index
      %swap3A_35 = tpu.vector_load %arg10[%swap3A_33, %swap3A_34] {strides = array<i32>} : memref<128x128xf32, #tpu.memory_space<vmem>>, vector<1x16xf32>,
      %swap3A_36 = vector.shape_cast %swap3A_35 : vector<1x16xf32> to vector<16xf32>
      %swap3A_37 = vector.shape_cast %broadcast_in_dim3A_32 : vector<16xf32> to vector<1x16xf32>
      tpu.vector_store %arg10[%swap3A_33, %swap3A_34], %swap3A_37 {strides = array<i32>} : memref<128x128xf32, #tpu.memory_space<vmem>>, vector<1x16xf32>,
      %broadcast_in_dim3A_38 = arith.constant 0.000000e+00 : f32
      %broadcast_in_dim3A_39 = vector.broadcast %broadcast_in_dim3A_38 : f32 to vector<16xf32>
      %swap3A_40 = arith.index_cast %scan3A_25 : i32 to index
      %swap3A_41 = arith.constant 32 : index
      %swap3A_42 = tpu.vector_load %arg10[%swap3A_40, %swap3A_41] {strides = array<i32>} : memref<128x128xf32, #tpu.memory_space<vmem>>, vector<1x16xf32>,
      %swap3A_43 = vector.shape_cast %swap3A_42 : vector<1x16xf32> to vector<16xf32>
      %swap3A_44 = vector.shape_cast %broadcast_in_dim3A_39 : vector<16xf32> to vector<1x16xf32>
      tpu.vector_store %arg10[%swap3A_40, %swap3A_41], %swap3A_44 {strides = array<i32>} : memref<128x128xf32, #tpu.memory_space<vmem>>, vector<1x16xf32>,
      %broadcast_in_dim3A_45 = arith.constant 0.000000e+00 : f32
      %broadcast_in_dim3A_46 = vector.broadcast %broadcast_in_dim3A_45 : f32 to vector<16xf32>
      %swap3A_47 = arith.index_cast %scan3A_25 : i32 to index
      %swap3A_48 = arith.constant 48 : index
      %swap3A_49 = tpu.vector_load %arg10[%swap3A_47, %swap3A_48] {strides = array<i32>} : memref<128x128xf32, #tpu.memory_space<vmem>>, vector<1x16xf32>,
      %swap3A_50 = vector.shape_cast %swap3A_49 : vector<1x16xf32> to vector<16xf32>
      %swap3A_51 = vector.shape_cast %broadcast_in_dim3A_46 : vector<16xf32> to vector<1x16xf32>
      tpu.vector_store %arg10[%swap3A_47, %swap3A_48], %swap3A_51 {strides = array<i32>} : memref<128x128xf32, #tpu.memory_space<vmem>>, vector<1x16xf32>,
      %broadcast_in_dim3A_52 = arith.constant 0.000000e+00 : f32
      %broadcast_in_dim3A_53 = vector.broadcast %broadcast_in_dim3A_52 : f32 to vector<16xf32>
      %swap3A_54 = arith.index_cast %scan3A_25 : i32 to index
      %swap3A_55 = arith.constant 64 : index
      %swap3A_56 = tpu.vector_load %arg10[%swap3A_54, %swap3A_55] {strides = array<i32>} : memref<128x128xf32, #tpu.memory_space<vmem>>, vector<1x16xf32>,
      %swap3A_57 = vector.shape_cast %swap3A_56 : vector<1x16xf32> to vector<16xf32>
      %swap3A_58 = vector.shape_cast %broadcast_in_dim3A_53 : vector<16xf32> to vector<1x16xf32>
      tpu.vector_store %arg10[%swap3A_54, %swap3A_55], %swap3A_58 {strides = array<i32>} : memref<128x128xf32, #tpu.memory_space<vmem>>, vector<1x16xf32>,
      %broadcast_in_dim3A_59 = arith.constant 0.000000e+00 : f32
      %broadcast_in_dim3A_60 = vector.broadcast %broadcast_in_dim3A_59 : f32 to vector<16xf32>
      %swap3A_61 = arith.index_cast %scan3A_25 : i32 to index
      %swap3A_62 = arith.constant 80 : index
      %swap3A_63 = tpu.vector_load %arg10[%swap3A_61, %swap3A_62] {strides = array<i32>} : memref<128x128xf32, #tpu.memory_space<vmem>>, vector<1x16xf32>,
      %swap3A_64 = vector.shape_cast %swap3A_63 : vector<1x16xf32> to vector<16xf32>
      %swap3A_65 = vector.shape_cast %broadcast_in_dim3A_60 : vector<16xf32> to vector<1x16xf32>
      tpu.vector_store %arg10[%swap3A_61, %swap3A_62], %swap3A_65 {strides = array<i32>} : memref<128x128xf32, #tpu.memory_space<vmem>>, vector<1x16xf32>,
      %broadcast_in_dim3A_66 = arith.constant 0.000000e+00 : f32
      %broadcast_in_dim3A_67 = vector.broadcast %broadcast_in_dim3A_66 : f32 to vector<16xf32>
      %swap3A_68 = arith.index_cast %scan3A_25 : i32 to index
      %swap3A_69 = arith.constant 96 : index
      %swap3A_70 = tpu.vector_load %arg10[%swap3A_68, %swap3A_69] {strides = array<i32>} : memref<128x128xf32, #tpu.memory_space<vmem>>, vector<1x16xf32>,
      %swap3A_71 = vector.shape_cast %swap3A_70 : vector<1x16xf32> to vector<16xf32>
      %swap3A_72 = vector.shape_cast %broadcast_in_dim3A_67 : vector<16xf32> to vector<1x16xf32>
      tpu.vector_store %arg10[%swap3A_68, %swap3A_69], %swap3A_72 {strides = array<i32>} : memref<128x128xf32, #tpu.memory_space<vmem>>, vector<1x16xf32>,
      %broadcast_in_dim3A_73 = arith.constant 0.000000e+00 : f32
      %broadcast_in_dim3A_74 = vector.broadcast %broadcast_in_dim3A_73 : f32 to vector<16xf32>
      %swap3A_75 = arith.index_cast %scan3A_25 : i32 to index
      %swap3A_76 = arith.constant 112 : index
      %swap3A_77 = tpu.vector_load %arg10[%swap3A_75, %swap3A_76] {strides = array<i32>} : memref<128x128xf32, #tpu.memory_space<vmem>>, vector<1x16xf32>,
      %swap3A_78 = vector.shape_cast %swap3A_77 : vector<1x16xf32> to vector<16xf32>
      %swap3A_79 = vector.shape_cast %broadcast_in_dim3A_74 : vector<16xf32> to vector<1x16xf32>
      tpu.vector_store %arg10[%swap3A_75, %swap3A_76], %swap3A_79 {strides = array<i32>} : memref<128x128xf32, #tpu.memory_space<vmem>>, vector<1x16xf32>,
    }
    %scan3A_5 = arith.constant 128 : i32
    %mul3A_6 = arith.constant 640 : i32
    %mul3A_7 = arith.muli %arg1, %mul3A_6 : i32
    %add3A_8 = arith.constant 0 : i32
    %add3A_9 = arith.addi %mul3A_7, %add3A_8 : i32
    "tpu.region"() ({
      %run_scoped3A = tpu.sem_alloc : memref<!tpu.dma_semaphore, #tpu.memory_space<semaphore_mem>>
      %dma_start3A = arith.constant 0 : i32
      %dma_start3A_25 = tpu.memref_slice %arg11[%add3A_9, %dma_start3A] : memref<10240x128xf32, #tpu.memory_space<vmem_shared>> -> memref<128x128xf32, #tpu.memory_space<vmem_shared>>
      %dma_start3A_26 = arith.constant 0 : i32
      %dma_start3A_27 = tpu.memref_slice %arg11[%add3A_9, %dma_start3A_26] : memref<10240x128xf32, #tpu.memory_space<vmem_shared>> -> memref<128x128xf32, #tpu.memory_space<vmem_shared>>
      tpu.enqueue_dma source(%arg10 : memref<128x128xf32, #tpu.memory_space<vmem>>) target(%dma_start3A_27 : memref<128x128xf32, #tpu.memory_space<vmem_shared>>) target_semaphore(%run_scoped3A : memref<!tpu.dma_semaphore, #tpu.memory_space<semaphore_mem>>)
      %dma_wait3A = arith.constant 0 : i32
      %dma_wait3A_28 = tpu.memref_slice %arg11[%add3A_9, %dma_wait3A] : memref<10240x128xf32, #tpu.memory_space<vmem_shared>> -> memref<128x128xf32, #tpu.memory_space<vmem_shared>>
      %dma_wait3A_29 = arith.constant 0 : i32
      %dma_wait3A_30 = tpu.memref_slice %arg11[%add3A_9, %dma_wait3A_29] : memref<10240x128xf32, #tpu.memory_space<vmem_shared>> -> memref<128x128xf32, #tpu.memory_space<vmem_shared>>
      tpu.wait_dma2 semaphore(%run_scoped3A : memref<!tpu.dma_semaphore, #tpu.memory_space<semaphore_mem>>) src(%arg10 : memref<128x128xf32, #tpu.memory_space<vmem>>) dst(%dma_wait3A_30 : memref<128x128xf32, #tpu.memory_space<vmem_shared>>)
      tpu.yield
    }) : () -> ()
    %add3A_10 = arith.constant 128 : i32
    %add3A_11 = arith.addi %mul3A_7, %add3A_10 : i32
    "tpu.region"() ({
      %run_scoped3A = tpu.sem_alloc : memref<!tpu.dma_semaphore, #tpu.memory_space<semaphore_mem>>
      %dma_start3A = arith.constant 0 : i32
      %dma_start3A_25 = tpu.memref_slice %arg11[%add3A_11, %dma_start3A] : memref<10240x128xf32, #tpu.memory_space<vmem_shared>> -> memref<128x128xf32, #tpu.memory_space<vmem_shared>>
      %dma_start3A_26 = arith.constant 0 : i32
      %dma_start3A_27 = tpu.memref_slice %arg11[%add3A_11, %dma_start3A_26] : memref<10240x128xf32, #tpu.memory_space<vmem_shared>> -> memref<128x128xf32, #tpu.memory_space<vmem_shared>>
      tpu.enqueue_dma source(%arg10 : memref<128x128xf32, #tpu.memory_space<vmem>>) target(%dma_start3A_27 : memref<128x128xf32, #tpu.memory_space<vmem_shared>>) target_semaphore(%run_scoped3A : memref<!tpu.dma_semaphore, #tpu.memory_space<semaphore_mem>>)
      %dma_wait3A = arith.constant 0 : i32
      %dma_wait3A_28 = tpu.memref_slice %arg11[%add3A_11, %dma_wait3A] : memref<10240x128xf32, #tpu.memory_space<vmem_shared>> -> memref<128x128xf32, #tpu.memory_space<vmem_shared>>
      %dma_wait3A_29 = arith.constant 0 : i32
      %dma_wait3A_30 = tpu.memref_slice %arg11[%add3A_11, %dma_wait3A_29] : memref<10240x128xf32, #tpu.memory_space<vmem_shared>> -> memref<128x128xf32, #tpu.memory_space<vmem_shared>>
      tpu.wait_dma2 semaphore(%run_scoped3A : memref<!tpu.dma_semaphore, #tpu.memory_space<semaphore_mem>>) src(%arg10 : memref<128x128xf32, #tpu.memory_space<vmem>>) dst(%dma_wait3A_30 : memref<128x128xf32, #tpu.memory_space<vmem_shared>>)
      tpu.yield
    }) : () -> ()
    %add3A_12 = arith.constant 256 : i32
    %add3A_13 = arith.addi %mul3A_7, %add3A_12 : i32
    "tpu.region"() ({
      %run_scoped3A = tpu.sem_alloc : memref<!tpu.dma_semaphore, #tpu.memory_space<semaphore_mem>>
      %dma_start3A = arith.constant 0 : i32
      %dma_start3A_25 = tpu.memref_slice %arg11[%add3A_13, %dma_start3A] : memref<10240x128xf32, #tpu.memory_space<vmem_shared>> -> memref<128x128xf32, #tpu.memory_space<vmem_shared>>
      %dma_start3A_26 = arith.constant 0 : i32
      %dma_start3A_27 = tpu.memref_slice %arg11[%add3A_13, %dma_start3A_26] : memref<10240x128xf32, #tpu.memory_space<vmem_shared>> -> memref<128x128xf32, #tpu.memory_space<vmem_shared>>
      tpu.enqueue_dma source(%arg10 : memref<128x128xf32, #tpu.memory_space<vmem>>) target(%dma_start3A_27 : memref<128x128xf32, #tpu.memory_space<vmem_shared>>) target_semaphore(%run_scoped3A : memref<!tpu.dma_semaphore, #tpu.memory_space<semaphore_mem>>)
      %dma_wait3A = arith.constant 0 : i32
      %dma_wait3A_28 = tpu.memref_slice %arg11[%add3A_13, %dma_wait3A] : memref<10240x128xf32, #tpu.memory_space<vmem_shared>> -> memref<128x128xf32, #tpu.memory_space<vmem_shared>>
      %dma_wait3A_29 = arith.constant 0 : i32
      %dma_wait3A_30 = tpu.memref_slice %arg11[%add3A_13, %dma_wait3A_29] : memref<10240x128xf32, #tpu.memory_space<vmem_shared>> -> memref<128x128xf32, #tpu.memory_space<vmem_shared>>
      tpu.wait_dma2 semaphore(%run_scoped3A : memref<!tpu.dma_semaphore, #tpu.memory_space<semaphore_mem>>) src(%arg10 : memref<128x128xf32, #tpu.memory_space<vmem>>) dst(%dma_wait3A_30 : memref<128x128xf32, #tpu.memory_space<vmem_shared>>)
      tpu.yield
    }) : () -> ()
    %add3A_14 = arith.constant 384 : i32
    %add3A_15 = arith.addi %mul3A_7, %add3A_14 : i32
    "tpu.region"() ({
      %run_scoped3A = tpu.sem_alloc : memref<!tpu.dma_semaphore, #tpu.memory_space<semaphore_mem>>
      %dma_start3A = arith.constant 0 : i32
      %dma_start3A_25 = tpu.memref_slice %arg11[%add3A_15, %dma_start3A] : memref<10240x128xf32, #tpu.memory_space<vmem_shared>> -> memref<128x128xf32, #tpu.memory_space<vmem_shared>>
      %dma_start3A_26 = arith.constant 0 : i32
      %dma_start3A_27 = tpu.memref_slice %arg11[%add3A_15, %dma_start3A_26] : memref<10240x128xf32, #tpu.memory_space<vmem_shared>> -> memref<128x128xf32, #tpu.memory_space<vmem_shared>>
      tpu.enqueue_dma source(%arg10 : memref<128x128xf32, #tpu.memory_space<vmem>>) target(%dma_start3A_27 : memref<128x128xf32, #tpu.memory_space<vmem_shared>>) target_semaphore(%run_scoped3A : memref<!tpu.dma_semaphore, #tpu.memory_space<semaphore_mem>>)
      %dma_wait3A = arith.constant 0 : i32
      %dma_wait3A_28 = tpu.memref_slice %arg11[%add3A_15, %dma_wait3A] : memref<10240x128xf32, #tpu.memory_space<vmem_shared>> -> memref<128x128xf32, #tpu.memory_space<vmem_shared>>
      %dma_wait3A_29 = arith.constant 0 : i32
      %dma_wait3A_30 = tpu.memref_slice %arg11[%add3A_15, %dma_wait3A_29] : memref<10240x128xf32, #tpu.memory_space<vmem_shared>> -> memref<128x128xf32, #tpu.memory_space<vmem_shared>>
      tpu.wait_dma2 semaphore(%run_scoped3A : memref<!tpu.dma_semaphore, #tpu.memory_space<semaphore_mem>>) src(%arg10 : memref<128x128xf32, #tpu.memory_space<vmem>>) dst(%dma_wait3A_30 : memref<128x128xf32, #tpu.memory_space<vmem_shared>>)
      tpu.yield
    }) : () -> ()
    %add3A_16 = arith.constant 512 : i32
    %add3A_17 = arith.addi %mul3A_7, %add3A_16 : i32
    "tpu.region"() ({
      %run_scoped3A = tpu.sem_alloc : memref<!tpu.dma_semaphore, #tpu.memory_space<semaphore_mem>>
      %dma_start3A = arith.constant 0 : i32
      %dma_start3A_25 = tpu.memref_slice %arg11[%add3A_17, %dma_start3A] : memref<10240x128xf32, #tpu.memory_space<vmem_shared>> -> memref<128x128xf32, #tpu.memory_space<vmem_shared>>
      %dma_start3A_26 = arith.constant 0 : i32
      %dma_start3A_27 = tpu.memref_slice %arg11[%add3A_17, %dma_start3A_26] : memref<10240x128xf32, #tpu.memory_space<vmem_shared>> -> memref<128x128xf32, #tpu.memory_space<vmem_shared>>
      tpu.enqueue_dma source(%arg10 : memref<128x128xf32, #tpu.memory_space<vmem>>) target(%dma_start3A_27 : memref<128x128xf32, #tpu.memory_space<vmem_shared>>) target_semaphore(%run_scoped3A : memref<!tpu.dma_semaphore, #tpu.memory_space<semaphore_mem>>)
      %dma_wait3A = arith.constant 0 : i32
      %dma_wait3A_28 = tpu.memref_slice %arg11[%add3A_17, %dma_wait3A] : memref<10240x128xf32, #tpu.memory_space<vmem_shared>> -> memref<128x128xf32, #tpu.memory_space<vmem_shared>>
      %dma_wait3A_29 = arith.constant 0 : i32
      %dma_wait3A_30 = tpu.memref_slice %arg11[%add3A_17, %dma_wait3A_29] : memref<10240x128xf32, #tpu.memory_space<vmem_shared>> -> memref<128x128xf32, #tpu.memory_space<vmem_shared>>
      tpu.wait_dma2 semaphore(%run_scoped3A : memref<!tpu.dma_semaphore, #tpu.memory_space<semaphore_mem>>) src(%arg10 : memref<128x128xf32, #tpu.memory_space<vmem>>) dst(%dma_wait3A_30 : memref<128x128xf32, #tpu.memory_space<vmem_shared>>)
      tpu.yield
    }) : () -> ()
    %barrier3A = arith.constant 0 : index
    tpu.barrier barrier_id(%barrier3A)
    "tpu.region"() ({
      %run_scoped3A = tpu.sem_alloc : memref<!tpu.dma_semaphore, #tpu.memory_space<semaphore_mem>>
      %dma_start3A = arith.constant 0 : i32
      %dma_start3A_25 = arith.constant 0 : i32
      %dma_start3A_26 = tpu.memref_slice %arg3[%add3A, %dma_start3A, %dma_start3A_25] : memref<32x79x128xi32, #tpu.memory_space<hbm>> -> memref<1x79x128xi32, #tpu.memory_space<hbm>>
      %dma_start3A_27 = tpu.memref_squeeze %dma_start3A_26 : memref<1x79x128xi32, #tpu.memory_space<hbm>> -> memref<79x128xi32, #tpu.memory_space<hbm>>
      %dma_start3A_28 = arith.constant 0 : i32
      %dma_start3A_29 = arith.constant 0 : i32
      %dma_start3A_30 = tpu.memref_slice %arg3[%add3A, %dma_start3A_28, %dma_start3A_29] : memref<32x79x128xi32, #tpu.memory_space<hbm>> -> memref<1x79x128xi32, #tpu.memory_space<hbm>>
      %dma_start3A_31 = tpu.memref_squeeze %dma_start3A_30 : memref<1x79x128xi32, #tpu.memory_space<hbm>> -> memref<79x128xi32, #tpu.memory_space<hbm>>
      tpu.enqueue_dma source(%dma_start3A_31 : memref<79x128xi32, #tpu.memory_space<hbm>>) target(%arg7 : memref<79x128xi32, #tpu.memory_space<vmem>>) target_semaphore(%run_scoped3A : memref<!tpu.dma_semaphore, #tpu.memory_space<semaphore_mem>>)
      %dma_wait3A = arith.constant 0 : i32
      %dma_wait3A_32 = arith.constant 0 : i32
      %dma_wait3A_33 = tpu.memref_slice %arg3[%add3A, %dma_wait3A, %dma_wait3A_32] : memref<32x79x128xi32, #tpu.memory_space<hbm>> -> memref<1x79x128xi32, #tpu.memory_space<hbm>>
      %dma_wait3A_34 = tpu.memref_squeeze %dma_wait3A_33 : memref<1x79x128xi32, #tpu.memory_space<hbm>> -> memref<79x128xi32, #tpu.memory_space<hbm>>
      %dma_wait3A_35 = arith.constant 0 : i32
      %dma_wait3A_36 = arith.constant 0 : i32
      %dma_wait3A_37 = tpu.memref_slice %arg3[%add3A, %dma_wait3A_35, %dma_wait3A_36] : memref<32x79x128xi32, #tpu.memory_space<hbm>> -> memref<1x79x128xi32, #tpu.memory_space<hbm>>
      %dma_wait3A_38 = tpu.memref_squeeze %dma_wait3A_37 : memref<1x79x128xi32, #tpu.memory_space<hbm>> -> memref<79x128xi32, #tpu.memory_space<hbm>>
      tpu.wait_dma2 semaphore(%run_scoped3A : memref<!tpu.dma_semaphore, #tpu.memory_space<semaphore_mem>>) src(%dma_wait3A_38 : memref<79x128xi32, #tpu.memory_space<hbm>>) dst(%arg7 : memref<79x128xi32, #tpu.memory_space<vmem>>)
      tpu.yield
    }) : () -> ()
    "tpu.region"() ({
      %run_scoped3A = tpu.sem_alloc : memref<!tpu.dma_semaphore, #tpu.memory_space<semaphore_mem>>
      %dma_start3A = arith.constant 0 : i32
      %dma_start3A_25 = arith.constant 0 : i32
      %dma_start3A_26 = tpu.memref_slice %arg4[%add3A, %dma_start3A, %dma_start3A_25] : memref<32x79x128xi32, #tpu.memory_space<hbm>> -> memref<1x79x128xi32, #tpu.memory_space<hbm>>
      %dma_start3A_27 = tpu.memref_squeeze %dma_start3A_26 : memref<1x79x128xi32, #tpu.memory_space<hbm>> -> memref<79x128xi32, #tpu.memory_space<hbm>>
      %dma_start3A_28 = arith.constant 0 : i32
      %dma_start3A_29 = arith.constant 0 : i32
      %dma_start3A_30 = tpu.memref_slice %arg4[%add3A, %dma_start3A_28, %dma_start3A_29] : memref<32x79x128xi32, #tpu.memory_space<hbm>> -> memref<1x79x128xi32, #tpu.memory_space<hbm>>
      %dma_start3A_31 = tpu.memref_squeeze %dma_start3A_30 : memref<1x79x128xi32, #tpu.memory_space<hbm>> -> memref<79x128xi32, #tpu.memory_space<hbm>>
      tpu.enqueue_dma source(%dma_start3A_31 : memref<79x128xi32, #tpu.memory_space<hbm>>) target(%arg8 : memref<79x128xi32, #tpu.memory_space<vmem>>) target_semaphore(%run_scoped3A : memref<!tpu.dma_semaphore, #tpu.memory_space<semaphore_mem>>)
      %dma_wait3A = arith.constant 0 : i32
      %dma_wait3A_32 = arith.constant 0 : i32
      %dma_wait3A_33 = tpu.memref_slice %arg4[%add3A, %dma_wait3A, %dma_wait3A_32] : memref<32x79x128xi32, #tpu.memory_space<hbm>> -> memref<1x79x128xi32, #tpu.memory_space<hbm>>
      %dma_wait3A_34 = tpu.memref_squeeze %dma_wait3A_33 : memref<1x79x128xi32, #tpu.memory_space<hbm>> -> memref<79x128xi32, #tpu.memory_space<hbm>>
      %dma_wait3A_35 = arith.constant 0 : i32
      %dma_wait3A_36 = arith.constant 0 : i32
      %dma_wait3A_37 = tpu.memref_slice %arg4[%add3A, %dma_wait3A_35, %dma_wait3A_36] : memref<32x79x128xi32, #tpu.memory_space<hbm>> -> memref<1x79x128xi32, #tpu.memory_space<hbm>>
      %dma_wait3A_38 = tpu.memref_squeeze %dma_wait3A_37 : memref<1x79x128xi32, #tpu.memory_space<hbm>> -> memref<79x128xi32, #tpu.memory_space<hbm>>
      tpu.wait_dma2 semaphore(%run_scoped3A : memref<!tpu.dma_semaphore, #tpu.memory_space<semaphore_mem>>) src(%dma_wait3A_38 : memref<79x128xi32, #tpu.memory_space<hbm>>) dst(%arg8 : memref<79x128xi32, #tpu.memory_space<vmem>>)
      tpu.yield
    }) : () -> ()
    "tpu.region"() ({
      %run_scoped3A = tpu.sem_alloc : memref<!tpu.dma_semaphore, #tpu.memory_space<semaphore_mem>>
      %dma_start3A = arith.constant 0 : i32
      %dma_start3A_25 = arith.constant 0 : i32
      %dma_start3A_26 = tpu.memref_slice %arg5[%add3A, %dma_start3A, %dma_start3A_25] : memref<32x79x128xf32, #tpu.memory_space<hbm>> -> memref<1x79x128xf32, #tpu.memory_space<hbm>>
      %dma_start3A_27 = tpu.memref_squeeze %dma_start3A_26 : memref<1x79x128xf32, #tpu.memory_space<hbm>> -> memref<79x128xf32, #tpu.memory_space<hbm>>
      %dma_start3A_28 = arith.constant 0 : i32
      %dma_start3A_29 = arith.constant 0 : i32
      %dma_start3A_30 = tpu.memref_slice %arg5[%add3A, %dma_start3A_28, %dma_start3A_29] : memref<32x79x128xf32, #tpu.memory_space<hbm>> -> memref<1x79x128xf32, #tpu.memory_space<hbm>>
      %dma_start3A_31 = tpu.memref_squeeze %dma_start3A_30 : memref<1x79x128xf32, #tpu.memory_space<hbm>> -> memref<79x128xf32, #tpu.memory_space<hbm>>
      tpu.enqueue_dma source(%dma_start3A_31 : memref<79x128xf32, #tpu.memory_space<hbm>>) target(%arg9 : memref<79x128xf32, #tpu.memory_space<vmem>>) target_semaphore(%run_scoped3A : memref<!tpu.dma_semaphore, #tpu.memory_space<semaphore_mem>>)
      %dma_wait3A = arith.constant 0 : i32
      %dma_wait3A_32 = arith.constant 0 : i32
      %dma_wait3A_33 = tpu.memref_slice %arg5[%add3A, %dma_wait3A, %dma_wait3A_32] : memref<32x79x128xf32, #tpu.memory_space<hbm>> -> memref<1x79x128xf32, #tpu.memory_space<hbm>>
      %dma_wait3A_34 = tpu.memref_squeeze %dma_wait3A_33 : memref<1x79x128xf32, #tpu.memory_space<hbm>> -> memref<79x128xf32, #tpu.memory_space<hbm>>
      %dma_wait3A_35 = arith.constant 0 : i32
      %dma_wait3A_36 = arith.constant 0 : i32
      %dma_wait3A_37 = tpu.memref_slice %arg5[%add3A, %dma_wait3A_35, %dma_wait3A_36] : memref<32x79x128xf32, #tpu.memory_space<hbm>> -> memref<1x79x128xf32, #tpu.memory_space<hbm>>
      %dma_wait3A_38 = tpu.memref_squeeze %dma_wait3A_37 : memref<1x79x128xf32, #tpu.memory_space<hbm>> -> memref<79x128xf32, #tpu.memory_space<hbm>>
      tpu.wait_dma2 semaphore(%run_scoped3A : memref<!tpu.dma_semaphore, #tpu.memory_space<semaphore_mem>>) src(%dma_wait3A_38 : memref<79x128xf32, #tpu.memory_space<hbm>>) dst(%arg9 : memref<79x128xf32, #tpu.memory_space<vmem>>)
      tpu.yield
    }) : () -> ()
    %scan3A_18 = arith.constant 0 : i32
    %scan3A_19 = arith.constant 0 : i32
    %scan3A_20 = arith.constant 79 : i32
    %scan3A_21 = arith.addi %scan3A_19, %scan3A_20 : i32
    %scan3A_22 = arith.constant 1 : i32
    scf.for %scan3A_25 = %scan3A_19 to %scan3A_21 step %scan3A_22  : i32 {
      "tpu.region"() ({
        %run_scoped3A = tpu.sem_alloc : memref<!tpu.dma_semaphore, #tpu.memory_space<semaphore_mem>>
        %dma_start3A = arith.constant 0 : i32
        %dma_start3A_32 = tpu.memref_slice %arg7[%scan3A_25, %dma_start3A] : memref<79x128xi32, #tpu.memory_space<vmem>> -> memref<1x128xi32, #tpu.memory_space<vmem>>
        %dma_start3A_33 = tpu.memref_squeeze %dma_start3A_32 : memref<1x128xi32, #tpu.memory_space<vmem>> -> memref<128xi32, #tpu.memory_space<vmem>>
        %dma_start3A_34 = arith.constant 0 : i32
        %dma_start3A_35 = arith.constant 0 : i32
        %dma_start3A_36 = tpu.memref_slice %arg2[%dma_start3A_34, %dma_start3A_35] : memref<10000x128xf32, #tpu.memory_space<hbm>> -> memref<10000x128xf32, #tpu.memory_space<hbm>>
        tpu.enqueue_indirect_dma source(%dma_start3A_36 : memref<10000x128xf32, #tpu.memory_space<hbm>>) target(%arg10 : memref<128x128xf32, #tpu.memory_space<vmem>>) offsets(%dma_start3A_33 : memref<128xi32, #tpu.memory_space<vmem>>) semaphore(%run_scoped3A : memref<!tpu.dma_semaphore, #tpu.memory_space<semaphore_mem>>)
        %dma_wait3A = arith.constant 0 : i32
        %dma_wait3A_37 = tpu.memref_slice %arg7[%scan3A_25, %dma_wait3A] : memref<79x128xi32, #tpu.memory_space<vmem>> -> memref<1x128xi32, #tpu.memory_space<vmem>>
        %dma_wait3A_38 = tpu.memref_squeeze %dma_wait3A_37 : memref<1x128xi32, #tpu.memory_space<vmem>> -> memref<128xi32, #tpu.memory_space<vmem>>
        %dma_wait3A_39 = arith.constant 0 : i32
        %dma_wait3A_40 = arith.constant 0 : i32
        %dma_wait3A_41 = tpu.memref_slice %arg2[%dma_wait3A_39, %dma_wait3A_40] : memref<10000x128xf32, #tpu.memory_space<hbm>> -> memref<10000x128xf32, #tpu.memory_space<hbm>>
        tpu.wait_indirect_dma semaphore(%run_scoped3A : memref<!tpu.dma_semaphore, #tpu.memory_space<semaphore_mem>>) src(%dma_wait3A_41 : memref<10000x128xf32, #tpu.memory_space<hbm>>) dst(%arg10 : memref<128x128xf32, #tpu.memory_space<vmem>>)
        tpu.yield
      }) : () -> ()
      %scan3A_26 = arith.constant 0 : i32
      %scan3A_27 = arith.constant 0 : i32
      %scan3A_28 = arith.constant 8 : i32
      %scan3A_29 = arith.addi %scan3A_27, %scan3A_28 : i32
      %scan3A_30 = arith.constant 1 : i32
      scf.for %scan3A_32 = %scan3A_27 to %scan3A_29 step %scan3A_30  : i32 {
        %mul3A_33 = arith.constant 16 : i32
        %mul3A_34 = arith.muli %scan3A_32, %mul3A_33 : i32
        %get3A = arith.index_cast %scan3A_25 : i32 to index
        %get3A_35 = arith.index_cast %mul3A_34 : i32 to index
        %get3A_36 = tpu.vector_load %arg9[%get3A, %get3A_35] {strides = array<i32>} : memref<79x128xf32, #tpu.memory_space<vmem>>, vector<1x16xf32>,
        %get3A_37 = vector.shape_cast %get3A_36 : vector<1x16xf32> to vector<16xf32>
        %mul3A_38 = arith.constant 16 : i32
        %mul3A_39 = arith.muli %scan3A_32, %mul3A_38 : i32
        %add3A_40 = arith.constant 0 : i32
        %add3A_41 = arith.addi %mul3A_39, %add3A_40 : i32
        %get3A_42 = arith.index_cast %add3A_41 : i32 to index
        %get3A_43 = arith.constant 0 : index
        %get3A_44 = tpu.vector_load %arg10[%get3A_42, %get3A_43] {strides = array<i32>} : memref<128x128xf32, #tpu.memory_space<vmem>>, vector<1x16xf32>,
        %get3A_45 = vector.shape_cast %get3A_44 : vector<1x16xf32> to vector<16xf32>
        %slice3A = vector.extract_strided_slice %get3A_37 {offsets = [0], sizes = [1], strides = [1]} : vector<16xf32> to vector<1xf32>
        %squeeze3A = vector.extract %slice3A[0] : f32 from vector<1xf32>
        %mul3A_46 = vector.broadcast %squeeze3A : f32 to vector<16xf32>
        %mul3A_47 = arith.mulf %get3A_45, %mul3A_46 : vector<16xf32>
        %swap3A = arith.index_cast %add3A_41 : i32 to index
        %swap3A_48 = arith.constant 0 : index
        %swap3A_49 = tpu.vector_load %arg10[%swap3A, %swap3A_48] {strides = array<i32>} : memref<128x128xf32, #tpu.memory_space<vmem>>, vector<1x16xf32>,
        %swap3A_50 = vector.shape_cast %swap3A_49 : vector<1x16xf32> to vector<16xf32>
        %swap3A_51 = vector.shape_cast %mul3A_47 : vector<16xf32> to vector<1x16xf32>
        tpu.vector_store %arg10[%swap3A, %swap3A_48], %swap3A_51 {strides = array<i32>} : memref<128x128xf32, #tpu.memory_space<vmem>>, vector<1x16xf32>,
        %get3A_52 = arith.index_cast %add3A_41 : i32 to index
        %get3A_53 = arith.constant 16 : index
        %get3A_54 = tpu.vector_load %arg10[%get3A_52, %get3A_53] {strides = array<i32>} : memref<128x128xf32, #tpu.memory_space<vmem>>, vector<1x16xf32>,
        %get3A_55 = vector.shape_cast %get3A_54 : vector<1x16xf32> to vector<16xf32>
        %slice3A_56 = vector.extract_strided_slice %get3A_37 {offsets = [0], sizes = [1], strides = [1]} : vector<16xf32> to vector<1xf32>
        %squeeze3A_57 = vector.extract %slice3A_56[0] : f32 from vector<1xf32>
        %mul3A_58 = vector.broadcast %squeeze3A_57 : f32 to vector<16xf32>
        %mul3A_59 = arith.mulf %get3A_55, %mul3A_58 : vector<16xf32>
        %swap3A_60 = arith.index_cast %add3A_41 : i32 to index
        %swap3A_61 = arith.constant 16 : index
        %swap3A_62 = tpu.vector_load %arg10[%swap3A_60, %swap3A_61] {strides = array<i32>} : memref<128x128xf32, #tpu.memory_space<vmem>>, vector<1x16xf32>,
        %swap3A_63 = vector.shape_cast %swap3A_62 : vector<1x16xf32> to vector<16xf32>
        %swap3A_64 = vector.shape_cast %mul3A_59 : vector<16xf32> to vector<1x16xf32>
        tpu.vector_store %arg10[%swap3A_60, %swap3A_61], %swap3A_64 {strides = array<i32>} : memref<128x128xf32, #tpu.memory_space<vmem>>, vector<1x16xf32>,
        %get3A_65 = arith.index_cast %add3A_41 : i32 to index
        %get3A_66 = arith.constant 32 : index
        %get3A_67 = tpu.vector_load %arg10[%get3A_65, %get3A_66] {strides = array<i32>} : memref<128x128xf32, #tpu.memory_space<vmem>>, vector<1x16xf32>,
        %get3A_68 = vector.shape_cast %get3A_67 : vector<1x16xf32> to vector<16xf32>
        %slice3A_69 = vector.extract_strided_slice %get3A_37 {offsets = [0], sizes = [1], strides = [1]} : vector<16xf32> to vector<1xf32>
        %squeeze3A_70 = vector.extract %slice3A_69[0] : f32 from vector<1xf32>
        %mul3A_71 = vector.broadcast %squeeze3A_70 : f32 to vector<16xf32>
        %mul3A_72 = arith.mulf %get3A_68, %mul3A_71 : vector<16xf32>
        %swap3A_73 = arith.index_cast %add3A_41 : i32 to index
        %swap3A_74 = arith.constant 32 : index
        %swap3A_75 = tpu.vector_load %arg10[%swap3A_73, %swap3A_74] {strides = array<i32>} : memref<128x128xf32, #tpu.memory_space<vmem>>, vector<1x16xf32>,
        %swap3A_76 = vector.shape_cast %swap3A_75 : vector<1x16xf32> to vector<16xf32>
        %swap3A_77 = vector.shape_cast %mul3A_72 : vector<16xf32> to vector<1x16xf32>
        tpu.vector_store %arg10[%swap3A_73, %swap3A_74], %swap3A_77 {strides = array<i32>} : memref<128x128xf32, #tpu.memory_space<vmem>>, vector<1x16xf32>,
        %get3A_78 = arith.index_cast %add3A_41 : i32 to index
        %get3A_79 = arith.constant 48 : index
        %get3A_80 = tpu.vector_load %arg10[%get3A_78, %get3A_79] {strides = array<i32>} : memref<128x128xf32, #tpu.memory_space<vmem>>, vector<1x16xf32>,
        %get3A_81 = vector.shape_cast %get3A_80 : vector<1x16xf32> to vector<16xf32>
        %slice3A_82 = vector.extract_strided_slice %get3A_37 {offsets = [0], sizes = [1], strides = [1]} : vector<16xf32> to vector<1xf32>
        %squeeze3A_83 = vector.extract %slice3A_82[0] : f32 from vector<1xf32>
        %mul3A_84 = vector.broadcast %squeeze3A_83 : f32 to vector<16xf32>
        %mul3A_85 = arith.mulf %get3A_81, %mul3A_84 : vector<16xf32>
        %swap3A_86 = arith.index_cast %add3A_41 : i32 to index
        %swap3A_87 = arith.constant 48 : index
        %swap3A_88 = tpu.vector_load %arg10[%swap3A_86, %swap3A_87] {strides = array<i32>} : memref<128x128xf32, #tpu.memory_space<vmem>>, vector<1x16xf32>,
        %swap3A_89 = vector.shape_cast %swap3A_88 : vector<1x16xf32> to vector<16xf32>
        %swap3A_90 = vector.shape_cast %mul3A_85 : vector<16xf32> to vector<1x16xf32>
        tpu.vector_store %arg10[%swap3A_86, %swap3A_87], %swap3A_90 {strides = array<i32>} : memref<128x128xf32, #tpu.memory_space<vmem>>, vector<1x16xf32>,
        %get3A_91 = arith.index_cast %add3A_41 : i32 to index
        %get3A_92 = arith.constant 64 : index
        %get3A_93 = tpu.vector_load %arg10[%get3A_91, %get3A_92] {strides = array<i32>} : memref<128x128xf32, #tpu.memory_space<vmem>>, vector<1x16xf32>,
        %get3A_94 = vector.shape_cast %get3A_93 : vector<1x16xf32> to vector<16xf32>
        %slice3A_95 = vector.extract_strided_slice %get3A_37 {offsets = [0], sizes = [1], strides = [1]} : vector<16xf32> to vector<1xf32>
        %squeeze3A_96 = vector.extract %slice3A_95[0] : f32 from vector<1xf32>
        %mul3A_97 = vector.broadcast %squeeze3A_96 : f32 to vector<16xf32>
        %mul3A_98 = arith.mulf %get3A_94, %mul3A_97 : vector<16xf32>
        %swap3A_99 = arith.index_cast %add3A_41 : i32 to index
        %swap3A_100 = arith.constant 64 : index
        %swap3A_101 = tpu.vector_load %arg10[%swap3A_99, %swap3A_100] {strides = array<i32>} : memref<128x128xf32, #tpu.memory_space<vmem>>, vector<1x16xf32>,
        %swap3A_102 = vector.shape_cast %swap3A_101 : vector<1x16xf32> to vector<16xf32>
        %swap3A_103 = vector.shape_cast %mul3A_98 : vector<16xf32> to vector<1x16xf32>
        tpu.vector_store %arg10[%swap3A_99, %swap3A_100], %swap3A_103 {strides = array<i32>} : memref<128x128xf32, #tpu.memory_space<vmem>>, vector<1x16xf32>,
        %get3A_104 = arith.index_cast %add3A_41 : i32 to index
        %get3A_105 = arith.constant 80 : index
        %get3A_106 = tpu.vector_load %arg10[%get3A_104, %get3A_105] {strides = array<i32>} : memref<128x128xf32, #tpu.memory_space<vmem>>, vector<1x16xf32>,
        %get3A_107 = vector.shape_cast %get3A_106 : vector<1x16xf32> to vector<16xf32>
        %slice3A_108 = vector.extract_strided_slice %get3A_37 {offsets = [0], sizes = [1], strides = [1]} : vector<16xf32> to vector<1xf32>
        %squeeze3A_109 = vector.extract %slice3A_108[0] : f32 from vector<1xf32>
        %mul3A_110 = vector.broadcast %squeeze3A_109 : f32 to vector<16xf32>
        %mul3A_111 = arith.mulf %get3A_107, %mul3A_110 : vector<16xf32>
        %swap3A_112 = arith.index_cast %add3A_41 : i32 to index
        %swap3A_113 = arith.constant 80 : index
        %swap3A_114 = tpu.vector_load %arg10[%swap3A_112, %swap3A_113] {strides = array<i32>} : memref<128x128xf32, #tpu.memory_space<vmem>>, vector<1x16xf32>,
        %swap3A_115 = vector.shape_cast %swap3A_114 : vector<1x16xf32> to vector<16xf32>
        %swap3A_116 = vector.shape_cast %mul3A_111 : vector<16xf32> to vector<1x16xf32>
        tpu.vector_store %arg10[%swap3A_112, %swap3A_113], %swap3A_116 {strides = array<i32>} : memref<128x128xf32, #tpu.memory_space<vmem>>, vector<1x16xf32>,
        %get3A_117 = arith.index_cast %add3A_41 : i32 to index
        %get3A_118 = arith.constant 96 : index
        %get3A_119 = tpu.vector_load %arg10[%get3A_117, %get3A_118] {strides = array<i32>} : memref<128x128xf32, #tpu.memory_space<vmem>>, vector<1x16xf32>,
        %get3A_120 = vector.shape_cast %get3A_119 : vector<1x16xf32> to vector<16xf32>
        %slice3A_121 = vector.extract_strided_slice %get3A_37 {offsets = [0], sizes = [1], strides = [1]} : vector<16xf32> to vector<1xf32>
        %squeeze3A_122 = vector.extract %slice3A_121[0] : f32 from vector<1xf32>
        %mul3A_123 = vector.broadcast %squeeze3A_122 : f32 to vector<16xf32>
        %mul3A_124 = arith.mulf %get3A_120, %mul3A_123 : vector<16xf32>
        %swap3A_125 = arith.index_cast %add3A_41 : i32 to index
        %swap3A_126 = arith.constant 96 : index
        %swap3A_127 = tpu.vector_load %arg10[%swap3A_125, %swap3A_126] {strides = array<i32>} : memref<128x128xf32, #tpu.memory_space<vmem>>, vector<1x16xf32>,
        %swap3A_128 = vector.shape_cast %swap3A_127 : vector<1x16xf32> to vector<16xf32>
        %swap3A_129 = vector.shape_cast %mul3A_124 : vector<16xf32> to vector<1x16xf32>
        tpu.vector_store %arg10[%swap3A_125, %swap3A_126], %swap3A_129 {strides = array<i32>} : memref<128x128xf32, #tpu.memory_space<vmem>>, vector<1x16xf32>,
        %get3A_130 = arith.index_cast %add3A_41 : i32 to index
        %get3A_131 = arith.constant 112 : index
        %get3A_132 = tpu.vector_load %arg10[%get3A_130, %get3A_131] {strides = array<i32>} : memref<128x128xf32, #tpu.memory_space<vmem>>, vector<1x16xf32>,
        %get3A_133 = vector.shape_cast %get3A_132 : vector<1x16xf32> to vector<16xf32>
        %slice3A_134 = vector.extract_strided_slice %get3A_37 {offsets = [0], sizes = [1], strides = [1]} : vector<16xf32> to vector<1xf32>
        %squeeze3A_135 = vector.extract %slice3A_134[0] : f32 from vector<1xf32>
        %mul3A_136 = vector.broadcast %squeeze3A_135 : f32 to vector<16xf32>
        %mul3A_137 = arith.mulf %get3A_133, %mul3A_136 : vector<16xf32>
        %swap3A_138 = arith.index_cast %add3A_41 : i32 to index
        %swap3A_139 = arith.constant 112 : index
        %swap3A_140 = tpu.vector_load %arg10[%swap3A_138, %swap3A_139] {strides = array<i32>} : memref<128x128xf32, #tpu.memory_space<vmem>>, vector<1x16xf32>,
        %swap3A_141 = vector.shape_cast %swap3A_140 : vector<1x16xf32> to vector<16xf32>
        %swap3A_142 = vector.shape_cast %mul3A_137 : vector<16xf32> to vector<1x16xf32>
        tpu.vector_store %arg10[%swap3A_138, %swap3A_139], %swap3A_142 {strides = array<i32>} : memref<128x128xf32, #tpu.memory_space<vmem>>, vector<1x16xf32>,
        %mul3A_143 = arith.constant 16 : i32
        %mul3A_144 = arith.muli %scan3A_32, %mul3A_143 : i32
        %add3A_145 = arith.constant 1 : i32
        %add3A_146 = arith.addi %mul3A_144, %add3A_145 : i32
        %get3A_147 = arith.index_cast %add3A_146 : i32 to index
        %get3A_148 = arith.constant 0 : index
        %get3A_149 = tpu.vector_load %arg10[%get3A_147, %get3A_148] {strides = array<i32>} : memref<128x128xf32, #tpu.memory_space<vmem>>, vector<1x16xf32>,
        %get3A_150 = vector.shape_cast %get3A_149 : vector<1x16xf32> to vector<16xf32>
        %slice3A_151 = vector.extract_strided_slice %get3A_37 {offsets = [1], sizes = [1], strides = [1]} : vector<16xf32> to vector<1xf32>
        %squeeze3A_152 = vector.extract %slice3A_151[0] : f32 from vector<1xf32>
        %mul3A_153 = vector.broadcast %squeeze3A_152 : f32 to vector<16xf32>
        %mul3A_154 = arith.mulf %get3A_150, %mul3A_153 : vector<16xf32>
        %swap3A_155 = arith.index_cast %add3A_146 : i32 to index
        %swap3A_156 = arith.constant 0 : index
        %swap3A_157 = tpu.vector_load %arg10[%swap3A_155, %swap3A_156] {strides = array<i32>} : memref<128x128xf32, #tpu.memory_space<vmem>>, vector<1x16xf32>,
        %swap3A_158 = vector.shape_cast %swap3A_157 : vector<1x16xf32> to vector<16xf32>
        %swap3A_159 = vector.shape_cast %mul3A_154 : vector<16xf32> to vector<1x16xf32>
        tpu.vector_store %arg10[%swap3A_155, %swap3A_156], %swap3A_159 {strides = array<i32>} : memref<128x128xf32, #tpu.memory_space<vmem>>, vector<1x16xf32>,
        %get3A_160 = arith.index_cast %add3A_146 : i32 to index
        %get3A_161 = arith.constant 16 : index
        %get3A_162 = tpu.vector_load %arg10[%get3A_160, %get3A_161] {strides = array<i32>} : memref<128x128xf32, #tpu.memory_space<vmem>>, vector<1x16xf32>,
        %get3A_163 = vector.shape_cast %get3A_162 : vector<1x16xf32> to vector<16xf32>
        %slice3A_164 = vector.extract_strided_slice %get3A_37 {offsets = [1], sizes = [1], strides = [1]} : vector<16xf32> to vector<1xf32>
        %squeeze3A_165 = vector.extract %slice3A_164[0] : f32 from vector<1xf32>
        %mul3A_166 = vector.broadcast %squeeze3A_165 : f32 to vector<16xf32>
        %mul3A_167 = arith.mulf %get3A_163, %mul3A_166 : vector<16xf32>
        %swap3A_168 = arith.index_cast %add3A_146 : i32 to index
        %swap3A_169 = arith.constant 16 : index
        %swap3A_170 = tpu.vector_load %arg10[%swap3A_168, %swap3A_169] {strides = array<i32>} : memref<128x128xf32, #tpu.memory_space<vmem>>, vector<1x16xf32>,
        %swap3A_171 = vector.shape_cast %swap3A_170 : vector<1x16xf32> to vector<16xf32>
        %swap3A_172 = vector.shape_cast %mul3A_167 : vector<16xf32> to vector<1x16xf32>
        tpu.vector_store %arg10[%swap3A_168, %swap3A_169], %swap3A_172 {strides = array<i32>} : memref<128x128xf32, #tpu.memory_space<vmem>>, vector<1x16xf32>,
        %get3A_173 = arith.index_cast %add3A_146 : i32 to index
        %get3A_174 = arith.constant 32 : index
        %get3A_175 = tpu.vector_load %arg10[%get3A_173, %get3A_174] {strides = array<i32>} : memref<128x128xf32, #tpu.memory_space<vmem>>, vector<1x16xf32>,
        %get3A_176 = vector.shape_cast %get3A_175 : vector<1x16xf32> to vector<16xf32>
        %slice3A_177 = vector.extract_strided_slice %get3A_37 {offsets = [1], sizes = [1], strides = [1]} : vector<16xf32> to vector<1xf32>
        %squeeze3A_178 = vector.extract %slice3A_177[0] : f32 from vector<1xf32>
        %mul3A_179 = vector.broadcast %squeeze3A_178 : f32 to vector<16xf32>
        %mul3A_180 = arith.mulf %get3A_176, %mul3A_179 : vector<16xf32>
        %swap3A_181 = arith.index_cast %add3A_146 : i32 to index
        %swap3A_182 = arith.constant 32 : index
        %swap3A_183 = tpu.vector_load %arg10[%swap3A_181, %swap3A_182] {strides = array<i32>} : memref<128x128xf32, #tpu.memory_space<vmem>>, vector<1x16xf32>,
        %swap3A_184 = vector.shape_cast %swap3A_183 : vector<1x16xf32> to vector<16xf32>
        %swap3A_185 = vector.shape_cast %mul3A_180 : vector<16xf32> to vector<1x16xf32>
        tpu.vector_store %arg10[%swap3A_181, %swap3A_182], %swap3A_185 {strides = array<i32>} : memref<128x128xf32, #tpu.memory_space<vmem>>, vector<1x16xf32>,
        %get3A_186 = arith.index_cast %add3A_146 : i32 to index
        %get3A_187 = arith.constant 48 : index
        %get3A_188 = tpu.vector_load %arg10[%get3A_186, %get3A_187] {strides = array<i32>} : memref<128x128xf32, #tpu.memory_space<vmem>>, vector<1x16xf32>,
        %get3A_189 = vector.shape_cast %get3A_188 : vector<1x16xf32> to vector<16xf32>
        %slice3A_190 = vector.extract_strided_slice %get3A_37 {offsets = [1], sizes = [1], strides = [1]} : vector<16xf32> to vector<1xf32>
        %squeeze3A_191 = vector.extract %slice3A_190[0] : f32 from vector<1xf32>
        %mul3A_192 = vector.broadcast %squeeze3A_191 : f32 to vector<16xf32>
        %mul3A_193 = arith.mulf %get3A_189, %mul3A_192 : vector<16xf32>
        %swap3A_194 = arith.index_cast %add3A_146 : i32 to index
        %swap3A_195 = arith.constant 48 : index
        %swap3A_196 = tpu.vector_load %arg10[%swap3A_194, %swap3A_195] {strides = array<i32>} : memref<128x128xf32, #tpu.memory_space<vmem>>, vector<1x16xf32>,
        %swap3A_197 = vector.shape_cast %swap3A_196 : vector<1x16xf32> to vector<16xf32>
        %swap3A_198 = vector.shape_cast %mul3A_193 : vector<16xf32> to vector<1x16xf32>
        tpu.vector_store %arg10[%swap3A_194, %swap3A_195], %swap3A_198 {strides = array<i32>} : memref<128x128xf32, #tpu.memory_space<vmem>>, vector<1x16xf32>,
        %get3A_199 = arith.index_cast %add3A_146 : i32 to index
        %get3A_200 = arith.constant 64 : index
        %get3A_201 = tpu.vector_load %arg10[%get3A_199, %get3A_200] {strides = array<i32>} : memref<128x128xf32, #tpu.memory_space<vmem>>, vector<1x16xf32>,
        %get3A_202 = vector.shape_cast %get3A_201 : vector<1x16xf32> to vector<16xf32>
        %slice3A_203 = vector.extract_strided_slice %get3A_37 {offsets = [1], sizes = [1], strides = [1]} : vector<16xf32> to vector<1xf32>
        %squeeze3A_204 = vector.extract %slice3A_203[0] : f32 from vector<1xf32>
        %mul3A_205 = vector.broadcast %squeeze3A_204 : f32 to vector<16xf32>
        %mul3A_206 = arith.mulf %get3A_202, %mul3A_205 : vector<16xf32>
        %swap3A_207 = arith.index_cast %add3A_146 : i32 to index
        %swap3A_208 = arith.constant 64 : index
        %swap3A_209 = tpu.vector_load %arg10[%swap3A_207, %swap3A_208] {strides = array<i32>} : memref<128x128xf32, #tpu.memory_space<vmem>>, vector<1x16xf32>,
        %swap3A_210 = vector.shape_cast %swap3A_209 : vector<1x16xf32> to vector<16xf32>
        %swap3A_211 = vector.shape_cast %mul3A_206 : vector<16xf32> to vector<1x16xf32>
        tpu.vector_store %arg10[%swap3A_207, %swap3A_208], %swap3A_211 {strides = array<i32>} : memref<128x128xf32, #tpu.memory_space<vmem>>, vector<1x16xf32>,
        %get3A_212 = arith.index_cast %add3A_146 : i32 to index
        %get3A_213 = arith.constant 80 : index
        %get3A_214 = tpu.vector_load %arg10[%get3A_212, %get3A_213] {strides = array<i32>} : memref<128x128xf32, #tpu.memory_space<vmem>>, vector<1x16xf32>,
        %get3A_215 = vector.shape_cast %get3A_214 : vector<1x16xf32> to vector<16xf32>
        %slice3A_216 = vector.extract_strided_slice %get3A_37 {offsets = [1], sizes = [1], strides = [1]} : vector<16xf32> to vector<1xf32>
        %squeeze3A_217 = vector.extract %slice3A_216[0] : f32 from vector<1xf32>
        %mul3A_218 = vector.broadcast %squeeze3A_217 : f32 to vector<16xf32>
        %mul3A_219 = arith.mulf %get3A_215, %mul3A_218 : vector<16xf32>
        %swap3A_220 = arith.index_cast %add3A_146 : i32 to index
        %swap3A_221 = arith.constant 80 : index
        %swap3A_222 = tpu.vector_load %arg10[%swap3A_220, %swap3A_221] {strides = array<i32>} : memref<128x128xf32, #tpu.memory_space<vmem>>, vector<1x16xf32>,
        %swap3A_223 = vector.shape_cast %swap3A_222 : vector<1x16xf32> to vector<16xf32>
        %swap3A_224 = vector.shape_cast %mul3A_219 : vector<16xf32> to vector<1x16xf32>
        tpu.vector_store %arg10[%swap3A_220, %swap3A_221], %swap3A_224 {strides = array<i32>} : memref<128x128xf32, #tpu.memory_space<vmem>>, vector<1x16xf32>,
        %get3A_225 = arith.index_cast %add3A_146 : i32 to index
        %get3A_226 = arith.constant 96 : index
        %get3A_227 = tpu.vector_load %arg10[%get3A_225, %get3A_226] {strides = array<i32>} : memref<128x128xf32, #tpu.memory_space<vmem>>, vector<1x16xf32>,
        %get3A_228 = vector.shape_cast %get3A_227 : vector<1x16xf32> to vector<16xf32>
        %slice3A_229 = vector.extract_strided_slice %get3A_37 {offsets = [1], sizes = [1], strides = [1]} : vector<16xf32> to vector<1xf32>
        %squeeze3A_230 = vector.extract %slice3A_229[0] : f32 from vector<1xf32>
        %mul3A_231 = vector.broadcast %squeeze3A_230 : f32 to vector<16xf32>
        %mul3A_232 = arith.mulf %get3A_228, %mul3A_231 : vector<16xf32>
        %swap3A_233 = arith.index_cast %add3A_146 : i32 to index
        %swap3A_234 = arith.constant 96 : index
        %swap3A_235 = tpu.vector_load %arg10[%swap3A_233, %swap3A_234] {strides = array<i32>} : memref<128x128xf32, #tpu.memory_space<vmem>>, vector<1x16xf32>,
        %swap3A_236 = vector.shape_cast %swap3A_235 : vector<1x16xf32> to vector<16xf32>
        %swap3A_237 = vector.shape_cast %mul3A_232 : vector<16xf32> to vector<1x16xf32>
        tpu.vector_store %arg10[%swap3A_233, %swap3A_234], %swap3A_237 {strides = array<i32>} : memref<128x128xf32, #tpu.memory_space<vmem>>, vector<1x16xf32>,
        %get3A_238 = arith.index_cast %add3A_146 : i32 to index
        %get3A_239 = arith.constant 112 : index
        %get3A_240 = tpu.vector_load %arg10[%get3A_238, %get3A_239] {strides = array<i32>} : memref<128x128xf32, #tpu.memory_space<vmem>>, vector<1x16xf32>,
        %get3A_241 = vector.shape_cast %get3A_240 : vector<1x16xf32> to vector<16xf32>
        %slice3A_242 = vector.extract_strided_slice %get3A_37 {offsets = [1], sizes = [1], strides = [1]} : vector<16xf32> to vector<1xf32>
        %squeeze3A_243 = vector.extract %slice3A_242[0] : f32 from vector<1xf32>
        %mul3A_244 = vector.broadcast %squeeze3A_243 : f32 to vector<16xf32>
        %mul3A_245 = arith.mulf %get3A_241, %mul3A_244 : vector<16xf32>
        %swap3A_246 = arith.index_cast %add3A_146 : i32 to index
        %swap3A_247 = arith.constant 112 : index
        %swap3A_248 = tpu.vector_load %arg10[%swap3A_246, %swap3A_247] {strides = array<i32>} : memref<128x128xf32, #tpu.memory_space<vmem>>, vector<1x16xf32>,
        %swap3A_249 = vector.shape_cast %swap3A_248 : vector<1x16xf32> to vector<16xf32>
        %swap3A_250 = vector.shape_cast %mul3A_245 : vector<16xf32> to vector<1x16xf32>
        tpu.vector_store %arg10[%swap3A_246, %swap3A_247], %swap3A_250 {strides = array<i32>} : memref<128x128xf32, #tpu.memory_space<vmem>>, vector<1x16xf32>,
        %mul3A_251 = arith.constant 16 : i32
        %mul3A_252 = arith.muli %scan3A_32, %mul3A_251 : i32
        %add3A_253 = arith.constant 2 : i32
        %add3A_254 = arith.addi %mul3A_252, %add3A_253 : i32
        %get3A_255 = arith.index_cast %add3A_254 : i32 to index
        %get3A_256 = arith.constant 0 : index
        %get3A_257 = tpu.vector_load %arg10[%get3A_255, %get3A_256] {strides = array<i32>} : memref<128x128xf32, #tpu.memory_space<vmem>>, vector<1x16xf32>,
        %get3A_258 = vector.shape_cast %get3A_257 : vector<1x16xf32> to vector<16xf32>
        %slice3A_259 = vector.extract_strided_slice %get3A_37 {offsets = [2], sizes = [1], strides = [1]} : vector<16xf32> to vector<1xf32>
        %squeeze3A_260 = vector.extract %slice3A_259[0] : f32 from vector<1xf32>
        %mul3A_261 = vector.broadcast %squeeze3A_260 : f32 to vector<16xf32>
        %mul3A_262 = arith.mulf %get3A_258, %mul3A_261 : vector<16xf32>
        %swap3A_263 = arith.index_cast %add3A_254 : i32 to index
        %swap3A_264 = arith.constant 0 : index
        %swap3A_265 = tpu.vector_load %arg10[%swap3A_263, %swap3A_264] {strides = array<i32>} : memref<128x128xf32, #tpu.memory_space<vmem>>, vector<1x16xf32>,
        %swap3A_266 = vector.shape_cast %swap3A_265 : vector<1x16xf32> to vector<16xf32>
        %swap3A_267 = vector.shape_cast %mul3A_262 : vector<16xf32> to vector<1x16xf32>
        tpu.vector_store %arg10[%swap3A_263, %swap3A_264], %swap3A_267 {strides = array<i32>} : memref<128x128xf32, #tpu.memory_space<vmem>>, vector<1x16xf32>,
        %get3A_268 = arith.index_cast %add3A_254 : i32 to index
        %get3A_269 = arith.constant 16 : index
        %get3A_270 = tpu.vector_load %arg10[%get3A_268, %get3A_269] {strides = array<i32>} : memref<128x128xf32, #tpu.memory_space<vmem>>, vector<1x16xf32>,
        %get3A_271 = vector.shape_cast %get3A_270 : vector<1x16xf32> to vector<16xf32>
        %slice3A_272 = vector.extract_strided_slice %get3A_37 {offsets = [2], sizes = [1], strides = [1]} : vector<16xf32> to vector<1xf32>
        %squeeze3A_273 = vector.extract %slice3A_272[0] : f32 from vector<1xf32>
        %mul3A_274 = vector.broadcast %squeeze3A_273 : f32 to vector<16xf32>
        %mul3A_275 = arith.mulf %get3A_271, %mul3A_274 : vector<16xf32>
        %swap3A_276 = arith.index_cast %add3A_254 : i32 to index
        %swap3A_277 = arith.constant 16 : index
        %swap3A_278 = tpu.vector_load %arg10[%swap3A_276, %swap3A_277] {strides = array<i32>} : memref<128x128xf32, #tpu.memory_space<vmem>>, vector<1x16xf32>,
        %swap3A_279 = vector.shape_cast %swap3A_278 : vector<1x16xf32> to vector<16xf32>
        %swap3A_280 = vector.shape_cast %mul3A_275 : vector<16xf32> to vector<1x16xf32>
        tpu.vector_store %arg10[%swap3A_276, %swap3A_277], %swap3A_280 {strides = array<i32>} : memref<128x128xf32, #tpu.memory_space<vmem>>, vector<1x16xf32>,
        %get3A_281 = arith.index_cast %add3A_254 : i32 to index
        %get3A_282 = arith.constant 32 : index
        %get3A_283 = tpu.vector_load %arg10[%get3A_281, %get3A_282] {strides = array<i32>} : memref<128x128xf32, #tpu.memory_space<vmem>>, vector<1x16xf32>,
        %get3A_284 = vector.shape_cast %get3A_283 : vector<1x16xf32> to vector<16xf32>
        %slice3A_285 = vector.extract_strided_slice %get3A_37 {offsets = [2], sizes = [1], strides = [1]} : vector<16xf32> to vector<1xf32>
        %squeeze3A_286 = vector.extract %slice3A_285[0] : f32 from vector<1xf32>
        %mul3A_287 = vector.broadcast %squeeze3A_286 : f32 to vector<16xf32>
        %mul3A_288 = arith.mulf %get3A_284, %mul3A_287 : vector<16xf32>
        %swap3A_289 = arith.index_cast %add3A_254 : i32 to index
        %swap3A_290 = arith.constant 32 : index
        %swap3A_291 = tpu.vector_load %arg10[%swap3A_289, %swap3A_290] {strides = array<i32>} : memref<128x128xf32, #tpu.memory_space<vmem>>, vector<1x16xf32>,
        %swap3A_292 = vector.shape_cast %swap3A_291 : vector<1x16xf32> to vector<16xf32>
        %swap3A_293 = vector.shape_cast %mul3A_288 : vector<16xf32> to vector<1x16xf32>
        tpu.vector_store %arg10[%swap3A_289, %swap3A_290], %swap3A_293 {strides = array<i32>} : memref<128x128xf32, #tpu.memory_space<vmem>>, vector<1x16xf32>,
        %get3A_294 = arith.index_cast %add3A_254 : i32 to index
        %get3A_295 = arith.constant 48 : index
        %get3A_296 = tpu.vector_load %arg10[%get3A_294, %get3A_295] {strides = array<i32>} : memref<128x128xf32, #tpu.memory_space<vmem>>, vector<1x16xf32>,
        %get3A_297 = vector.shape_cast %get3A_296 : vector<1x16xf32> to vector<16xf32>
        %slice3A_298 = vector.extract_strided_slice %get3A_37 {offsets = [2], sizes = [1], strides = [1]} : vector<16xf32> to vector<1xf32>
        %squeeze3A_299 = vector.extract %slice3A_298[0] : f32 from vector<1xf32>
        %mul3A_300 = vector.broadcast %squeeze3A_299 : f32 to vector<16xf32>
        %mul3A_301 = arith.mulf %get3A_297, %mul3A_300 : vector<16xf32>
        %swap3A_302 = arith.index_cast %add3A_254 : i32 to index
        %swap3A_303 = arith.constant 48 : index
        %swap3A_304 = tpu.vector_load %arg10[%swap3A_302, %swap3A_303] {strides = array<i32>} : memref<128x128xf32, #tpu.memory_space<vmem>>, vector<1x16xf32>,
        %swap3A_305 = vector.shape_cast %swap3A_304 : vector<1x16xf32> to vector<16xf32>
        %swap3A_306 = vector.shape_cast %mul3A_301 : vector<16xf32> to vector<1x16xf32>
        tpu.vector_store %arg10[%swap3A_302, %swap3A_303], %swap3A_306 {strides = array<i32>} : memref<128x128xf32, #tpu.memory_space<vmem>>, vector<1x16xf32>,
        %get3A_307 = arith.index_cast %add3A_254 : i32 to index
        %get3A_308 = arith.constant 64 : index
        %get3A_309 = tpu.vector_load %arg10[%get3A_307, %get3A_308] {strides = array<i32>} : memref<128x128xf32, #tpu.memory_space<vmem>>, vector<1x16xf32>,
        %get3A_310 = vector.shape_cast %get3A_309 : vector<1x16xf32> to vector<16xf32>
        %slice3A_311 = vector.extract_strided_slice %get3A_37 {offsets = [2], sizes = [1], strides = [1]} : vector<16xf32> to vector<1xf32>
        %squeeze3A_312 = vector.extract %slice3A_311[0] : f32 from vector<1xf32>
        %mul3A_313 = vector.broadcast %squeeze3A_312 : f32 to vector<16xf32>
        %mul3A_314 = arith.mulf %get3A_310, %mul3A_313 : vector<16xf32>
        %swap3A_315 = arith.index_cast %add3A_254 : i32 to index
        %swap3A_316 = arith.constant 64 : index
        %swap3A_317 = tpu.vector_load %arg10[%swap3A_315, %swap3A_316] {strides = array<i32>} : memref<128x128xf32, #tpu.memory_space<vmem>>, vector<1x16xf32>,
        %swap3A_318 = vector.shape_cast %swap3A_317 : vector<1x16xf32> to vector<16xf32>
        %swap3A_319 = vector.shape_cast %mul3A_314 : vector<16xf32> to vector<1x16xf32>
        tpu.vector_store %arg10[%swap3A_315, %swap3A_316], %swap3A_319 {strides = array<i32>} : memref<128x128xf32, #tpu.memory_space<vmem>>, vector<1x16xf32>,
        %get3A_320 = arith.index_cast %add3A_254 : i32 to index
        %get3A_321 = arith.constant 80 : index
        %get3A_322 = tpu.vector_load %arg10[%get3A_320, %get3A_321] {strides = array<i32>} : memref<128x128xf32, #tpu.memory_space<vmem>>, vector<1x16xf32>,
        %get3A_323 = vector.shape_cast %get3A_322 : vector<1x16xf32> to vector<16xf32>
        %slice3A_324 = vector.extract_strided_slice %get3A_37 {offsets = [2], sizes = [1], strides = [1]} : vector<16xf32> to vector<1xf32>
        %squeeze3A_325 = vector.extract %slice3A_324[0] : f32 from vector<1xf32>
        %mul3A_326 = vector.broadcast %squeeze3A_325 : f32 to vector<16xf32>
        %mul3A_327 = arith.mulf %get3A_323, %mul3A_326 : vector<16xf32>
        %swap3A_328 = arith.index_cast %add3A_254 : i32 to index
        %swap3A_329 = arith.constant 80 : index
        %swap3A_330 = tpu.vector_load %arg10[%swap3A_328, %swap3A_329] {strides = array<i32>} : memref<128x128xf32, #tpu.memory_space<vmem>>, vector<1x16xf32>,
        %swap3A_331 = vector.shape_cast %swap3A_330 : vector<1x16xf32> to vector<16xf32>
        %swap3A_332 = vector.shape_cast %mul3A_327 : vector<16xf32> to vector<1x16xf32>
        tpu.vector_store %arg10[%swap3A_328, %swap3A_329], %swap3A_332 {strides = array<i32>} : memref<128x128xf32, #tpu.memory_space<vmem>>, vector<1x16xf32>,
        %get3A_333 = arith.index_cast %add3A_254 : i32 to index
        %get3A_334 = arith.constant 96 : index
        %get3A_335 = tpu.vector_load %arg10[%get3A_333, %get3A_334] {strides = array<i32>} : memref<128x128xf32, #tpu.memory_space<vmem>>, vector<1x16xf32>,
        %get3A_336 = vector.shape_cast %get3A_335 : vector<1x16xf32> to vector<16xf32>
        %slice3A_337 = vector.extract_strided_slice %get3A_37 {offsets = [2], sizes = [1], strides = [1]} : vector<16xf32> to vector<1xf32>
        %squeeze3A_338 = vector.extract %slice3A_337[0] : f32 from vector<1xf32>
        %mul3A_339 = vector.broadcast %squeeze3A_338 : f32 to vector<16xf32>
        %mul3A_340 = arith.mulf %get3A_336, %mul3A_339 : vector<16xf32>
        %swap3A_341 = arith.index_cast %add3A_254 : i32 to index
        %swap3A_342 = arith.constant 96 : index
        %swap3A_343 = tpu.vector_load %arg10[%swap3A_341, %swap3A_342] {strides = array<i32>} : memref<128x128xf32, #tpu.memory_space<vmem>>, vector<1x16xf32>,
        %swap3A_344 = vector.shape_cast %swap3A_343 : vector<1x16xf32> to vector<16xf32>
        %swap3A_345 = vector.shape_cast %mul3A_340 : vector<16xf32> to vector<1x16xf32>
        tpu.vector_store %arg10[%swap3A_341, %swap3A_342], %swap3A_345 {strides = array<i32>} : memref<128x128xf32, #tpu.memory_space<vmem>>, vector<1x16xf32>,
        %get3A_346 = arith.index_cast %add3A_254 : i32 to index
        %get3A_347 = arith.constant 112 : index
        %get3A_348 = tpu.vector_load %arg10[%get3A_346, %get3A_347] {strides = array<i32>} : memref<128x128xf32, #tpu.memory_space<vmem>>, vector<1x16xf32>,
        %get3A_349 = vector.shape_cast %get3A_348 : vector<1x16xf32> to vector<16xf32>
        %slice3A_350 = vector.extract_strided_slice %get3A_37 {offsets = [2], sizes = [1], strides = [1]} : vector<16xf32> to vector<1xf32>
        %squeeze3A_351 = vector.extract %slice3A_350[0] : f32 from vector<1xf32>
        %mul3A_352 = vector.broadcast %squeeze3A_351 : f32 to vector<16xf32>
        %mul3A_353 = arith.mulf %get3A_349, %mul3A_352 : vector<16xf32>
        %swap3A_354 = arith.index_cast %add3A_254 : i32 to index
        %swap3A_355 = arith.constant 112 : index
        %swap3A_356 = tpu.vector_load %arg10[%swap3A_354, %swap3A_355] {strides = array<i32>} : memref<128x128xf32, #tpu.memory_space<vmem>>, vector<1x16xf32>,
        %swap3A_357 = vector.shape_cast %swap3A_356 : vector<1x16xf32> to vector<16xf32>
        %swap3A_358 = vector.shape_cast %mul3A_353 : vector<16xf32> to vector<1x16xf32>
        tpu.vector_store %arg10[%swap3A_354, %swap3A_355], %swap3A_358 {strides = array<i32>} : memref<128x128xf32, #tpu.memory_space<vmem>>, vector<1x16xf32>,
        %mul3A_359 = arith.constant 16 : i32
        %mul3A_360 = arith.muli %scan3A_32, %mul3A_359 : i32
        %add3A_361 = arith.constant 3 : i32
        %add3A_362 = arith.addi %mul3A_360, %add3A_361 : i32
        %get3A_363 = arith.index_cast %add3A_362 : i32 to index
        %get3A_364 = arith.constant 0 : index
        %get3A_365 = tpu.vector_load %arg10[%get3A_363, %get3A_364] {strides = array<i32>} : memref<128x128xf32, #tpu.memory_space<vmem>>, vector<1x16xf32>,
        %get3A_366 = vector.shape_cast %get3A_365 : vector<1x16xf32> to vector<16xf32>
        %slice3A_367 = vector.extract_strided_slice %get3A_37 {offsets = [3], sizes = [1], strides = [1]} : vector<16xf32> to vector<1xf32>
        %squeeze3A_368 = vector.extract %slice3A_367[0] : f32 from vector<1xf32>
        %mul3A_369 = vector.broadcast %squeeze3A_368 : f32 to vector<16xf32>
        %mul3A_370 = arith.mulf %get3A_366, %mul3A_369 : vector<16xf32>
        %swap3A_371 = arith.index_cast %add3A_362 : i32 to index
        %swap3A_372 = arith.constant 0 : index
        %swap3A_373 = tpu.vector_load %arg10[%swap3A_371, %swap3A_372] {strides = array<i32>} : memref<128x128xf32, #tpu.memory_space<vmem>>, vector<1x16xf32>,
        %swap3A_374 = vector.shape_cast %swap3A_373 : vector<1x16xf32> to vector<16xf32>
        %swap3A_375 = vector.shape_cast %mul3A_370 : vector<16xf32> to vector<1x16xf32>
        tpu.vector_store %arg10[%swap3A_371, %swap3A_372], %swap3A_375 {strides = array<i32>} : memref<128x128xf32, #tpu.memory_space<vmem>>, vector<1x16xf32>,
        %get3A_376 = arith.index_cast %add3A_362 : i32 to index
        %get3A_377 = arith.constant 16 : index
        %get3A_378 = tpu.vector_load %arg10[%get3A_376, %get3A_377] {strides = array<i32>} : memref<128x128xf32, #tpu.memory_space<vmem>>, vector<1x16xf32>,
        %get3A_379 = vector.shape_cast %get3A_378 : vector<1x16xf32> to vector<16xf32>
        %slice3A_380 = vector.extract_strided_slice %get3A_37 {offsets = [3], sizes = [1], strides = [1]} : vector<16xf32> to vector<1xf32>
        %squeeze3A_381 = vector.extract %slice3A_380[0] : f32 from vector<1xf32>
        %mul3A_382 = vector.broadcast %squeeze3A_381 : f32 to vector<16xf32>
        %mul3A_383 = arith.mulf %get3A_379, %mul3A_382 : vector<16xf32>
        %swap3A_384 = arith.index_cast %add3A_362 : i32 to index
        %swap3A_385 = arith.constant 16 : index
        %swap3A_386 = tpu.vector_load %arg10[%swap3A_384, %swap3A_385] {strides = array<i32>} : memref<128x128xf32, #tpu.memory_space<vmem>>, vector<1x16xf32>,
        %swap3A_387 = vector.shape_cast %swap3A_386 : vector<1x16xf32> to vector<16xf32>
        %swap3A_388 = vector.shape_cast %mul3A_383 : vector<16xf32> to vector<1x16xf32>
        tpu.vector_store %arg10[%swap3A_384, %swap3A_385], %swap3A_388 {strides = array<i32>} : memref<128x128xf32, #tpu.memory_space<vmem>>, vector<1x16xf32>,
        %get3A_389 = arith.index_cast %add3A_362 : i32 to index
        %get3A_390 = arith.constant 32 : index
        %get3A_391 = tpu.vector_load %arg10[%get3A_389, %get3A_390] {strides = array<i32>} : memref<128x128xf32, #tpu.memory_space<vmem>>, vector<1x16xf32>,
        %get3A_392 = vector.shape_cast %get3A_391 : vector<1x16xf32> to vector<16xf32>
        %slice3A_393 = vector.extract_strided_slice %get3A_37 {offsets = [3], sizes = [1], strides = [1]} : vector<16xf32> to vector<1xf32>
        %squeeze3A_394 = vector.extract %slice3A_393[0] : f32 from vector<1xf32>
        %mul3A_395 = vector.broadcast %squeeze3A_394 : f32 to vector<16xf32>
        %mul3A_396 = arith.mulf %get3A_392, %mul3A_395 : vector<16xf32>
        %swap3A_397 = arith.index_cast %add3A_362 : i32 to index
        %swap3A_398 = arith.constant 32 : index
        %swap3A_399 = tpu.vector_load %arg10[%swap3A_397, %swap3A_398] {strides = array<i32>} : memref<128x128xf32, #tpu.memory_space<vmem>>, vector<1x16xf32>,
        %swap3A_400 = vector.shape_cast %swap3A_399 : vector<1x16xf32> to vector<16xf32>
        %swap3A_401 = vector.shape_cast %mul3A_396 : vector<16xf32> to vector<1x16xf32>
        tpu.vector_store %arg10[%swap3A_397, %swap3A_398], %swap3A_401 {strides = array<i32>} : memref<128x128xf32, #tpu.memory_space<vmem>>, vector<1x16xf32>,
        %get3A_402 = arith.index_cast %add3A_362 : i32 to index
        %get3A_403 = arith.constant 48 : index
        %get3A_404 = tpu.vector_load %arg10[%get3A_402, %get3A_403] {strides = array<i32>} : memref<128x128xf32, #tpu.memory_space<vmem>>, vector<1x16xf32>,
        %get3A_405 = vector.shape_cast %get3A_404 : vector<1x16xf32> to vector<16xf32>
        %slice3A_406 = vector.extract_strided_slice %get3A_37 {offsets = [3], sizes = [1], strides = [1]} : vector<16xf32> to vector<1xf32>
        %squeeze3A_407 = vector.extract %slice3A_406[0] : f32 from vector<1xf32>
        %mul3A_408 = vector.broadcast %squeeze3A_407 : f32 to vector<16xf32>
        %mul3A_409 = arith.mulf %get3A_405, %mul3A_408 : vector<16xf32>
        %swap3A_410 = arith.index_cast %add3A_362 : i32 to index
        %swap3A_411 = arith.constant 48 : index
        %swap3A_412 = tpu.vector_load %arg10[%swap3A_410, %swap3A_411] {strides = array<i32>} : memref<128x128xf32, #tpu.memory_space<vmem>>, vector<1x16xf32>,
        %swap3A_413 = vector.shape_cast %swap3A_412 : vector<1x16xf32> to vector<16xf32>
        %swap3A_414 = vector.shape_cast %mul3A_409 : vector<16xf32> to vector<1x16xf32>
        tpu.vector_store %arg10[%swap3A_410, %swap3A_411], %swap3A_414 {strides = array<i32>} : memref<128x128xf32, #tpu.memory_space<vmem>>, vector<1x16xf32>,
        %get3A_415 = arith.index_cast %add3A_362 : i32 to index
        %get3A_416 = arith.constant 64 : index
        %get3A_417 = tpu.vector_load %arg10[%get3A_415, %get3A_416] {strides = array<i32>} : memref<128x128xf32, #tpu.memory_space<vmem>>, vector<1x16xf32>,
        %get3A_418 = vector.shape_cast %get3A_417 : vector<1x16xf32> to vector<16xf32>
        %slice3A_419 = vector.extract_strided_slice %get3A_37 {offsets = [3], sizes = [1], strides = [1]} : vector<16xf32> to vector<1xf32>
        %squeeze3A_420 = vector.extract %slice3A_419[0] : f32 from vector<1xf32>
        %mul3A_421 = vector.broadcast %squeeze3A_420 : f32 to vector<16xf32>
        %mul3A_422 = arith.mulf %get3A_418, %mul3A_421 : vector<16xf32>
        %swap3A_423 = arith.index_cast %add3A_362 : i32 to index
        %swap3A_424 = arith.constant 64 : index
        %swap3A_425 = tpu.vector_load %arg10[%swap3A_423, %swap3A_424] {strides = array<i32>} : memref<128x128xf32, #tpu.memory_space<vmem>>, vector<1x16xf32>,
        %swap3A_426 = vector.shape_cast %swap3A_425 : vector<1x16xf32> to vector<16xf32>
        %swap3A_427 = vector.shape_cast %mul3A_422 : vector<16xf32> to vector<1x16xf32>
        tpu.vector_store %arg10[%swap3A_423, %swap3A_424], %swap3A_427 {strides = array<i32>} : memref<128x128xf32, #tpu.memory_space<vmem>>, vector<1x16xf32>,
        %get3A_428 = arith.index_cast %add3A_362 : i32 to index
        %get3A_429 = arith.constant 80 : index
        %get3A_430 = tpu.vector_load %arg10[%get3A_428, %get3A_429] {strides = array<i32>} : memref<128x128xf32, #tpu.memory_space<vmem>>, vector<1x16xf32>,
        %get3A_431 = vector.shape_cast %get3A_430 : vector<1x16xf32> to vector<16xf32>
        %slice3A_432 = vector.extract_strided_slice %get3A_37 {offsets = [3], sizes = [1], strides = [1]} : vector<16xf32> to vector<1xf32>
        %squeeze3A_433 = vector.extract %slice3A_432[0] : f32 from vector<1xf32>
        %mul3A_434 = vector.broadcast %squeeze3A_433 : f32 to vector<16xf32>
        %mul3A_435 = arith.mulf %get3A_431, %mul3A_434 : vector<16xf32>
        %swap3A_436 = arith.index_cast %add3A_362 : i32 to index
        %swap3A_437 = arith.constant 80 : index
        %swap3A_438 = tpu.vector_load %arg10[%swap3A_436, %swap3A_437] {strides = array<i32>} : memref<128x128xf32, #tpu.memory_space<vmem>>, vector<1x16xf32>,
        %swap3A_439 = vector.shape_cast %swap3A_438 : vector<1x16xf32> to vector<16xf32>
        %swap3A_440 = vector.shape_cast %mul3A_435 : vector<16xf32> to vector<1x16xf32>
        tpu.vector_store %arg10[%swap3A_436, %swap3A_437], %swap3A_440 {strides = array<i32>} : memref<128x128xf32, #tpu.memory_space<vmem>>, vector<1x16xf32>,
        %get3A_441 = arith.index_cast %add3A_362 : i32 to index
        %get3A_442 = arith.constant 96 : index
        %get3A_443 = tpu.vector_load %arg10[%get3A_441, %get3A_442] {strides = array<i32>} : memref<128x128xf32, #tpu.memory_space<vmem>>, vector<1x16xf32>,
        %get3A_444 = vector.shape_cast %get3A_443 : vector<1x16xf32> to vector<16xf32>
        %slice3A_445 = vector.extract_strided_slice %get3A_37 {offsets = [3], sizes = [1], strides = [1]} : vector<16xf32> to vector<1xf32>
        %squeeze3A_446 = vector.extract %slice3A_445[0] : f32 from vector<1xf32>
        %mul3A_447 = vector.broadcast %squeeze3A_446 : f32 to vector<16xf32>
        %mul3A_448 = arith.mulf %get3A_444, %mul3A_447 : vector<16xf32>
        %swap3A_449 = arith.index_cast %add3A_362 : i32 to index
        %swap3A_450 = arith.constant 96 : index
        %swap3A_451 = tpu.vector_load %arg10[%swap3A_449, %swap3A_450] {strides = array<i32>} : memref<128x128xf32, #tpu.memory_space<vmem>>, vector<1x16xf32>,
        %swap3A_452 = vector.shape_cast %swap3A_451 : vector<1x16xf32> to vector<16xf32>
        %swap3A_453 = vector.shape_cast %mul3A_448 : vector<16xf32> to vector<1x16xf32>
        tpu.vector_store %arg10[%swap3A_449, %swap3A_450], %swap3A_453 {strides = array<i32>} : memref<128x128xf32, #tpu.memory_space<vmem>>, vector<1x16xf32>,
        %get3A_454 = arith.index_cast %add3A_362 : i32 to index
        %get3A_455 = arith.constant 112 : index
        %get3A_456 = tpu.vector_load %arg10[%get3A_454, %get3A_455] {strides = array<i32>} : memref<128x128xf32, #tpu.memory_space<vmem>>, vector<1x16xf32>,
        %get3A_457 = vector.shape_cast %get3A_456 : vector<1x16xf32> to vector<16xf32>
        %slice3A_458 = vector.extract_strided_slice %get3A_37 {offsets = [3], sizes = [1], strides = [1]} : vector<16xf32> to vector<1xf32>
        %squeeze3A_459 = vector.extract %slice3A_458[0] : f32 from vector<1xf32>
        %mul3A_460 = vector.broadcast %squeeze3A_459 : f32 to vector<16xf32>
        %mul3A_461 = arith.mulf %get3A_457, %mul3A_460 : vector<16xf32>
        %swap3A_462 = arith.index_cast %add3A_362 : i32 to index
        %swap3A_463 = arith.constant 112 : index
        %swap3A_464 = tpu.vector_load %arg10[%swap3A_462, %swap3A_463] {strides = array<i32>} : memref<128x128xf32, #tpu.memory_space<vmem>>, vector<1x16xf32>,
        %swap3A_465 = vector.shape_cast %swap3A_464 : vector<1x16xf32> to vector<16xf32>
        %swap3A_466 = vector.shape_cast %mul3A_461 : vector<16xf32> to vector<1x16xf32>
        tpu.vector_store %arg10[%swap3A_462, %swap3A_463], %swap3A_466 {strides = array<i32>} : memref<128x128xf32, #tpu.memory_space<vmem>>, vector<1x16xf32>,
        %mul3A_467 = arith.constant 16 : i32
        %mul3A_468 = arith.muli %scan3A_32, %mul3A_467 : i32
        %add3A_469 = arith.constant 4 : i32
        %add3A_470 = arith.addi %mul3A_468, %add3A_469 : i32
        %get3A_471 = arith.index_cast %add3A_470 : i32 to index
        %get3A_472 = arith.constant 0 : index
        %get3A_473 = tpu.vector_load %arg10[%get3A_471, %get3A_472] {strides = array<i32>} : memref<128x128xf32, #tpu.memory_space<vmem>>, vector<1x16xf32>,
        %get3A_474 = vector.shape_cast %get3A_473 : vector<1x16xf32> to vector<16xf32>
        %slice3A_475 = vector.extract_strided_slice %get3A_37 {offsets = [4], sizes = [1], strides = [1]} : vector<16xf32> to vector<1xf32>
        %squeeze3A_476 = vector.extract %slice3A_475[0] : f32 from vector<1xf32>
        %mul3A_477 = vector.broadcast %squeeze3A_476 : f32 to vector<16xf32>
        %mul3A_478 = arith.mulf %get3A_474, %mul3A_477 : vector<16xf32>
        %swap3A_479 = arith.index_cast %add3A_470 : i32 to index
        %swap3A_480 = arith.constant 0 : index
        %swap3A_481 = tpu.vector_load %arg10[%swap3A_479, %swap3A_480] {strides = array<i32>} : memref<128x128xf32, #tpu.memory_space<vmem>>, vector<1x16xf32>,
        %swap3A_482 = vector.shape_cast %swap3A_481 : vector<1x16xf32> to vector<16xf32>
        %swap3A_483 = vector.shape_cast %mul3A_478 : vector<16xf32> to vector<1x16xf32>
        tpu.vector_store %arg10[%swap3A_479, %swap3A_480], %swap3A_483 {strides = array<i32>} : memref<128x128xf32, #tpu.memory_space<vmem>>, vector<1x16xf32>,
        %get3A_484 = arith.index_cast %add3A_470 : i32 to index
        %get3A_485 = arith.constant 16 : index
        %get3A_486 = tpu.vector_load %arg10[%get3A_484, %get3A_485] {strides = array<i32>} : memref<128x128xf32, #tpu.memory_space<vmem>>, vector<1x16xf32>,
        %get3A_487 = vector.shape_cast %get3A_486 : vector<1x16xf32> to vector<16xf32>
        %slice3A_488 = vector.extract_strided_slice %get3A_37 {offsets = [4], sizes = [1], strides = [1]} : vector<16xf32> to vector<1xf32>
        %squeeze3A_489 = vector.extract %slice3A_488[0] : f32 from vector<1xf32>
        %mul3A_490 = vector.broadcast %squeeze3A_489 : f32 to vector<16xf32>
        %mul3A_491 = arith.mulf %get3A_487, %mul3A_490 : vector<16xf32>
        %swap3A_492 = arith.index_cast %add3A_470 : i32 to index
        %swap3A_493 = arith.constant 16 : index
        %swap3A_494 = tpu.vector_load %arg10[%swap3A_492, %swap3A_493] {strides = array<i32>} : memref<128x128xf32, #tpu.memory_space<vmem>>, vector<1x16xf32>,
        %swap3A_495 = vector.shape_cast %swap3A_494 : vector<1x16xf32> to vector<16xf32>
        %swap3A_496 = vector.shape_cast %mul3A_491 : vector<16xf32> to vector<1x16xf32>
        tpu.vector_store %arg10[%swap3A_492, %swap3A_493], %swap3A_496 {strides = array<i32>} : memref<128x128xf32, #tpu.memory_space<vmem>>, vector<1x16xf32>,
        %get3A_497 = arith.index_cast %add3A_470 : i32 to index
        %get3A_498 = arith.constant 32 : index
        %get3A_499 = tpu.vector_load %arg10[%get3A_497, %get3A_498] {strides = array<i32>} : memref<128x128xf32, #tpu.memory_space<vmem>>, vector<1x16xf32>,
        %get3A_500 = vector.shape_cast %get3A_499 : vector<1x16xf32> to vector<16xf32>
        %slice3A_501 = vector.extract_strided_slice %get3A_37 {offsets = [4], sizes = [1], strides = [1]} : vector<16xf32> to vector<1xf32>
        %squeeze3A_502 = vector.extract %slice3A_501[0] : f32 from vector<1xf32>
        %mul3A_503 = vector.broadcast %squeeze3A_502 : f32 to vector<16xf32>
        %mul3A_504 = arith.mulf %get3A_500, %mul3A_503 : vector<16xf32>
        %swap3A_505 = arith.index_cast %add3A_470 : i32 to index
        %swap3A_506 = arith.constant 32 : index
        %swap3A_507 = tpu.vector_load %arg10[%swap3A_505, %swap3A_506] {strides = array<i32>} : memref<128x128xf32, #tpu.memory_space<vmem>>, vector<1x16xf32>,
        %swap3A_508 = vector.shape_cast %swap3A_507 : vector<1x16xf32> to vector<16xf32>
        %swap3A_509 = vector.shape_cast %mul3A_504 : vector<16xf32> to vector<1x16xf32>
        tpu.vector_store %arg10[%swap3A_505, %swap3A_506], %swap3A_509 {strides = array<i32>} : memref<128x128xf32, #tpu.memory_space<vmem>>, vector<1x16xf32>,
        %get3A_510 = arith.index_cast %add3A_470 : i32 to index
        %get3A_511 = arith.constant 48 : index
        %get3A_512 = tpu.vector_load %arg10[%get3A_510, %get3A_511] {strides = array<i32>} : memref<128x128xf32, #tpu.memory_space<vmem>>, vector<1x16xf32>,
        %get3A_513 = vector.shape_cast %get3A_512 : vector<1x16xf32> to vector<16xf32>
        %slice3A_514 = vector.extract_strided_slice %get3A_37 {offsets = [4], sizes = [1], strides = [1]} : vector<16xf32> to vector<1xf32>
        %squeeze3A_515 = vector.extract %slice3A_514[0] : f32 from vector<1xf32>
        %mul3A_516 = vector.broadcast %squeeze3A_515 : f32 to vector<16xf32>
        %mul3A_517 = arith.mulf %get3A_513, %mul3A_516 : vector<16xf32>
        %swap3A_518 = arith.index_cast %add3A_470 : i32 to index
        %swap3A_519 = arith.constant 48 : index
        %swap3A_520 = tpu.vector_load %arg10[%swap3A_518, %swap3A_519] {strides = array<i32>} : memref<128x128xf32, #tpu.memory_space<vmem>>, vector<1x16xf32>,
        %swap3A_521 = vector.shape_cast %swap3A_520 : vector<1x16xf32> to vector<16xf32>
        %swap3A_522 = vector.shape_cast %mul3A_517 : vector<16xf32> to vector<1x16xf32>
        tpu.vector_store %arg10[%swap3A_518, %swap3A_519], %swap3A_522 {strides = array<i32>} : memref<128x128xf32, #tpu.memory_space<vmem>>, vector<1x16xf32>,
        %get3A_523 = arith.index_cast %add3A_470 : i32 to index
        %get3A_524 = arith.constant 64 : index
        %get3A_525 = tpu.vector_load %arg10[%get3A_523, %get3A_524] {strides = array<i32>} : memref<128x128xf32, #tpu.memory_space<vmem>>, vector<1x16xf32>,
        %get3A_526 = vector.shape_cast %get3A_525 : vector<1x16xf32> to vector<16xf32>
        %slice3A_527 = vector.extract_strided_slice %get3A_37 {offsets = [4], sizes = [1], strides = [1]} : vector<16xf32> to vector<1xf32>
        %squeeze3A_528 = vector.extract %slice3A_527[0] : f32 from vector<1xf32>
        %mul3A_529 = vector.broadcast %squeeze3A_528 : f32 to vector<16xf32>
        %mul3A_530 = arith.mulf %get3A_526, %mul3A_529 : vector<16xf32>
        %swap3A_531 = arith.index_cast %add3A_470 : i32 to index
        %swap3A_532 = arith.constant 64 : index
        %swap3A_533 = tpu.vector_load %arg10[%swap3A_531, %swap3A_532] {strides = array<i32>} : memref<128x128xf32, #tpu.memory_space<vmem>>, vector<1x16xf32>,
        %swap3A_534 = vector.shape_cast %swap3A_533 : vector<1x16xf32> to vector<16xf32>
        %swap3A_535 = vector.shape_cast %mul3A_530 : vector<16xf32> to vector<1x16xf32>
        tpu.vector_store %arg10[%swap3A_531, %swap3A_532], %swap3A_535 {strides = array<i32>} : memref<128x128xf32, #tpu.memory_space<vmem>>, vector<1x16xf32>,
        %get3A_536 = arith.index_cast %add3A_470 : i32 to index
        %get3A_537 = arith.constant 80 : index
        %get3A_538 = tpu.vector_load %arg10[%get3A_536, %get3A_537] {strides = array<i32>} : memref<128x128xf32, #tpu.memory_space<vmem>>, vector<1x16xf32>,
        %get3A_539 = vector.shape_cast %get3A_538 : vector<1x16xf32> to vector<16xf32>
        %slice3A_540 = vector.extract_strided_slice %get3A_37 {offsets = [4], sizes = [1], strides = [1]} : vector<16xf32> to vector<1xf32>
        %squeeze3A_541 = vector.extract %slice3A_540[0] : f32 from vector<1xf32>
        %mul3A_542 = vector.broadcast %squeeze3A_541 : f32 to vector<16xf32>
        %mul3A_543 = arith.mulf %get3A_539, %mul3A_542 : vector<16xf32>
        %swap3A_544 = arith.index_cast %add3A_470 : i32 to index
        %swap3A_545 = arith.constant 80 : index
        %swap3A_546 = tpu.vector_load %arg10[%swap3A_544, %swap3A_545] {strides = array<i32>} : memref<128x128xf32, #tpu.memory_space<vmem>>, vector<1x16xf32>,
        %swap3A_547 = vector.shape_cast %swap3A_546 : vector<1x16xf32> to vector<16xf32>
        %swap3A_548 = vector.shape_cast %mul3A_543 : vector<16xf32> to vector<1x16xf32>
        tpu.vector_store %arg10[%swap3A_544, %swap3A_545], %swap3A_548 {strides = array<i32>} : memref<128x128xf32, #tpu.memory_space<vmem>>, vector<1x16xf32>,
        %get3A_549 = arith.index_cast %add3A_470 : i32 to index
        %get3A_550 = arith.constant 96 : index
        %get3A_551 = tpu.vector_load %arg10[%get3A_549, %get3A_550] {strides = array<i32>} : memref<128x128xf32, #tpu.memory_space<vmem>>, vector<1x16xf32>,
        %get3A_552 = vector.shape_cast %get3A_551 : vector<1x16xf32> to vector<16xf32>
        %slice3A_553 = vector.extract_strided_slice %get3A_37 {offsets = [4], sizes = [1], strides = [1]} : vector<16xf32> to vector<1xf32>
        %squeeze3A_554 = vector.extract %slice3A_553[0] : f32 from vector<1xf32>
        %mul3A_555 = vector.broadcast %squeeze3A_554 : f32 to vector<16xf32>
        %mul3A_556 = arith.mulf %get3A_552, %mul3A_555 : vector<16xf32>
        %swap3A_557 = arith.index_cast %add3A_470 : i32 to index
        %swap3A_558 = arith.constant 96 : index
        %swap3A_559 = tpu.vector_load %arg10[%swap3A_557, %swap3A_558] {strides = array<i32>} : memref<128x128xf32, #tpu.memory_space<vmem>>, vector<1x16xf32>,
        %swap3A_560 = vector.shape_cast %swap3A_559 : vector<1x16xf32> to vector<16xf32>
        %swap3A_561 = vector.shape_cast %mul3A_556 : vector<16xf32> to vector<1x16xf32>
        tpu.vector_store %arg10[%swap3A_557, %swap3A_558], %swap3A_561 {strides = array<i32>} : memref<128x128xf32, #tpu.memory_space<vmem>>, vector<1x16xf32>,
        %get3A_562 = arith.index_cast %add3A_470 : i32 to index
        %get3A_563 = arith.constant 112 : index
        %get3A_564 = tpu.vector_load %arg10[%get3A_562, %get3A_563] {strides = array<i32>} : memref<128x128xf32, #tpu.memory_space<vmem>>, vector<1x16xf32>,
        %get3A_565 = vector.shape_cast %get3A_564 : vector<1x16xf32> to vector<16xf32>
        %slice3A_566 = vector.extract_strided_slice %get3A_37 {offsets = [4], sizes = [1], strides = [1]} : vector<16xf32> to vector<1xf32>
        %squeeze3A_567 = vector.extract %slice3A_566[0] : f32 from vector<1xf32>
        %mul3A_568 = vector.broadcast %squeeze3A_567 : f32 to vector<16xf32>
        %mul3A_569 = arith.mulf %get3A_565, %mul3A_568 : vector<16xf32>
        %swap3A_570 = arith.index_cast %add3A_470 : i32 to index
        %swap3A_571 = arith.constant 112 : index
        %swap3A_572 = tpu.vector_load %arg10[%swap3A_570, %swap3A_571] {strides = array<i32>} : memref<128x128xf32, #tpu.memory_space<vmem>>, vector<1x16xf32>,
        %swap3A_573 = vector.shape_cast %swap3A_572 : vector<1x16xf32> to vector<16xf32>
        %swap3A_574 = vector.shape_cast %mul3A_569 : vector<16xf32> to vector<1x16xf32>
        tpu.vector_store %arg10[%swap3A_570, %swap3A_571], %swap3A_574 {strides = array<i32>} : memref<128x128xf32, #tpu.memory_space<vmem>>, vector<1x16xf32>,
        %mul3A_575 = arith.constant 16 : i32
        %mul3A_576 = arith.muli %scan3A_32, %mul3A_575 : i32
        %add3A_577 = arith.constant 5 : i32
        %add3A_578 = arith.addi %mul3A_576, %add3A_577 : i32
        %get3A_579 = arith.index_cast %add3A_578 : i32 to index
        %get3A_580 = arith.constant 0 : index
        %get3A_581 = tpu.vector_load %arg10[%get3A_579, %get3A_580] {strides = array<i32>} : memref<128x128xf32, #tpu.memory_space<vmem>>, vector<1x16xf32>,
        %get3A_582 = vector.shape_cast %get3A_581 : vector<1x16xf32> to vector<16xf32>
        %slice3A_583 = vector.extract_strided_slice %get3A_37 {offsets = [5], sizes = [1], strides = [1]} : vector<16xf32> to vector<1xf32>
        %squeeze3A_584 = vector.extract %slice3A_583[0] : f32 from vector<1xf32>
        %mul3A_585 = vector.broadcast %squeeze3A_584 : f32 to vector<16xf32>
        %mul3A_586 = arith.mulf %get3A_582, %mul3A_585 : vector<16xf32>
        %swap3A_587 = arith.index_cast %add3A_578 : i32 to index
        %swap3A_588 = arith.constant 0 : index
        %swap3A_589 = tpu.vector_load %arg10[%swap3A_587, %swap3A_588] {strides = array<i32>} : memref<128x128xf32, #tpu.memory_space<vmem>>, vector<1x16xf32>,
        %swap3A_590 = vector.shape_cast %swap3A_589 : vector<1x16xf32> to vector<16xf32>
        %swap3A_591 = vector.shape_cast %mul3A_586 : vector<16xf32> to vector<1x16xf32>
        tpu.vector_store %arg10[%swap3A_587, %swap3A_588], %swap3A_591 {strides = array<i32>} : memref<128x128xf32, #tpu.memory_space<vmem>>, vector<1x16xf32>,
        %get3A_592 = arith.index_cast %add3A_578 : i32 to index
        %get3A_593 = arith.constant 16 : index
        %get3A_594 = tpu.vector_load %arg10[%get3A_592, %get3A_593] {strides = array<i32>} : memref<128x128xf32, #tpu.memory_space<vmem>>, vector<1x16xf32>,
        %get3A_595 = vector.shape_cast %get3A_594 : vector<1x16xf32> to vector<16xf32>
        %slice3A_596 = vector.extract_strided_slice %get3A_37 {offsets = [5], sizes = [1], strides = [1]} : vector<16xf32> to vector<1xf32>
        %squeeze3A_597 = vector.extract %slice3A_596[0] : f32 from vector<1xf32>
        %mul3A_598 = vector.broadcast %squeeze3A_597 : f32 to vector<16xf32>
        %mul3A_599 = arith.mulf %get3A_595, %mul3A_598 : vector<16xf32>
        %swap3A_600 = arith.index_cast %add3A_578 : i32 to index
        %swap3A_601 = arith.constant 16 : index
        %swap3A_602 = tpu.vector_load %arg10[%swap3A_600, %swap3A_601] {strides = array<i32>} : memref<128x128xf32, #tpu.memory_space<vmem>>, vector<1x16xf32>,
        %swap3A_603 = vector.shape_cast %swap3A_602 : vector<1x16xf32> to vector<16xf32>
        %swap3A_604 = vector.shape_cast %mul3A_599 : vector<16xf32> to vector<1x16xf32>
        tpu.vector_store %arg10[%swap3A_600, %swap3A_601], %swap3A_604 {strides = array<i32>} : memref<128x128xf32, #tpu.memory_space<vmem>>, vector<1x16xf32>,
        %get3A_605 = arith.index_cast %add3A_578 : i32 to index
        %get3A_606 = arith.constant 32 : index
        %get3A_607 = tpu.vector_load %arg10[%get3A_605, %get3A_606] {strides = array<i32>} : memref<128x128xf32, #tpu.memory_space<vmem>>, vector<1x16xf32>,
        %get3A_608 = vector.shape_cast %get3A_607 : vector<1x16xf32> to vector<16xf32>
        %slice3A_609 = vector.extract_strided_slice %get3A_37 {offsets = [5], sizes = [1], strides = [1]} : vector<16xf32> to vector<1xf32>
        %squeeze3A_610 = vector.extract %slice3A_609[0] : f32 from vector<1xf32>
        %mul3A_611 = vector.broadcast %squeeze3A_610 : f32 to vector<16xf32>
        %mul3A_612 = arith.mulf %get3A_608, %mul3A_611 : vector<16xf32>
        %swap3A_613 = arith.index_cast %add3A_578 : i32 to index
        %swap3A_614 = arith.constant 32 : index
        %swap3A_615 = tpu.vector_load %arg10[%swap3A_613, %swap3A_614] {strides = array<i32>} : memref<128x128xf32, #tpu.memory_space<vmem>>, vector<1x16xf32>,
        %swap3A_616 = vector.shape_cast %swap3A_615 : vector<1x16xf32> to vector<16xf32>
        %swap3A_617 = vector.shape_cast %mul3A_612 : vector<16xf32> to vector<1x16xf32>
        tpu.vector_store %arg10[%swap3A_613, %swap3A_614], %swap3A_617 {strides = array<i32>} : memref<128x128xf32, #tpu.memory_space<vmem>>, vector<1x16xf32>,
        %get3A_618 = arith.index_cast %add3A_578 : i32 to index
        %get3A_619 = arith.constant 48 : index
        %get3A_620 = tpu.vector_load %arg10[%get3A_618, %get3A_619] {strides = array<i32>} : memref<128x128xf32, #tpu.memory_space<vmem>>, vector<1x16xf32>,
        %get3A_621 = vector.shape_cast %get3A_620 : vector<1x16xf32> to vector<16xf32>
        %slice3A_622 = vector.extract_strided_slice %get3A_37 {offsets = [5], sizes = [1], strides = [1]} : vector<16xf32> to vector<1xf32>
        %squeeze3A_623 = vector.extract %slice3A_622[0] : f32 from vector<1xf32>
        %mul3A_624 = vector.broadcast %squeeze3A_623 : f32 to vector<16xf32>
        %mul3A_625 = arith.mulf %get3A_621, %mul3A_624 : vector<16xf32>
        %swap3A_626 = arith.index_cast %add3A_578 : i32 to index
        %swap3A_627 = arith.constant 48 : index
        %swap3A_628 = tpu.vector_load %arg10[%swap3A_626, %swap3A_627] {strides = array<i32>} : memref<128x128xf32, #tpu.memory_space<vmem>>, vector<1x16xf32>,
        %swap3A_629 = vector.shape_cast %swap3A_628 : vector<1x16xf32> to vector<16xf32>
        %swap3A_630 = vector.shape_cast %mul3A_625 : vector<16xf32> to vector<1x16xf32>
        tpu.vector_store %arg10[%swap3A_626, %swap3A_627], %swap3A_630 {strides = array<i32>} : memref<128x128xf32, #tpu.memory_space<vmem>>, vector<1x16xf32>,
        %get3A_631 = arith.index_cast %add3A_578 : i32 to index
        %get3A_632 = arith.constant 64 : index
        %get3A_633 = tpu.vector_load %arg10[%get3A_631, %get3A_632] {strides = array<i32>} : memref<128x128xf32, #tpu.memory_space<vmem>>, vector<1x16xf32>,
        %get3A_634 = vector.shape_cast %get3A_633 : vector<1x16xf32> to vector<16xf32>
        %slice3A_635 = vector.extract_strided_slice %get3A_37 {offsets = [5], sizes = [1], strides = [1]} : vector<16xf32> to vector<1xf32>
        %squeeze3A_636 = vector.extract %slice3A_635[0] : f32 from vector<1xf32>
        %mul3A_637 = vector.broadcast %squeeze3A_636 : f32 to vector<16xf32>
        %mul3A_638 = arith.mulf %get3A_634, %mul3A_637 : vector<16xf32>
        %swap3A_639 = arith.index_cast %add3A_578 : i32 to index
        %swap3A_640 = arith.constant 64 : index
        %swap3A_641 = tpu.vector_load %arg10[%swap3A_639, %swap3A_640] {strides = array<i32>} : memref<128x128xf32, #tpu.memory_space<vmem>>, vector<1x16xf32>,
        %swap3A_642 = vector.shape_cast %swap3A_641 : vector<1x16xf32> to vector<16xf32>
        %swap3A_643 = vector.shape_cast %mul3A_638 : vector<16xf32> to vector<1x16xf32>
        tpu.vector_store %arg10[%swap3A_639, %swap3A_640], %swap3A_643 {strides = array<i32>} : memref<128x128xf32, #tpu.memory_space<vmem>>, vector<1x16xf32>,
        %get3A_644 = arith.index_cast %add3A_578 : i32 to index
        %get3A_645 = arith.constant 80 : index
        %get3A_646 = tpu.vector_load %arg10[%get3A_644, %get3A_645] {strides = array<i32>} : memref<128x128xf32, #tpu.memory_space<vmem>>, vector<1x16xf32>,
        %get3A_647 = vector.shape_cast %get3A_646 : vector<1x16xf32> to vector<16xf32>
        %slice3A_648 = vector.extract_strided_slice %get3A_37 {offsets = [5], sizes = [1], strides = [1]} : vector<16xf32> to vector<1xf32>
        %squeeze3A_649 = vector.extract %slice3A_648[0] : f32 from vector<1xf32>
        %mul3A_650 = vector.broadcast %squeeze3A_649 : f32 to vector<16xf32>
        %mul3A_651 = arith.mulf %get3A_647, %mul3A_650 : vector<16xf32>
        %swap3A_652 = arith.index_cast %add3A_578 : i32 to index
        %swap3A_653 = arith.constant 80 : index
        %swap3A_654 = tpu.vector_load %arg10[%swap3A_652, %swap3A_653] {strides = array<i32>} : memref<128x128xf32, #tpu.memory_space<vmem>>, vector<1x16xf32>,
        %swap3A_655 = vector.shape_cast %swap3A_654 : vector<1x16xf32> to vector<16xf32>
        %swap3A_656 = vector.shape_cast %mul3A_651 : vector<16xf32> to vector<1x16xf32>
        tpu.vector_store %arg10[%swap3A_652, %swap3A_653], %swap3A_656 {strides = array<i32>} : memref<128x128xf32, #tpu.memory_space<vmem>>, vector<1x16xf32>,
        %get3A_657 = arith.index_cast %add3A_578 : i32 to index
        %get3A_658 = arith.constant 96 : index
        %get3A_659 = tpu.vector_load %arg10[%get3A_657, %get3A_658] {strides = array<i32>} : memref<128x128xf32, #tpu.memory_space<vmem>>, vector<1x16xf32>,
        %get3A_660 = vector.shape_cast %get3A_659 : vector<1x16xf32> to vector<16xf32>
        %slice3A_661 = vector.extract_strided_slice %get3A_37 {offsets = [5], sizes = [1], strides = [1]} : vector<16xf32> to vector<1xf32>
        %squeeze3A_662 = vector.extract %slice3A_661[0] : f32 from vector<1xf32>
        %mul3A_663 = vector.broadcast %squeeze3A_662 : f32 to vector<16xf32>
        %mul3A_664 = arith.mulf %get3A_660, %mul3A_663 : vector<16xf32>
        %swap3A_665 = arith.index_cast %add3A_578 : i32 to index
        %swap3A_666 = arith.constant 96 : index
        %swap3A_667 = tpu.vector_load %arg10[%swap3A_665, %swap3A_666] {strides = array<i32>} : memref<128x128xf32, #tpu.memory_space<vmem>>, vector<1x16xf32>,
        %swap3A_668 = vector.shape_cast %swap3A_667 : vector<1x16xf32> to vector<16xf32>
        %swap3A_669 = vector.shape_cast %mul3A_664 : vector<16xf32> to vector<1x16xf32>
        tpu.vector_store %arg10[%swap3A_665, %swap3A_666], %swap3A_669 {strides = array<i32>} : memref<128x128xf32, #tpu.memory_space<vmem>>, vector<1x16xf32>,
        %get3A_670 = arith.index_cast %add3A_578 : i32 to index
        %get3A_671 = arith.constant 112 : index
        %get3A_672 = tpu.vector_load %arg10[%get3A_670, %get3A_671] {strides = array<i32>} : memref<128x128xf32, #tpu.memory_space<vmem>>, vector<1x16xf32>,
        %get3A_673 = vector.shape_cast %get3A_672 : vector<1x16xf32> to vector<16xf32>
        %slice3A_674 = vector.extract_strided_slice %get3A_37 {offsets = [5], sizes = [1], strides = [1]} : vector<16xf32> to vector<1xf32>
        %squeeze3A_675 = vector.extract %slice3A_674[0] : f32 from vector<1xf32>
        %mul3A_676 = vector.broadcast %squeeze3A_675 : f32 to vector<16xf32>
        %mul3A_677 = arith.mulf %get3A_673, %mul3A_676 : vector<16xf32>
        %swap3A_678 = arith.index_cast %add3A_578 : i32 to index
        %swap3A_679 = arith.constant 112 : index
        %swap3A_680 = tpu.vector_load %arg10[%swap3A_678, %swap3A_679] {strides = array<i32>} : memref<128x128xf32, #tpu.memory_space<vmem>>, vector<1x16xf32>,
        %swap3A_681 = vector.shape_cast %swap3A_680 : vector<1x16xf32> to vector<16xf32>
        %swap3A_682 = vector.shape_cast %mul3A_677 : vector<16xf32> to vector<1x16xf32>
        tpu.vector_store %arg10[%swap3A_678, %swap3A_679], %swap3A_682 {strides = array<i32>} : memref<128x128xf32, #tpu.memory_space<vmem>>, vector<1x16xf32>,
        %mul3A_683 = arith.constant 16 : i32
        %mul3A_684 = arith.muli %scan3A_32, %mul3A_683 : i32
        %add3A_685 = arith.constant 6 : i32
        %add3A_686 = arith.addi %mul3A_684, %add3A_685 : i32
        %get3A_687 = arith.index_cast %add3A_686 : i32 to index
        %get3A_688 = arith.constant 0 : index
        %get3A_689 = tpu.vector_load %arg10[%get3A_687, %get3A_688] {strides = array<i32>} : memref<128x128xf32, #tpu.memory_space<vmem>>, vector<1x16xf32>,
        %get3A_690 = vector.shape_cast %get3A_689 : vector<1x16xf32> to vector<16xf32>
        %slice3A_691 = vector.extract_strided_slice %get3A_37 {offsets = [6], sizes = [1], strides = [1]} : vector<16xf32> to vector<1xf32>
        %squeeze3A_692 = vector.extract %slice3A_691[0] : f32 from vector<1xf32>
        %mul3A_693 = vector.broadcast %squeeze3A_692 : f32 to vector<16xf32>
        %mul3A_694 = arith.mulf %get3A_690, %mul3A_693 : vector<16xf32>
        %swap3A_695 = arith.index_cast %add3A_686 : i32 to index
        %swap3A_696 = arith.constant 0 : index
        %swap3A_697 = tpu.vector_load %arg10[%swap3A_695, %swap3A_696] {strides = array<i32>} : memref<128x128xf32, #tpu.memory_space<vmem>>, vector<1x16xf32>,
        %swap3A_698 = vector.shape_cast %swap3A_697 : vector<1x16xf32> to vector<16xf32>
        %swap3A_699 = vector.shape_cast %mul3A_694 : vector<16xf32> to vector<1x16xf32>
        tpu.vector_store %arg10[%swap3A_695, %swap3A_696], %swap3A_699 {strides = array<i32>} : memref<128x128xf32, #tpu.memory_space<vmem>>, vector<1x16xf32>,
        %get3A_700 = arith.index_cast %add3A_686 : i32 to index
        %get3A_701 = arith.constant 16 : index
        %get3A_702 = tpu.vector_load %arg10[%get3A_700, %get3A_701] {strides = array<i32>} : memref<128x128xf32, #tpu.memory_space<vmem>>, vector<1x16xf32>,
        %get3A_703 = vector.shape_cast %get3A_702 : vector<1x16xf32> to vector<16xf32>
        %slice3A_704 = vector.extract_strided_slice %get3A_37 {offsets = [6], sizes = [1], strides = [1]} : vector<16xf32> to vector<1xf32>
        %squeeze3A_705 = vector.extract %slice3A_704[0] : f32 from vector<1xf32>
        %mul3A_706 = vector.broadcast %squeeze3A_705 : f32 to vector<16xf32>
        %mul3A_707 = arith.mulf %get3A_703, %mul3A_706 : vector<16xf32>
        %swap3A_708 = arith.index_cast %add3A_686 : i32 to index
        %swap3A_709 = arith.constant 16 : index
        %swap3A_710 = tpu.vector_load %arg10[%swap3A_708, %swap3A_709] {strides = array<i32>} : memref<128x128xf32, #tpu.memory_space<vmem>>, vector<1x16xf32>,
        %swap3A_711 = vector.shape_cast %swap3A_710 : vector<1x16xf32> to vector<16xf32>
        %swap3A_712 = vector.shape_cast %mul3A_707 : vector<16xf32> to vector<1x16xf32>
        tpu.vector_store %arg10[%swap3A_708, %swap3A_709], %swap3A_712 {strides = array<i32>} : memref<128x128xf32, #tpu.memory_space<vmem>>, vector<1x16xf32>,
        %get3A_713 = arith.index_cast %add3A_686 : i32 to index
        %get3A_714 = arith.constant 32 : index
        %get3A_715 = tpu.vector_load %arg10[%get3A_713, %get3A_714] {strides = array<i32>} : memref<128x128xf32, #tpu.memory_space<vmem>>, vector<1x16xf32>,
        %get3A_716 = vector.shape_cast %get3A_715 : vector<1x16xf32> to vector<16xf32>
        %slice3A_717 = vector.extract_strided_slice %get3A_37 {offsets = [6], sizes = [1], strides = [1]} : vector<16xf32> to vector<1xf32>
        %squeeze3A_718 = vector.extract %slice3A_717[0] : f32 from vector<1xf32>
        %mul3A_719 = vector.broadcast %squeeze3A_718 : f32 to vector<16xf32>
        %mul3A_720 = arith.mulf %get3A_716, %mul3A_719 : vector<16xf32>
        %swap3A_721 = arith.index_cast %add3A_686 : i32 to index
        %swap3A_722 = arith.constant 32 : index
        %swap3A_723 = tpu.vector_load %arg10[%swap3A_721, %swap3A_722] {strides = array<i32>} : memref<128x128xf32, #tpu.memory_space<vmem>>, vector<1x16xf32>,
        %swap3A_724 = vector.shape_cast %swap3A_723 : vector<1x16xf32> to vector<16xf32>
        %swap3A_725 = vector.shape_cast %mul3A_720 : vector<16xf32> to vector<1x16xf32>
        tpu.vector_store %arg10[%swap3A_721, %swap3A_722], %swap3A_725 {strides = array<i32>} : memref<128x128xf32, #tpu.memory_space<vmem>>, vector<1x16xf32>,
        %get3A_726 = arith.index_cast %add3A_686 : i32 to index
        %get3A_727 = arith.constant 48 : index
        %get3A_728 = tpu.vector_load %arg10[%get3A_726, %get3A_727] {strides = array<i32>} : memref<128x128xf32, #tpu.memory_space<vmem>>, vector<1x16xf32>,
        %get3A_729 = vector.shape_cast %get3A_728 : vector<1x16xf32> to vector<16xf32>
        %slice3A_730 = vector.extract_strided_slice %get3A_37 {offsets = [6], sizes = [1], strides = [1]} : vector<16xf32> to vector<1xf32>
        %squeeze3A_731 = vector.extract %slice3A_730[0] : f32 from vector<1xf32>
        %mul3A_732 = vector.broadcast %squeeze3A_731 : f32 to vector<16xf32>
        %mul3A_733 = arith.mulf %get3A_729, %mul3A_732 : vector<16xf32>
        %swap3A_734 = arith.index_cast %add3A_686 : i32 to index
        %swap3A_735 = arith.constant 48 : index
        %swap3A_736 = tpu.vector_load %arg10[%swap3A_734, %swap3A_735] {strides = array<i32>} : memref<128x128xf32, #tpu.memory_space<vmem>>, vector<1x16xf32>,
        %swap3A_737 = vector.shape_cast %swap3A_736 : vector<1x16xf32> to vector<16xf32>
        %swap3A_738 = vector.shape_cast %mul3A_733 : vector<16xf32> to vector<1x16xf32>
        tpu.vector_store %arg10[%swap3A_734, %swap3A_735], %swap3A_738 {strides = array<i32>} : memref<128x128xf32, #tpu.memory_space<vmem>>, vector<1x16xf32>,
        %get3A_739 = arith.index_cast %add3A_686 : i32 to index
        %get3A_740 = arith.constant 64 : index
        %get3A_741 = tpu.vector_load %arg10[%get3A_739, %get3A_740] {strides = array<i32>} : memref<128x128xf32, #tpu.memory_space<vmem>>, vector<1x16xf32>,
        %get3A_742 = vector.shape_cast %get3A_741 : vector<1x16xf32> to vector<16xf32>
        %slice3A_743 = vector.extract_strided_slice %get3A_37 {offsets = [6], sizes = [1], strides = [1]} : vector<16xf32> to vector<1xf32>
        %squeeze3A_744 = vector.extract %slice3A_743[0] : f32 from vector<1xf32>
        %mul3A_745 = vector.broadcast %squeeze3A_744 : f32 to vector<16xf32>
        %mul3A_746 = arith.mulf %get3A_742, %mul3A_745 : vector<16xf32>
        %swap3A_747 = arith.index_cast %add3A_686 : i32 to index
        %swap3A_748 = arith.constant 64 : index
        %swap3A_749 = tpu.vector_load %arg10[%swap3A_747, %swap3A_748] {strides = array<i32>} : memref<128x128xf32, #tpu.memory_space<vmem>>, vector<1x16xf32>,
        %swap3A_750 = vector.shape_cast %swap3A_749 : vector<1x16xf32> to vector<16xf32>
        %swap3A_751 = vector.shape_cast %mul3A_746 : vector<16xf32> to vector<1x16xf32>
        tpu.vector_store %arg10[%swap3A_747, %swap3A_748], %swap3A_751 {strides = array<i32>} : memref<128x128xf32, #tpu.memory_space<vmem>>, vector<1x16xf32>,
        %get3A_752 = arith.index_cast %add3A_686 : i32 to index
        %get3A_753 = arith.constant 80 : index
        %get3A_754 = tpu.vector_load %arg10[%get3A_752, %get3A_753] {strides = array<i32>} : memref<128x128xf32, #tpu.memory_space<vmem>>, vector<1x16xf32>,
        %get3A_755 = vector.shape_cast %get3A_754 : vector<1x16xf32> to vector<16xf32>
        %slice3A_756 = vector.extract_strided_slice %get3A_37 {offsets = [6], sizes = [1], strides = [1]} : vector<16xf32> to vector<1xf32>
        %squeeze3A_757 = vector.extract %slice3A_756[0] : f32 from vector<1xf32>
        %mul3A_758 = vector.broadcast %squeeze3A_757 : f32 to vector<16xf32>
        %mul3A_759 = arith.mulf %get3A_755, %mul3A_758 : vector<16xf32>
        %swap3A_760 = arith.index_cast %add3A_686 : i32 to index
        %swap3A_761 = arith.constant 80 : index
        %swap3A_762 = tpu.vector_load %arg10[%swap3A_760, %swap3A_761] {strides = array<i32>} : memref<128x128xf32, #tpu.memory_space<vmem>>, vector<1x16xf32>,
        %swap3A_763 = vector.shape_cast %swap3A_762 : vector<1x16xf32> to vector<16xf32>
        %swap3A_764 = vector.shape_cast %mul3A_759 : vector<16xf32> to vector<1x16xf32>
        tpu.vector_store %arg10[%swap3A_760, %swap3A_761], %swap3A_764 {strides = array<i32>} : memref<128x128xf32, #tpu.memory_space<vmem>>, vector<1x16xf32>,
        %get3A_765 = arith.index_cast %add3A_686 : i32 to index
        %get3A_766 = arith.constant 96 : index
        %get3A_767 = tpu.vector_load %arg10[%get3A_765, %get3A_766] {strides = array<i32>} : memref<128x128xf32, #tpu.memory_space<vmem>>, vector<1x16xf32>,
        %get3A_768 = vector.shape_cast %get3A_767 : vector<1x16xf32> to vector<16xf32>
        %slice3A_769 = vector.extract_strided_slice %get3A_37 {offsets = [6], sizes = [1], strides = [1]} : vector<16xf32> to vector<1xf32>
        %squeeze3A_770 = vector.extract %slice3A_769[0] : f32 from vector<1xf32>
        %mul3A_771 = vector.broadcast %squeeze3A_770 : f32 to vector<16xf32>
        %mul3A_772 = arith.mulf %get3A_768, %mul3A_771 : vector<16xf32>
        %swap3A_773 = arith.index_cast %add3A_686 : i32 to index
        %swap3A_774 = arith.constant 96 : index
        %swap3A_775 = tpu.vector_load %arg10[%swap3A_773, %swap3A_774] {strides = array<i32>} : memref<128x128xf32, #tpu.memory_space<vmem>>, vector<1x16xf32>,
        %swap3A_776 = vector.shape_cast %swap3A_775 : vector<1x16xf32> to vector<16xf32>
        %swap3A_777 = vector.shape_cast %mul3A_772 : vector<16xf32> to vector<1x16xf32>
        tpu.vector_store %arg10[%swap3A_773, %swap3A_774], %swap3A_777 {strides = array<i32>} : memref<128x128xf32, #tpu.memory_space<vmem>>, vector<1x16xf32>,
        %get3A_778 = arith.index_cast %add3A_686 : i32 to index
        %get3A_779 = arith.constant 112 : index
        %get3A_780 = tpu.vector_load %arg10[%get3A_778, %get3A_779] {strides = array<i32>} : memref<128x128xf32, #tpu.memory_space<vmem>>, vector<1x16xf32>,
        %get3A_781 = vector.shape_cast %get3A_780 : vector<1x16xf32> to vector<16xf32>
        %slice3A_782 = vector.extract_strided_slice %get3A_37 {offsets = [6], sizes = [1], strides = [1]} : vector<16xf32> to vector<1xf32>
        %squeeze3A_783 = vector.extract %slice3A_782[0] : f32 from vector<1xf32>
        %mul3A_784 = vector.broadcast %squeeze3A_783 : f32 to vector<16xf32>
        %mul3A_785 = arith.mulf %get3A_781, %mul3A_784 : vector<16xf32>
        %swap3A_786 = arith.index_cast %add3A_686 : i32 to index
        %swap3A_787 = arith.constant 112 : index
        %swap3A_788 = tpu.vector_load %arg10[%swap3A_786, %swap3A_787] {strides = array<i32>} : memref<128x128xf32, #tpu.memory_space<vmem>>, vector<1x16xf32>,
        %swap3A_789 = vector.shape_cast %swap3A_788 : vector<1x16xf32> to vector<16xf32>
        %swap3A_790 = vector.shape_cast %mul3A_785 : vector<16xf32> to vector<1x16xf32>
        tpu.vector_store %arg10[%swap3A_786, %swap3A_787], %swap3A_790 {strides = array<i32>} : memref<128x128xf32, #tpu.memory_space<vmem>>, vector<1x16xf32>,
        %mul3A_791 = arith.constant 16 : i32
        %mul3A_792 = arith.muli %scan3A_32, %mul3A_791 : i32
        %add3A_793 = arith.constant 7 : i32
        %add3A_794 = arith.addi %mul3A_792, %add3A_793 : i32
        %get3A_795 = arith.index_cast %add3A_794 : i32 to index
        %get3A_796 = arith.constant 0 : index
        %get3A_797 = tpu.vector_load %arg10[%get3A_795, %get3A_796] {strides = array<i32>} : memref<128x128xf32, #tpu.memory_space<vmem>>, vector<1x16xf32>,
        %get3A_798 = vector.shape_cast %get3A_797 : vector<1x16xf32> to vector<16xf32>
        %slice3A_799 = vector.extract_strided_slice %get3A_37 {offsets = [7], sizes = [1], strides = [1]} : vector<16xf32> to vector<1xf32>
        %squeeze3A_800 = vector.extract %slice3A_799[0] : f32 from vector<1xf32>
        %mul3A_801 = vector.broadcast %squeeze3A_800 : f32 to vector<16xf32>
        %mul3A_802 = arith.mulf %get3A_798, %mul3A_801 : vector<16xf32>
        %swap3A_803 = arith.index_cast %add3A_794 : i32 to index
        %swap3A_804 = arith.constant 0 : index
        %swap3A_805 = tpu.vector_load %arg10[%swap3A_803, %swap3A_804] {strides = array<i32>} : memref<128x128xf32, #tpu.memory_space<vmem>>, vector<1x16xf32>,
        %swap3A_806 = vector.shape_cast %swap3A_805 : vector<1x16xf32> to vector<16xf32>
        %swap3A_807 = vector.shape_cast %mul3A_802 : vector<16xf32> to vector<1x16xf32>
        tpu.vector_store %arg10[%swap3A_803, %swap3A_804], %swap3A_807 {strides = array<i32>} : memref<128x128xf32, #tpu.memory_space<vmem>>, vector<1x16xf32>,
        %get3A_808 = arith.index_cast %add3A_794 : i32 to index
        %get3A_809 = arith.constant 16 : index
        %get3A_810 = tpu.vector_load %arg10[%get3A_808, %get3A_809] {strides = array<i32>} : memref<128x128xf32, #tpu.memory_space<vmem>>, vector<1x16xf32>,
        %get3A_811 = vector.shape_cast %get3A_810 : vector<1x16xf32> to vector<16xf32>
        %slice3A_812 = vector.extract_strided_slice %get3A_37 {offsets = [7], sizes = [1], strides = [1]} : vector<16xf32> to vector<1xf32>
        %squeeze3A_813 = vector.extract %slice3A_812[0] : f32 from vector<1xf32>
        %mul3A_814 = vector.broadcast %squeeze3A_813 : f32 to vector<16xf32>
        %mul3A_815 = arith.mulf %get3A_811, %mul3A_814 : vector<16xf32>
        %swap3A_816 = arith.index_cast %add3A_794 : i32 to index
        %swap3A_817 = arith.constant 16 : index
        %swap3A_818 = tpu.vector_load %arg10[%swap3A_816, %swap3A_817] {strides = array<i32>} : memref<128x128xf32, #tpu.memory_space<vmem>>, vector<1x16xf32>,
        %swap3A_819 = vector.shape_cast %swap3A_818 : vector<1x16xf32> to vector<16xf32>
        %swap3A_820 = vector.shape_cast %mul3A_815 : vector<16xf32> to vector<1x16xf32>
        tpu.vector_store %arg10[%swap3A_816, %swap3A_817], %swap3A_820 {strides = array<i32>} : memref<128x128xf32, #tpu.memory_space<vmem>>, vector<1x16xf32>,
        %get3A_821 = arith.index_cast %add3A_794 : i32 to index
        %get3A_822 = arith.constant 32 : index
        %get3A_823 = tpu.vector_load %arg10[%get3A_821, %get3A_822] {strides = array<i32>} : memref<128x128xf32, #tpu.memory_space<vmem>>, vector<1x16xf32>,
        %get3A_824 = vector.shape_cast %get3A_823 : vector<1x16xf32> to vector<16xf32>
        %slice3A_825 = vector.extract_strided_slice %get3A_37 {offsets = [7], sizes = [1], strides = [1]} : vector<16xf32> to vector<1xf32>
        %squeeze3A_826 = vector.extract %slice3A_825[0] : f32 from vector<1xf32>
        %mul3A_827 = vector.broadcast %squeeze3A_826 : f32 to vector<16xf32>
        %mul3A_828 = arith.mulf %get3A_824, %mul3A_827 : vector<16xf32>
        %swap3A_829 = arith.index_cast %add3A_794 : i32 to index
        %swap3A_830 = arith.constant 32 : index
        %swap3A_831 = tpu.vector_load %arg10[%swap3A_829, %swap3A_830] {strides = array<i32>} : memref<128x128xf32, #tpu.memory_space<vmem>>, vector<1x16xf32>,
        %swap3A_832 = vector.shape_cast %swap3A_831 : vector<1x16xf32> to vector<16xf32>
        %swap3A_833 = vector.shape_cast %mul3A_828 : vector<16xf32> to vector<1x16xf32>
        tpu.vector_store %arg10[%swap3A_829, %swap3A_830], %swap3A_833 {strides = array<i32>} : memref<128x128xf32, #tpu.memory_space<vmem>>, vector<1x16xf32>,
        %get3A_834 = arith.index_cast %add3A_794 : i32 to index
        %get3A_835 = arith.constant 48 : index
        %get3A_836 = tpu.vector_load %arg10[%get3A_834, %get3A_835] {strides = array<i32>} : memref<128x128xf32, #tpu.memory_space<vmem>>, vector<1x16xf32>,
        %get3A_837 = vector.shape_cast %get3A_836 : vector<1x16xf32> to vector<16xf32>
        %slice3A_838 = vector.extract_strided_slice %get3A_37 {offsets = [7], sizes = [1], strides = [1]} : vector<16xf32> to vector<1xf32>
        %squeeze3A_839 = vector.extract %slice3A_838[0] : f32 from vector<1xf32>
        %mul3A_840 = vector.broadcast %squeeze3A_839 : f32 to vector<16xf32>
        %mul3A_841 = arith.mulf %get3A_837, %mul3A_840 : vector<16xf32>
        %swap3A_842 = arith.index_cast %add3A_794 : i32 to index
        %swap3A_843 = arith.constant 48 : index
        %swap3A_844 = tpu.vector_load %arg10[%swap3A_842, %swap3A_843] {strides = array<i32>} : memref<128x128xf32, #tpu.memory_space<vmem>>, vector<1x16xf32>,
        %swap3A_845 = vector.shape_cast %swap3A_844 : vector<1x16xf32> to vector<16xf32>
        %swap3A_846 = vector.shape_cast %mul3A_841 : vector<16xf32> to vector<1x16xf32>
        tpu.vector_store %arg10[%swap3A_842, %swap3A_843], %swap3A_846 {strides = array<i32>} : memref<128x128xf32, #tpu.memory_space<vmem>>, vector<1x16xf32>,
        %get3A_847 = arith.index_cast %add3A_794 : i32 to index
        %get3A_848 = arith.constant 64 : index
        %get3A_849 = tpu.vector_load %arg10[%get3A_847, %get3A_848] {strides = array<i32>} : memref<128x128xf32, #tpu.memory_space<vmem>>, vector<1x16xf32>,
        %get3A_850 = vector.shape_cast %get3A_849 : vector<1x16xf32> to vector<16xf32>
        %slice3A_851 = vector.extract_strided_slice %get3A_37 {offsets = [7], sizes = [1], strides = [1]} : vector<16xf32> to vector<1xf32>
        %squeeze3A_852 = vector.extract %slice3A_851[0] : f32 from vector<1xf32>
        %mul3A_853 = vector.broadcast %squeeze3A_852 : f32 to vector<16xf32>
        %mul3A_854 = arith.mulf %get3A_850, %mul3A_853 : vector<16xf32>
        %swap3A_855 = arith.index_cast %add3A_794 : i32 to index
        %swap3A_856 = arith.constant 64 : index
        %swap3A_857 = tpu.vector_load %arg10[%swap3A_855, %swap3A_856] {strides = array<i32>} : memref<128x128xf32, #tpu.memory_space<vmem>>, vector<1x16xf32>,
        %swap3A_858 = vector.shape_cast %swap3A_857 : vector<1x16xf32> to vector<16xf32>
        %swap3A_859 = vector.shape_cast %mul3A_854 : vector<16xf32> to vector<1x16xf32>
        tpu.vector_store %arg10[%swap3A_855, %swap3A_856], %swap3A_859 {strides = array<i32>} : memref<128x128xf32, #tpu.memory_space<vmem>>, vector<1x16xf32>,
        %get3A_860 = arith.index_cast %add3A_794 : i32 to index
        %get3A_861 = arith.constant 80 : index
        %get3A_862 = tpu.vector_load %arg10[%get3A_860, %get3A_861] {strides = array<i32>} : memref<128x128xf32, #tpu.memory_space<vmem>>, vector<1x16xf32>,
        %get3A_863 = vector.shape_cast %get3A_862 : vector<1x16xf32> to vector<16xf32>
        %slice3A_864 = vector.extract_strided_slice %get3A_37 {offsets = [7], sizes = [1], strides = [1]} : vector<16xf32> to vector<1xf32>
        %squeeze3A_865 = vector.extract %slice3A_864[0] : f32 from vector<1xf32>
        %mul3A_866 = vector.broadcast %squeeze3A_865 : f32 to vector<16xf32>
        %mul3A_867 = arith.mulf %get3A_863, %mul3A_866 : vector<16xf32>
        %swap3A_868 = arith.index_cast %add3A_794 : i32 to index
        %swap3A_869 = arith.constant 80 : index
        %swap3A_870 = tpu.vector_load %arg10[%swap3A_868, %swap3A_869] {strides = array<i32>} : memref<128x128xf32, #tpu.memory_space<vmem>>, vector<1x16xf32>,
        %swap3A_871 = vector.shape_cast %swap3A_870 : vector<1x16xf32> to vector<16xf32>
        %swap3A_872 = vector.shape_cast %mul3A_867 : vector<16xf32> to vector<1x16xf32>
        tpu.vector_store %arg10[%swap3A_868, %swap3A_869], %swap3A_872 {strides = array<i32>} : memref<128x128xf32, #tpu.memory_space<vmem>>, vector<1x16xf32>,
        %get3A_873 = arith.index_cast %add3A_794 : i32 to index
        %get3A_874 = arith.constant 96 : index
        %get3A_875 = tpu.vector_load %arg10[%get3A_873, %get3A_874] {strides = array<i32>} : memref<128x128xf32, #tpu.memory_space<vmem>>, vector<1x16xf32>,
        %get3A_876 = vector.shape_cast %get3A_875 : vector<1x16xf32> to vector<16xf32>
        %slice3A_877 = vector.extract_strided_slice %get3A_37 {offsets = [7], sizes = [1], strides = [1]} : vector<16xf32> to vector<1xf32>
        %squeeze3A_878 = vector.extract %slice3A_877[0] : f32 from vector<1xf32>
        %mul3A_879 = vector.broadcast %squeeze3A_878 : f32 to vector<16xf32>
        %mul3A_880 = arith.mulf %get3A_876, %mul3A_879 : vector<16xf32>
        %swap3A_881 = arith.index_cast %add3A_794 : i32 to index
        %swap3A_882 = arith.constant 96 : index
        %swap3A_883 = tpu.vector_load %arg10[%swap3A_881, %swap3A_882] {strides = array<i32>} : memref<128x128xf32, #tpu.memory_space<vmem>>, vector<1x16xf32>,
        %swap3A_884 = vector.shape_cast %swap3A_883 : vector<1x16xf32> to vector<16xf32>
        %swap3A_885 = vector.shape_cast %mul3A_880 : vector<16xf32> to vector<1x16xf32>
        tpu.vector_store %arg10[%swap3A_881, %swap3A_882], %swap3A_885 {strides = array<i32>} : memref<128x128xf32, #tpu.memory_space<vmem>>, vector<1x16xf32>,
        %get3A_886 = arith.index_cast %add3A_794 : i32 to index
        %get3A_887 = arith.constant 112 : index
        %get3A_888 = tpu.vector_load %arg10[%get3A_886, %get3A_887] {strides = array<i32>} : memref<128x128xf32, #tpu.memory_space<vmem>>, vector<1x16xf32>,
        %get3A_889 = vector.shape_cast %get3A_888 : vector<1x16xf32> to vector<16xf32>
        %slice3A_890 = vector.extract_strided_slice %get3A_37 {offsets = [7], sizes = [1], strides = [1]} : vector<16xf32> to vector<1xf32>
        %squeeze3A_891 = vector.extract %slice3A_890[0] : f32 from vector<1xf32>
        %mul3A_892 = vector.broadcast %squeeze3A_891 : f32 to vector<16xf32>
        %mul3A_893 = arith.mulf %get3A_889, %mul3A_892 : vector<16xf32>
        %swap3A_894 = arith.index_cast %add3A_794 : i32 to index
        %swap3A_895 = arith.constant 112 : index
        %swap3A_896 = tpu.vector_load %arg10[%swap3A_894, %swap3A_895] {strides = array<i32>} : memref<128x128xf32, #tpu.memory_space<vmem>>, vector<1x16xf32>,
        %swap3A_897 = vector.shape_cast %swap3A_896 : vector<1x16xf32> to vector<16xf32>
        %swap3A_898 = vector.shape_cast %mul3A_893 : vector<16xf32> to vector<1x16xf32>
        tpu.vector_store %arg10[%swap3A_894, %swap3A_895], %swap3A_898 {strides = array<i32>} : memref<128x128xf32, #tpu.memory_space<vmem>>, vector<1x16xf32>,
        %mul3A_899 = arith.constant 16 : i32
        %mul3A_900 = arith.muli %scan3A_32, %mul3A_899 : i32
        %add3A_901 = arith.constant 8 : i32
        %add3A_902 = arith.addi %mul3A_900, %add3A_901 : i32
        %get3A_903 = arith.index_cast %add3A_902 : i32 to index
        %get3A_904 = arith.constant 0 : index
        %get3A_905 = tpu.vector_load %arg10[%get3A_903, %get3A_904] {strides = array<i32>} : memref<128x128xf32, #tpu.memory_space<vmem>>, vector<1x16xf32>,
        %get3A_906 = vector.shape_cast %get3A_905 : vector<1x16xf32> to vector<16xf32>
        %slice3A_907 = vector.extract_strided_slice %get3A_37 {offsets = [8], sizes = [1], strides = [1]} : vector<16xf32> to vector<1xf32>
        %squeeze3A_908 = vector.extract %slice3A_907[0] : f32 from vector<1xf32>
        %mul3A_909 = vector.broadcast %squeeze3A_908 : f32 to vector<16xf32>
        %mul3A_910 = arith.mulf %get3A_906, %mul3A_909 : vector<16xf32>
        %swap3A_911 = arith.index_cast %add3A_902 : i32 to index
        %swap3A_912 = arith.constant 0 : index
        %swap3A_913 = tpu.vector_load %arg10[%swap3A_911, %swap3A_912] {strides = array<i32>} : memref<128x128xf32, #tpu.memory_space<vmem>>, vector<1x16xf32>,
        %swap3A_914 = vector.shape_cast %swap3A_913 : vector<1x16xf32> to vector<16xf32>
        %swap3A_915 = vector.shape_cast %mul3A_910 : vector<16xf32> to vector<1x16xf32>
        tpu.vector_store %arg10[%swap3A_911, %swap3A_912], %swap3A_915 {strides = array<i32>} : memref<128x128xf32, #tpu.memory_space<vmem>>, vector<1x16xf32>,
        %get3A_916 = arith.index_cast %add3A_902 : i32 to index
        %get3A_917 = arith.constant 16 : index
        %get3A_918 = tpu.vector_load %arg10[%get3A_916, %get3A_917] {strides = array<i32>} : memref<128x128xf32, #tpu.memory_space<vmem>>, vector<1x16xf32>,
        %get3A_919 = vector.shape_cast %get3A_918 : vector<1x16xf32> to vector<16xf32>
        %slice3A_920 = vector.extract_strided_slice %get3A_37 {offsets = [8], sizes = [1], strides = [1]} : vector<16xf32> to vector<1xf32>
        %squeeze3A_921 = vector.extract %slice3A_920[0] : f32 from vector<1xf32>
        %mul3A_922 = vector.broadcast %squeeze3A_921 : f32 to vector<16xf32>
        %mul3A_923 = arith.mulf %get3A_919, %mul3A_922 : vector<16xf32>
        %swap3A_924 = arith.index_cast %add3A_902 : i32 to index
        %swap3A_925 = arith.constant 16 : index
        %swap3A_926 = tpu.vector_load %arg10[%swap3A_924, %swap3A_925] {strides = array<i32>} : memref<128x128xf32, #tpu.memory_space<vmem>>, vector<1x16xf32>,
        %swap3A_927 = vector.shape_cast %swap3A_926 : vector<1x16xf32> to vector<16xf32>
        %swap3A_928 = vector.shape_cast %mul3A_923 : vector<16xf32> to vector<1x16xf32>
        tpu.vector_store %arg10[%swap3A_924, %swap3A_925], %swap3A_928 {strides = array<i32>} : memref<128x128xf32, #tpu.memory_space<vmem>>, vector<1x16xf32>,
        %get3A_929 = arith.index_cast %add3A_902 : i32 to index
        %get3A_930 = arith.constant 32 : index
        %get3A_931 = tpu.vector_load %arg10[%get3A_929, %get3A_930] {strides = array<i32>} : memref<128x128xf32, #tpu.memory_space<vmem>>, vector<1x16xf32>,
        %get3A_932 = vector.shape_cast %get3A_931 : vector<1x16xf32> to vector<16xf32>
        %slice3A_933 = vector.extract_strided_slice %get3A_37 {offsets = [8], sizes = [1], strides = [1]} : vector<16xf32> to vector<1xf32>
        %squeeze3A_934 = vector.extract %slice3A_933[0] : f32 from vector<1xf32>
        %mul3A_935 = vector.broadcast %squeeze3A_934 : f32 to vector<16xf32>
        %mul3A_936 = arith.mulf %get3A_932, %mul3A_935 : vector<16xf32>
        %swap3A_937 = arith.index_cast %add3A_902 : i32 to index
        %swap3A_938 = arith.constant 32 : index
        %swap3A_939 = tpu.vector_load %arg10[%swap3A_937, %swap3A_938] {strides = array<i32>} : memref<128x128xf32, #tpu.memory_space<vmem>>, vector<1x16xf32>,
        %swap3A_940 = vector.shape_cast %swap3A_939 : vector<1x16xf32> to vector<16xf32>
        %swap3A_941 = vector.shape_cast %mul3A_936 : vector<16xf32> to vector<1x16xf32>
        tpu.vector_store %arg10[%swap3A_937, %swap3A_938], %swap3A_941 {strides = array<i32>} : memref<128x128xf32, #tpu.memory_space<vmem>>, vector<1x16xf32>,
        %get3A_942 = arith.index_cast %add3A_902 : i32 to index
        %get3A_943 = arith.constant 48 : index
        %get3A_944 = tpu.vector_load %arg10[%get3A_942, %get3A_943] {strides = array<i32>} : memref<128x128xf32, #tpu.memory_space<vmem>>, vector<1x16xf32>,
        %get3A_945 = vector.shape_cast %get3A_944 : vector<1x16xf32> to vector<16xf32>
        %slice3A_946 = vector.extract_strided_slice %get3A_37 {offsets = [8], sizes = [1], strides = [1]} : vector<16xf32> to vector<1xf32>
        %squeeze3A_947 = vector.extract %slice3A_946[0] : f32 from vector<1xf32>
        %mul3A_948 = vector.broadcast %squeeze3A_947 : f32 to vector<16xf32>
        %mul3A_949 = arith.mulf %get3A_945, %mul3A_948 : vector<16xf32>
        %swap3A_950 = arith.index_cast %add3A_902 : i32 to index
        %swap3A_951 = arith.constant 48 : index
        %swap3A_952 = tpu.vector_load %arg10[%swap3A_950, %swap3A_951] {strides = array<i32>} : memref<128x128xf32, #tpu.memory_space<vmem>>, vector<1x16xf32>,
        %swap3A_953 = vector.shape_cast %swap3A_952 : vector<1x16xf32> to vector<16xf32>
        %swap3A_954 = vector.shape_cast %mul3A_949 : vector<16xf32> to vector<1x16xf32>
        tpu.vector_store %arg10[%swap3A_950, %swap3A_951], %swap3A_954 {strides = array<i32>} : memref<128x128xf32, #tpu.memory_space<vmem>>, vector<1x16xf32>,
        %get3A_955 = arith.index_cast %add3A_902 : i32 to index
        %get3A_956 = arith.constant 64 : index
        %get3A_957 = tpu.vector_load %arg10[%get3A_955, %get3A_956] {strides = array<i32>} : memref<128x128xf32, #tpu.memory_space<vmem>>, vector<1x16xf32>,
        %get3A_958 = vector.shape_cast %get3A_957 : vector<1x16xf32> to vector<16xf32>
        %slice3A_959 = vector.extract_strided_slice %get3A_37 {offsets = [8], sizes = [1], strides = [1]} : vector<16xf32> to vector<1xf32>
        %squeeze3A_960 = vector.extract %slice3A_959[0] : f32 from vector<1xf32>
        %mul3A_961 = vector.broadcast %squeeze3A_960 : f32 to vector<16xf32>
        %mul3A_962 = arith.mulf %get3A_958, %mul3A_961 : vector<16xf32>
        %swap3A_963 = arith.index_cast %add3A_902 : i32 to index
        %swap3A_964 = arith.constant 64 : index
        %swap3A_965 = tpu.vector_load %arg10[%swap3A_963, %swap3A_964] {strides = array<i32>} : memref<128x128xf32, #tpu.memory_space<vmem>>, vector<1x16xf32>,
        %swap3A_966 = vector.shape_cast %swap3A_965 : vector<1x16xf32> to vector<16xf32>
        %swap3A_967 = vector.shape_cast %mul3A_962 : vector<16xf32> to vector<1x16xf32>
        tpu.vector_store %arg10[%swap3A_963, %swap3A_964], %swap3A_967 {strides = array<i32>} : memref<128x128xf32, #tpu.memory_space<vmem>>, vector<1x16xf32>,
        %get3A_968 = arith.index_cast %add3A_902 : i32 to index
        %get3A_969 = arith.constant 80 : index
        %get3A_970 = tpu.vector_load %arg10[%get3A_968, %get3A_969] {strides = array<i32>} : memref<128x128xf32, #tpu.memory_space<vmem>>, vector<1x16xf32>,
        %get3A_971 = vector.shape_cast %get3A_970 : vector<1x16xf32> to vector<16xf32>
        %slice3A_972 = vector.extract_strided_slice %get3A_37 {offsets = [8], sizes = [1], strides = [1]} : vector<16xf32> to vector<1xf32>
        %squeeze3A_973 = vector.extract %slice3A_972[0] : f32 from vector<1xf32>
        %mul3A_974 = vector.broadcast %squeeze3A_973 : f32 to vector<16xf32>
        %mul3A_975 = arith.mulf %get3A_971, %mul3A_974 : vector<16xf32>
        %swap3A_976 = arith.index_cast %add3A_902 : i32 to index
        %swap3A_977 = arith.constant 80 : index
        %swap3A_978 = tpu.vector_load %arg10[%swap3A_976, %swap3A_977] {strides = array<i32>} : memref<128x128xf32, #tpu.memory_space<vmem>>, vector<1x16xf32>,
        %swap3A_979 = vector.shape_cast %swap3A_978 : vector<1x16xf32> to vector<16xf32>
        %swap3A_980 = vector.shape_cast %mul3A_975 : vector<16xf32> to vector<1x16xf32>
        tpu.vector_store %arg10[%swap3A_976, %swap3A_977], %swap3A_980 {strides = array<i32>} : memref<128x128xf32, #tpu.memory_space<vmem>>, vector<1x16xf32>,
        %get3A_981 = arith.index_cast %add3A_902 : i32 to index
        %get3A_982 = arith.constant 96 : index
        %get3A_983 = tpu.vector_load %arg10[%get3A_981, %get3A_982] {strides = array<i32>} : memref<128x128xf32, #tpu.memory_space<vmem>>, vector<1x16xf32>,
        %get3A_984 = vector.shape_cast %get3A_983 : vector<1x16xf32> to vector<16xf32>
        %slice3A_985 = vector.extract_strided_slice %get3A_37 {offsets = [8], sizes = [1], strides = [1]} : vector<16xf32> to vector<1xf32>
        %squeeze3A_986 = vector.extract %slice3A_985[0] : f32 from vector<1xf32>
        %mul3A_987 = vector.broadcast %squeeze3A_986 : f32 to vector<16xf32>
        %mul3A_988 = arith.mulf %get3A_984, %mul3A_987 : vector<16xf32>
        %swap3A_989 = arith.index_cast %add3A_902 : i32 to index
        %swap3A_990 = arith.constant 96 : index
        %swap3A_991 = tpu.vector_load %arg10[%swap3A_989, %swap3A_990] {strides = array<i32>} : memref<128x128xf32, #tpu.memory_space<vmem>>, vector<1x16xf32>,
        %swap3A_992 = vector.shape_cast %swap3A_991 : vector<1x16xf32> to vector<16xf32>
        %swap3A_993 = vector.shape_cast %mul3A_988 : vector<16xf32> to vector<1x16xf32>
        tpu.vector_store %arg10[%swap3A_989, %swap3A_990], %swap3A_993 {strides = array<i32>} : memref<128x128xf32, #tpu.memory_space<vmem>>, vector<1x16xf32>,
        %get3A_994 = arith.index_cast %add3A_902 : i32 to index
        %get3A_995 = arith.constant 112 : index
        %get3A_996 = tpu.vector_load %arg10[%get3A_994, %get3A_995] {strides = array<i32>} : memref<128x128xf32, #tpu.memory_space<vmem>>, vector<1x16xf32>,
        %get3A_997 = vector.shape_cast %get3A_996 : vector<1x16xf32> to vector<16xf32>
        %slice3A_998 = vector.extract_strided_slice %get3A_37 {offsets = [8], sizes = [1], strides = [1]} : vector<16xf32> to vector<1xf32>
        %squeeze3A_999 = vector.extract %slice3A_998[0] : f32 from vector<1xf32>
        %mul3A_1000 = vector.broadcast %squeeze3A_999 : f32 to vector<16xf32>
        %mul3A_1001 = arith.mulf %get3A_997, %mul3A_1000 : vector<16xf32>
        %swap3A_1002 = arith.index_cast %add3A_902 : i32 to index
        %swap3A_1003 = arith.constant 112 : index
        %swap3A_1004 = tpu.vector_load %arg10[%swap3A_1002, %swap3A_1003] {strides = array<i32>} : memref<128x128xf32, #tpu.memory_space<vmem>>, vector<1x16xf32>,
        %swap3A_1005 = vector.shape_cast %swap3A_1004 : vector<1x16xf32> to vector<16xf32>
        %swap3A_1006 = vector.shape_cast %mul3A_1001 : vector<16xf32> to vector<1x16xf32>
        tpu.vector_store %arg10[%swap3A_1002, %swap3A_1003], %swap3A_1006 {strides = array<i32>} : memref<128x128xf32, #tpu.memory_space<vmem>>, vector<1x16xf32>,
        %mul3A_1007 = arith.constant 16 : i32
        %mul3A_1008 = arith.muli %scan3A_32, %mul3A_1007 : i32
        %add3A_1009 = arith.constant 9 : i32
        %add3A_1010 = arith.addi %mul3A_1008, %add3A_1009 : i32
        %get3A_1011 = arith.index_cast %add3A_1010 : i32 to index
        %get3A_1012 = arith.constant 0 : index
        %get3A_1013 = tpu.vector_load %arg10[%get3A_1011, %get3A_1012] {strides = array<i32>} : memref<128x128xf32, #tpu.memory_space<vmem>>, vector<1x16xf32>,
        %get3A_1014 = vector.shape_cast %get3A_1013 : vector<1x16xf32> to vector<16xf32>
        %slice3A_1015 = vector.extract_strided_slice %get3A_37 {offsets = [9], sizes = [1], strides = [1]} : vector<16xf32> to vector<1xf32>
        %squeeze3A_1016 = vector.extract %slice3A_1015[0] : f32 from vector<1xf32>
        %mul3A_1017 = vector.broadcast %squeeze3A_1016 : f32 to vector<16xf32>
        %mul3A_1018 = arith.mulf %get3A_1014, %mul3A_1017 : vector<16xf32>
        %swap3A_1019 = arith.index_cast %add3A_1010 : i32 to index
        %swap3A_1020 = arith.constant 0 : index
        %swap3A_1021 = tpu.vector_load %arg10[%swap3A_1019, %swap3A_1020] {strides = array<i32>} : memref<128x128xf32, #tpu.memory_space<vmem>>, vector<1x16xf32>,
        %swap3A_1022 = vector.shape_cast %swap3A_1021 : vector<1x16xf32> to vector<16xf32>
        %swap3A_1023 = vector.shape_cast %mul3A_1018 : vector<16xf32> to vector<1x16xf32>
        tpu.vector_store %arg10[%swap3A_1019, %swap3A_1020], %swap3A_1023 {strides = array<i32>} : memref<128x128xf32, #tpu.memory_space<vmem>>, vector<1x16xf32>,
        %get3A_1024 = arith.index_cast %add3A_1010 : i32 to index
        %get3A_1025 = arith.constant 16 : index
        %get3A_1026 = tpu.vector_load %arg10[%get3A_1024, %get3A_1025] {strides = array<i32>} : memref<128x128xf32, #tpu.memory_space<vmem>>, vector<1x16xf32>,
        %get3A_1027 = vector.shape_cast %get3A_1026 : vector<1x16xf32> to vector<16xf32>
        %slice3A_1028 = vector.extract_strided_slice %get3A_37 {offsets = [9], sizes = [1], strides = [1]} : vector<16xf32> to vector<1xf32>
        %squeeze3A_1029 = vector.extract %slice3A_1028[0] : f32 from vector<1xf32>
        %mul3A_1030 = vector.broadcast %squeeze3A_1029 : f32 to vector<16xf32>
        %mul3A_1031 = arith.mulf %get3A_1027, %mul3A_1030 : vector<16xf32>
        %swap3A_1032 = arith.index_cast %add3A_1010 : i32 to index
        %swap3A_1033 = arith.constant 16 : index
        %swap3A_1034 = tpu.vector_load %arg10[%swap3A_1032, %swap3A_1033] {strides = array<i32>} : memref<128x128xf32, #tpu.memory_space<vmem>>, vector<1x16xf32>,
        %swap3A_1035 = vector.shape_cast %swap3A_1034 : vector<1x16xf32> to vector<16xf32>
        %swap3A_1036 = vector.shape_cast %mul3A_1031 : vector<16xf32> to vector<1x16xf32>
        tpu.vector_store %arg10[%swap3A_1032, %swap3A_1033], %swap3A_1036 {strides = array<i32>} : memref<128x128xf32, #tpu.memory_space<vmem>>, vector<1x16xf32>,
        %get3A_1037 = arith.index_cast %add3A_1010 : i32 to index
        %get3A_1038 = arith.constant 32 : index
        %get3A_1039 = tpu.vector_load %arg10[%get3A_1037, %get3A_1038] {strides = array<i32>} : memref<128x128xf32, #tpu.memory_space<vmem>>, vector<1x16xf32>,
        %get3A_1040 = vector.shape_cast %get3A_1039 : vector<1x16xf32> to vector<16xf32>
        %slice3A_1041 = vector.extract_strided_slice %get3A_37 {offsets = [9], sizes = [1], strides = [1]} : vector<16xf32> to vector<1xf32>
        %squeeze3A_1042 = vector.extract %slice3A_1041[0] : f32 from vector<1xf32>
        %mul3A_1043 = vector.broadcast %squeeze3A_1042 : f32 to vector<16xf32>
        %mul3A_1044 = arith.mulf %get3A_1040, %mul3A_1043 : vector<16xf32>
        %swap3A_1045 = arith.index_cast %add3A_1010 : i32 to index
        %swap3A_1046 = arith.constant 32 : index
        %swap3A_1047 = tpu.vector_load %arg10[%swap3A_1045, %swap3A_1046] {strides = array<i32>} : memref<128x128xf32, #tpu.memory_space<vmem>>, vector<1x16xf32>,
        %swap3A_1048 = vector.shape_cast %swap3A_1047 : vector<1x16xf32> to vector<16xf32>
        %swap3A_1049 = vector.shape_cast %mul3A_1044 : vector<16xf32> to vector<1x16xf32>
        tpu.vector_store %arg10[%swap3A_1045, %swap3A_1046], %swap3A_1049 {strides = array<i32>} : memref<128x128xf32, #tpu.memory_space<vmem>>, vector<1x16xf32>,
        %get3A_1050 = arith.index_cast %add3A_1010 : i32 to index
        %get3A_1051 = arith.constant 48 : index
        %get3A_1052 = tpu.vector_load %arg10[%get3A_1050, %get3A_1051] {strides = array<i32>} : memref<128x128xf32, #tpu.memory_space<vmem>>, vector<1x16xf32>,
        %get3A_1053 = vector.shape_cast %get3A_1052 : vector<1x16xf32> to vector<16xf32>
        %slice3A_1054 = vector.extract_strided_slice %get3A_37 {offsets = [9], sizes = [1], strides = [1]} : vector<16xf32> to vector<1xf32>
        %squeeze3A_1055 = vector.extract %slice3A_1054[0] : f32 from vector<1xf32>
        %mul3A_1056 = vector.broadcast %squeeze3A_1055 : f32 to vector<16xf32>
        %mul3A_1057 = arith.mulf %get3A_1053, %mul3A_1056 : vector<16xf32>
        %swap3A_1058 = arith.index_cast %add3A_1010 : i32 to index
        %swap3A_1059 = arith.constant 48 : index
        %swap3A_1060 = tpu.vector_load %arg10[%swap3A_1058, %swap3A_1059] {strides = array<i32>} : memref<128x128xf32, #tpu.memory_space<vmem>>, vector<1x16xf32>,
        %swap3A_1061 = vector.shape_cast %swap3A_1060 : vector<1x16xf32> to vector<16xf32>
        %swap3A_1062 = vector.shape_cast %mul3A_1057 : vector<16xf32> to vector<1x16xf32>
        tpu.vector_store %arg10[%swap3A_1058, %swap3A_1059], %swap3A_1062 {strides = array<i32>} : memref<128x128xf32, #tpu.memory_space<vmem>>, vector<1x16xf32>,
        %get3A_1063 = arith.index_cast %add3A_1010 : i32 to index
        %get3A_1064 = arith.constant 64 : index
        %get3A_1065 = tpu.vector_load %arg10[%get3A_1063, %get3A_1064] {strides = array<i32>} : memref<128x128xf32, #tpu.memory_space<vmem>>, vector<1x16xf32>,
        %get3A_1066 = vector.shape_cast %get3A_1065 : vector<1x16xf32> to vector<16xf32>
        %slice3A_1067 = vector.extract_strided_slice %get3A_37 {offsets = [9], sizes = [1], strides = [1]} : vector<16xf32> to vector<1xf32>
        %squeeze3A_1068 = vector.extract %slice3A_1067[0] : f32 from vector<1xf32>
        %mul3A_1069 = vector.broadcast %squeeze3A_1068 : f32 to vector<16xf32>
        %mul3A_1070 = arith.mulf %get3A_1066, %mul3A_1069 : vector<16xf32>
        %swap3A_1071 = arith.index_cast %add3A_1010 : i32 to index
        %swap3A_1072 = arith.constant 64 : index
        %swap3A_1073 = tpu.vector_load %arg10[%swap3A_1071, %swap3A_1072] {strides = array<i32>} : memref<128x128xf32, #tpu.memory_space<vmem>>, vector<1x16xf32>,
        %swap3A_1074 = vector.shape_cast %swap3A_1073 : vector<1x16xf32> to vector<16xf32>
        %swap3A_1075 = vector.shape_cast %mul3A_1070 : vector<16xf32> to vector<1x16xf32>
        tpu.vector_store %arg10[%swap3A_1071, %swap3A_1072], %swap3A_1075 {strides = array<i32>} : memref<128x128xf32, #tpu.memory_space<vmem>>, vector<1x16xf32>,
        %get3A_1076 = arith.index_cast %add3A_1010 : i32 to index
        %get3A_1077 = arith.constant 80 : index
        %get3A_1078 = tpu.vector_load %arg10[%get3A_1076, %get3A_1077] {strides = array<i32>} : memref<128x128xf32, #tpu.memory_space<vmem>>, vector<1x16xf32>,
        %get3A_1079 = vector.shape_cast %get3A_1078 : vector<1x16xf32> to vector<16xf32>
        %slice3A_1080 = vector.extract_strided_slice %get3A_37 {offsets = [9], sizes = [1], strides = [1]} : vector<16xf32> to vector<1xf32>
        %squeeze3A_1081 = vector.extract %slice3A_1080[0] : f32 from vector<1xf32>
        %mul3A_1082 = vector.broadcast %squeeze3A_1081 : f32 to vector<16xf32>
        %mul3A_1083 = arith.mulf %get3A_1079, %mul3A_1082 : vector<16xf32>
        %swap3A_1084 = arith.index_cast %add3A_1010 : i32 to index
        %swap3A_1085 = arith.constant 80 : index
        %swap3A_1086 = tpu.vector_load %arg10[%swap3A_1084, %swap3A_1085] {strides = array<i32>} : memref<128x128xf32, #tpu.memory_space<vmem>>, vector<1x16xf32>,
        %swap3A_1087 = vector.shape_cast %swap3A_1086 : vector<1x16xf32> to vector<16xf32>
        %swap3A_1088 = vector.shape_cast %mul3A_1083 : vector<16xf32> to vector<1x16xf32>
        tpu.vector_store %arg10[%swap3A_1084, %swap3A_1085], %swap3A_1088 {strides = array<i32>} : memref<128x128xf32, #tpu.memory_space<vmem>>, vector<1x16xf32>,
        %get3A_1089 = arith.index_cast %add3A_1010 : i32 to index
        %get3A_1090 = arith.constant 96 : index
        %get3A_1091 = tpu.vector_load %arg10[%get3A_1089, %get3A_1090] {strides = array<i32>} : memref<128x128xf32, #tpu.memory_space<vmem>>, vector<1x16xf32>,
        %get3A_1092 = vector.shape_cast %get3A_1091 : vector<1x16xf32> to vector<16xf32>
        %slice3A_1093 = vector.extract_strided_slice %get3A_37 {offsets = [9], sizes = [1], strides = [1]} : vector<16xf32> to vector<1xf32>
        %squeeze3A_1094 = vector.extract %slice3A_1093[0] : f32 from vector<1xf32>
        %mul3A_1095 = vector.broadcast %squeeze3A_1094 : f32 to vector<16xf32>
        %mul3A_1096 = arith.mulf %get3A_1092, %mul3A_1095 : vector<16xf32>
        %swap3A_1097 = arith.index_cast %add3A_1010 : i32 to index
        %swap3A_1098 = arith.constant 96 : index
        %swap3A_1099 = tpu.vector_load %arg10[%swap3A_1097, %swap3A_1098] {strides = array<i32>} : memref<128x128xf32, #tpu.memory_space<vmem>>, vector<1x16xf32>,
        %swap3A_1100 = vector.shape_cast %swap3A_1099 : vector<1x16xf32> to vector<16xf32>
        %swap3A_1101 = vector.shape_cast %mul3A_1096 : vector<16xf32> to vector<1x16xf32>
        tpu.vector_store %arg10[%swap3A_1097, %swap3A_1098], %swap3A_1101 {strides = array<i32>} : memref<128x128xf32, #tpu.memory_space<vmem>>, vector<1x16xf32>,
        %get3A_1102 = arith.index_cast %add3A_1010 : i32 to index
        %get3A_1103 = arith.constant 112 : index
        %get3A_1104 = tpu.vector_load %arg10[%get3A_1102, %get3A_1103] {strides = array<i32>} : memref<128x128xf32, #tpu.memory_space<vmem>>, vector<1x16xf32>,
        %get3A_1105 = vector.shape_cast %get3A_1104 : vector<1x16xf32> to vector<16xf32>
        %slice3A_1106 = vector.extract_strided_slice %get3A_37 {offsets = [9], sizes = [1], strides = [1]} : vector<16xf32> to vector<1xf32>
        %squeeze3A_1107 = vector.extract %slice3A_1106[0] : f32 from vector<1xf32>
        %mul3A_1108 = vector.broadcast %squeeze3A_1107 : f32 to vector<16xf32>
        %mul3A_1109 = arith.mulf %get3A_1105, %mul3A_1108 : vector<16xf32>
        %swap3A_1110 = arith.index_cast %add3A_1010 : i32 to index
        %swap3A_1111 = arith.constant 112 : index
        %swap3A_1112 = tpu.vector_load %arg10[%swap3A_1110, %swap3A_1111] {strides = array<i32>} : memref<128x128xf32, #tpu.memory_space<vmem>>, vector<1x16xf32>,
        %swap3A_1113 = vector.shape_cast %swap3A_1112 : vector<1x16xf32> to vector<16xf32>
        %swap3A_1114 = vector.shape_cast %mul3A_1109 : vector<16xf32> to vector<1x16xf32>
        tpu.vector_store %arg10[%swap3A_1110, %swap3A_1111], %swap3A_1114 {strides = array<i32>} : memref<128x128xf32, #tpu.memory_space<vmem>>, vector<1x16xf32>,
        %mul3A_1115 = arith.constant 16 : i32
        %mul3A_1116 = arith.muli %scan3A_32, %mul3A_1115 : i32
        %add3A_1117 = arith.constant 10 : i32
        %add3A_1118 = arith.addi %mul3A_1116, %add3A_1117 : i32
        %get3A_1119 = arith.index_cast %add3A_1118 : i32 to index
        %get3A_1120 = arith.constant 0 : index
        %get3A_1121 = tpu.vector_load %arg10[%get3A_1119, %get3A_1120] {strides = array<i32>} : memref<128x128xf32, #tpu.memory_space<vmem>>, vector<1x16xf32>,
        %get3A_1122 = vector.shape_cast %get3A_1121 : vector<1x16xf32> to vector<16xf32>
        %slice3A_1123 = vector.extract_strided_slice %get3A_37 {offsets = [10], sizes = [1], strides = [1]} : vector<16xf32> to vector<1xf32>
        %squeeze3A_1124 = vector.extract %slice3A_1123[0] : f32 from vector<1xf32>
        %mul3A_1125 = vector.broadcast %squeeze3A_1124 : f32 to vector<16xf32>
        %mul3A_1126 = arith.mulf %get3A_1122, %mul3A_1125 : vector<16xf32>
        %swap3A_1127 = arith.index_cast %add3A_1118 : i32 to index
        %swap3A_1128 = arith.constant 0 : index
        %swap3A_1129 = tpu.vector_load %arg10[%swap3A_1127, %swap3A_1128] {strides = array<i32>} : memref<128x128xf32, #tpu.memory_space<vmem>>, vector<1x16xf32>,
        %swap3A_1130 = vector.shape_cast %swap3A_1129 : vector<1x16xf32> to vector<16xf32>
        %swap3A_1131 = vector.shape_cast %mul3A_1126 : vector<16xf32> to vector<1x16xf32>
        tpu.vector_store %arg10[%swap3A_1127, %swap3A_1128], %swap3A_1131 {strides = array<i32>} : memref<128x128xf32, #tpu.memory_space<vmem>>, vector<1x16xf32>,
        %get3A_1132 = arith.index_cast %add3A_1118 : i32 to index
        %get3A_1133 = arith.constant 16 : index
        %get3A_1134 = tpu.vector_load %arg10[%get3A_1132, %get3A_1133] {strides = array<i32>} : memref<128x128xf32, #tpu.memory_space<vmem>>, vector<1x16xf32>,
        %get3A_1135 = vector.shape_cast %get3A_1134 : vector<1x16xf32> to vector<16xf32>
        %slice3A_1136 = vector.extract_strided_slice %get3A_37 {offsets = [10], sizes = [1], strides = [1]} : vector<16xf32> to vector<1xf32>
        %squeeze3A_1137 = vector.extract %slice3A_1136[0] : f32 from vector<1xf32>
        %mul3A_1138 = vector.broadcast %squeeze3A_1137 : f32 to vector<16xf32>
        %mul3A_1139 = arith.mulf %get3A_1135, %mul3A_1138 : vector<16xf32>
        %swap3A_1140 = arith.index_cast %add3A_1118 : i32 to index
        %swap3A_1141 = arith.constant 16 : index
        %swap3A_1142 = tpu.vector_load %arg10[%swap3A_1140, %swap3A_1141] {strides = array<i32>} : memref<128x128xf32, #tpu.memory_space<vmem>>, vector<1x16xf32>,
        %swap3A_1143 = vector.shape_cast %swap3A_1142 : vector<1x16xf32> to vector<16xf32>
        %swap3A_1144 = vector.shape_cast %mul3A_1139 : vector<16xf32> to vector<1x16xf32>
        tpu.vector_store %arg10[%swap3A_1140, %swap3A_1141], %swap3A_1144 {strides = array<i32>} : memref<128x128xf32, #tpu.memory_space<vmem>>, vector<1x16xf32>,
        %get3A_1145 = arith.index_cast %add3A_1118 : i32 to index
        %get3A_1146 = arith.constant 32 : index
        %get3A_1147 = tpu.vector_load %arg10[%get3A_1145, %get3A_1146] {strides = array<i32>} : memref<128x128xf32, #tpu.memory_space<vmem>>, vector<1x16xf32>,
        %get3A_1148 = vector.shape_cast %get3A_1147 : vector<1x16xf32> to vector<16xf32>
        %slice3A_1149 = vector.extract_strided_slice %get3A_37 {offsets = [10], sizes = [1], strides = [1]} : vector<16xf32> to vector<1xf32>
        %squeeze3A_1150 = vector.extract %slice3A_1149[0] : f32 from vector<1xf32>
        %mul3A_1151 = vector.broadcast %squeeze3A_1150 : f32 to vector<16xf32>
        %mul3A_1152 = arith.mulf %get3A_1148, %mul3A_1151 : vector<16xf32>
        %swap3A_1153 = arith.index_cast %add3A_1118 : i32 to index
        %swap3A_1154 = arith.constant 32 : index
        %swap3A_1155 = tpu.vector_load %arg10[%swap3A_1153, %swap3A_1154] {strides = array<i32>} : memref<128x128xf32, #tpu.memory_space<vmem>>, vector<1x16xf32>,
        %swap3A_1156 = vector.shape_cast %swap3A_1155 : vector<1x16xf32> to vector<16xf32>
        %swap3A_1157 = vector.shape_cast %mul3A_1152 : vector<16xf32> to vector<1x16xf32>
        tpu.vector_store %arg10[%swap3A_1153, %swap3A_1154], %swap3A_1157 {strides = array<i32>} : memref<128x128xf32, #tpu.memory_space<vmem>>, vector<1x16xf32>,
        %get3A_1158 = arith.index_cast %add3A_1118 : i32 to index
        %get3A_1159 = arith.constant 48 : index
        %get3A_1160 = tpu.vector_load %arg10[%get3A_1158, %get3A_1159] {strides = array<i32>} : memref<128x128xf32, #tpu.memory_space<vmem>>, vector<1x16xf32>,
        %get3A_1161 = vector.shape_cast %get3A_1160 : vector<1x16xf32> to vector<16xf32>
        %slice3A_1162 = vector.extract_strided_slice %get3A_37 {offsets = [10], sizes = [1], strides = [1]} : vector<16xf32> to vector<1xf32>
        %squeeze3A_1163 = vector.extract %slice3A_1162[0] : f32 from vector<1xf32>
        %mul3A_1164 = vector.broadcast %squeeze3A_1163 : f32 to vector<16xf32>
        %mul3A_1165 = arith.mulf %get3A_1161, %mul3A_1164 : vector<16xf32>
        %swap3A_1166 = arith.index_cast %add3A_1118 : i32 to index
        %swap3A_1167 = arith.constant 48 : index
        %swap3A_1168 = tpu.vector_load %arg10[%swap3A_1166, %swap3A_1167] {strides = array<i32>} : memref<128x128xf32, #tpu.memory_space<vmem>>, vector<1x16xf32>,
        %swap3A_1169 = vector.shape_cast %swap3A_1168 : vector<1x16xf32> to vector<16xf32>
        %swap3A_1170 = vector.shape_cast %mul3A_1165 : vector<16xf32> to vector<1x16xf32>
        tpu.vector_store %arg10[%swap3A_1166, %swap3A_1167], %swap3A_1170 {strides = array<i32>} : memref<128x128xf32, #tpu.memory_space<vmem>>, vector<1x16xf32>,
        %get3A_1171 = arith.index_cast %add3A_1118 : i32 to index
        %get3A_1172 = arith.constant 64 : index
        %get3A_1173 = tpu.vector_load %arg10[%get3A_1171, %get3A_1172] {strides = array<i32>} : memref<128x128xf32, #tpu.memory_space<vmem>>, vector<1x16xf32>,
        %get3A_1174 = vector.shape_cast %get3A_1173 : vector<1x16xf32> to vector<16xf32>
        %slice3A_1175 = vector.extract_strided_slice %get3A_37 {offsets = [10], sizes = [1], strides = [1]} : vector<16xf32> to vector<1xf32>
        %squeeze3A_1176 = vector.extract %slice3A_1175[0] : f32 from vector<1xf32>
        %mul3A_1177 = vector.broadcast %squeeze3A_1176 : f32 to vector<16xf32>
        %mul3A_1178 = arith.mulf %get3A_1174, %mul3A_1177 : vector<16xf32>
        %swap3A_1179 = arith.index_cast %add3A_1118 : i32 to index
        %swap3A_1180 = arith.constant 64 : index
        %swap3A_1181 = tpu.vector_load %arg10[%swap3A_1179, %swap3A_1180] {strides = array<i32>} : memref<128x128xf32, #tpu.memory_space<vmem>>, vector<1x16xf32>,
        %swap3A_1182 = vector.shape_cast %swap3A_1181 : vector<1x16xf32> to vector<16xf32>
        %swap3A_1183 = vector.shape_cast %mul3A_1178 : vector<16xf32> to vector<1x16xf32>
        tpu.vector_store %arg10[%swap3A_1179, %swap3A_1180], %swap3A_1183 {strides = array<i32>} : memref<128x128xf32, #tpu.memory_space<vmem>>, vector<1x16xf32>,
        %get3A_1184 = arith.index_cast %add3A_1118 : i32 to index
        %get3A_1185 = arith.constant 80 : index
        %get3A_1186 = tpu.vector_load %arg10[%get3A_1184, %get3A_1185] {strides = array<i32>} : memref<128x128xf32, #tpu.memory_space<vmem>>, vector<1x16xf32>,
        %get3A_1187 = vector.shape_cast %get3A_1186 : vector<1x16xf32> to vector<16xf32>
        %slice3A_1188 = vector.extract_strided_slice %get3A_37 {offsets = [10], sizes = [1], strides = [1]} : vector<16xf32> to vector<1xf32>
        %squeeze3A_1189 = vector.extract %slice3A_1188[0] : f32 from vector<1xf32>
        %mul3A_1190 = vector.broadcast %squeeze3A_1189 : f32 to vector<16xf32>
        %mul3A_1191 = arith.mulf %get3A_1187, %mul3A_1190 : vector<16xf32>
        %swap3A_1192 = arith.index_cast %add3A_1118 : i32 to index
        %swap3A_1193 = arith.constant 80 : index
        %swap3A_1194 = tpu.vector_load %arg10[%swap3A_1192, %swap3A_1193] {strides = array<i32>} : memref<128x128xf32, #tpu.memory_space<vmem>>, vector<1x16xf32>,
        %swap3A_1195 = vector.shape_cast %swap3A_1194 : vector<1x16xf32> to vector<16xf32>
        %swap3A_1196 = vector.shape_cast %mul3A_1191 : vector<16xf32> to vector<1x16xf32>
        tpu.vector_store %arg10[%swap3A_1192, %swap3A_1193], %swap3A_1196 {strides = array<i32>} : memref<128x128xf32, #tpu.memory_space<vmem>>, vector<1x16xf32>,
        %get3A_1197 = arith.index_cast %add3A_1118 : i32 to index
        %get3A_1198 = arith.constant 96 : index
        %get3A_1199 = tpu.vector_load %arg10[%get3A_1197, %get3A_1198] {strides = array<i32>} : memref<128x128xf32, #tpu.memory_space<vmem>>, vector<1x16xf32>,
        %get3A_1200 = vector.shape_cast %get3A_1199 : vector<1x16xf32> to vector<16xf32>
        %slice3A_1201 = vector.extract_strided_slice %get3A_37 {offsets = [10], sizes = [1], strides = [1]} : vector<16xf32> to vector<1xf32>
        %squeeze3A_1202 = vector.extract %slice3A_1201[0] : f32 from vector<1xf32>
        %mul3A_1203 = vector.broadcast %squeeze3A_1202 : f32 to vector<16xf32>
        %mul3A_1204 = arith.mulf %get3A_1200, %mul3A_1203 : vector<16xf32>
        %swap3A_1205 = arith.index_cast %add3A_1118 : i32 to index
        %swap3A_1206 = arith.constant 96 : index
        %swap3A_1207 = tpu.vector_load %arg10[%swap3A_1205, %swap3A_1206] {strides = array<i32>} : memref<128x128xf32, #tpu.memory_space<vmem>>, vector<1x16xf32>,
        %swap3A_1208 = vector.shape_cast %swap3A_1207 : vector<1x16xf32> to vector<16xf32>
        %swap3A_1209 = vector.shape_cast %mul3A_1204 : vector<16xf32> to vector<1x16xf32>
        tpu.vector_store %arg10[%swap3A_1205, %swap3A_1206], %swap3A_1209 {strides = array<i32>} : memref<128x128xf32, #tpu.memory_space<vmem>>, vector<1x16xf32>,
        %get3A_1210 = arith.index_cast %add3A_1118 : i32 to index
        %get3A_1211 = arith.constant 112 : index
        %get3A_1212 = tpu.vector_load %arg10[%get3A_1210, %get3A_1211] {strides = array<i32>} : memref<128x128xf32, #tpu.memory_space<vmem>>, vector<1x16xf32>,
        %get3A_1213 = vector.shape_cast %get3A_1212 : vector<1x16xf32> to vector<16xf32>
        %slice3A_1214 = vector.extract_strided_slice %get3A_37 {offsets = [10], sizes = [1], strides = [1]} : vector<16xf32> to vector<1xf32>
        %squeeze3A_1215 = vector.extract %slice3A_1214[0] : f32 from vector<1xf32>
        %mul3A_1216 = vector.broadcast %squeeze3A_1215 : f32 to vector<16xf32>
        %mul3A_1217 = arith.mulf %get3A_1213, %mul3A_1216 : vector<16xf32>
        %swap3A_1218 = arith.index_cast %add3A_1118 : i32 to index
        %swap3A_1219 = arith.constant 112 : index
        %swap3A_1220 = tpu.vector_load %arg10[%swap3A_1218, %swap3A_1219] {strides = array<i32>} : memref<128x128xf32, #tpu.memory_space<vmem>>, vector<1x16xf32>,
        %swap3A_1221 = vector.shape_cast %swap3A_1220 : vector<1x16xf32> to vector<16xf32>
        %swap3A_1222 = vector.shape_cast %mul3A_1217 : vector<16xf32> to vector<1x16xf32>
        tpu.vector_store %arg10[%swap3A_1218, %swap3A_1219], %swap3A_1222 {strides = array<i32>} : memref<128x128xf32, #tpu.memory_space<vmem>>, vector<1x16xf32>,
        %mul3A_1223 = arith.constant 16 : i32
        %mul3A_1224 = arith.muli %scan3A_32, %mul3A_1223 : i32
        %add3A_1225 = arith.constant 11 : i32
        %add3A_1226 = arith.addi %mul3A_1224, %add3A_1225 : i32
        %get3A_1227 = arith.index_cast %add3A_1226 : i32 to index
        %get3A_1228 = arith.constant 0 : index
        %get3A_1229 = tpu.vector_load %arg10[%get3A_1227, %get3A_1228] {strides = array<i32>} : memref<128x128xf32, #tpu.memory_space<vmem>>, vector<1x16xf32>,
        %get3A_1230 = vector.shape_cast %get3A_1229 : vector<1x16xf32> to vector<16xf32>
        %slice3A_1231 = vector.extract_strided_slice %get3A_37 {offsets = [11], sizes = [1], strides = [1]} : vector<16xf32> to vector<1xf32>
        %squeeze3A_1232 = vector.extract %slice3A_1231[0] : f32 from vector<1xf32>
        %mul3A_1233 = vector.broadcast %squeeze3A_1232 : f32 to vector<16xf32>
        %mul3A_1234 = arith.mulf %get3A_1230, %mul3A_1233 : vector<16xf32>
        %swap3A_1235 = arith.index_cast %add3A_1226 : i32 to index
        %swap3A_1236 = arith.constant 0 : index
        %swap3A_1237 = tpu.vector_load %arg10[%swap3A_1235, %swap3A_1236] {strides = array<i32>} : memref<128x128xf32, #tpu.memory_space<vmem>>, vector<1x16xf32>,
        %swap3A_1238 = vector.shape_cast %swap3A_1237 : vector<1x16xf32> to vector<16xf32>
        %swap3A_1239 = vector.shape_cast %mul3A_1234 : vector<16xf32> to vector<1x16xf32>
        tpu.vector_store %arg10[%swap3A_1235, %swap3A_1236], %swap3A_1239 {strides = array<i32>} : memref<128x128xf32, #tpu.memory_space<vmem>>, vector<1x16xf32>,
        %get3A_1240 = arith.index_cast %add3A_1226 : i32 to index
        %get3A_1241 = arith.constant 16 : index
        %get3A_1242 = tpu.vector_load %arg10[%get3A_1240, %get3A_1241] {strides = array<i32>} : memref<128x128xf32, #tpu.memory_space<vmem>>, vector<1x16xf32>,
        %get3A_1243 = vector.shape_cast %get3A_1242 : vector<1x16xf32> to vector<16xf32>
        %slice3A_1244 = vector.extract_strided_slice %get3A_37 {offsets = [11], sizes = [1], strides = [1]} : vector<16xf32> to vector<1xf32>
        %squeeze3A_1245 = vector.extract %slice3A_1244[0] : f32 from vector<1xf32>
        %mul3A_1246 = vector.broadcast %squeeze3A_1245 : f32 to vector<16xf32>
        %mul3A_1247 = arith.mulf %get3A_1243, %mul3A_1246 : vector<16xf32>
        %swap3A_1248 = arith.index_cast %add3A_1226 : i32 to index
        %swap3A_1249 = arith.constant 16 : index
        %swap3A_1250 = tpu.vector_load %arg10[%swap3A_1248, %swap3A_1249] {strides = array<i32>} : memref<128x128xf32, #tpu.memory_space<vmem>>, vector<1x16xf32>,
        %swap3A_1251 = vector.shape_cast %swap3A_1250 : vector<1x16xf32> to vector<16xf32>
        %swap3A_1252 = vector.shape_cast %mul3A_1247 : vector<16xf32> to vector<1x16xf32>
        tpu.vector_store %arg10[%swap3A_1248, %swap3A_1249], %swap3A_1252 {strides = array<i32>} : memref<128x128xf32, #tpu.memory_space<vmem>>, vector<1x16xf32>,
        %get3A_1253 = arith.index_cast %add3A_1226 : i32 to index
        %get3A_1254 = arith.constant 32 : index
        %get3A_1255 = tpu.vector_load %arg10[%get3A_1253, %get3A_1254] {strides = array<i32>} : memref<128x128xf32, #tpu.memory_space<vmem>>, vector<1x16xf32>,
        %get3A_1256 = vector.shape_cast %get3A_1255 : vector<1x16xf32> to vector<16xf32>
        %slice3A_1257 = vector.extract_strided_slice %get3A_37 {offsets = [11], sizes = [1], strides = [1]} : vector<16xf32> to vector<1xf32>
        %squeeze3A_1258 = vector.extract %slice3A_1257[0] : f32 from vector<1xf32>
        %mul3A_1259 = vector.broadcast %squeeze3A_1258 : f32 to vector<16xf32>
        %mul3A_1260 = arith.mulf %get3A_1256, %mul3A_1259 : vector<16xf32>
        %swap3A_1261 = arith.index_cast %add3A_1226 : i32 to index
        %swap3A_1262 = arith.constant 32 : index
        %swap3A_1263 = tpu.vector_load %arg10[%swap3A_1261, %swap3A_1262] {strides = array<i32>} : memref<128x128xf32, #tpu.memory_space<vmem>>, vector<1x16xf32>,
        %swap3A_1264 = vector.shape_cast %swap3A_1263 : vector<1x16xf32> to vector<16xf32>
        %swap3A_1265 = vector.shape_cast %mul3A_1260 : vector<16xf32> to vector<1x16xf32>
        tpu.vector_store %arg10[%swap3A_1261, %swap3A_1262], %swap3A_1265 {strides = array<i32>} : memref<128x128xf32, #tpu.memory_space<vmem>>, vector<1x16xf32>,
        %get3A_1266 = arith.index_cast %add3A_1226 : i32 to index
        %get3A_1267 = arith.constant 48 : index
        %get3A_1268 = tpu.vector_load %arg10[%get3A_1266, %get3A_1267] {strides = array<i32>} : memref<128x128xf32, #tpu.memory_space<vmem>>, vector<1x16xf32>,
        %get3A_1269 = vector.shape_cast %get3A_1268 : vector<1x16xf32> to vector<16xf32>
        %slice3A_1270 = vector.extract_strided_slice %get3A_37 {offsets = [11], sizes = [1], strides = [1]} : vector<16xf32> to vector<1xf32>
        %squeeze3A_1271 = vector.extract %slice3A_1270[0] : f32 from vector<1xf32>
        %mul3A_1272 = vector.broadcast %squeeze3A_1271 : f32 to vector<16xf32>
        %mul3A_1273 = arith.mulf %get3A_1269, %mul3A_1272 : vector<16xf32>
        %swap3A_1274 = arith.index_cast %add3A_1226 : i32 to index
        %swap3A_1275 = arith.constant 48 : index
        %swap3A_1276 = tpu.vector_load %arg10[%swap3A_1274, %swap3A_1275] {strides = array<i32>} : memref<128x128xf32, #tpu.memory_space<vmem>>, vector<1x16xf32>,
        %swap3A_1277 = vector.shape_cast %swap3A_1276 : vector<1x16xf32> to vector<16xf32>
        %swap3A_1278 = vector.shape_cast %mul3A_1273 : vector<16xf32> to vector<1x16xf32>
        tpu.vector_store %arg10[%swap3A_1274, %swap3A_1275], %swap3A_1278 {strides = array<i32>} : memref<128x128xf32, #tpu.memory_space<vmem>>, vector<1x16xf32>,
        %get3A_1279 = arith.index_cast %add3A_1226 : i32 to index
        %get3A_1280 = arith.constant 64 : index
        %get3A_1281 = tpu.vector_load %arg10[%get3A_1279, %get3A_1280] {strides = array<i32>} : memref<128x128xf32, #tpu.memory_space<vmem>>, vector<1x16xf32>,
        %get3A_1282 = vector.shape_cast %get3A_1281 : vector<1x16xf32> to vector<16xf32>
        %slice3A_1283 = vector.extract_strided_slice %get3A_37 {offsets = [11], sizes = [1], strides = [1]} : vector<16xf32> to vector<1xf32>
        %squeeze3A_1284 = vector.extract %slice3A_1283[0] : f32 from vector<1xf32>
        %mul3A_1285 = vector.broadcast %squeeze3A_1284 : f32 to vector<16xf32>
        %mul3A_1286 = arith.mulf %get3A_1282, %mul3A_1285 : vector<16xf32>
        %swap3A_1287 = arith.index_cast %add3A_1226 : i32 to index
        %swap3A_1288 = arith.constant 64 : index
        %swap3A_1289 = tpu.vector_load %arg10[%swap3A_1287, %swap3A_1288] {strides = array<i32>} : memref<128x128xf32, #tpu.memory_space<vmem>>, vector<1x16xf32>,
        %swap3A_1290 = vector.shape_cast %swap3A_1289 : vector<1x16xf32> to vector<16xf32>
        %swap3A_1291 = vector.shape_cast %mul3A_1286 : vector<16xf32> to vector<1x16xf32>
        tpu.vector_store %arg10[%swap3A_1287, %swap3A_1288], %swap3A_1291 {strides = array<i32>} : memref<128x128xf32, #tpu.memory_space<vmem>>, vector<1x16xf32>,
        %get3A_1292 = arith.index_cast %add3A_1226 : i32 to index
        %get3A_1293 = arith.constant 80 : index
        %get3A_1294 = tpu.vector_load %arg10[%get3A_1292, %get3A_1293] {strides = array<i32>} : memref<128x128xf32, #tpu.memory_space<vmem>>, vector<1x16xf32>,
        %get3A_1295 = vector.shape_cast %get3A_1294 : vector<1x16xf32> to vector<16xf32>
        %slice3A_1296 = vector.extract_strided_slice %get3A_37 {offsets = [11], sizes = [1], strides = [1]} : vector<16xf32> to vector<1xf32>
        %squeeze3A_1297 = vector.extract %slice3A_1296[0] : f32 from vector<1xf32>
        %mul3A_1298 = vector.broadcast %squeeze3A_1297 : f32 to vector<16xf32>
        %mul3A_1299 = arith.mulf %get3A_1295, %mul3A_1298 : vector<16xf32>
        %swap3A_1300 = arith.index_cast %add3A_1226 : i32 to index
        %swap3A_1301 = arith.constant 80 : index
        %swap3A_1302 = tpu.vector_load %arg10[%swap3A_1300, %swap3A_1301] {strides = array<i32>} : memref<128x128xf32, #tpu.memory_space<vmem>>, vector<1x16xf32>,
        %swap3A_1303 = vector.shape_cast %swap3A_1302 : vector<1x16xf32> to vector<16xf32>
        %swap3A_1304 = vector.shape_cast %mul3A_1299 : vector<16xf32> to vector<1x16xf32>
        tpu.vector_store %arg10[%swap3A_1300, %swap3A_1301], %swap3A_1304 {strides = array<i32>} : memref<128x128xf32, #tpu.memory_space<vmem>>, vector<1x16xf32>,
        %get3A_1305 = arith.index_cast %add3A_1226 : i32 to index
        %get3A_1306 = arith.constant 96 : index
        %get3A_1307 = tpu.vector_load %arg10[%get3A_1305, %get3A_1306] {strides = array<i32>} : memref<128x128xf32, #tpu.memory_space<vmem>>, vector<1x16xf32>,
        %get3A_1308 = vector.shape_cast %get3A_1307 : vector<1x16xf32> to vector<16xf32>
        %slice3A_1309 = vector.extract_strided_slice %get3A_37 {offsets = [11], sizes = [1], strides = [1]} : vector<16xf32> to vector<1xf32>
        %squeeze3A_1310 = vector.extract %slice3A_1309[0] : f32 from vector<1xf32>
        %mul3A_1311 = vector.broadcast %squeeze3A_1310 : f32 to vector<16xf32>
        %mul3A_1312 = arith.mulf %get3A_1308, %mul3A_1311 : vector<16xf32>
        %swap3A_1313 = arith.index_cast %add3A_1226 : i32 to index
        %swap3A_1314 = arith.constant 96 : index
        %swap3A_1315 = tpu.vector_load %arg10[%swap3A_1313, %swap3A_1314] {strides = array<i32>} : memref<128x128xf32, #tpu.memory_space<vmem>>, vector<1x16xf32>,
        %swap3A_1316 = vector.shape_cast %swap3A_1315 : vector<1x16xf32> to vector<16xf32>
        %swap3A_1317 = vector.shape_cast %mul3A_1312 : vector<16xf32> to vector<1x16xf32>
        tpu.vector_store %arg10[%swap3A_1313, %swap3A_1314], %swap3A_1317 {strides = array<i32>} : memref<128x128xf32, #tpu.memory_space<vmem>>, vector<1x16xf32>,
        %get3A_1318 = arith.index_cast %add3A_1226 : i32 to index
        %get3A_1319 = arith.constant 112 : index
        %get3A_1320 = tpu.vector_load %arg10[%get3A_1318, %get3A_1319] {strides = array<i32>} : memref<128x128xf32, #tpu.memory_space<vmem>>, vector<1x16xf32>,
        %get3A_1321 = vector.shape_cast %get3A_1320 : vector<1x16xf32> to vector<16xf32>
        %slice3A_1322 = vector.extract_strided_slice %get3A_37 {offsets = [11], sizes = [1], strides = [1]} : vector<16xf32> to vector<1xf32>
        %squeeze3A_1323 = vector.extract %slice3A_1322[0] : f32 from vector<1xf32>
        %mul3A_1324 = vector.broadcast %squeeze3A_1323 : f32 to vector<16xf32>
        %mul3A_1325 = arith.mulf %get3A_1321, %mul3A_1324 : vector<16xf32>
        %swap3A_1326 = arith.index_cast %add3A_1226 : i32 to index
        %swap3A_1327 = arith.constant 112 : index
        %swap3A_1328 = tpu.vector_load %arg10[%swap3A_1326, %swap3A_1327] {strides = array<i32>} : memref<128x128xf32, #tpu.memory_space<vmem>>, vector<1x16xf32>,
        %swap3A_1329 = vector.shape_cast %swap3A_1328 : vector<1x16xf32> to vector<16xf32>
        %swap3A_1330 = vector.shape_cast %mul3A_1325 : vector<16xf32> to vector<1x16xf32>
        tpu.vector_store %arg10[%swap3A_1326, %swap3A_1327], %swap3A_1330 {strides = array<i32>} : memref<128x128xf32, #tpu.memory_space<vmem>>, vector<1x16xf32>,
        %mul3A_1331 = arith.constant 16 : i32
        %mul3A_1332 = arith.muli %scan3A_32, %mul3A_1331 : i32
        %add3A_1333 = arith.constant 12 : i32
        %add3A_1334 = arith.addi %mul3A_1332, %add3A_1333 : i32
        %get3A_1335 = arith.index_cast %add3A_1334 : i32 to index
        %get3A_1336 = arith.constant 0 : index
        %get3A_1337 = tpu.vector_load %arg10[%get3A_1335, %get3A_1336] {strides = array<i32>} : memref<128x128xf32, #tpu.memory_space<vmem>>, vector<1x16xf32>,
        %get3A_1338 = vector.shape_cast %get3A_1337 : vector<1x16xf32> to vector<16xf32>
        %slice3A_1339 = vector.extract_strided_slice %get3A_37 {offsets = [12], sizes = [1], strides = [1]} : vector<16xf32> to vector<1xf32>
        %squeeze3A_1340 = vector.extract %slice3A_1339[0] : f32 from vector<1xf32>
        %mul3A_1341 = vector.broadcast %squeeze3A_1340 : f32 to vector<16xf32>
        %mul3A_1342 = arith.mulf %get3A_1338, %mul3A_1341 : vector<16xf32>
        %swap3A_1343 = arith.index_cast %add3A_1334 : i32 to index
        %swap3A_1344 = arith.constant 0 : index
        %swap3A_1345 = tpu.vector_load %arg10[%swap3A_1343, %swap3A_1344] {strides = array<i32>} : memref<128x128xf32, #tpu.memory_space<vmem>>, vector<1x16xf32>,
        %swap3A_1346 = vector.shape_cast %swap3A_1345 : vector<1x16xf32> to vector<16xf32>
        %swap3A_1347 = vector.shape_cast %mul3A_1342 : vector<16xf32> to vector<1x16xf32>
        tpu.vector_store %arg10[%swap3A_1343, %swap3A_1344], %swap3A_1347 {strides = array<i32>} : memref<128x128xf32, #tpu.memory_space<vmem>>, vector<1x16xf32>,
        %get3A_1348 = arith.index_cast %add3A_1334 : i32 to index
        %get3A_1349 = arith.constant 16 : index
        %get3A_1350 = tpu.vector_load %arg10[%get3A_1348, %get3A_1349] {strides = array<i32>} : memref<128x128xf32, #tpu.memory_space<vmem>>, vector<1x16xf32>,
        %get3A_1351 = vector.shape_cast %get3A_1350 : vector<1x16xf32> to vector<16xf32>
        %slice3A_1352 = vector.extract_strided_slice %get3A_37 {offsets = [12], sizes = [1], strides = [1]} : vector<16xf32> to vector<1xf32>
        %squeeze3A_1353 = vector.extract %slice3A_1352[0] : f32 from vector<1xf32>
        %mul3A_1354 = vector.broadcast %squeeze3A_1353 : f32 to vector<16xf32>
        %mul3A_1355 = arith.mulf %get3A_1351, %mul3A_1354 : vector<16xf32>
        %swap3A_1356 = arith.index_cast %add3A_1334 : i32 to index
        %swap3A_1357 = arith.constant 16 : index
        %swap3A_1358 = tpu.vector_load %arg10[%swap3A_1356, %swap3A_1357] {strides = array<i32>} : memref<128x128xf32, #tpu.memory_space<vmem>>, vector<1x16xf32>,
        %swap3A_1359 = vector.shape_cast %swap3A_1358 : vector<1x16xf32> to vector<16xf32>
        %swap3A_1360 = vector.shape_cast %mul3A_1355 : vector<16xf32> to vector<1x16xf32>
        tpu.vector_store %arg10[%swap3A_1356, %swap3A_1357], %swap3A_1360 {strides = array<i32>} : memref<128x128xf32, #tpu.memory_space<vmem>>, vector<1x16xf32>,
        %get3A_1361 = arith.index_cast %add3A_1334 : i32 to index
        %get3A_1362 = arith.constant 32 : index
        %get3A_1363 = tpu.vector_load %arg10[%get3A_1361, %get3A_1362] {strides = array<i32>} : memref<128x128xf32, #tpu.memory_space<vmem>>, vector<1x16xf32>,
        %get3A_1364 = vector.shape_cast %get3A_1363 : vector<1x16xf32> to vector<16xf32>
        %slice3A_1365 = vector.extract_strided_slice %get3A_37 {offsets = [12], sizes = [1], strides = [1]} : vector<16xf32> to vector<1xf32>
        %squeeze3A_1366 = vector.extract %slice3A_1365[0] : f32 from vector<1xf32>
        %mul3A_1367 = vector.broadcast %squeeze3A_1366 : f32 to vector<16xf32>
        %mul3A_1368 = arith.mulf %get3A_1364, %mul3A_1367 : vector<16xf32>
        %swap3A_1369 = arith.index_cast %add3A_1334 : i32 to index
        %swap3A_1370 = arith.constant 32 : index
        %swap3A_1371 = tpu.vector_load %arg10[%swap3A_1369, %swap3A_1370] {strides = array<i32>} : memref<128x128xf32, #tpu.memory_space<vmem>>, vector<1x16xf32>,
        %swap3A_1372 = vector.shape_cast %swap3A_1371 : vector<1x16xf32> to vector<16xf32>
        %swap3A_1373 = vector.shape_cast %mul3A_1368 : vector<16xf32> to vector<1x16xf32>
        tpu.vector_store %arg10[%swap3A_1369, %swap3A_1370], %swap3A_1373 {strides = array<i32>} : memref<128x128xf32, #tpu.memory_space<vmem>>, vector<1x16xf32>,
        %get3A_1374 = arith.index_cast %add3A_1334 : i32 to index
        %get3A_1375 = arith.constant 48 : index
        %get3A_1376 = tpu.vector_load %arg10[%get3A_1374, %get3A_1375] {strides = array<i32>} : memref<128x128xf32, #tpu.memory_space<vmem>>, vector<1x16xf32>,
        %get3A_1377 = vector.shape_cast %get3A_1376 : vector<1x16xf32> to vector<16xf32>
        %slice3A_1378 = vector.extract_strided_slice %get3A_37 {offsets = [12], sizes = [1], strides = [1]} : vector<16xf32> to vector<1xf32>
        %squeeze3A_1379 = vector.extract %slice3A_1378[0] : f32 from vector<1xf32>
        %mul3A_1380 = vector.broadcast %squeeze3A_1379 : f32 to vector<16xf32>
        %mul3A_1381 = arith.mulf %get3A_1377, %mul3A_1380 : vector<16xf32>
        %swap3A_1382 = arith.index_cast %add3A_1334 : i32 to index
        %swap3A_1383 = arith.constant 48 : index
        %swap3A_1384 = tpu.vector_load %arg10[%swap3A_1382, %swap3A_1383] {strides = array<i32>} : memref<128x128xf32, #tpu.memory_space<vmem>>, vector<1x16xf32>,
        %swap3A_1385 = vector.shape_cast %swap3A_1384 : vector<1x16xf32> to vector<16xf32>
        %swap3A_1386 = vector.shape_cast %mul3A_1381 : vector<16xf32> to vector<1x16xf32>
        tpu.vector_store %arg10[%swap3A_1382, %swap3A_1383], %swap3A_1386 {strides = array<i32>} : memref<128x128xf32, #tpu.memory_space<vmem>>, vector<1x16xf32>,
        %get3A_1387 = arith.index_cast %add3A_1334 : i32 to index
        %get3A_1388 = arith.constant 64 : index
        %get3A_1389 = tpu.vector_load %arg10[%get3A_1387, %get3A_1388] {strides = array<i32>} : memref<128x128xf32, #tpu.memory_space<vmem>>, vector<1x16xf32>,
        %get3A_1390 = vector.shape_cast %get3A_1389 : vector<1x16xf32> to vector<16xf32>
        %slice3A_1391 = vector.extract_strided_slice %get3A_37 {offsets = [12], sizes = [1], strides = [1]} : vector<16xf32> to vector<1xf32>
        %squeeze3A_1392 = vector.extract %slice3A_1391[0] : f32 from vector<1xf32>
        %mul3A_1393 = vector.broadcast %squeeze3A_1392 : f32 to vector<16xf32>
        %mul3A_1394 = arith.mulf %get3A_1390, %mul3A_1393 : vector<16xf32>
        %swap3A_1395 = arith.index_cast %add3A_1334 : i32 to index
        %swap3A_1396 = arith.constant 64 : index
        %swap3A_1397 = tpu.vector_load %arg10[%swap3A_1395, %swap3A_1396] {strides = array<i32>} : memref<128x128xf32, #tpu.memory_space<vmem>>, vector<1x16xf32>,
        %swap3A_1398 = vector.shape_cast %swap3A_1397 : vector<1x16xf32> to vector<16xf32>
        %swap3A_1399 = vector.shape_cast %mul3A_1394 : vector<16xf32> to vector<1x16xf32>
        tpu.vector_store %arg10[%swap3A_1395, %swap3A_1396], %swap3A_1399 {strides = array<i32>} : memref<128x128xf32, #tpu.memory_space<vmem>>, vector<1x16xf32>,
        %get3A_1400 = arith.index_cast %add3A_1334 : i32 to index
        %get3A_1401 = arith.constant 80 : index
        %get3A_1402 = tpu.vector_load %arg10[%get3A_1400, %get3A_1401] {strides = array<i32>} : memref<128x128xf32, #tpu.memory_space<vmem>>, vector<1x16xf32>,
        %get3A_1403 = vector.shape_cast %get3A_1402 : vector<1x16xf32> to vector<16xf32>
        %slice3A_1404 = vector.extract_strided_slice %get3A_37 {offsets = [12], sizes = [1], strides = [1]} : vector<16xf32> to vector<1xf32>
        %squeeze3A_1405 = vector.extract %slice3A_1404[0] : f32 from vector<1xf32>
        %mul3A_1406 = vector.broadcast %squeeze3A_1405 : f32 to vector<16xf32>
        %mul3A_1407 = arith.mulf %get3A_1403, %mul3A_1406 : vector<16xf32>
        %swap3A_1408 = arith.index_cast %add3A_1334 : i32 to index
        %swap3A_1409 = arith.constant 80 : index
        %swap3A_1410 = tpu.vector_load %arg10[%swap3A_1408, %swap3A_1409] {strides = array<i32>} : memref<128x128xf32, #tpu.memory_space<vmem>>, vector<1x16xf32>,
        %swap3A_1411 = vector.shape_cast %swap3A_1410 : vector<1x16xf32> to vector<16xf32>
        %swap3A_1412 = vector.shape_cast %mul3A_1407 : vector<16xf32> to vector<1x16xf32>
        tpu.vector_store %arg10[%swap3A_1408, %swap3A_1409], %swap3A_1412 {strides = array<i32>} : memref<128x128xf32, #tpu.memory_space<vmem>>, vector<1x16xf32>,
        %get3A_1413 = arith.index_cast %add3A_1334 : i32 to index
        %get3A_1414 = arith.constant 96 : index
        %get3A_1415 = tpu.vector_load %arg10[%get3A_1413, %get3A_1414] {strides = array<i32>} : memref<128x128xf32, #tpu.memory_space<vmem>>, vector<1x16xf32>,
        %get3A_1416 = vector.shape_cast %get3A_1415 : vector<1x16xf32> to vector<16xf32>
        %slice3A_1417 = vector.extract_strided_slice %get3A_37 {offsets = [12], sizes = [1], strides = [1]} : vector<16xf32> to vector<1xf32>
        %squeeze3A_1418 = vector.extract %slice3A_1417[0] : f32 from vector<1xf32>
        %mul3A_1419 = vector.broadcast %squeeze3A_1418 : f32 to vector<16xf32>
        %mul3A_1420 = arith.mulf %get3A_1416, %mul3A_1419 : vector<16xf32>
        %swap3A_1421 = arith.index_cast %add3A_1334 : i32 to index
        %swap3A_1422 = arith.constant 96 : index
        %swap3A_1423 = tpu.vector_load %arg10[%swap3A_1421, %swap3A_1422] {strides = array<i32>} : memref<128x128xf32, #tpu.memory_space<vmem>>, vector<1x16xf32>,
        %swap3A_1424 = vector.shape_cast %swap3A_1423 : vector<1x16xf32> to vector<16xf32>
        %swap3A_1425 = vector.shape_cast %mul3A_1420 : vector<16xf32> to vector<1x16xf32>
        tpu.vector_store %arg10[%swap3A_1421, %swap3A_1422], %swap3A_1425 {strides = array<i32>} : memref<128x128xf32, #tpu.memory_space<vmem>>, vector<1x16xf32>,
        %get3A_1426 = arith.index_cast %add3A_1334 : i32 to index
        %get3A_1427 = arith.constant 112 : index
        %get3A_1428 = tpu.vector_load %arg10[%get3A_1426, %get3A_1427] {strides = array<i32>} : memref<128x128xf32, #tpu.memory_space<vmem>>, vector<1x16xf32>,
        %get3A_1429 = vector.shape_cast %get3A_1428 : vector<1x16xf32> to vector<16xf32>
        %slice3A_1430 = vector.extract_strided_slice %get3A_37 {offsets = [12], sizes = [1], strides = [1]} : vector<16xf32> to vector<1xf32>
        %squeeze3A_1431 = vector.extract %slice3A_1430[0] : f32 from vector<1xf32>
        %mul3A_1432 = vector.broadcast %squeeze3A_1431 : f32 to vector<16xf32>
        %mul3A_1433 = arith.mulf %get3A_1429, %mul3A_1432 : vector<16xf32>
        %swap3A_1434 = arith.index_cast %add3A_1334 : i32 to index
        %swap3A_1435 = arith.constant 112 : index
        %swap3A_1436 = tpu.vector_load %arg10[%swap3A_1434, %swap3A_1435] {strides = array<i32>} : memref<128x128xf32, #tpu.memory_space<vmem>>, vector<1x16xf32>,
        %swap3A_1437 = vector.shape_cast %swap3A_1436 : vector<1x16xf32> to vector<16xf32>
        %swap3A_1438 = vector.shape_cast %mul3A_1433 : vector<16xf32> to vector<1x16xf32>
        tpu.vector_store %arg10[%swap3A_1434, %swap3A_1435], %swap3A_1438 {strides = array<i32>} : memref<128x128xf32, #tpu.memory_space<vmem>>, vector<1x16xf32>,
        %mul3A_1439 = arith.constant 16 : i32
        %mul3A_1440 = arith.muli %scan3A_32, %mul3A_1439 : i32
        %add3A_1441 = arith.constant 13 : i32
        %add3A_1442 = arith.addi %mul3A_1440, %add3A_1441 : i32
        %get3A_1443 = arith.index_cast %add3A_1442 : i32 to index
        %get3A_1444 = arith.constant 0 : index
        %get3A_1445 = tpu.vector_load %arg10[%get3A_1443, %get3A_1444] {strides = array<i32>} : memref<128x128xf32, #tpu.memory_space<vmem>>, vector<1x16xf32>,
        %get3A_1446 = vector.shape_cast %get3A_1445 : vector<1x16xf32> to vector<16xf32>
        %slice3A_1447 = vector.extract_strided_slice %get3A_37 {offsets = [13], sizes = [1], strides = [1]} : vector<16xf32> to vector<1xf32>
        %squeeze3A_1448 = vector.extract %slice3A_1447[0] : f32 from vector<1xf32>
        %mul3A_1449 = vector.broadcast %squeeze3A_1448 : f32 to vector<16xf32>
        %mul3A_1450 = arith.mulf %get3A_1446, %mul3A_1449 : vector<16xf32>
        %swap3A_1451 = arith.index_cast %add3A_1442 : i32 to index
        %swap3A_1452 = arith.constant 0 : index
        %swap3A_1453 = tpu.vector_load %arg10[%swap3A_1451, %swap3A_1452] {strides = array<i32>} : memref<128x128xf32, #tpu.memory_space<vmem>>, vector<1x16xf32>,
        %swap3A_1454 = vector.shape_cast %swap3A_1453 : vector<1x16xf32> to vector<16xf32>
        %swap3A_1455 = vector.shape_cast %mul3A_1450 : vector<16xf32> to vector<1x16xf32>
        tpu.vector_store %arg10[%swap3A_1451, %swap3A_1452], %swap3A_1455 {strides = array<i32>} : memref<128x128xf32, #tpu.memory_space<vmem>>, vector<1x16xf32>,
        %get3A_1456 = arith.index_cast %add3A_1442 : i32 to index
        %get3A_1457 = arith.constant 16 : index
        %get3A_1458 = tpu.vector_load %arg10[%get3A_1456, %get3A_1457] {strides = array<i32>} : memref<128x128xf32, #tpu.memory_space<vmem>>, vector<1x16xf32>,
        %get3A_1459 = vector.shape_cast %get3A_1458 : vector<1x16xf32> to vector<16xf32>
        %slice3A_1460 = vector.extract_strided_slice %get3A_37 {offsets = [13], sizes = [1], strides = [1]} : vector<16xf32> to vector<1xf32>
        %squeeze3A_1461 = vector.extract %slice3A_1460[0] : f32 from vector<1xf32>
        %mul3A_1462 = vector.broadcast %squeeze3A_1461 : f32 to vector<16xf32>
        %mul3A_1463 = arith.mulf %get3A_1459, %mul3A_1462 : vector<16xf32>
        %swap3A_1464 = arith.index_cast %add3A_1442 : i32 to index
        %swap3A_1465 = arith.constant 16 : index
        %swap3A_1466 = tpu.vector_load %arg10[%swap3A_1464, %swap3A_1465] {strides = array<i32>} : memref<128x128xf32, #tpu.memory_space<vmem>>, vector<1x16xf32>,
        %swap3A_1467 = vector.shape_cast %swap3A_1466 : vector<1x16xf32> to vector<16xf32>
        %swap3A_1468 = vector.shape_cast %mul3A_1463 : vector<16xf32> to vector<1x16xf32>
        tpu.vector_store %arg10[%swap3A_1464, %swap3A_1465], %swap3A_1468 {strides = array<i32>} : memref<128x128xf32, #tpu.memory_space<vmem>>, vector<1x16xf32>,
        %get3A_1469 = arith.index_cast %add3A_1442 : i32 to index
        %get3A_1470 = arith.constant 32 : index
        %get3A_1471 = tpu.vector_load %arg10[%get3A_1469, %get3A_1470] {strides = array<i32>} : memref<128x128xf32, #tpu.memory_space<vmem>>, vector<1x16xf32>,
        %get3A_1472 = vector.shape_cast %get3A_1471 : vector<1x16xf32> to vector<16xf32>
        %slice3A_1473 = vector.extract_strided_slice %get3A_37 {offsets = [13], sizes = [1], strides = [1]} : vector<16xf32> to vector<1xf32>
        %squeeze3A_1474 = vector.extract %slice3A_1473[0] : f32 from vector<1xf32>
        %mul3A_1475 = vector.broadcast %squeeze3A_1474 : f32 to vector<16xf32>
        %mul3A_1476 = arith.mulf %get3A_1472, %mul3A_1475 : vector<16xf32>
        %swap3A_1477 = arith.index_cast %add3A_1442 : i32 to index
        %swap3A_1478 = arith.constant 32 : index
        %swap3A_1479 = tpu.vector_load %arg10[%swap3A_1477, %swap3A_1478] {strides = array<i32>} : memref<128x128xf32, #tpu.memory_space<vmem>>, vector<1x16xf32>,
        %swap3A_1480 = vector.shape_cast %swap3A_1479 : vector<1x16xf32> to vector<16xf32>
        %swap3A_1481 = vector.shape_cast %mul3A_1476 : vector<16xf32> to vector<1x16xf32>
        tpu.vector_store %arg10[%swap3A_1477, %swap3A_1478], %swap3A_1481 {strides = array<i32>} : memref<128x128xf32, #tpu.memory_space<vmem>>, vector<1x16xf32>,
        %get3A_1482 = arith.index_cast %add3A_1442 : i32 to index
        %get3A_1483 = arith.constant 48 : index
        %get3A_1484 = tpu.vector_load %arg10[%get3A_1482, %get3A_1483] {strides = array<i32>} : memref<128x128xf32, #tpu.memory_space<vmem>>, vector<1x16xf32>,
        %get3A_1485 = vector.shape_cast %get3A_1484 : vector<1x16xf32> to vector<16xf32>
        %slice3A_1486 = vector.extract_strided_slice %get3A_37 {offsets = [13], sizes = [1], strides = [1]} : vector<16xf32> to vector<1xf32>
        %squeeze3A_1487 = vector.extract %slice3A_1486[0] : f32 from vector<1xf32>
        %mul3A_1488 = vector.broadcast %squeeze3A_1487 : f32 to vector<16xf32>
        %mul3A_1489 = arith.mulf %get3A_1485, %mul3A_1488 : vector<16xf32>
        %swap3A_1490 = arith.index_cast %add3A_1442 : i32 to index
        %swap3A_1491 = arith.constant 48 : index
        %swap3A_1492 = tpu.vector_load %arg10[%swap3A_1490, %swap3A_1491] {strides = array<i32>} : memref<128x128xf32, #tpu.memory_space<vmem>>, vector<1x16xf32>,
        %swap3A_1493 = vector.shape_cast %swap3A_1492 : vector<1x16xf32> to vector<16xf32>
        %swap3A_1494 = vector.shape_cast %mul3A_1489 : vector<16xf32> to vector<1x16xf32>
        tpu.vector_store %arg10[%swap3A_1490, %swap3A_1491], %swap3A_1494 {strides = array<i32>} : memref<128x128xf32, #tpu.memory_space<vmem>>, vector<1x16xf32>,
        %get3A_1495 = arith.index_cast %add3A_1442 : i32 to index
        %get3A_1496 = arith.constant 64 : index
        %get3A_1497 = tpu.vector_load %arg10[%get3A_1495, %get3A_1496] {strides = array<i32>} : memref<128x128xf32, #tpu.memory_space<vmem>>, vector<1x16xf32>,
        %get3A_1498 = vector.shape_cast %get3A_1497 : vector<1x16xf32> to vector<16xf32>
        %slice3A_1499 = vector.extract_strided_slice %get3A_37 {offsets = [13], sizes = [1], strides = [1]} : vector<16xf32> to vector<1xf32>
        %squeeze3A_1500 = vector.extract %slice3A_1499[0] : f32 from vector<1xf32>
        %mul3A_1501 = vector.broadcast %squeeze3A_1500 : f32 to vector<16xf32>
        %mul3A_1502 = arith.mulf %get3A_1498, %mul3A_1501 : vector<16xf32>
        %swap3A_1503 = arith.index_cast %add3A_1442 : i32 to index
        %swap3A_1504 = arith.constant 64 : index
        %swap3A_1505 = tpu.vector_load %arg10[%swap3A_1503, %swap3A_1504] {strides = array<i32>} : memref<128x128xf32, #tpu.memory_space<vmem>>, vector<1x16xf32>,
        %swap3A_1506 = vector.shape_cast %swap3A_1505 : vector<1x16xf32> to vector<16xf32>
        %swap3A_1507 = vector.shape_cast %mul3A_1502 : vector<16xf32> to vector<1x16xf32>
        tpu.vector_store %arg10[%swap3A_1503, %swap3A_1504], %swap3A_1507 {strides = array<i32>} : memref<128x128xf32, #tpu.memory_space<vmem>>, vector<1x16xf32>,
        %get3A_1508 = arith.index_cast %add3A_1442 : i32 to index
        %get3A_1509 = arith.constant 80 : index
        %get3A_1510 = tpu.vector_load %arg10[%get3A_1508, %get3A_1509] {strides = array<i32>} : memref<128x128xf32, #tpu.memory_space<vmem>>, vector<1x16xf32>,
        %get3A_1511 = vector.shape_cast %get3A_1510 : vector<1x16xf32> to vector<16xf32>
        %slice3A_1512 = vector.extract_strided_slice %get3A_37 {offsets = [13], sizes = [1], strides = [1]} : vector<16xf32> to vector<1xf32>
        %squeeze3A_1513 = vector.extract %slice3A_1512[0] : f32 from vector<1xf32>
        %mul3A_1514 = vector.broadcast %squeeze3A_1513 : f32 to vector<16xf32>
        %mul3A_1515 = arith.mulf %get3A_1511, %mul3A_1514 : vector<16xf32>
        %swap3A_1516 = arith.index_cast %add3A_1442 : i32 to index
        %swap3A_1517 = arith.constant 80 : index
        %swap3A_1518 = tpu.vector_load %arg10[%swap3A_1516, %swap3A_1517] {strides = array<i32>} : memref<128x128xf32, #tpu.memory_space<vmem>>, vector<1x16xf32>,
        %swap3A_1519 = vector.shape_cast %swap3A_1518 : vector<1x16xf32> to vector<16xf32>
        %swap3A_1520 = vector.shape_cast %mul3A_1515 : vector<16xf32> to vector<1x16xf32>
        tpu.vector_store %arg10[%swap3A_1516, %swap3A_1517], %swap3A_1520 {strides = array<i32>} : memref<128x128xf32, #tpu.memory_space<vmem>>, vector<1x16xf32>,
        %get3A_1521 = arith.index_cast %add3A_1442 : i32 to index
        %get3A_1522 = arith.constant 96 : index
        %get3A_1523 = tpu.vector_load %arg10[%get3A_1521, %get3A_1522] {strides = array<i32>} : memref<128x128xf32, #tpu.memory_space<vmem>>, vector<1x16xf32>,
        %get3A_1524 = vector.shape_cast %get3A_1523 : vector<1x16xf32> to vector<16xf32>
        %slice3A_1525 = vector.extract_strided_slice %get3A_37 {offsets = [13], sizes = [1], strides = [1]} : vector<16xf32> to vector<1xf32>
        %squeeze3A_1526 = vector.extract %slice3A_1525[0] : f32 from vector<1xf32>
        %mul3A_1527 = vector.broadcast %squeeze3A_1526 : f32 to vector<16xf32>
        %mul3A_1528 = arith.mulf %get3A_1524, %mul3A_1527 : vector<16xf32>
        %swap3A_1529 = arith.index_cast %add3A_1442 : i32 to index
        %swap3A_1530 = arith.constant 96 : index
        %swap3A_1531 = tpu.vector_load %arg10[%swap3A_1529, %swap3A_1530] {strides = array<i32>} : memref<128x128xf32, #tpu.memory_space<vmem>>, vector<1x16xf32>,
        %swap3A_1532 = vector.shape_cast %swap3A_1531 : vector<1x16xf32> to vector<16xf32>
        %swap3A_1533 = vector.shape_cast %mul3A_1528 : vector<16xf32> to vector<1x16xf32>
        tpu.vector_store %arg10[%swap3A_1529, %swap3A_1530], %swap3A_1533 {strides = array<i32>} : memref<128x128xf32, #tpu.memory_space<vmem>>, vector<1x16xf32>,
        %get3A_1534 = arith.index_cast %add3A_1442 : i32 to index
        %get3A_1535 = arith.constant 112 : index
        %get3A_1536 = tpu.vector_load %arg10[%get3A_1534, %get3A_1535] {strides = array<i32>} : memref<128x128xf32, #tpu.memory_space<vmem>>, vector<1x16xf32>,
        %get3A_1537 = vector.shape_cast %get3A_1536 : vector<1x16xf32> to vector<16xf32>
        %slice3A_1538 = vector.extract_strided_slice %get3A_37 {offsets = [13], sizes = [1], strides = [1]} : vector<16xf32> to vector<1xf32>
        %squeeze3A_1539 = vector.extract %slice3A_1538[0] : f32 from vector<1xf32>
        %mul3A_1540 = vector.broadcast %squeeze3A_1539 : f32 to vector<16xf32>
        %mul3A_1541 = arith.mulf %get3A_1537, %mul3A_1540 : vector<16xf32>
        %swap3A_1542 = arith.index_cast %add3A_1442 : i32 to index
        %swap3A_1543 = arith.constant 112 : index
        %swap3A_1544 = tpu.vector_load %arg10[%swap3A_1542, %swap3A_1543] {strides = array<i32>} : memref<128x128xf32, #tpu.memory_space<vmem>>, vector<1x16xf32>,
        %swap3A_1545 = vector.shape_cast %swap3A_1544 : vector<1x16xf32> to vector<16xf32>
        %swap3A_1546 = vector.shape_cast %mul3A_1541 : vector<16xf32> to vector<1x16xf32>
        tpu.vector_store %arg10[%swap3A_1542, %swap3A_1543], %swap3A_1546 {strides = array<i32>} : memref<128x128xf32, #tpu.memory_space<vmem>>, vector<1x16xf32>,
        %mul3A_1547 = arith.constant 16 : i32
        %mul3A_1548 = arith.muli %scan3A_32, %mul3A_1547 : i32
        %add3A_1549 = arith.constant 14 : i32
        %add3A_1550 = arith.addi %mul3A_1548, %add3A_1549 : i32
        %get3A_1551 = arith.index_cast %add3A_1550 : i32 to index
        %get3A_1552 = arith.constant 0 : index
        %get3A_1553 = tpu.vector_load %arg10[%get3A_1551, %get3A_1552] {strides = array<i32>} : memref<128x128xf32, #tpu.memory_space<vmem>>, vector<1x16xf32>,
        %get3A_1554 = vector.shape_cast %get3A_1553 : vector<1x16xf32> to vector<16xf32>
        %slice3A_1555 = vector.extract_strided_slice %get3A_37 {offsets = [14], sizes = [1], strides = [1]} : vector<16xf32> to vector<1xf32>
        %squeeze3A_1556 = vector.extract %slice3A_1555[0] : f32 from vector<1xf32>
        %mul3A_1557 = vector.broadcast %squeeze3A_1556 : f32 to vector<16xf32>
        %mul3A_1558 = arith.mulf %get3A_1554, %mul3A_1557 : vector<16xf32>
        %swap3A_1559 = arith.index_cast %add3A_1550 : i32 to index
        %swap3A_1560 = arith.constant 0 : index
        %swap3A_1561 = tpu.vector_load %arg10[%swap3A_1559, %swap3A_1560] {strides = array<i32>} : memref<128x128xf32, #tpu.memory_space<vmem>>, vector<1x16xf32>,
        %swap3A_1562 = vector.shape_cast %swap3A_1561 : vector<1x16xf32> to vector<16xf32>
        %swap3A_1563 = vector.shape_cast %mul3A_1558 : vector<16xf32> to vector<1x16xf32>
        tpu.vector_store %arg10[%swap3A_1559, %swap3A_1560], %swap3A_1563 {strides = array<i32>} : memref<128x128xf32, #tpu.memory_space<vmem>>, vector<1x16xf32>,
        %get3A_1564 = arith.index_cast %add3A_1550 : i32 to index
        %get3A_1565 = arith.constant 16 : index
        %get3A_1566 = tpu.vector_load %arg10[%get3A_1564, %get3A_1565] {strides = array<i32>} : memref<128x128xf32, #tpu.memory_space<vmem>>, vector<1x16xf32>,
        %get3A_1567 = vector.shape_cast %get3A_1566 : vector<1x16xf32> to vector<16xf32>
        %slice3A_1568 = vector.extract_strided_slice %get3A_37 {offsets = [14], sizes = [1], strides = [1]} : vector<16xf32> to vector<1xf32>
        %squeeze3A_1569 = vector.extract %slice3A_1568[0] : f32 from vector<1xf32>
        %mul3A_1570 = vector.broadcast %squeeze3A_1569 : f32 to vector<16xf32>
        %mul3A_1571 = arith.mulf %get3A_1567, %mul3A_1570 : vector<16xf32>
        %swap3A_1572 = arith.index_cast %add3A_1550 : i32 to index
        %swap3A_1573 = arith.constant 16 : index
        %swap3A_1574 = tpu.vector_load %arg10[%swap3A_1572, %swap3A_1573] {strides = array<i32>} : memref<128x128xf32, #tpu.memory_space<vmem>>, vector<1x16xf32>,
        %swap3A_1575 = vector.shape_cast %swap3A_1574 : vector<1x16xf32> to vector<16xf32>
        %swap3A_1576 = vector.shape_cast %mul3A_1571 : vector<16xf32> to vector<1x16xf32>
        tpu.vector_store %arg10[%swap3A_1572, %swap3A_1573], %swap3A_1576 {strides = array<i32>} : memref<128x128xf32, #tpu.memory_space<vmem>>, vector<1x16xf32>,
        %get3A_1577 = arith.index_cast %add3A_1550 : i32 to index
        %get3A_1578 = arith.constant 32 : index
        %get3A_1579 = tpu.vector_load %arg10[%get3A_1577, %get3A_1578] {strides = array<i32>} : memref<128x128xf32, #tpu.memory_space<vmem>>, vector<1x16xf32>,
        %get3A_1580 = vector.shape_cast %get3A_1579 : vector<1x16xf32> to vector<16xf32>
        %slice3A_1581 = vector.extract_strided_slice %get3A_37 {offsets = [14], sizes = [1], strides = [1]} : vector<16xf32> to vector<1xf32>
        %squeeze3A_1582 = vector.extract %slice3A_1581[0] : f32 from vector<1xf32>
        %mul3A_1583 = vector.broadcast %squeeze3A_1582 : f32 to vector<16xf32>
        %mul3A_1584 = arith.mulf %get3A_1580, %mul3A_1583 : vector<16xf32>
        %swap3A_1585 = arith.index_cast %add3A_1550 : i32 to index
        %swap3A_1586 = arith.constant 32 : index
        %swap3A_1587 = tpu.vector_load %arg10[%swap3A_1585, %swap3A_1586] {strides = array<i32>} : memref<128x128xf32, #tpu.memory_space<vmem>>, vector<1x16xf32>,
        %swap3A_1588 = vector.shape_cast %swap3A_1587 : vector<1x16xf32> to vector<16xf32>
        %swap3A_1589 = vector.shape_cast %mul3A_1584 : vector<16xf32> to vector<1x16xf32>
        tpu.vector_store %arg10[%swap3A_1585, %swap3A_1586], %swap3A_1589 {strides = array<i32>} : memref<128x128xf32, #tpu.memory_space<vmem>>, vector<1x16xf32>,
        %get3A_1590 = arith.index_cast %add3A_1550 : i32 to index
        %get3A_1591 = arith.constant 48 : index
        %get3A_1592 = tpu.vector_load %arg10[%get3A_1590, %get3A_1591] {strides = array<i32>} : memref<128x128xf32, #tpu.memory_space<vmem>>, vector<1x16xf32>,
        %get3A_1593 = vector.shape_cast %get3A_1592 : vector<1x16xf32> to vector<16xf32>
        %slice3A_1594 = vector.extract_strided_slice %get3A_37 {offsets = [14], sizes = [1], strides = [1]} : vector<16xf32> to vector<1xf32>
        %squeeze3A_1595 = vector.extract %slice3A_1594[0] : f32 from vector<1xf32>
        %mul3A_1596 = vector.broadcast %squeeze3A_1595 : f32 to vector<16xf32>
        %mul3A_1597 = arith.mulf %get3A_1593, %mul3A_1596 : vector<16xf32>
        %swap3A_1598 = arith.index_cast %add3A_1550 : i32 to index
        %swap3A_1599 = arith.constant 48 : index
        %swap3A_1600 = tpu.vector_load %arg10[%swap3A_1598, %swap3A_1599] {strides = array<i32>} : memref<128x128xf32, #tpu.memory_space<vmem>>, vector<1x16xf32>,
        %swap3A_1601 = vector.shape_cast %swap3A_1600 : vector<1x16xf32> to vector<16xf32>
        %swap3A_1602 = vector.shape_cast %mul3A_1597 : vector<16xf32> to vector<1x16xf32>
        tpu.vector_store %arg10[%swap3A_1598, %swap3A_1599], %swap3A_1602 {strides = array<i32>} : memref<128x128xf32, #tpu.memory_space<vmem>>, vector<1x16xf32>,
        %get3A_1603 = arith.index_cast %add3A_1550 : i32 to index
        %get3A_1604 = arith.constant 64 : index
        %get3A_1605 = tpu.vector_load %arg10[%get3A_1603, %get3A_1604] {strides = array<i32>} : memref<128x128xf32, #tpu.memory_space<vmem>>, vector<1x16xf32>,
        %get3A_1606 = vector.shape_cast %get3A_1605 : vector<1x16xf32> to vector<16xf32>
        %slice3A_1607 = vector.extract_strided_slice %get3A_37 {offsets = [14], sizes = [1], strides = [1]} : vector<16xf32> to vector<1xf32>
        %squeeze3A_1608 = vector.extract %slice3A_1607[0] : f32 from vector<1xf32>
        %mul3A_1609 = vector.broadcast %squeeze3A_1608 : f32 to vector<16xf32>
        %mul3A_1610 = arith.mulf %get3A_1606, %mul3A_1609 : vector<16xf32>
        %swap3A_1611 = arith.index_cast %add3A_1550 : i32 to index
        %swap3A_1612 = arith.constant 64 : index
        %swap3A_1613 = tpu.vector_load %arg10[%swap3A_1611, %swap3A_1612] {strides = array<i32>} : memref<128x128xf32, #tpu.memory_space<vmem>>, vector<1x16xf32>,
        %swap3A_1614 = vector.shape_cast %swap3A_1613 : vector<1x16xf32> to vector<16xf32>
        %swap3A_1615 = vector.shape_cast %mul3A_1610 : vector<16xf32> to vector<1x16xf32>
        tpu.vector_store %arg10[%swap3A_1611, %swap3A_1612], %swap3A_1615 {strides = array<i32>} : memref<128x128xf32, #tpu.memory_space<vmem>>, vector<1x16xf32>,
        %get3A_1616 = arith.index_cast %add3A_1550 : i32 to index
        %get3A_1617 = arith.constant 80 : index
        %get3A_1618 = tpu.vector_load %arg10[%get3A_1616, %get3A_1617] {strides = array<i32>} : memref<128x128xf32, #tpu.memory_space<vmem>>, vector<1x16xf32>,
        %get3A_1619 = vector.shape_cast %get3A_1618 : vector<1x16xf32> to vector<16xf32>
        %slice3A_1620 = vector.extract_strided_slice %get3A_37 {offsets = [14], sizes = [1], strides = [1]} : vector<16xf32> to vector<1xf32>
        %squeeze3A_1621 = vector.extract %slice3A_1620[0] : f32 from vector<1xf32>
        %mul3A_1622 = vector.broadcast %squeeze3A_1621 : f32 to vector<16xf32>
        %mul3A_1623 = arith.mulf %get3A_1619, %mul3A_1622 : vector<16xf32>
        %swap3A_1624 = arith.index_cast %add3A_1550 : i32 to index
        %swap3A_1625 = arith.constant 80 : index
        %swap3A_1626 = tpu.vector_load %arg10[%swap3A_1624, %swap3A_1625] {strides = array<i32>} : memref<128x128xf32, #tpu.memory_space<vmem>>, vector<1x16xf32>,
        %swap3A_1627 = vector.shape_cast %swap3A_1626 : vector<1x16xf32> to vector<16xf32>
        %swap3A_1628 = vector.shape_cast %mul3A_1623 : vector<16xf32> to vector<1x16xf32>
        tpu.vector_store %arg10[%swap3A_1624, %swap3A_1625], %swap3A_1628 {strides = array<i32>} : memref<128x128xf32, #tpu.memory_space<vmem>>, vector<1x16xf32>,
        %get3A_1629 = arith.index_cast %add3A_1550 : i32 to index
        %get3A_1630 = arith.constant 96 : index
        %get3A_1631 = tpu.vector_load %arg10[%get3A_1629, %get3A_1630] {strides = array<i32>} : memref<128x128xf32, #tpu.memory_space<vmem>>, vector<1x16xf32>,
        %get3A_1632 = vector.shape_cast %get3A_1631 : vector<1x16xf32> to vector<16xf32>
        %slice3A_1633 = vector.extract_strided_slice %get3A_37 {offsets = [14], sizes = [1], strides = [1]} : vector<16xf32> to vector<1xf32>
        %squeeze3A_1634 = vector.extract %slice3A_1633[0] : f32 from vector<1xf32>
        %mul3A_1635 = vector.broadcast %squeeze3A_1634 : f32 to vector<16xf32>
        %mul3A_1636 = arith.mulf %get3A_1632, %mul3A_1635 : vector<16xf32>
        %swap3A_1637 = arith.index_cast %add3A_1550 : i32 to index
        %swap3A_1638 = arith.constant 96 : index
        %swap3A_1639 = tpu.vector_load %arg10[%swap3A_1637, %swap3A_1638] {strides = array<i32>} : memref<128x128xf32, #tpu.memory_space<vmem>>, vector<1x16xf32>,
        %swap3A_1640 = vector.shape_cast %swap3A_1639 : vector<1x16xf32> to vector<16xf32>
        %swap3A_1641 = vector.shape_cast %mul3A_1636 : vector<16xf32> to vector<1x16xf32>
        tpu.vector_store %arg10[%swap3A_1637, %swap3A_1638], %swap3A_1641 {strides = array<i32>} : memref<128x128xf32, #tpu.memory_space<vmem>>, vector<1x16xf32>,
        %get3A_1642 = arith.index_cast %add3A_1550 : i32 to index
        %get3A_1643 = arith.constant 112 : index
        %get3A_1644 = tpu.vector_load %arg10[%get3A_1642, %get3A_1643] {strides = array<i32>} : memref<128x128xf32, #tpu.memory_space<vmem>>, vector<1x16xf32>,
        %get3A_1645 = vector.shape_cast %get3A_1644 : vector<1x16xf32> to vector<16xf32>
        %slice3A_1646 = vector.extract_strided_slice %get3A_37 {offsets = [14], sizes = [1], strides = [1]} : vector<16xf32> to vector<1xf32>
        %squeeze3A_1647 = vector.extract %slice3A_1646[0] : f32 from vector<1xf32>
        %mul3A_1648 = vector.broadcast %squeeze3A_1647 : f32 to vector<16xf32>
        %mul3A_1649 = arith.mulf %get3A_1645, %mul3A_1648 : vector<16xf32>
        %swap3A_1650 = arith.index_cast %add3A_1550 : i32 to index
        %swap3A_1651 = arith.constant 112 : index
        %swap3A_1652 = tpu.vector_load %arg10[%swap3A_1650, %swap3A_1651] {strides = array<i32>} : memref<128x128xf32, #tpu.memory_space<vmem>>, vector<1x16xf32>,
        %swap3A_1653 = vector.shape_cast %swap3A_1652 : vector<1x16xf32> to vector<16xf32>
        %swap3A_1654 = vector.shape_cast %mul3A_1649 : vector<16xf32> to vector<1x16xf32>
        tpu.vector_store %arg10[%swap3A_1650, %swap3A_1651], %swap3A_1654 {strides = array<i32>} : memref<128x128xf32, #tpu.memory_space<vmem>>, vector<1x16xf32>,
        %mul3A_1655 = arith.constant 16 : i32
        %mul3A_1656 = arith.muli %scan3A_32, %mul3A_1655 : i32
        %add3A_1657 = arith.constant 15 : i32
        %add3A_1658 = arith.addi %mul3A_1656, %add3A_1657 : i32
        %get3A_1659 = arith.index_cast %add3A_1658 : i32 to index
        %get3A_1660 = arith.constant 0 : index
        %get3A_1661 = tpu.vector_load %arg10[%get3A_1659, %get3A_1660] {strides = array<i32>} : memref<128x128xf32, #tpu.memory_space<vmem>>, vector<1x16xf32>,
        %get3A_1662 = vector.shape_cast %get3A_1661 : vector<1x16xf32> to vector<16xf32>
        %slice3A_1663 = vector.extract_strided_slice %get3A_37 {offsets = [15], sizes = [1], strides = [1]} : vector<16xf32> to vector<1xf32>
        %squeeze3A_1664 = vector.extract %slice3A_1663[0] : f32 from vector<1xf32>
        %mul3A_1665 = vector.broadcast %squeeze3A_1664 : f32 to vector<16xf32>
        %mul3A_1666 = arith.mulf %get3A_1662, %mul3A_1665 : vector<16xf32>
        %swap3A_1667 = arith.index_cast %add3A_1658 : i32 to index
        %swap3A_1668 = arith.constant 0 : index
        %swap3A_1669 = tpu.vector_load %arg10[%swap3A_1667, %swap3A_1668] {strides = array<i32>} : memref<128x128xf32, #tpu.memory_space<vmem>>, vector<1x16xf32>,
        %swap3A_1670 = vector.shape_cast %swap3A_1669 : vector<1x16xf32> to vector<16xf32>
        %swap3A_1671 = vector.shape_cast %mul3A_1666 : vector<16xf32> to vector<1x16xf32>
        tpu.vector_store %arg10[%swap3A_1667, %swap3A_1668], %swap3A_1671 {strides = array<i32>} : memref<128x128xf32, #tpu.memory_space<vmem>>, vector<1x16xf32>,
        %get3A_1672 = arith.index_cast %add3A_1658 : i32 to index
        %get3A_1673 = arith.constant 16 : index
        %get3A_1674 = tpu.vector_load %arg10[%get3A_1672, %get3A_1673] {strides = array<i32>} : memref<128x128xf32, #tpu.memory_space<vmem>>, vector<1x16xf32>,
        %get3A_1675 = vector.shape_cast %get3A_1674 : vector<1x16xf32> to vector<16xf32>
        %slice3A_1676 = vector.extract_strided_slice %get3A_37 {offsets = [15], sizes = [1], strides = [1]} : vector<16xf32> to vector<1xf32>
        %squeeze3A_1677 = vector.extract %slice3A_1676[0] : f32 from vector<1xf32>
        %mul3A_1678 = vector.broadcast %squeeze3A_1677 : f32 to vector<16xf32>
        %mul3A_1679 = arith.mulf %get3A_1675, %mul3A_1678 : vector<16xf32>
        %swap3A_1680 = arith.index_cast %add3A_1658 : i32 to index
        %swap3A_1681 = arith.constant 16 : index
        %swap3A_1682 = tpu.vector_load %arg10[%swap3A_1680, %swap3A_1681] {strides = array<i32>} : memref<128x128xf32, #tpu.memory_space<vmem>>, vector<1x16xf32>,
        %swap3A_1683 = vector.shape_cast %swap3A_1682 : vector<1x16xf32> to vector<16xf32>
        %swap3A_1684 = vector.shape_cast %mul3A_1679 : vector<16xf32> to vector<1x16xf32>
        tpu.vector_store %arg10[%swap3A_1680, %swap3A_1681], %swap3A_1684 {strides = array<i32>} : memref<128x128xf32, #tpu.memory_space<vmem>>, vector<1x16xf32>,
        %get3A_1685 = arith.index_cast %add3A_1658 : i32 to index
        %get3A_1686 = arith.constant 32 : index
        %get3A_1687 = tpu.vector_load %arg10[%get3A_1685, %get3A_1686] {strides = array<i32>} : memref<128x128xf32, #tpu.memory_space<vmem>>, vector<1x16xf32>,
        %get3A_1688 = vector.shape_cast %get3A_1687 : vector<1x16xf32> to vector<16xf32>
        %slice3A_1689 = vector.extract_strided_slice %get3A_37 {offsets = [15], sizes = [1], strides = [1]} : vector<16xf32> to vector<1xf32>
        %squeeze3A_1690 = vector.extract %slice3A_1689[0] : f32 from vector<1xf32>
        %mul3A_1691 = vector.broadcast %squeeze3A_1690 : f32 to vector<16xf32>
        %mul3A_1692 = arith.mulf %get3A_1688, %mul3A_1691 : vector<16xf32>
        %swap3A_1693 = arith.index_cast %add3A_1658 : i32 to index
        %swap3A_1694 = arith.constant 32 : index
        %swap3A_1695 = tpu.vector_load %arg10[%swap3A_1693, %swap3A_1694] {strides = array<i32>} : memref<128x128xf32, #tpu.memory_space<vmem>>, vector<1x16xf32>,
        %swap3A_1696 = vector.shape_cast %swap3A_1695 : vector<1x16xf32> to vector<16xf32>
        %swap3A_1697 = vector.shape_cast %mul3A_1692 : vector<16xf32> to vector<1x16xf32>
        tpu.vector_store %arg10[%swap3A_1693, %swap3A_1694], %swap3A_1697 {strides = array<i32>} : memref<128x128xf32, #tpu.memory_space<vmem>>, vector<1x16xf32>,
        %get3A_1698 = arith.index_cast %add3A_1658 : i32 to index
        %get3A_1699 = arith.constant 48 : index
        %get3A_1700 = tpu.vector_load %arg10[%get3A_1698, %get3A_1699] {strides = array<i32>} : memref<128x128xf32, #tpu.memory_space<vmem>>, vector<1x16xf32>,
        %get3A_1701 = vector.shape_cast %get3A_1700 : vector<1x16xf32> to vector<16xf32>
        %slice3A_1702 = vector.extract_strided_slice %get3A_37 {offsets = [15], sizes = [1], strides = [1]} : vector<16xf32> to vector<1xf32>
        %squeeze3A_1703 = vector.extract %slice3A_1702[0] : f32 from vector<1xf32>
        %mul3A_1704 = vector.broadcast %squeeze3A_1703 : f32 to vector<16xf32>
        %mul3A_1705 = arith.mulf %get3A_1701, %mul3A_1704 : vector<16xf32>
        %swap3A_1706 = arith.index_cast %add3A_1658 : i32 to index
        %swap3A_1707 = arith.constant 48 : index
        %swap3A_1708 = tpu.vector_load %arg10[%swap3A_1706, %swap3A_1707] {strides = array<i32>} : memref<128x128xf32, #tpu.memory_space<vmem>>, vector<1x16xf32>,
        %swap3A_1709 = vector.shape_cast %swap3A_1708 : vector<1x16xf32> to vector<16xf32>
        %swap3A_1710 = vector.shape_cast %mul3A_1705 : vector<16xf32> to vector<1x16xf32>
        tpu.vector_store %arg10[%swap3A_1706, %swap3A_1707], %swap3A_1710 {strides = array<i32>} : memref<128x128xf32, #tpu.memory_space<vmem>>, vector<1x16xf32>,
        %get3A_1711 = arith.index_cast %add3A_1658 : i32 to index
        %get3A_1712 = arith.constant 64 : index
        %get3A_1713 = tpu.vector_load %arg10[%get3A_1711, %get3A_1712] {strides = array<i32>} : memref<128x128xf32, #tpu.memory_space<vmem>>, vector<1x16xf32>,
        %get3A_1714 = vector.shape_cast %get3A_1713 : vector<1x16xf32> to vector<16xf32>
        %slice3A_1715 = vector.extract_strided_slice %get3A_37 {offsets = [15], sizes = [1], strides = [1]} : vector<16xf32> to vector<1xf32>
        %squeeze3A_1716 = vector.extract %slice3A_1715[0] : f32 from vector<1xf32>
        %mul3A_1717 = vector.broadcast %squeeze3A_1716 : f32 to vector<16xf32>
        %mul3A_1718 = arith.mulf %get3A_1714, %mul3A_1717 : vector<16xf32>
        %swap3A_1719 = arith.index_cast %add3A_1658 : i32 to index
        %swap3A_1720 = arith.constant 64 : index
        %swap3A_1721 = tpu.vector_load %arg10[%swap3A_1719, %swap3A_1720] {strides = array<i32>} : memref<128x128xf32, #tpu.memory_space<vmem>>, vector<1x16xf32>,
        %swap3A_1722 = vector.shape_cast %swap3A_1721 : vector<1x16xf32> to vector<16xf32>
        %swap3A_1723 = vector.shape_cast %mul3A_1718 : vector<16xf32> to vector<1x16xf32>
        tpu.vector_store %arg10[%swap3A_1719, %swap3A_1720], %swap3A_1723 {strides = array<i32>} : memref<128x128xf32, #tpu.memory_space<vmem>>, vector<1x16xf32>,
        %get3A_1724 = arith.index_cast %add3A_1658 : i32 to index
        %get3A_1725 = arith.constant 80 : index
        %get3A_1726 = tpu.vector_load %arg10[%get3A_1724, %get3A_1725] {strides = array<i32>} : memref<128x128xf32, #tpu.memory_space<vmem>>, vector<1x16xf32>,
        %get3A_1727 = vector.shape_cast %get3A_1726 : vector<1x16xf32> to vector<16xf32>
        %slice3A_1728 = vector.extract_strided_slice %get3A_37 {offsets = [15], sizes = [1], strides = [1]} : vector<16xf32> to vector<1xf32>
        %squeeze3A_1729 = vector.extract %slice3A_1728[0] : f32 from vector<1xf32>
        %mul3A_1730 = vector.broadcast %squeeze3A_1729 : f32 to vector<16xf32>
        %mul3A_1731 = arith.mulf %get3A_1727, %mul3A_1730 : vector<16xf32>
        %swap3A_1732 = arith.index_cast %add3A_1658 : i32 to index
        %swap3A_1733 = arith.constant 80 : index
        %swap3A_1734 = tpu.vector_load %arg10[%swap3A_1732, %swap3A_1733] {strides = array<i32>} : memref<128x128xf32, #tpu.memory_space<vmem>>, vector<1x16xf32>,
        %swap3A_1735 = vector.shape_cast %swap3A_1734 : vector<1x16xf32> to vector<16xf32>
        %swap3A_1736 = vector.shape_cast %mul3A_1731 : vector<16xf32> to vector<1x16xf32>
        tpu.vector_store %arg10[%swap3A_1732, %swap3A_1733], %swap3A_1736 {strides = array<i32>} : memref<128x128xf32, #tpu.memory_space<vmem>>, vector<1x16xf32>,
        %get3A_1737 = arith.index_cast %add3A_1658 : i32 to index
        %get3A_1738 = arith.constant 96 : index
        %get3A_1739 = tpu.vector_load %arg10[%get3A_1737, %get3A_1738] {strides = array<i32>} : memref<128x128xf32, #tpu.memory_space<vmem>>, vector<1x16xf32>,
        %get3A_1740 = vector.shape_cast %get3A_1739 : vector<1x16xf32> to vector<16xf32>
        %slice3A_1741 = vector.extract_strided_slice %get3A_37 {offsets = [15], sizes = [1], strides = [1]} : vector<16xf32> to vector<1xf32>
        %squeeze3A_1742 = vector.extract %slice3A_1741[0] : f32 from vector<1xf32>
        %mul3A_1743 = vector.broadcast %squeeze3A_1742 : f32 to vector<16xf32>
        %mul3A_1744 = arith.mulf %get3A_1740, %mul3A_1743 : vector<16xf32>
        %swap3A_1745 = arith.index_cast %add3A_1658 : i32 to index
        %swap3A_1746 = arith.constant 96 : index
        %swap3A_1747 = tpu.vector_load %arg10[%swap3A_1745, %swap3A_1746] {strides = array<i32>} : memref<128x128xf32, #tpu.memory_space<vmem>>, vector<1x16xf32>,
        %swap3A_1748 = vector.shape_cast %swap3A_1747 : vector<1x16xf32> to vector<16xf32>
        %swap3A_1749 = vector.shape_cast %mul3A_1744 : vector<16xf32> to vector<1x16xf32>
        tpu.vector_store %arg10[%swap3A_1745, %swap3A_1746], %swap3A_1749 {strides = array<i32>} : memref<128x128xf32, #tpu.memory_space<vmem>>, vector<1x16xf32>,
        %get3A_1750 = arith.index_cast %add3A_1658 : i32 to index
        %get3A_1751 = arith.constant 112 : index
        %get3A_1752 = tpu.vector_load %arg10[%get3A_1750, %get3A_1751] {strides = array<i32>} : memref<128x128xf32, #tpu.memory_space<vmem>>, vector<1x16xf32>,
        %get3A_1753 = vector.shape_cast %get3A_1752 : vector<1x16xf32> to vector<16xf32>
        %slice3A_1754 = vector.extract_strided_slice %get3A_37 {offsets = [15], sizes = [1], strides = [1]} : vector<16xf32> to vector<1xf32>
        %squeeze3A_1755 = vector.extract %slice3A_1754[0] : f32 from vector<1xf32>
        %mul3A_1756 = vector.broadcast %squeeze3A_1755 : f32 to vector<16xf32>
        %mul3A_1757 = arith.mulf %get3A_1753, %mul3A_1756 : vector<16xf32>
        %swap3A_1758 = arith.index_cast %add3A_1658 : i32 to index
        %swap3A_1759 = arith.constant 112 : index
        %swap3A_1760 = tpu.vector_load %arg10[%swap3A_1758, %swap3A_1759] {strides = array<i32>} : memref<128x128xf32, #tpu.memory_space<vmem>>, vector<1x16xf32>,
        %swap3A_1761 = vector.shape_cast %swap3A_1760 : vector<1x16xf32> to vector<16xf32>
        %swap3A_1762 = vector.shape_cast %mul3A_1757 : vector<16xf32> to vector<1x16xf32>
        tpu.vector_store %arg10[%swap3A_1758, %swap3A_1759], %swap3A_1762 {strides = array<i32>} : memref<128x128xf32, #tpu.memory_space<vmem>>, vector<1x16xf32>,
      }
      %scan3A_31 = arith.constant 8 : i32
      "tpu.region"() ({
        %run_scoped3A = tpu.sem_alloc : memref<!tpu.dma_semaphore, #tpu.memory_space<semaphore_mem>>
        %dma_start3A = arith.constant 0 : i32
        %dma_start3A_32 = tpu.memref_slice %arg8[%scan3A_25, %dma_start3A] : memref<79x128xi32, #tpu.memory_space<vmem>> -> memref<1x128xi32, #tpu.memory_space<vmem>>
        %dma_start3A_33 = tpu.memref_squeeze %dma_start3A_32 : memref<1x128xi32, #tpu.memory_space<vmem>> -> memref<128xi32, #tpu.memory_space<vmem>>
        %dma_start3A_34 = arith.constant 0 : i32
        %dma_start3A_35 = arith.constant 0 : i32
        %dma_start3A_36 = tpu.memref_slice %arg11[%dma_start3A_34, %dma_start3A_35] : memref<10240x128xf32, #tpu.memory_space<vmem_shared>> -> memref<10240x128xf32, #tpu.memory_space<vmem_shared>>
        tpu.enqueue_indirect_dma source(%arg10 : memref<128x128xf32, #tpu.memory_space<vmem>>) target(%dma_start3A_36 : memref<10240x128xf32, #tpu.memory_space<vmem_shared>>) offsets(%dma_start3A_33 : memref<128xi32, #tpu.memory_space<vmem>>) semaphore(%run_scoped3A : memref<!tpu.dma_semaphore, #tpu.memory_space<semaphore_mem>>) {add = true}
        %dma_wait3A = arith.constant 0 : i32
        %dma_wait3A_37 = tpu.memref_slice %arg8[%scan3A_25, %dma_wait3A] : memref<79x128xi32, #tpu.memory_space<vmem>> -> memref<1x128xi32, #tpu.memory_space<vmem>>
        %dma_wait3A_38 = tpu.memref_squeeze %dma_wait3A_37 : memref<1x128xi32, #tpu.memory_space<vmem>> -> memref<128xi32, #tpu.memory_space<vmem>>
        %dma_wait3A_39 = arith.constant 0 : i32
        %dma_wait3A_40 = arith.constant 0 : i32
        %dma_wait3A_41 = tpu.memref_slice %arg11[%dma_wait3A_39, %dma_wait3A_40] : memref<10240x128xf32, #tpu.memory_space<vmem_shared>> -> memref<10240x128xf32, #tpu.memory_space<vmem_shared>>
        tpu.wait_indirect_dma semaphore(%run_scoped3A : memref<!tpu.dma_semaphore, #tpu.memory_space<semaphore_mem>>) src(%arg10 : memref<128x128xf32, #tpu.memory_space<vmem>>) dst(%dma_wait3A_41 : memref<10240x128xf32, #tpu.memory_space<vmem_shared>>)
        tpu.yield
      }) : () -> ()
    }
    %scan3A_23 = arith.constant 79 : i32
    %barrier3A_24 = arith.constant 0 : index
    tpu.barrier barrier_id(%barrier3A_24)
    "tpu.region"() ({
      %run_scoped3A = tpu.sem_alloc : memref<!tpu.dma_semaphore, #tpu.memory_space<semaphore_mem>>
      %dma_start3A = arith.constant 0 : i32
      %dma_start3A_25 = tpu.memref_slice %arg6[%arg0, %mul3A_7, %dma_start3A] : memref<2x10240x128xf32, #tpu.memory_space<hbm>> -> memref<1x640x128xf32, #tpu.memory_space<hbm>>
      %dma_start3A_26 = tpu.memref_squeeze %dma_start3A_25 : memref<1x640x128xf32, #tpu.memory_space<hbm>> -> memref<640x128xf32, #tpu.memory_space<hbm>>
      %dma_start3A_27 = arith.constant 0 : i32
      %dma_start3A_28 = tpu.memref_slice %arg11[%mul3A_7, %dma_start3A_27] : memref<10240x128xf32, #tpu.memory_space<vmem_shared>> -> memref<640x128xf32, #tpu.memory_space<vmem_shared>>
      tpu.enqueue_dma source(%dma_start3A_28 : memref<640x128xf32, #tpu.memory_space<vmem_shared>>) target(%dma_start3A_26 : memref<640x128xf32, #tpu.memory_space<hbm>>) target_semaphore(%run_scoped3A : memref<!tpu.dma_semaphore, #tpu.memory_space<semaphore_mem>>)
      %dma_wait3A = arith.constant 0 : i32
      %dma_wait3A_29 = tpu.memref_slice %arg6[%arg0, %mul3A_7, %dma_wait3A] : memref<2x10240x128xf32, #tpu.memory_space<hbm>> -> memref<1x640x128xf32, #tpu.memory_space<hbm>>
      %dma_wait3A_30 = tpu.memref_squeeze %dma_wait3A_29 : memref<1x640x128xf32, #tpu.memory_space<hbm>> -> memref<640x128xf32, #tpu.memory_space<hbm>>
      %dma_wait3A_31 = arith.constant 0 : i32
      %dma_wait3A_32 = tpu.memref_slice %arg11[%mul3A_7, %dma_wait3A_31] : memref<10240x128xf32, #tpu.memory_space<vmem_shared>> -> memref<640x128xf32, #tpu.memory_space<vmem_shared>>
      tpu.wait_dma2 semaphore(%run_scoped3A : memref<!tpu.dma_semaphore, #tpu.memory_space<semaphore_mem>>) src(%dma_wait3A_32 : memref<640x128xf32, #tpu.memory_space<vmem_shared>>) dst(%dma_wait3A_30 : memref<640x128xf32, #tpu.memory_space<hbm>>)
      tpu.yield
    }) : () -> ()
    return
  }
}

module attributes {stable_mosaic.version = 14 : i64} {
  func.func @_mm_body(%arg0: i32, %arg1: memref<1000x128xf32, #tpu.memory_space<vmem>>, %arg2: memref<128x128xf32, #tpu.memory_space<vmem>>, %arg3: memref<1000x128xf32, #tpu.memory_space<vmem>>) attributes {dimension_semantics = [#tpu.dimension_semantics<arbitrary>], iteration_bounds = array<i64: 10>, scalar_prefetch = 0 : i64, scratch_operands = 0 : i64, tpu.core_type = #tpu.core_type<tc>, window_params = [{transform_indices = @transform_0, window_bounds = array<i64: 1000, 128>}, {pipeline_mode = #tpu.pipeline_mode<synchronous>, transform_indices = @transform_1, window_bounds = array<i64: 128, 128>}, {transform_indices = @transform_2, window_bounds = array<i64: 1000, 128>}]} {
    %get3A = arith.constant 0 : index
    %get3A_0 = arith.constant 0 : index
    %get3A_1 = vector.load %arg1[%get3A, %get3A_0] : memref<1000x128xf32, #tpu.memory_space<vmem>>, vector<1000x128xf32>
    %get3A_2 = arith.constant 0 : index
    %get3A_3 = arith.constant 0 : index
    %get3A_4 = vector.load %arg2[%get3A_2, %get3A_3] : memref<128x128xf32, #tpu.memory_space<vmem>>, vector<128x128xf32>
    %dot_general3A = arith.constant dense<0.000000e+00> : vector<1000x128xf32>
    %dot_general3A_5 = tpu.matmul %get3A_1, %get3A_4, %dot_general3A {dimension_numbers = #tpu.dot_dimension_numbers<[1], [0], [0], [1], [0, 0, 1, 1], [], []>, transpose_lhs_hint = false} : vector<1000x128xf32>, vector<128x128xf32>, vector<1000x128xf32> -> vector<1000x128xf32>
    %swap3A = arith.constant 0 : index
    %swap3A_6 = arith.constant 0 : index
    %swap3A_7 = vector.load %arg3[%swap3A, %swap3A_6] : memref<1000x128xf32, #tpu.memory_space<vmem>>, vector<1000x128xf32>
    tpu.vector_store %arg3[%swap3A, %swap3A_6], %dot_general3A_5 {strides = array<i32>} : memref<1000x128xf32, #tpu.memory_space<vmem>>, vector<1000x128xf32>,
    return
  }
  func.func @transform_0(%arg0: i32) -> (i32, i32) {
    %c0_i32 = arith.constant 0 : i32
    %c0_i32_0 = arith.constant 0 : i32
    return %arg0, %c0_i32 : i32, i32
  }
  func.func @transform_1(%arg0: i32) -> (i32, i32) {
    %c0_i32 = arith.constant 0 : i32
    %c0_i32_0 = arith.constant 0 : i32
    %c0_i32_1 = arith.constant 0 : i32
    return %c0_i32, %c0_i32_0 : i32, i32
  }
  func.func @transform_2(%arg0: i32) -> (i32, i32) {
    %c0_i32 = arith.constant 0 : i32
    %c0_i32_0 = arith.constant 0 : i32
    return %arg0, %c0_i32 : i32, i32
  }
}

module attributes {stable_mosaic.version = 14 : i64} {
  func.func @_mid_body(%arg0: i32, %arg1: memref<2x1000x128xf32, #tpu.memory_space<vmem>>, %arg2: memref<1000x128xf32, #tpu.memory_space<vmem>>, %arg3: memref<1x128xf32, #tpu.memory_space<vmem>>, %arg4: memref<128x128xf32, #tpu.memory_space<vmem>>, %arg5: memref<128x128xf32, #tpu.memory_space<vmem>>, %arg6: memref<128x128xf32, #tpu.memory_space<vmem>>, %arg7: memref<1000x128xf32, #tpu.memory_space<vmem>>, %arg8: memref<1000x128xf32, #tpu.memory_space<vmem>>) attributes {dimension_semantics = [#tpu.dimension_semantics<arbitrary>], iteration_bounds = array<i64: 10>, scalar_prefetch = 0 : i64, scratch_operands = 0 : i64, tpu.core_type = #tpu.core_type<tc>, window_params = [{transform_indices = @transform_0, window_bounds = array<i64: 2, 1000, 128>}, {transform_indices = @transform_1, window_bounds = array<i64: 1000, 128>}, {pipeline_mode = #tpu.pipeline_mode<synchronous>, transform_indices = @transform_2, window_bounds = array<i64: 1, 128>}, {pipeline_mode = #tpu.pipeline_mode<synchronous>, transform_indices = @transform_3, window_bounds = array<i64: 128, 128>}, {pipeline_mode = #tpu.pipeline_mode<synchronous>, transform_indices = @transform_4, window_bounds = array<i64: 128, 128>}, {pipeline_mode = #tpu.pipeline_mode<synchronous>, transform_indices = @transform_5, window_bounds = array<i64: 128, 128>}, {transform_indices = @transform_6, window_bounds = array<i64: 1000, 128>}, {transform_indices = @transform_7, window_bounds = array<i64: 1000, 128>}]} {
    %get3A = arith.constant 0 : index
    %get3A_0 = arith.constant 0 : index
    %get3A_1 = arith.constant 0 : index
    %get3A_2 = vector.load %arg1[%get3A, %get3A_0, %get3A_1] : memref<2x1000x128xf32, #tpu.memory_space<vmem>>, vector<1x1000x128xf32>
    %get3A_3 = vector.shape_cast %get3A_2 : vector<1x1000x128xf32> to vector<1000x128xf32>
    %get3A_4 = arith.constant 1 : index
    %get3A_5 = arith.constant 0 : index
    %get3A_6 = arith.constant 0 : index
    %get3A_7 = vector.load %arg1[%get3A_4, %get3A_5, %get3A_6] : memref<2x1000x128xf32, #tpu.memory_space<vmem>>, vector<1x1000x128xf32>
    %get3A_8 = vector.shape_cast %get3A_7 : vector<1x1000x128xf32> to vector<1000x128xf32>
    %add3A = arith.addf %get3A_3, %get3A_8 : vector<1000x128xf32>
    %get3A_9 = arith.constant 0 : index
    %get3A_10 = arith.constant 0 : index
    %get3A_11 = vector.load %arg3[%get3A_9, %get3A_10] : memref<1x128xf32, #tpu.memory_space<vmem>>, vector<1x128xf32>
    %add3A_12 = vector.broadcast %get3A_11 : vector<1x128xf32> to vector<1000x128xf32>
    %add3A_13 = arith.addf %add3A, %add3A_12 : vector<1000x128xf32>
    %get3A_14 = arith.constant 0 : index
    %get3A_15 = arith.constant 0 : index
    %get3A_16 = vector.load %arg2[%get3A_14, %get3A_15] : memref<1000x128xf32, #tpu.memory_space<vmem>>, vector<1000x128xf32>
    %get3A_17 = arith.constant 0 : index
    %get3A_18 = arith.constant 0 : index
    %get3A_19 = vector.load %arg4[%get3A_17, %get3A_18] : memref<128x128xf32, #tpu.memory_space<vmem>>, vector<128x128xf32>
    %dot_general3A = arith.constant dense<0.000000e+00> : vector<1000x128xf32>
    %dot_general3A_20 = tpu.matmul %get3A_16, %get3A_19, %dot_general3A {dimension_numbers = #tpu.dot_dimension_numbers<[1], [0], [0], [1], [0, 0, 1, 1], [], []>, transpose_lhs_hint = false} : vector<1000x128xf32>, vector<128x128xf32>, vector<1000x128xf32> -> vector<1000x128xf32>
    %add3A_21 = arith.addf %add3A_13, %dot_general3A_20 : vector<1000x128xf32>
    %gt3A = arith.constant 0.000000e+00 : f32
    %gt3A_22 = vector.broadcast %gt3A : f32 to vector<1000x128xf32>
    %gt3A_23 = arith.cmpf ogt, %add3A_21, %gt3A_22 : vector<1000x128xf32>
    %min3A = arith.constant 0.000000e+00 : f32
    %min3A_24 = vector.broadcast %min3A : f32 to vector<1000x128xf32>
    %min3A_25 = arith.minimumf %add3A_21, %min3A_24 : vector<1000x128xf32>
    %exp3A = math.exp %min3A_25 : vector<1000x128xf32>
    %sub3A = arith.constant 1.000000e+00 : f32
    %sub3A_26 = vector.broadcast %sub3A : f32 to vector<1000x128xf32>
    %sub3A_27 = arith.subf %exp3A, %sub3A_26 : vector<1000x128xf32>
    %select_n3A = arith.select %gt3A_23, %add3A_21, %sub3A_27 : vector<1000x128xi1>, vector<1000x128xf32>
    %get3A_28 = arith.constant 0 : index
    %get3A_29 = arith.constant 0 : index
    %get3A_30 = vector.load %arg5[%get3A_28, %get3A_29] : memref<128x128xf32, #tpu.memory_space<vmem>>, vector<128x128xf32>
    %dot_general3A_31 = arith.constant dense<0.000000e+00> : vector<1000x128xf32>
    %dot_general3A_32 = tpu.matmul %select_n3A, %get3A_30, %dot_general3A_31 {dimension_numbers = #tpu.dot_dimension_numbers<[1], [0], [0], [1], [0, 0, 1, 1], [], []>, transpose_lhs_hint = false} : vector<1000x128xf32>, vector<128x128xf32>, vector<1000x128xf32> -> vector<1000x128xf32>
    %swap3A = arith.constant 0 : index
    %swap3A_33 = arith.constant 0 : index
    %swap3A_34 = vector.load %arg7[%swap3A, %swap3A_33] : memref<1000x128xf32, #tpu.memory_space<vmem>>, vector<1000x128xf32>
    tpu.vector_store %arg7[%swap3A, %swap3A_33], %dot_general3A_32 {strides = array<i32>} : memref<1000x128xf32, #tpu.memory_space<vmem>>, vector<1000x128xf32>,
    %get3A_35 = arith.constant 0 : index
    %get3A_36 = arith.constant 0 : index
    %get3A_37 = vector.load %arg6[%get3A_35, %get3A_36] : memref<128x128xf32, #tpu.memory_space<vmem>>, vector<128x128xf32>
    %dot_general3A_38 = arith.constant dense<0.000000e+00> : vector<1000x128xf32>
    %dot_general3A_39 = tpu.matmul %select_n3A, %get3A_37, %dot_general3A_38 {dimension_numbers = #tpu.dot_dimension_numbers<[1], [0], [0], [1], [0, 0, 1, 1], [], []>, transpose_lhs_hint = false} : vector<1000x128xf32>, vector<128x128xf32>, vector<1000x128xf32> -> vector<1000x128xf32>
    %swap3A_40 = arith.constant 0 : index
    %swap3A_41 = arith.constant 0 : index
    %swap3A_42 = vector.load %arg8[%swap3A_40, %swap3A_41] : memref<1000x128xf32, #tpu.memory_space<vmem>>, vector<1000x128xf32>
    tpu.vector_store %arg8[%swap3A_40, %swap3A_41], %dot_general3A_39 {strides = array<i32>} : memref<1000x128xf32, #tpu.memory_space<vmem>>, vector<1000x128xf32>,
    return
  }
  func.func @transform_0(%arg0: i32) -> (i32, i32, i32) {
    %c0_i32 = arith.constant 0 : i32
    %c0_i32_0 = arith.constant 0 : i32
    %c0_i32_1 = arith.constant 0 : i32
    return %c0_i32, %arg0, %c0_i32_0 : i32, i32, i32
  }
  func.func @transform_1(%arg0: i32) -> (i32, i32) {
    %c0_i32 = arith.constant 0 : i32
    %c0_i32_0 = arith.constant 0 : i32
    return %arg0, %c0_i32 : i32, i32
  }
  func.func @transform_2(%arg0: i32) -> (i32, i32) {
    %c0_i32 = arith.constant 0 : i32
    %c0_i32_0 = arith.constant 0 : i32
    %c0_i32_1 = arith.constant 0 : i32
    return %c0_i32, %c0_i32_0 : i32, i32
  }
  func.func @transform_3(%arg0: i32) -> (i32, i32) {
    %c0_i32 = arith.constant 0 : i32
    %c0_i32_0 = arith.constant 0 : i32
    %c0_i32_1 = arith.constant 0 : i32
    return %c0_i32, %c0_i32_0 : i32, i32
  }
  func.func @transform_4(%arg0: i32) -> (i32, i32) {
    %c0_i32 = arith.constant 0 : i32
    %c0_i32_0 = arith.constant 0 : i32
    %c0_i32_1 = arith.constant 0 : i32
    return %c0_i32, %c0_i32_0 : i32, i32
  }
  func.func @transform_5(%arg0: i32) -> (i32, i32) {
    %c0_i32 = arith.constant 0 : i32
    %c0_i32_0 = arith.constant 0 : i32
    %c0_i32_1 = arith.constant 0 : i32
    return %c0_i32, %c0_i32_0 : i32, i32
  }
  func.func @transform_6(%arg0: i32) -> (i32, i32) {
    %c0_i32 = arith.constant 0 : i32
    %c0_i32_0 = arith.constant 0 : i32
    return %arg0, %c0_i32 : i32, i32
  }
  func.func @transform_7(%arg0: i32) -> (i32, i32) {
    %c0_i32 = arith.constant 0 : i32
    %c0_i32_0 = arith.constant 0 : i32
    return %arg0, %c0_i32 : i32, i32
  }
}

module attributes {stable_mosaic.version = 14 : i64} {
  func.func @_fin_body(%arg0: i32, %arg1: memref<2x1000x128xf32, #tpu.memory_space<vmem>>, %arg2: memref<1000x128xf32, #tpu.memory_space<vmem>>, %arg3: memref<1x128xf32, #tpu.memory_space<vmem>>, %arg4: memref<1000x128xf32, #tpu.memory_space<vmem>>) attributes {dimension_semantics = [#tpu.dimension_semantics<arbitrary>], iteration_bounds = array<i64: 10>, scalar_prefetch = 0 : i64, scratch_operands = 0 : i64, tpu.core_type = #tpu.core_type<tc>, window_params = [{transform_indices = @transform_0, window_bounds = array<i64: 2, 1000, 128>}, {transform_indices = @transform_1, window_bounds = array<i64: 1000, 128>}, {pipeline_mode = #tpu.pipeline_mode<synchronous>, transform_indices = @transform_2, window_bounds = array<i64: 1, 128>}, {transform_indices = @transform_3, window_bounds = array<i64: 1000, 128>}]} {
    %get3A = arith.constant 0 : index
    %get3A_0 = arith.constant 0 : index
    %get3A_1 = arith.constant 0 : index
    %get3A_2 = vector.load %arg1[%get3A, %get3A_0, %get3A_1] : memref<2x1000x128xf32, #tpu.memory_space<vmem>>, vector<1x1000x128xf32>
    %get3A_3 = vector.shape_cast %get3A_2 : vector<1x1000x128xf32> to vector<1000x128xf32>
    %get3A_4 = arith.constant 1 : index
    %get3A_5 = arith.constant 0 : index
    %get3A_6 = arith.constant 0 : index
    %get3A_7 = vector.load %arg1[%get3A_4, %get3A_5, %get3A_6] : memref<2x1000x128xf32, #tpu.memory_space<vmem>>, vector<1x1000x128xf32>
    %get3A_8 = vector.shape_cast %get3A_7 : vector<1x1000x128xf32> to vector<1000x128xf32>
    %add3A = arith.addf %get3A_3, %get3A_8 : vector<1000x128xf32>
    %get3A_9 = arith.constant 0 : index
    %get3A_10 = arith.constant 0 : index
    %get3A_11 = vector.load %arg2[%get3A_9, %get3A_10] : memref<1000x128xf32, #tpu.memory_space<vmem>>, vector<1000x128xf32>
    %add3A_12 = arith.addf %add3A, %get3A_11 : vector<1000x128xf32>
    %get3A_13 = arith.constant 0 : index
    %get3A_14 = arith.constant 0 : index
    %get3A_15 = vector.load %arg3[%get3A_13, %get3A_14] : memref<1x128xf32, #tpu.memory_space<vmem>>, vector<1x128xf32>
    %add3A_16 = vector.broadcast %get3A_15 : vector<1x128xf32> to vector<1000x128xf32>
    %add3A_17 = arith.addf %add3A_12, %add3A_16 : vector<1000x128xf32>
    %swap3A = arith.constant 0 : index
    %swap3A_18 = arith.constant 0 : index
    %swap3A_19 = vector.load %arg4[%swap3A, %swap3A_18] : memref<1000x128xf32, #tpu.memory_space<vmem>>, vector<1000x128xf32>
    tpu.vector_store %arg4[%swap3A, %swap3A_18], %add3A_17 {strides = array<i32>} : memref<1000x128xf32, #tpu.memory_space<vmem>>, vector<1000x128xf32>,
    return
  }
  func.func @transform_0(%arg0: i32) -> (i32, i32, i32) {
    %c0_i32 = arith.constant 0 : i32
    %c0_i32_0 = arith.constant 0 : i32
    %c0_i32_1 = arith.constant 0 : i32
    return %c0_i32, %arg0, %c0_i32_0 : i32, i32, i32
  }
  func.func @transform_1(%arg0: i32) -> (i32, i32) {
    %c0_i32 = arith.constant 0 : i32
    %c0_i32_0 = arith.constant 0 : i32
    return %arg0, %c0_i32 : i32, i32
  }
  func.func @transform_2(%arg0: i32) -> (i32, i32) {
    %c0_i32 = arith.constant 0 : i32
    %c0_i32_0 = arith.constant 0 : i32
    %c0_i32_1 = arith.constant 0 : i32
    return %c0_i32, %c0_i32_0 : i32, i32
  }
  func.func @transform_3(%arg0: i32) -> (i32, i32) {
    %c0_i32 = arith.constant 0 : i32
    %c0_i32_0 = arith.constant 0 : i32
    return %arg0, %c0_i32 : i32, i32
  }
}

</mosaic_0001>

<sc_bundles>
// kernel: kernel.10.cloned.1.call-start
scs
__scs_entry_jumppad:
0x0: {  	(pc) =	sbr.rel $0x88, $3  }
0x1: {  	(tag) =	ssettag $0x0;
	lr =	simm.s32 $0x1  }
0x2: {  	[smem:$0x3F98] =	sst lr;
	_ =	strace $0xD0000000  }
0x3: {  	_ = 	snop  }
0x4: {  	_ = 	snop  }
0x5: {  	_ = 	snop  }
0x6: {  	_ = 	snop  }
0x7: {  	_ = 	snop  }
__scs_overlays_trampoline_lowered:
0x8: {  	[smem:$0x3FA7] =	sst s0  }
0x9: {  	[smem:$0x3FA8] =	sst s1  }
0xa: {  	[smem:$0x3FA9] =	sst s2  }
0xb: {  	[smem:$0x3FAA] =	sst s3  }
0xc: {  	[smem:$0x3FAB] =	sst s4  }
0xd: {  	[smem:$0x3FAC] =	sst s5  }
0xe: {  	[smem:$0x3FAD] =	sst s6  }
0xf: {  	[smem:$0x3FAE] =	sst s7  }
0x10: {  	[smem:$0x3FAF] =	sst s8  }
0x11: {  	[smem:$0x3FB0] =	sst s9;
	s0 =	simm.s32 @!p0 $0x0  }
0x12: {  	s1 =	sld [smem:$0x3F96];
	s0 =	simm.s32 @p0 $0x1  }
0x13: {  	[smem:$0x3FB1] =	sst s0;
	s0 =	simm.s32 @!p1 $0x0  }
0x14: {  	s2 =	sld [smem:$0x3F95];
	s0 =	simm.s32 @p1 $0x1  }
0x15: {  	[smem:$0x3FB2] =	sst s0;
	s0 =	simm.s32 @!p2 $0x0  }
0x16: {  	s3 =	sld [smem:$0x3FDB];
	s0 =	simm.s32 @p2 $0x1  }
0x17: {  	s4 =	simm.s32 $0x1BF5;
	[smem:$0x3FB4] =	sst s0  }
0x18: {  	s0 =	sld [smem:$0x3F97];
	_ =	swait.ge [sflag:s4], $0x0  }
0x19: {  	s7 =	sld [smem:$0x3F98]  }
0x1a: {  	s8 =	sadd.s32 $0xFFFFE003, lr  }
0x1b: {  	s9 =	sadd.s32 $0xFFFFFEF7, lr;
	s5 =	simm.s32 $0xFFFFFFFF;
	p2 =	slt.u32 s8, $0xFFFFF086  }
0x1c: {  	p1 =	slt.u32 s9, $0xF7A;
	s5 =	simm.s32 @!p2 $0x0  }
0x1d: {  	s5 =	simm.s32 @p1 $0x1;
	p0 =	seq.s32 s7, s2  }
0x1e: {  	s7 =	smul.u32 @!p0 $0xF7A, s2;
	p2 =	seq.s32 @!p0 s5, $0x0  }
0x1f: {  	s9 =	smul.u32 $0xF7A, s1;
	s8 =	simm.s32 @!p0 $0x1BF5;
	p2 =	por !p2, p0  }
0x20: {  	[sflag:s8] =	ssyncset.s32 @!p0 $0xFFFFF086;
	s6 =	sadd.s32 @!p0 s3, s7;
	s7 =	simm.s32 @!p0 $0x108  }
0x21: {  	s3 =	sadd.s32 s3, s9;
	s6 =	sadd.s32 @!p0 $0x88, s6;
	s7 =	simm.s32 @p2 $0x1082  }
0x22: {  	[simem:s7], [sflag:s8] =	dma.local @!p0 [hbm:s6], $0xF7A  }
0x23: {  	s9 =	sor.u32 $0xD0000000, s2;
	s6 =	simm.s32 $0x108;
	_ =	swait.ge @!p0 [sflag:s8], $0x0  }
0x24: {  	s3 =	sadd.s32 $0x88, s3;
	s6 =	simm.s32 @!p1 $0x1082;
	[sflag:s4] =	ssyncset.s32 $0xFFFFF086  }
0x25: {  	[simem:s6], [sflag:s4] =	dma.local [hbm:s3], $0xF7A  }
0x26: {  	[smem:$0x3F98] =	sst s1;
	(tag) =	ssettag s2;
	_ =	strace s9  }
0x27: {  	s1 =	sld [smem:$0x3FA8]  }
0x28: {  	s2 =	sld [smem:$0x3FA9]  }
0x29: {  	s4 =	sld [smem:$0x3FAB]  }
0x2a: {  	p0 =	seq.s32 s5, $0x0;
	s5 =	sld [smem:$0x3FAC]  }
0x2b: {  	s6 =	sld [smem:$0x3FAD]  }
0x2c: {  	s7 =	sld [smem:$0x3FAE]  }
0x2d: {  	s3 =	simm.s32 $0x108;
	s8 =	sld [smem:$0x3FAF]  }
0x2e: {  	s3 =	simm.s32 @!p0 $0x1082;
	s9 =	sld [smem:$0x3FB0]  }
0x2f: {  	lr =	sadd.s32 s0, s3;
	s0 =	sld [smem:$0x3FA7]  }
0x30: {  	s3 =	sld [smem:$0x3FAA]  }
0x31: {  	[smem:$0x3FB3] =	sst s10  }
0x32: {  	s10 =	sld [smem:$0x3FB1];
	_ =	sdelay $0x3  }
0x33: {  	p0 =	seq.s32 s10, $0x1;
	s10 =	sld [smem:$0x3FB3];
	_ =	sdelay $0x3  }
0x34: {  	[smem:$0x3FB3] =	sst s10  }
0x35: {  	s10 =	sld [smem:$0x3FB2];
	_ =	sdelay $0x3  }
0x36: {  	p1 =	seq.s32 s10, $0x1;
	s10 =	sld [smem:$0x3FB3];
	_ =	sdelay $0x3  }
0x37: {  	[smem:$0x3FB3] =	sst s10  }
0x38: {  	s10 =	sld [smem:$0x3FB4]  }
0x39: {  	_ = 	snop;
	(pc) =	sbr.ind lr, $3  }
0x3a: {  	_ = 	snop  }
0x3b: {  	_ = 	snop  }
0x3c: {  	p2 =	seq.s32 s10, $0x1;
	s10 =	sld [smem:$0x3FB3]  }
0x3d: {  	_ =	shalt  }
0x3e: {  	_ =	shalt  }
0x3f: {  	_ =	shalt  }
0x40: {  	_ =	shalt  }
0x41: {  	_ =	shalt  }
0x42: {  	_ =	shalt  }
0x43: {  	_ =	shalt  }
0x44: {  	_ =	shalt  }
0x45: {  	_ =	shalt  }
0x46: {  	_ =	shalt  }
0x47: {  	_ =	shalt  }
0x48: {  	_ =	shalt  }
0x49: {  	_ =	shalt  }
0x4a: {  	_ =	shalt  }
0x4b: {  	_ =	shalt  }
0x4c: {  	_ =	shalt  }
0x4d: {  	_ =	shalt  }
0x4e: {  	_ =	shalt  }
0x4f: {  	_ =	shalt  }
0x50: {  	_ =	shalt  }
0x51: {  	_ =	shalt  }
0x52: {  	_ =	shalt  }
0x53: {  	_ =	shalt  }
0x54: {  	_ =	shalt  }
0x55: {  	_ =	shalt  }
0x56: {  	_ =	shalt  }
0x57: {  	_ =	shalt  }
0x58: {  	_ =	shalt  }
0x59: {  	_ =	shalt  }
0x5a: {  	_ =	shalt  }
0x5b: {  	_ =	shalt  }
0x5c: {  	_ =	shalt  }
0x5d: {  	_ =	shalt  }
0x5e: {  	_ =	shalt  }
0x5f: {  	_ =	shalt  }
0x60: {  	_ =	shalt  }
0x61: {  	_ =	shalt  }
0x62: {  	_ =	shalt  }
0x63: {  	_ =	shalt  }
0x64: {  	_ =	shalt  }
0x65: {  	_ =	shalt  }
0x66: {  	_ =	shalt  }
0x67: {  	_ =	shalt  }
0x68: {  	_ =	shalt  }
0x69: {  	_ =	shalt  }
0x6a: {  	_ =	shalt  }
0x6b: {  	_ =	shalt  }
0x6c: {  	_ =	shalt  }
0x6d: {  	_ =	shalt  }
0x6e: {  	_ =	shalt  }
0x6f: {  	_ =	shalt  }
0x70: {  	_ =	shalt  }
0x71: {  	_ =	shalt  }
0x72: {  	_ =	shalt  }
0x73: {  	_ =	shalt  }
0x74: {  	_ =	shalt  }
0x75: {  	_ =	shalt  }
0x76: {  	_ =	shalt  }
0x77: {  	_ =	shalt  }
0x78: {  	_ =	shalt  }
0x79: {  	_ =	shalt  }
0x7a: {  	_ =	shalt  }
0x7b: {  	_ =	shalt  }
0x7c: {  	_ =	shalt  }
0x7d: {  	_ =	shalt  }
0x7e: {  	_ =	shalt  }
0x7f: {  	_ =	shalt  }
0x80: {  	_ =	shalt  }
0x81: {  	_ =	shalt  }
0x82: {  	_ =	shalt  }
0x83: {  	_ =	shalt  }
0x84: {  	_ =	shalt  }
0x85: {  	_ =	shalt  }
0x86: {  	_ =	shalt  }
0x87: {  	_ =	shalt  }
.Lfunc_end0:
.L_simem_size_0:
called_computation.1_lowered:
.L_overlay_start_0:
0x88: {  	s2 =	sld [smem:$0x3FD9]  }
0x89: {  	s3 =	sld [smem:$0x3FFE];
	_ =	sdelay $0x1  }
0x8a: {  	s1 =	srdreg.scid  }
0x8b: {  	s0 =	sand.u32 $0x1, s1  }
0x8c: {  	s17 =	sshll.u32 s0, $0xA;
	s2 =	sadd.s32 s3, s2  }
0x8d: {  	s2 =	sadd.s32 s2, s17  }
0x8e: {  	[smem:$0x3FBF] =	sst s2  }
0x8f: {  	_ = 	snop  }
0x90: {  	s2 =	sld [smem:$0x3FD0];
	(tm) =	ssettm $0x1  }
0x91: {  	s18 =	sld [smem:$0x3FFB];
	_ =	sdelay $0x3  }
0x92: {  	_ =	strace s18  }
0x93: {  	s3 =	sld [smem:$0x3FFC];
	_ =	sdelay $0x3  }
0x94: {  	_ =	strace s3  }
0x95: {  	s3 =	sld [smem:$0x3FFD];
	_ =	sdelay $0x3  }
0x96: {  	_ =	strace s3  }
0x97: {  	_ =	strace $0x8FFFFFFF  }
0x98: {  	s19 =	sld [smem:$0x3FDB];
	_ =	sdelay $0x1  }
0x99: {  	s4 =	simm.s32 $_scs_section_size  }
0x9a: {  	s5 =	simm.s32 $_size__tile_overlayer_lowered;
	s6 =	simm.s32 $_tile_overlayer_lowered  }
0x9b: {  	s22 =	simm.s32 $0x1BFF;
	s21 =	sshll.u32 s6, $0x1;
	s3 =	sadd.s32 s4, s19  }
0x9c: {  	s7 =	simm.s32 $0x0;
	s20 =	sshll.u32 s5, $0x1;
	s5 =	sadd.s32 s21, s3  }
0x9d: {  	[timem:s7], [sflag:s22] =	dma.local [hbm:s5], s20  }
0x9e: {  	_ =	swait.ge [sflag:s22], s20  }
0x9f: {  	s4 =	ssub.s32 $0x0, s20;
	[sflag:s22] =	ssyncset.done $0x0  }
0xa0: {  	[sflag:s22] =	ssyncadd.s32 s4;
	_ =	sdelay $0x1  }
0xa1: {  	s23 =	simm.s32 $0x1B8B  }
0xa2: {  	_ =	swait.ge [sflag:s23], $0x1  }
0xa3: {  	[sflag:s23] =	ssyncset.done $0x0  }
0xa4: {  	s25 =	simm.s32 $0x1B8E;
	s24 =	sld [smem:$0x3FFE];
	[sflag:s23] =	ssyncadd.s32 $0xFFFFFFFF  }
0xa5: {  	s26 =	simm.s32 $execute0_lowered;
	[smem:$0x3FD2] =	sst s25  }
0xa6: {  	s5 =	sshll.u32 s26, $0x1;
	_ =	strace $0x80000049;
	[dreg:$0x1] =	wrdreg $0xFFFFFFFF  }
0xa7: {  	s28 =	simm.s32 $_size_execute0_lowered;
	s3 =	sadd.s32 s3, s5;
	[dreg:$0x0] =	wrdreg $0x0  }
0xa8: {  	s5 =	sshll.u32 s28, $0x1;
	[dreg:$0x2] =	wrdreg s3  }
0xa9: {  	[dreg:$0x3] =	wrdreg s5  }
0xaa: {  	[dreg:$0x4] =	wrdreg $0xC0  }
0xab: {  	_ =	task [dreg:s7], $0x5FFFF  }
0xac: {  	[dreg:$0x1] =	wrdreg $0xFFFFFFFF  }
0xad: {  	[dreg:$0x0] =	wrdreg $0x60  }
0xae: {  	[dreg:$0x2] =	wrdreg s2  }
0xaf: {  	[dreg:$0x3] =	wrdreg s24  }
0xb0: {  	[dreg:$0x4] =	wrdreg $0xB8000  }
0xb1: {  	[dreg:$0x5] =	wrdreg $0x9  }
0xb2: {  	_ =	task.clear_ibuf [dreg:s7], $0x6FFFF;
	_ =	strace $0x90000049  }
0xb3: {  	s29 =	simm.s32 $0x9;
	_ =	strace $0x8000004B  }
0xb4: {  	_ =	swait.ge [sflag:s29], $0x1  }
0xb5: {  	[sflag:s29] =	ssyncadd.s32 $0xFFFFFFFF  }
0xb6: {  	_ =	strace $0x9000004B  }
0xb7: {  	_ =	sfence  }
0xb8: {  	s30 =	sld [smem:$0x0];
	_ =	sdelay $0x2  }
0xb9: {  	s31 =	sshll.u32 s1, $0xD;
	s1 =	sshrl.u32 s1, $0x2  }
0xba: {  	s3 =	sand.u32 $0x4000, s31;
	s1 =	sadd.s32 s1, s30  }
0xbb: {  	s0 =	sor.u32 s3, s0;
	s1 =	sshll.u32 s1, $0x11  }
0xbc: {  	s0 =	sor.u32 s1, s0  }
0xbd: {  	s0 =	sadd.s32 $0x8F2B, s0  }
0xbe: {  	[sflag:s0] =	ssyncadd.remote.s32 $0x1  }
0xbf: {  	_ =	sfence.sel $0xFFFF  }
0xc0: {  	[dreg:$0x0] =	wrdreg $0xFFFFFFFF;
	(pc) =	sbr.abs _section_cstart, $3  }
0xc1: {  	[dreg:$0x1] =	wrdreg $0xFFFFFFFF  }
0xc2: {  	_ =	task.clear_ibuf [dreg:s7], $0x2FFFF;
	_ =	strace $0x9FFFFFFF  }
0xc3: {  	(tm) =	ssettm $0x7FFFFFFF  }
tec
execute0_lowered:
.L_overlay_start_1:
0x0: {  	(tag) =	ssettag $0x1  }
0x1: {  	s2 =	rddreg [dreg:$0x0]  }
0x2: {  	s0 =	srdreg.scid;
	s6 =	rddreg [dreg:$0x1]  }
0x3: {  	s3 =	rddreg [dreg:$0x2];
	s4 =	simm.s32 $0x0;
	s15 =	simm.s32 $0x7800  }
0x4: {  	s16 =	simm.s32 $0x1;
	s17 =	simm.s32 $0x2800;
	s5 =	sand.u32 $0x1, s0  }
0x5: {  	s18 =	simm.s32 $0x5000;
	s0 =	stileid.u32;
	s8 =	smul.u32 $0x140000, s5  }
0x6: {  	s19 =	simm.s32 $0x80;
	[smem:$0x7FF] =	sst s4;
	s9 =	smul.u32 $0x14000, s0  }
0x7: {  	s1 =	sshll.u32 s5, $0x4;
	s10 =	smul.u32 $0x50000, s0;
	s29 =	ssub.s32 $0x2, s5  }
0x8: {  	s20 =	sshll.u32 s0, $0x6;
	s1 =	sor.u32 s0, s1;
	s31 =	sshrl.u32 s29, $0x1  }
0x9: {  	s20 =	sor.u32 $0x1C01, s20;
	s7 =	smul.u32 $0x500, s1;
	s1 =	rddreg [dreg:$0x3]  }
0xa: {  	_ =	strace $0x8000004A;
	s30 =	sshrl.u32 s10, $0x2;
	s14 =	ssub.s32 s29, s31  }
0xb: {  	s28 =	sadd.s32 s9, s8;
	s5 =	sadd.s32 s30, s3;
	s14 =	smax.u32 s14, $0x1  }
0xc: {  	s12 =	sadd.s32 s7, s6;
	s7 =	sshrl.u32 s28, $0x3;
	s8 =	sadd.s32 $0xC000, s5  }
0xd: {  	s9 =	sadd.s32 $0x10000, s5;
	s21 =	sshrl.u32 s5, $0x3;
	s13 =	sadd.s32 s7, s6  }
0xe: {  	s6 =	sadd.s32 $0x4000, s5;
	s7 =	sadd.s32 $0x8000, s5;
	s10 =	sadd.s32 $0xBE00, s12  }
0xf: {  	v0 =	vimm.f32 $0.0e+00;
	s11 =	sadd.s32 $0x15E00, s12;
	s12 =	sadd.s32 $0x1E00, s12;
	s13 =	sadd.s32 $0x1FE00, s13  }
.LBB2_1:
0x10: {  	s22 =	simm.s32 $0x0;
	s23 =	simm.s32 $0x200  }
.LBB2_2:
0x11: {  	p0 =	sne.s32 s23, $0xFE00;
	[tilespmem:s22+$0x7870] =	vst v0  }
0x12: {  	[tilespmem:s22+$0x7800] =	vst v0  }
0x13: {  	[tilespmem:s22+$0x7810] =	vst v0  }
.Ltmp0:
0x14: {  	[tilespmem:s22+$0x7820] =	vst v0;
	(pc) =	sbr.rel @p0 .LBB2_2-.Ltmp0, $4  }
0x15: {  	[tilespmem:s22+$0x7830] =	vst v0  }
0x16: {  	[tilespmem:s22+$0x7840] =	vst v0  }
0x17: {  	[tilespmem:s22+$0x7850] =	vst v0  }
0x18: {  	[tilespmem:s22+$0x7860] =	vst v0;
	s22 =	sshra.s32 s23, $0x2;
	s23 =	sadd.s32 $0x200, s23  }
0x19: {  	[tilespmem:s22+$0x7870] =	vst v0  }
0x1a: {  	[tilespmem:s22+$0x7800] =	vst v0  }
0x1b: {  	[tilespmem:s22+$0x7810] =	vst v0  }
0x1c: {  	[tilespmem:s22+$0x7820] =	vst v0  }
0x1d: {  	[tilespmem:s22+$0x7830] =	vst v0  }
0x1e: {  	[tilespmem:s22+$0x7840] =	vst v0  }
0x1f: {  	[tilespmem:s22+$0x7850] =	vst v0  }
0x20: {  	[tilespmem:s22+$0x7860] =	vst v0  }
0x21: {  	[spmem:s5] =	stream.linear.scatter [tilespmem:s15], [sflag:$0x1], $0x4000, $0x38;
	[tilespmem:$0x1F800] =	vst v63  }
0x22: {  	_ =	swait.ge [sflag:s16], $0x4000  }
0x23: {  	[sflag:s16] =	ssyncset.done $0x0  }
0x24: {  	[sflag:s16] =	ssyncadd.s32 $0xFFFFC000  }
0x25: {  	[spmem:s6] =	stream.linear.scatter [tilespmem:s15], [sflag:$0x1], $0x4000, $0x38;
	[tilespmem:$0x1F800] =	vst v63  }
0x26: {  	_ =	swait.ge [sflag:s16], $0x4000  }
0x27: {  	[sflag:s16] =	ssyncset.done $0x0  }
0x28: {  	[sflag:s16] =	ssyncadd.s32 $0xFFFFC000  }
0x29: {  	[spmem:s7] =	stream.linear.scatter [tilespmem:s15], [sflag:$0x1], $0x4000, $0x38;
	[tilespmem:$0x1F800] =	vst v63  }
0x2a: {  	_ =	swait.ge [sflag:s16], $0x4000  }
0x2b: {  	[sflag:s16] =	ssyncset.done $0x0  }
0x2c: {  	[sflag:s16] =	ssyncadd.s32 $0xFFFFC000  }
0x2d: {  	[spmem:s8] =	stream.linear.scatter [tilespmem:s15], [sflag:$0x1], $0x4000, $0x38;
	[tilespmem:$0x1F800] =	vst v63  }
0x2e: {  	_ =	swait.ge [sflag:s16], $0x4000  }
0x2f: {  	[sflag:s16] =	ssyncset.done $0x0  }
0x30: {  	[sflag:s16] =	ssyncadd.s32 $0xFFFFC000  }
0x31: {  	[spmem:s9] =	stream.linear.scatter [tilespmem:s15], [sflag:$0x1], $0x4000, $0x38;
	[tilespmem:$0x1F800] =	vst v63  }
0x32: {  	_ =	swait.ge [sflag:s16], $0x4000  }
0x33: {  	[sflag:s16] =	ssyncset.done $0x0  }
0x34: {  	[sflag:s16] =	ssyncadd.s32 $0xFFFFC000  }
0x35: {  	s22 =	simm.s32 $0x0;
	[bflag:$0x0] =	sbarrier.arrive $0xFFFF  }
0x36: {  	[tilespmem:s22], [sflag:$0x1] =	stream.linear.gather [hbm4b:s10+s22], $0x2780, $0x38;
	[tilespmem:$0x1F800] =	vst v63  }
0x37: {  	_ =	swait.ge [sflag:s16], $0x2780  }
0x38: {  	[sflag:s16] =	ssyncset.done $0x0  }
0x39: {  	[sflag:s16] =	ssyncadd.s32 $0xFFFFD880  }
0x3a: {  	[tilespmem:s17], [sflag:$0x1] =	stream.linear.gather [hbm4b:s11+s22], $0x2780, $0x38;
	[tilespmem:$0x1F800] =	vst v63  }
0x3b: {  	_ =	swait.ge [sflag:s16], $0x2780  }
0x3c: {  	[sflag:s16] =	ssyncset.done $0x0  }
0x3d: {  	[sflag:s16] =	ssyncadd.s32 $0xFFFFD880  }
0x3e: {  	[tilespmem:s18], [sflag:$0x1] =	stream.linear.gather [hbm4b:s12+s22], $0x2780, $0x38;
	[tilespmem:$0x1F800] =	vst v63  }
0x3f: {  	_ =	swait.ge [sflag:s16], $0x2780  }
0x40: {  	[sflag:s16] =	ssyncset.done $0x0  }
0x41: {  	[sflag:s16] =	ssyncadd.s32 $0xFFFFD880  }
.LBB2_4:
0x42: {  	s23 =	sshll.u32 s22, $0x7  }
0x43: {  	s24 =	sadd.s32 $0x5000, s23  }
0x44: {  	v1 =	vmov s24  }
0x45: {  	[tilespmem:s15], [sflag:$0x1] =	stream.indirect.gather [hbm4b:s2+s19], $0x80, s23, s19, $0xb8;
	[tilespmem:$0x1F800] =	vst v63  }
0x46: {  	_ =	swait.ge [sflag:s16], $0x4000  }
0x47: {  	s31 =	simm.s32 $0x0;
	[sflag:s16] =	ssyncset.done $0x0  }
0x48: {  	s25 =	simm.s32 $0x0;
	s24 =	sand.u32 $0x3FFFFFF0, s31;
	[sflag:s16] =	ssyncadd.s32 $0xFFFFC000  }
0x49: {  	v2 =	vld.idx.msk [tilespmem:v1+s24+$0x0 ss:$0x1], $0xffff;
	s24 =	sand.u32 $0x3FFFF800, s25  }
0x4a: {  	v8 =	vld [tilespmem:s24+$0x78C0]  }
0x4b: {  	v4 =	vld [tilespmem:s24+$0x7820]  }
0x4c: {  	v5 =	vld [tilespmem:s24+$0x7830]  }
0x4d: {  	v11 =	vld [tilespmem:s24+$0x7860]  }
0x4e: {  	v12 =	vld [tilespmem:s24+$0x7870];
	v3 =	vbroadcast v2, $0x0  }
0x4f: {  	v13 =	vld [tilespmem:s24+$0x7880]  }
0x50: {  	v14 =	vld [tilespmem:s24+$0x7890];
	v4 =	vmul.f32 v4, v3  }
0x51: {  	v15 =	vld [tilespmem:s24+$0x78A0];
	v5 =	vmul.f32 v5, v3  }
0x52: {  	v10 =	vld [tilespmem:s24+$0x78B0];
	v21 =	vbroadcast v2, $0x1;
	v20 =	vmul.f32 v11, v3;
	[tilespmem:s24+$0x7820] =	vst v4  }
0x53: {  	v9 =	vld [tilespmem:s24+$0x78D0];
	v12 =	vmul.f32 v12, v3;
	[tilespmem:s24+$0x7830] =	vst v5  }
0x54: {  	v7 =	vld [tilespmem:s24+$0x7D70];
	v13 =	vmul.f32 v13, v21;
	[tilespmem:s24+$0x7860] =	vst v20  }
0x55: {  	v23 =	vld [tilespmem:s24+$0x78F0];
	v14 =	vmul.f32 v14, v21;
	[tilespmem:s24+$0x7870] =	vst v12  }
0x56: {  	v24 =	vld [tilespmem:s24+$0x7900];
	v15 =	vmul.f32 v15, v21;
	[tilespmem:s24+$0x7880] =	vst v13  }
0x57: {  	v25 =	vld [tilespmem:s24+$0x7910];
	v10 =	vmul.f32 v10, v21;
	[tilespmem:s24+$0x7890] =	vst v14  }
0x58: {  	v22 =	vld [tilespmem:s24+$0x78E0];
	v8 =	vmul.f32 v8, v21;
	[tilespmem:s24+$0x78A0] =	vst v15  }
0x59: {  	v26 =	vld [tilespmem:s24+$0x7920];
	v16 =	vbroadcast v2, $0x2;
	v9 =	vmul.f32 v9, v21;
	[tilespmem:s24+$0x78B0] =	vst v10  }
0x5a: {  	v27 =	vld [tilespmem:s24+$0x7930];
	v11 =	vmul.f32 v23, v21;
	[tilespmem:s24+$0x78C0] =	vst v8  }
0x5b: {  	v28 =	vld [tilespmem:s24+$0x7940];
	v6 =	vbroadcast v2, $0xA;
	v30 =	vmul.f32 v24, v16;
	[tilespmem:s24+$0x78D0] =	vst v9  }
0x5c: {  	v29 =	vld [tilespmem:s24+$0x7950];
	v32 =	vmul.f32 v25, v16;
	[tilespmem:s24+$0x78F0] =	vst v11  }
0x5d: {  	v31 =	vld [tilespmem:s24+$0x7960];
	v4 =	vmul.f32 v7, v6;
	[tilespmem:s24+$0x7900] =	vst v30  }
0x5e: {  	v33 =	vld [tilespmem:s24+$0x7970];
	v12 =	vmul.f32 v22, v21;
	[tilespmem:s24+$0x7910] =	vst v32  }
0x5f: {  	v34 =	vld [tilespmem:s24+$0x7980];
	v10 =	vmul.f32 v26, v16;
	[tilespmem:s24+$0x7D70] =	vst v4  }
0x60: {  	v35 =	vld [tilespmem:s24+$0x7990];
	v8 =	vmul.f32 v27, v16;
	[tilespmem:s24+$0x78E0] =	vst v12  }
0x61: {  	v36 =	vld [tilespmem:s24+$0x79A0];
	v9 =	vmul.f32 v28, v16;
	[tilespmem:s24+$0x7920] =	vst v10  }
0x62: {  	v37 =	vld [tilespmem:s24+$0x79B0];
	v39 =	vbroadcast v2, $0x3;
	v11 =	vmul.f32 v31, v16;
	[tilespmem:s24+$0x7930] =	vst v8  }
0x63: {  	v38 =	vld [tilespmem:s24+$0x79C0];
	v13 =	vmul.f32 v33, v16;
	[tilespmem:s24+$0x7940] =	vst v9  }
0x64: {  	v40 =	vld [tilespmem:s24+$0x79D0];
	v14 =	vmul.f32 v34, v39;
	[tilespmem:s24+$0x7960] =	vst v11  }
0x65: {  	v41 =	vld [tilespmem:s24+$0x79E0];
	v12 =	vmul.f32 v29, v16;
	[tilespmem:s24+$0x7970] =	vst v13  }
0x66: {  	v42 =	vld [tilespmem:s24+$0x79F0];
	v10 =	vmul.f32 v35, v39;
	[tilespmem:s24+$0x7980] =	vst v14  }
0x67: {  	v43 =	vld [tilespmem:s24+$0x7A00];
	v8 =	vmul.f32 v36, v39;
	[tilespmem:s24+$0x7950] =	vst v12  }
0x68: {  	v44 =	vld [tilespmem:s24+$0x7A10];
	v9 =	vmul.f32 v37, v39;
	[tilespmem:s24+$0x7990] =	vst v10  }
0x69: {  	v45 =	vld [tilespmem:s24+$0x7A20];
	v11 =	vmul.f32 v40, v39;
	[tilespmem:s24+$0x79A0] =	vst v8  }
0x6a: {  	v46 =	vld [tilespmem:s24+$0x7A30];
	v13 =	vmul.f32 v41, v39;
	[tilespmem:s24+$0x79B0] =	vst v9  }
0x6b: {  	v47 =	vld [tilespmem:s24+$0x7A40];
	v48 =	vbroadcast v2, $0x4;
	v14 =	vmul.f32 v42, v39;
	[tilespmem:s24+$0x79D0] =	vst v11  }
0x6c: {  	v49 =	vld [tilespmem:s24+$0x7A50];
	v12 =	vmul.f32 v38, v39;
	[tilespmem:s24+$0x79E0] =	vst v13  }
0x6d: {  	v50 =	vld [tilespmem:s24+$0x7A60];
	v10 =	vmul.f32 v43, v48;
	[tilespmem:s24+$0x79F0] =	vst v14  }
0x6e: {  	v51 =	vld [tilespmem:s24+$0x7A70];
	v8 =	vmul.f32 v44, v48;
	[tilespmem:s24+$0x79C0] =	vst v12  }
0x6f: {  	v52 =	vld [tilespmem:s24+$0x7A80];
	v9 =	vmul.f32 v45, v48;
	[tilespmem:s24+$0x7A00] =	vst v10  }
0x70: {  	v53 =	vld [tilespmem:s24+$0x7A90];
	v11 =	vmul.f32 v47, v48;
	[tilespmem:s24+$0x7A10] =	vst v8  }
0x71: {  	v54 =	vld [tilespmem:s24+$0x7AA0];
	v13 =	vmul.f32 v49, v48;
	[tilespmem:s24+$0x7A20] =	vst v9  }
0x72: {  	v55 =	vld [tilespmem:s24+$0x7AB0];
	v14 =	vmul.f32 v50, v48;
	[tilespmem:s24+$0x7A40] =	vst v11  }
0x73: {  	v56 =	vld [tilespmem:s24+$0x7AC0];
	v57 =	vbroadcast v2, $0x5;
	v12 =	vmul.f32 v46, v48;
	[tilespmem:s24+$0x7A50] =	vst v13  }
0x74: {  	v58 =	vld [tilespmem:s24+$0x7AD0];
	v10 =	vmul.f32 v51, v48;
	[tilespmem:s24+$0x7A60] =	vst v14  }
0x75: {  	v59 =	vld [tilespmem:s24+$0x7AE0];
	v8 =	vmul.f32 v52, v57;
	[tilespmem:s24+$0x7A30] =	vst v12  }
0x76: {  	v60 =	vld [tilespmem:s24+$0x7AF0];
	v9 =	vmul.f32 v53, v57;
	[tilespmem:s24+$0x7A70] =	vst v10  }
0x77: {  	v61 =	vld [tilespmem:s24+$0x7B00];
	v11 =	vmul.f32 v55, v57;
	[tilespmem:s24+$0x7A80] =	vst v8  }
0x78: {  	v62 =	vld [tilespmem:s24+$0x7B10];
	v13 =	vmul.f32 v56, v57;
	[tilespmem:s24+$0x7A90] =	vst v9  }
0x79: {  	v63 =	vld [tilespmem:s24+$0x7B20];
	v14 =	vmul.f32 v58, v57;
	[tilespmem:s24+$0x7AB0] =	vst v11  }
0x7a: {  	v20 =	vld [tilespmem:s24+$0x7B30];
	v12 =	vmul.f32 v54, v57;
	[tilespmem:s24+$0x7AC0] =	vst v13  }
0x7b: {  	v21 =	vld [tilespmem:s24+$0x7B40];
	v22 =	vbroadcast v2, $0x6;
	v10 =	vmul.f32 v59, v57;
	[tilespmem:s24+$0x7AD0] =	vst v14  }
0x7c: {  	v23 =	vld [tilespmem:s24+$0x7B50];
	v8 =	vmul.f32 v60, v57;
	[tilespmem:s24+$0x7AA0] =	vst v12  }
0x7d: {  	v24 =	vld [tilespmem:s24+$0x7B60];
	v9 =	vmul.f32 v61, v22;
	[tilespmem:s24+$0x7AE0] =	vst v10  }
0x7e: {  	v25 =	vld [tilespmem:s24+$0x7B70];
	v11 =	vmul.f32 v63, v22;
	[tilespmem:s24+$0x7AF0] =	vst v8  }
0x7f: {  	v5 =	vld [tilespmem:s24+$0x7D80];
	v13 =	vmul.f32 v20, v22;
	[tilespmem:s24+$0x7B00] =	vst v9  }
0x80: {  	v27 =	vld [tilespmem:s24+$0x7B90];
	v14 =	vmul.f32 v21, v22;
	[tilespmem:s24+$0x7B20] =	vst v11  }
0x81: {  	v28 =	vld [tilespmem:s24+$0x7BA0];
	v12 =	vmul.f32 v62, v22;
	[tilespmem:s24+$0x7B30] =	vst v13  }
0x82: {  	v29 =	vld [tilespmem:s24+$0x7BB0];
	v10 =	vmul.f32 v23, v22;
	[tilespmem:s24+$0x7B40] =	vst v14  }
0x83: {  	v31 =	vbroadcast v2, $0x7;
	v53 =	vld [tilespmem:s24+$0x7D00];
	v8 =	vmul.f32 v24, v22;
	[tilespmem:s24+$0x7B10] =	vst v12  }
0x84: {  	v58 =	vld [tilespmem:s24+$0x7D50];
	v9 =	vmul.f32 v25, v22;
	[tilespmem:s24+$0x7B50] =	vst v10  }
0x85: {  	v26 =	vld [tilespmem:s24+$0x7B80];
	v11 =	vmul.f32 v27, v31;
	[tilespmem:s24+$0x7B60] =	vst v8  }
0x86: {  	v30 =	vld [tilespmem:s24+$0x7BC0];
	v13 =	vmul.f32 v28, v31;
	[tilespmem:s24+$0x7B70] =	vst v9  }
0x87: {  	v32 =	vld [tilespmem:s24+$0x7BD0];
	v14 =	vmul.f32 v29, v31;
	[tilespmem:s24+$0x7B90] =	vst v11  }
0x88: {  	v33 =	vld [tilespmem:s24+$0x7BE0];
	v59 =	vmul.f32 v53, v6;
	[tilespmem:s24+$0x7BA0] =	vst v13  }
0x89: {  	v35 =	vld [tilespmem:s24+$0x7C00];
	v21 =	vmul.f32 v58, v6;
	[tilespmem:s24+$0x7BB0] =	vst v14  }
0x8a: {  	v36 =	vld [tilespmem:s24+$0x7C10];
	v12 =	vmul.f32 v26, v31;
	[tilespmem:s24+$0x7D00] =	vst v59  }
0x8b: {  	v37 =	vld [tilespmem:s24+$0x7C20];
	v10 =	vmul.f32 v30, v31;
	[tilespmem:s24+$0x7D50] =	vst v21  }
0x8c: {  	v7 =	vld [tilespmem:s24+$0x7D90];
	v40 =	vbroadcast v2, $0x8;
	v8 =	vmul.f32 v32, v31;
	[tilespmem:s24+$0x7B80] =	vst v12  }
0x8d: {  	v34 =	vld [tilespmem:s24+$0x7BF0];
	v9 =	vmul.f32 v33, v31;
	[tilespmem:s24+$0x7BC0] =	vst v10  }
0x8e: {  	v57 =	vld [tilespmem:s24+$0x7D40];
	v11 =	vmul.f32 v35, v40;
	[tilespmem:s24+$0x7BD0] =	vst v8  }
0x8f: {  	v61 =	vld [tilespmem:s24+$0x7800];
	v24 =	vbroadcast v2, $0xB;
	v13 =	vmul.f32 v36, v40;
	[tilespmem:s24+$0x7BE0] =	vst v9  }
0x90: {  	v4 =	vld [tilespmem:s24+$0x7FD0];
	v14 =	vmul.f32 v37, v40;
	[tilespmem:s24+$0x7C00] =	vst v11  }
0x91: {  	v38 =	vld [tilespmem:s24+$0x7C30];
	v5 =	vmul.f32 v5, v24;
	[tilespmem:s24+$0x7C10] =	vst v13  }
0x92: {  	v39 =	vld [tilespmem:s24+$0x7C40];
	v7 =	vmul.f32 v7, v24;
	[tilespmem:s24+$0x7C20] =	vst v14  }
0x93: {  	v41 =	vld [tilespmem:s24+$0x7C50];
	v19 =	vmul.f32 v57, v6;
	[tilespmem:s24+$0x7D80] =	vst v5  }
0x94: {  	v43 =	vld [tilespmem:s24+$0x7C70];
	v25 =	vmul.f32 v3, v61;
	[tilespmem:s24+$0x7D90] =	vst v7  }
0x95: {  	v44 =	vld [tilespmem:s24+$0x7C80];
	v12 =	vmul.f32 v34, v31;
	[tilespmem:s24+$0x7D40] =	vst v19  }
0x96: {  	v45 =	vld [tilespmem:s24+$0x7C90];
	v10 =	vmul.f32 v38, v40;
	[tilespmem:s24+$0x7800] =	vst v25  }
0x97: {  	v27 =	vld [tilespmem:s24+$0x7DD0];
	v8 =	vmul.f32 v39, v40;
	[tilespmem:s24+$0x7BF0] =	vst v12  }
0x98: {  	v49 =	vbroadcast v2, $0x9;
	v29 =	vld [tilespmem:s24+$0x7DF0];
	v9 =	vmul.f32 v41, v40;
	[tilespmem:s24+$0x7C30] =	vst v10  }
0x99: {  	v42 =	vld [tilespmem:s24+$0x7C60];
	v11 =	vmul.f32 v43, v40;
	[tilespmem:s24+$0x7C40] =	vst v8  }
0x9a: {  	v46 =	vld [tilespmem:s24+$0x7CA0];
	v13 =	vmul.f32 v44, v49;
	[tilespmem:s24+$0x7C50] =	vst v9  }
0x9b: {  	v47 =	vld [tilespmem:s24+$0x7CB0];
	v14 =	vmul.f32 v45, v49;
	[tilespmem:s24+$0x7C70] =	vst v11  }
0x9c: {  	v48 =	vld [tilespmem:s24+$0x7CC0];
	v32 =	vmul.f32 v27, v24;
	[tilespmem:s24+$0x7C80] =	vst v13  }
0x9d: {  	v51 =	vld [tilespmem:s24+$0x7CE0];
	v7 =	vmul.f32 v29, v24;
	[tilespmem:s24+$0x7C90] =	vst v14  }
0x9e: {  	v52 =	vld [tilespmem:s24+$0x7CF0];
	v12 =	vmul.f32 v42, v40;
	[tilespmem:s24+$0x7DD0] =	vst v32  }
0x9f: {  	v10 =	vmul.f32 v46, v49;
	[tilespmem:s24+$0x7DF0] =	vst v7  }
0xa0: {  	v28 =	vld [tilespmem:s24+$0x7DE0];
	v8 =	vmul.f32 v47, v49;
	[tilespmem:s24+$0x7C60] =	vst v12  }
0xa1: {  	v30 =	vld [tilespmem:s24+$0x7E00];
	v9 =	vmul.f32 v48, v49;
	[tilespmem:s24+$0x7CA0] =	vst v10  }
0xa2: {  	v50 =	vld [tilespmem:s24+$0x7CD0];
	v5 =	vbroadcast v2, $0xF;
	v11 =	vmul.f32 v51, v49;
	[tilespmem:s24+$0x7CB0] =	vst v8  }
0xa3: {  	v54 =	vld [tilespmem:s24+$0x7D10];
	v13 =	vmul.f32 v52, v49;
	[tilespmem:s24+$0x7CC0] =	vst v9  }
0xa4: {  	v55 =	vld [tilespmem:s24+$0x7D20];
	v35 =	vbroadcast v2, $0xC;
	v4 =	vmul.f32 v4, v5;
	[tilespmem:s24+$0x7CE0] =	vst v11  }
0xa5: {  	v56 =	vld [tilespmem:s24+$0x7D30];
	v40 =	vmul.f32 v28, v24;
	[tilespmem:s24+$0x7CF0] =	vst v13  }
0xa6: {  	v60 =	vld [tilespmem:s24+$0x7D60];
	v16 =	vmul.f32 v30, v35;
	[tilespmem:s24+$0x7FD0] =	vst v4  }
0xa7: {  	v62 =	vld [tilespmem:s24+$0x7810];
	v12 =	vmul.f32 v50, v49;
	[tilespmem:s24+$0x7DE0] =	vst v40  }
0xa8: {  	v63 =	vld [tilespmem:s24+$0x7840];
	v10 =	vmul.f32 v54, v6;
	[tilespmem:s24+$0x7E00] =	vst v16  }
0xa9: {  	v20 =	vld [tilespmem:s24+$0x7850];
	v8 =	vmul.f32 v55, v6;
	[tilespmem:s24+$0x7CD0] =	vst v12  }
0xaa: {  	v33 =	vld [tilespmem:s24+$0x7E30];
	v9 =	vmul.f32 v56, v6;
	[tilespmem:s24+$0x7D10] =	vst v10  }
0xab: {  	v61 =	vld [tilespmem:s24+$0x7FF0];
	v6 =	vmul.f32 v60, v6;
	[tilespmem:s24+$0x7D20] =	vst v8  }
0xac: {  	v38 =	vld [tilespmem:s24+$0x7E70];
	v13 =	vmul.f32 v62, v3;
	[tilespmem:s24+$0x7D30] =	vst v9  }
0xad: {  	v22 =	vld [tilespmem:s24+$0x7DA0];
	v4 =	vmul.f32 v63, v3;
	[tilespmem:s24+$0x7D60] =	vst v6  }
0xae: {  	v23 =	vld [tilespmem:s24+$0x7DB0];
	v3 =	vmul.f32 v20, v3;
	[tilespmem:s24+$0x7810] =	vst v13  }
0xaf: {  	v26 =	vld [tilespmem:s24+$0x7DC0];
	v62 =	vmul.f32 v33, v35;
	[tilespmem:s24+$0x7840] =	vst v4  }
0xb0: {  	v31 =	vld [tilespmem:s24+$0x7E10];
	v63 =	vmul.f32 v61, v5;
	[tilespmem:s24+$0x7850] =	vst v3  }
0xb1: {  	v34 =	vld [tilespmem:s24+$0x7E40];
	v16 =	vmul.f32 v38, v35;
	[tilespmem:s24+$0x7E30] =	vst v62  }
0xb2: {  	v41 =	vld [tilespmem:s24+$0x7EA0];
	v8 =	vmul.f32 v22, v24;
	[tilespmem:s24+$0x7FF0] =	vst v63  }
0xb3: {  	v46 =	vld [tilespmem:s24+$0x7EE0];
	v9 =	vmul.f32 v23, v24;
	[tilespmem:s24+$0x7E70] =	vst v16  }
0xb4: {  	v6 =	vmul.f32 v26, v24;
	v3 =	vld [tilespmem:s24+$0x7E90];
	[tilespmem:s24+$0x7DA0] =	vst v8  }
0xb5: {  	v36 =	vld [tilespmem:s24+$0x7E50];
	v44 =	vbroadcast v2, $0xD;
	v10 =	vmul.f32 v31, v35;
	[tilespmem:s24+$0x7DB0] =	vst v9  }
0xb6: {  	v37 =	vld [tilespmem:s24+$0x7E60];
	v13 =	vmul.f32 v34, v35;
	[tilespmem:s24+$0x7DC0] =	vst v6  }
0xb7: {  	v39 =	vld [tilespmem:s24+$0x7E80];
	v12 =	vmul.f32 v41, v44;
	[tilespmem:s24+$0x7E10] =	vst v10  }
0xb8: {  	v42 =	vld [tilespmem:s24+$0x7EB0];
	v51 =	vmul.f32 v46, v44;
	[tilespmem:s24+$0x7E40] =	vst v13  }
0xb9: {  	v48 =	vld [tilespmem:s24+$0x7F10];
	[tilespmem:s24+$0x7EA0] =	vst v12;
	v3 =	vmul.f32 v3, v44  }
0xba: {  	v49 =	vld [tilespmem:s24+$0x7F20];
	v9 =	vmul.f32 v36, v35;
	[tilespmem:s24+$0x7EE0] =	vst v51  }
0xbb: {  	v6 =	vmul.f32 v37, v35;
	[tilespmem:s24+$0x7E90] =	vst v3;
	v3 =	vld [tilespmem:s24+$0x7F00]  }
0xbc: {  	v2 =	vbroadcast v2, $0xE;
	v50 =	vld [tilespmem:s24+$0x7F30];
	v10 =	vmul.f32 v39, v44;
	[tilespmem:s24+$0x7E50] =	vst v9  }
0xbd: {  	v45 =	vld [tilespmem:s24+$0x7ED0];
	v13 =	vmul.f32 v42, v44;
	[tilespmem:s24+$0x7E60] =	vst v6  }
0xbe: {  	v47 =	vld [tilespmem:s24+$0x7EF0];
	v12 =	vmul.f32 v48, v2;
	[tilespmem:s24+$0x7E80] =	vst v10  }
0xbf: {  	v43 =	vld [tilespmem:s24+$0x7EC0];
	v11 =	vmul.f32 v49, v2;
	[tilespmem:s24+$0x7EB0] =	vst v13  }
0xc0: {  	v55 =	vld [tilespmem:s24+$0x7F80];
	[tilespmem:s24+$0x7F10] =	vst v12;
	v3 =	vmul.f32 v3, v2  }
0xc1: {  	v57 =	vld [tilespmem:s24+$0x7FA0];
	v7 =	vmul.f32 v50, v2;
	[tilespmem:s24+$0x7F20] =	vst v11  }
0xc2: {  	v6 =	vmul.f32 v45, v44;
	[tilespmem:s24+$0x7F00] =	vst v3;
	v3 =	vld [tilespmem:s24+$0x7F70]  }
0xc3: {  	v52 =	vld [tilespmem:s24+$0x7F40];
	v10 =	vmul.f32 v47, v44;
	[tilespmem:s24+$0x7F30] =	vst v7  }
0xc4: {  	v56 =	vld [tilespmem:s24+$0x7F90];
	v9 =	vmul.f32 v43, v44;
	[tilespmem:s24+$0x7ED0] =	vst v6  }
0xc5: {  	v54 =	vld [tilespmem:s24+$0x7F60];
	v12 =	vmul.f32 v55, v5;
	[tilespmem:s24+$0x7EF0] =	vst v10  }
0xc6: {  	v58 =	vld [tilespmem:s24+$0x7FB0];
	v7 =	vmul.f32 v57, v5;
	[tilespmem:s24+$0x7EC0] =	vst v9  }
0xc7: {  	v53 =	vld [tilespmem:s24+$0x7F50];
	[tilespmem:s24+$0x7F80] =	vst v12;
	v3 =	vmul.f32 v3, v2  }
0xc8: {  	v59 =	vld [tilespmem:s24+$0x7FC0];
	v6 =	vmul.f32 v52, v2;
	[tilespmem:s24+$0x7FA0] =	vst v7  }
0xc9: {  	v60 =	vld [tilespmem:s24+$0x7FE0];
	[tilespmem:s24+$0x7F70] =	vst v3;
	v3 =	vmul.f32 v56, v5  }
0xca: {  	v10 =	vmul.f32 v54, v2;
	[tilespmem:s24+$0x7F40] =	vst v6  }
0xcb: {  	v4 =	vld [tilespmem:s24+$0x7E20];
	[tilespmem:s24+$0x7F90] =	vst v3;
	v3 =	vmul.f32 v58, v5  }
0xcc: {  	[tilespmem:s24+$0x7F60] =	vst v10;
	v2 =	vmul.f32 v53, v2  }
0xcd: {  	[tilespmem:s24+$0x7FB0] =	vst v3;
	v3 =	vmul.f32 v59, v5  }
0xce: {  	[tilespmem:s24+$0x7F50] =	vst v2;
	v5 =	vmul.f32 v60, v5  }
0xcf: {  	[tilespmem:s24+$0x7FC0] =	vst v3  }
0xd0: {  	s25 =	simm.s32 $0x1;
	v3 =	vmul.f32 v4, v35;
	[tilespmem:s24+$0x7FE0] =	vst v5  }
.LBB2_5:
0xd1: {  	s26 =	sshll.u32 s25, $0x4  }
0xd2: {  	p0 =	sne.s32 s25, $0x7;
	[tilespmem:s24+$0x7E20] =	vst v3;
	s24 =	smov.u32 s25;
	s25 =	sadd.s32 $0x1, s25  }
0xd3: {  	s26 =	sand.u32 $0x3FFFFFF0, s26  }
0xd4: {  	v2 =	vld.idx.msk [tilespmem:v1+s26+$0x0 ss:$0x1], $0xffff  }
0xd5: {  	s24 =	sshll.u32 s24, $0xB  }
0xd6: {  	s24 =	sand.u32 $0x3FFFF800, s24  }
0xd7: {  	v9 =	vld [tilespmem:s24+$0x78C0]  }
0xd8: {  	v10 =	vld [tilespmem:s24+$0x78D0]  }
0xd9: {  	v11 =	vld [tilespmem:s24+$0x78B0]  }
0xda: {  	v3 =	vbroadcast v2, $0x0;
	v8 =	vbroadcast v2, $0x4;
	v4 =	vld [tilespmem:s24+$0x7820]  }
0xdb: {  	v6 =	vld [tilespmem:s24+$0x7830]  }
0xdc: {  	v7 =	vld [tilespmem:s24+$0x7D70]  }
0xdd: {  	v12 =	vld [tilespmem:s24+$0x7860]  }
0xde: {  	v13 =	vld [tilespmem:s24+$0x7870]  }
0xdf: {  	v5 =	vbroadcast v2, $0xA;
	v4 =	vmul.f32 v4, v3;
	v14 =	vld [tilespmem:s24+$0x7880]  }
0xe0: {  	v6 =	vmul.f32 v6, v3;
	v15 =	vld [tilespmem:s24+$0x7890]  }
0xe1: {  	[tilespmem:s24+$0x7820] =	vst v4;
	v16 =	vld [tilespmem:s24+$0x78A0];
	v4 =	vmul.f32 v7, v5  }
0xe2: {  	[tilespmem:s24+$0x7830] =	vst v6;
	v7 =	vmul.f32 v12, v3;
	v12 =	vbroadcast v2, $0x1;
	v6 =	vld [tilespmem:s24+$0x7D80]  }
0xe3: {  	v13 =	vmul.f32 v13, v3;
	[tilespmem:s24+$0x7D70] =	vst v4;
	v4 =	vld [tilespmem:s24+$0x7FD0]  }
0xe4: {  	[tilespmem:s24+$0x7860] =	vst v7;
	v14 =	vmul.f32 v14, v12;
	v7 =	vld [tilespmem:s24+$0x7D90]  }
0xe5: {  	[tilespmem:s24+$0x7870] =	vst v13;
	v13 =	vmul.f32 v15, v12;
	v15 =	vld [tilespmem:s24+$0x78E0]  }
0xe6: {  	[tilespmem:s24+$0x7880] =	vst v14;
	v14 =	vmul.f32 v16, v12;
	v16 =	vld [tilespmem:s24+$0x78F0]  }
0xe7: {  	v11 =	vmul.f32 v11, v12;
	[tilespmem:s24+$0x7890] =	vst v13;
	v13 =	vld [tilespmem:s24+$0x7900]  }
0xe8: {  	v9 =	vmul.f32 v9, v12;
	[tilespmem:s24+$0x78A0] =	vst v14;
	v14 =	vld [tilespmem:s24+$0x7910]  }
0xe9: {  	v10 =	vmul.f32 v10, v12;
	[tilespmem:s24+$0x78B0] =	vst v11;
	v11 =	vld [tilespmem:s24+$0x7920]  }
0xea: {  	[tilespmem:s24+$0x78C0] =	vst v9;
	v9 =	vmul.f32 v15, v12;
	v15 =	vbroadcast v2, $0x2;
	v17 =	vld [tilespmem:s24+$0x7930]  }
0xeb: {  	[tilespmem:s24+$0x78D0] =	vst v10;
	v10 =	vmul.f32 v16, v12;
	v12 =	vld [tilespmem:s24+$0x7940]  }
0xec: {  	[tilespmem:s24+$0x78E0] =	vst v9;
	v9 =	vmul.f32 v13, v15;
	v13 =	vld [tilespmem:s24+$0x7950]  }
0xed: {  	[tilespmem:s24+$0x78F0] =	vst v10;
	v10 =	vmul.f32 v14, v15;
	v14 =	vld [tilespmem:s24+$0x7960]  }
0xee: {  	[tilespmem:s24+$0x7900] =	vst v9;
	v9 =	vmul.f32 v11, v15;
	v11 =	vld [tilespmem:s24+$0x7970]  }
0xef: {  	[tilespmem:s24+$0x7910] =	vst v10;
	v10 =	vmul.f32 v17, v15;
	v16 =	vld [tilespmem:s24+$0x7980]  }
0xf0: {  	[tilespmem:s24+$0x7920] =	vst v9;
	v9 =	vmul.f32 v12, v15;
	v12 =	vld [tilespmem:s24+$0x7990]  }
0xf1: {  	[tilespmem:s24+$0x7930] =	vst v10;
	v10 =	vmul.f32 v13, v15;
	v13 =	vld [tilespmem:s24+$0x79A0]  }
0xf2: {  	[tilespmem:s24+$0x7940] =	vst v9;
	v9 =	vmul.f32 v14, v15;
	v14 =	vbroadcast v2, $0x3;
	v17 =	vld [tilespmem:s24+$0x79B0]  }
0xf3: {  	[tilespmem:s24+$0x7950] =	vst v10;
	v10 =	vmul.f32 v11, v15;
	v11 =	vld [tilespmem:s24+$0x79C0]  }
0xf4: {  	[tilespmem:s24+$0x7960] =	vst v9;
	v9 =	vmul.f32 v16, v14;
	v15 =	vld [tilespmem:s24+$0x79D0]  }
0xf5: {  	[tilespmem:s24+$0x7970] =	vst v10;
	v10 =	vmul.f32 v12, v14;
	v12 =	vld [tilespmem:s24+$0x79E0]  }
0xf6: {  	[tilespmem:s24+$0x7980] =	vst v9;
	v9 =	vmul.f32 v13, v14;
	v13 =	vld [tilespmem:s24+$0x79F0]  }
0xf7: {  	[tilespmem:s24+$0x7990] =	vst v10;
	v10 =	vmul.f32 v17, v14;
	v16 =	vld [tilespmem:s24+$0x7A00]  }
0xf8: {  	[tilespmem:s24+$0x79A0] =	vst v9;
	v9 =	vmul.f32 v11, v14;
	v11 =	vld [tilespmem:s24+$0x7A10]  }
0xf9: {  	[tilespmem:s24+$0x79B0] =	vst v10;
	v10 =	vmul.f32 v15, v14;
	v15 =	vld [tilespmem:s24+$0x7A20]  }
0xfa: {  	[tilespmem:s24+$0x79C0] =	vst v9;
	v9 =	vmul.f32 v12, v14;
	v12 =	vld [tilespmem:s24+$0x7A30]  }
0xfb: {  	[tilespmem:s24+$0x79D0] =	vst v10;
	v10 =	vmul.f32 v13, v14;
	v13 =	vld [tilespmem:s24+$0x7A40]  }
0xfc: {  	[tilespmem:s24+$0x79E0] =	vst v9;
	v9 =	vmul.f32 v16, v8;
	v14 =	vld [tilespmem:s24+$0x7A50]  }
0xfd: {  	[tilespmem:s24+$0x79F0] =	vst v10;
	v10 =	vmul.f32 v11, v8;
	v11 =	vld [tilespmem:s24+$0x7A60]  }
0xfe: {  	[tilespmem:s24+$0x7A00] =	vst v9;
	v9 =	vmul.f32 v15, v8;
	v15 =	vld [tilespmem:s24+$0x7A70]  }
0xff: {  	[tilespmem:s24+$0x7A10] =	vst v10;
	v10 =	vmul.f32 v12, v8;
	v12 =	vld [tilespmem:s24+$0x7A80]  }
0x100: {  	[tilespmem:s24+$0x7A20] =	vst v9;
	v9 =	vmul.f32 v13, v8;
	v13 =	vld [tilespmem:s24+$0x7A90]  }
0x101: {  	[tilespmem:s24+$0x7A30] =	vst v10;
	v10 =	vmul.f32 v14, v8;
	v14 =	vld [tilespmem:s24+$0x7AA0]  }
0x102: {  	[tilespmem:s24+$0x7A40] =	vst v9;
	v9 =	vmul.f32 v11, v8;
	v11 =	vbroadcast v2, $0x5;
	v16 =	vld [tilespmem:s24+$0x7AB0]  }
0x103: {  	[tilespmem:s24+$0x7A50] =	vst v10;
	v8 =	vmul.f32 v15, v8;
	v10 =	vld [tilespmem:s24+$0x7AC0]  }
0x104: {  	[tilespmem:s24+$0x7A60] =	vst v9;
	v9 =	vmul.f32 v12, v11;
	v12 =	vld [tilespmem:s24+$0x7AD0]  }
0x105: {  	[tilespmem:s24+$0x7A70] =	vst v8;
	v8 =	vmul.f32 v13, v11;
	v13 =	vld [tilespmem:s24+$0x7AE0]  }
0x106: {  	[tilespmem:s24+$0x7A80] =	vst v9;
	v9 =	vmul.f32 v14, v11;
	v14 =	vld [tilespmem:s24+$0x7AF0]  }
0x107: {  	[tilespmem:s24+$0x7A90] =	vst v8;
	v8 =	vmul.f32 v16, v11;
	v15 =	vld [tilespmem:s24+$0x7B00]  }
0x108: {  	[tilespmem:s24+$0x7AA0] =	vst v9;
	v9 =	vmul.f32 v10, v11;
	v10 =	vld [tilespmem:s24+$0x7B10]  }
0x109: {  	[tilespmem:s24+$0x7AB0] =	vst v8;
	v8 =	vmul.f32 v12, v11;
	v12 =	vld [tilespmem:s24+$0x7B20]  }
0x10a: {  	[tilespmem:s24+$0x7AC0] =	vst v9;
	v9 =	vmul.f32 v13, v11;
	v13 =	vbroadcast v2, $0x6;
	v16 =	vld [tilespmem:s24+$0x7B30]  }
0x10b: {  	[tilespmem:s24+$0x7AD0] =	vst v8;
	v8 =	vmul.f32 v14, v11;
	v11 =	vld [tilespmem:s24+$0x7B40]  }
0x10c: {  	[tilespmem:s24+$0x7AE0] =	vst v9;
	v9 =	vmul.f32 v15, v13;
	v14 =	vld [tilespmem:s24+$0x7B50]  }
0x10d: {  	[tilespmem:s24+$0x7AF0] =	vst v8;
	v8 =	vmul.f32 v10, v13;
	v10 =	vld [tilespmem:s24+$0x7B60]  }
0x10e: {  	[tilespmem:s24+$0x7B00] =	vst v9;
	v9 =	vmul.f32 v12, v13;
	v12 =	vld [tilespmem:s24+$0x7B70]  }
0x10f: {  	[tilespmem:s24+$0x7B10] =	vst v8;
	v8 =	vmul.f32 v16, v13;
	v15 =	vld [tilespmem:s24+$0x7B80]  }
0x110: {  	[tilespmem:s24+$0x7B20] =	vst v9;
	v9 =	vmul.f32 v11, v13;
	v11 =	vld [tilespmem:s24+$0x7B90]  }
0x111: {  	[tilespmem:s24+$0x7B30] =	vst v8;
	v8 =	vmul.f32 v14, v13;
	v14 =	vld [tilespmem:s24+$0x7BA0]  }
0x112: {  	[tilespmem:s24+$0x7B40] =	vst v9;
	v9 =	vmul.f32 v10, v13;
	v10 =	vbroadcast v2, $0x7;
	v16 =	vld [tilespmem:s24+$0x7BB0]  }
0x113: {  	[tilespmem:s24+$0x7B50] =	vst v8;
	v8 =	vmul.f32 v12, v13;
	v12 =	vld [tilespmem:s24+$0x7BC0]  }
0x114: {  	[tilespmem:s24+$0x7B60] =	vst v9;
	v9 =	vmul.f32 v15, v10;
	v13 =	vld [tilespmem:s24+$0x7BD0]  }
0x115: {  	[tilespmem:s24+$0x7B70] =	vst v8;
	v8 =	vmul.f32 v11, v10;
	v11 =	vld [tilespmem:s24+$0x7BE0]  }
0x116: {  	[tilespmem:s24+$0x7B80] =	vst v9;
	v9 =	vmul.f32 v14, v10;
	v14 =	vld [tilespmem:s24+$0x7BF0]  }
0x117: {  	[tilespmem:s24+$0x7B90] =	vst v8;
	v8 =	vmul.f32 v16, v10;
	v15 =	vld [tilespmem:s24+$0x7C00]  }
0x118: {  	[tilespmem:s24+$0x7BA0] =	vst v9;
	v9 =	vmul.f32 v12, v10;
	v12 =	vld [tilespmem:s24+$0x7C10]  }
0x119: {  	[tilespmem:s24+$0x7BB0] =	vst v8;
	v8 =	vmul.f32 v13, v10;
	v13 =	vld [tilespmem:s24+$0x7C20]  }
0x11a: {  	[tilespmem:s24+$0x7BC0] =	vst v9;
	v9 =	vmul.f32 v11, v10;
	v11 =	vbroadcast v2, $0x8;
	v16 =	vld [tilespmem:s24+$0x7C30]  }
0x11b: {  	[tilespmem:s24+$0x7BD0] =	vst v8;
	v8 =	vmul.f32 v14, v10;
	v10 =	vld [tilespmem:s24+$0x7C40]  }
0x11c: {  	[tilespmem:s24+$0x7BE0] =	vst v9;
	v9 =	vmul.f32 v15, v11;
	v14 =	vld [tilespmem:s24+$0x7C50]  }
0x11d: {  	[tilespmem:s24+$0x7BF0] =	vst v8;
	v8 =	vmul.f32 v12, v11;
	v12 =	vld [tilespmem:s24+$0x7C60]  }
0x11e: {  	[tilespmem:s24+$0x7C00] =	vst v9;
	v9 =	vmul.f32 v13, v11;
	v13 =	vld [tilespmem:s24+$0x7C70]  }
0x11f: {  	[tilespmem:s24+$0x7C10] =	vst v8;
	v8 =	vmul.f32 v16, v11;
	v15 =	vld [tilespmem:s24+$0x7C80]  }
0x120: {  	[tilespmem:s24+$0x7C20] =	vst v9;
	v9 =	vmul.f32 v10, v11;
	v10 =	vld [tilespmem:s24+$0x7C90]  }
0x121: {  	[tilespmem:s24+$0x7C30] =	vst v8;
	v8 =	vmul.f32 v14, v11;
	v14 =	vld [tilespmem:s24+$0x7CA0]  }
0x122: {  	[tilespmem:s24+$0x7C40] =	vst v9;
	v9 =	vmul.f32 v12, v11;
	v12 =	vbroadcast v2, $0x9;
	v16 =	vld [tilespmem:s24+$0x7CB0]  }
0x123: {  	[tilespmem:s24+$0x7C50] =	vst v8;
	v8 =	vmul.f32 v13, v11;
	v11 =	vld [tilespmem:s24+$0x7CC0]  }
0x124: {  	[tilespmem:s24+$0x7C60] =	vst v9;
	v9 =	vmul.f32 v15, v12;
	v13 =	vld [tilespmem:s24+$0x7CD0]  }
0x125: {  	[tilespmem:s24+$0x7C70] =	vst v8;
	v8 =	vmul.f32 v10, v12;
	v10 =	vld [tilespmem:s24+$0x7CE0]  }
0x126: {  	[tilespmem:s24+$0x7C80] =	vst v9;
	v9 =	vmul.f32 v14, v12;
	v14 =	vld [tilespmem:s24+$0x7CF0]  }
0x127: {  	[tilespmem:s24+$0x7C90] =	vst v8;
	v8 =	vmul.f32 v16, v12;
	v15 =	vld [tilespmem:s24+$0x7D00]  }
0x128: {  	[tilespmem:s24+$0x7CA0] =	vst v9;
	v9 =	vmul.f32 v11, v12;
	v11 =	vld [tilespmem:s24+$0x7D10]  }
0x129: {  	[tilespmem:s24+$0x7CB0] =	vst v8;
	v8 =	vmul.f32 v13, v12;
	v13 =	vld [tilespmem:s24+$0x7D20]  }
0x12a: {  	[tilespmem:s24+$0x7CC0] =	vst v9;
	v9 =	vmul.f32 v10, v12;
	v10 =	vld [tilespmem:s24+$0x7D30]  }
0x12b: {  	[tilespmem:s24+$0x7CD0] =	vst v8;
	v8 =	vmul.f32 v14, v12;
	v12 =	vld [tilespmem:s24+$0x7D40]  }
0x12c: {  	[tilespmem:s24+$0x7CE0] =	vst v9;
	v9 =	vmul.f32 v15, v5;
	v14 =	vld [tilespmem:s24+$0x7D50]  }
0x12d: {  	[tilespmem:s24+$0x7CF0] =	vst v8;
	v8 =	vmul.f32 v11, v5;
	v11 =	vld [tilespmem:s24+$0x7D60]  }
0x12e: {  	v15 =	vld [tilespmem:s24+$0x7800];
	[tilespmem:s24+$0x7D00] =	vst v9;
	v9 =	vmul.f32 v13, v5  }
0x12f: {  	v13 =	vld [tilespmem:s24+$0x7810];
	[tilespmem:s24+$0x7D10] =	vst v8;
	v8 =	vmul.f32 v10, v5  }
0x130: {  	v10 =	vld [tilespmem:s24+$0x7840];
	[tilespmem:s24+$0x7D20] =	vst v9;
	v9 =	vmul.f32 v12, v5  }
0x131: {  	v12 =	vld [tilespmem:s24+$0x7850];
	[tilespmem:s24+$0x7D30] =	vst v8;
	v8 =	vmul.f32 v14, v5  }
0x132: {  	[tilespmem:s24+$0x7D40] =	vst v9;
	v9 =	vmul.f32 v11, v5;
	v11 =	vbroadcast v2, $0xB;
	v14 =	vld [tilespmem:s24+$0x7DA0]  }
0x133: {  	v5 =	vbroadcast v2, $0xF;
	v15 =	vmul.f32 v3, v15;
	[tilespmem:s24+$0x7D50] =	vst v8;
	v8 =	vld [tilespmem:s24+$0x7DB0]  }
0x134: {  	v13 =	vmul.f32 v13, v3;
	[tilespmem:s24+$0x7D60] =	vst v9;
	v6 =	vmul.f32 v6, v11;
	v9 =	vld [tilespmem:s24+$0x7DC0]  }
0x135: {  	v7 =	vmul.f32 v7, v11;
	[tilespmem:s24+$0x7800] =	vst v15;
	v10 =	vmul.f32 v10, v3;
	v15 =	vld [tilespmem:s24+$0x7DD0]  }
0x136: {  	v4 =	vmul.f32 v4, v5;
	v12 =	vmul.f32 v12, v3;
	[tilespmem:s24+$0x7D80] =	vst v6;
	v3 =	vld [tilespmem:s24+$0x7DE0]  }
0x137: {  	[tilespmem:s24+$0x7D90] =	vst v7;
	v6 =	vmul.f32 v14, v11;
	v7 =	vld [tilespmem:s24+$0x7DF0]  }
0x138: {  	v8 =	vmul.f32 v8, v11;
	v14 =	vld [tilespmem:s24+$0x7E00];
	[tilespmem:s24+$0x7FD0] =	vst v4  }
0x139: {  	[tilespmem:s24+$0x7810] =	vst v13;
	v4 =	vmul.f32 v9, v11;
	v9 =	vld [tilespmem:s24+$0x7E10]  }
0x13a: {  	[tilespmem:s24+$0x7840] =	vst v10;
	v10 =	vmul.f32 v15, v11;
	v13 =	vld [tilespmem:s24+$0x7E20]  }
0x13b: {  	v15 =	vbroadcast v2, $0xC;
	[tilespmem:s24+$0x7DA0] =	vst v6;
	v6 =	vmul.f32 v3, v11;
	v16 =	vld [tilespmem:s24+$0x7E30]  }
0x13c: {  	[tilespmem:s24+$0x7DD0] =	vst v10;
	v7 =	vmul.f32 v7, v11;
	v10 =	vld [tilespmem:s24+$0x7E40]  }
0x13d: {  	[tilespmem:s24+$0x7DB0] =	vst v8;
	v3 =	vmul.f32 v14, v15;
	v8 =	vld [tilespmem:s24+$0x7E50]  }
0x13e: {  	[tilespmem:s24+$0x7DC0] =	vst v4;
	v4 =	vmul.f32 v9, v15;
	v9 =	vld [tilespmem:s24+$0x7E60]  }
0x13f: {  	[tilespmem:s24+$0x7E00] =	vst v3;
	v3 =	vmul.f32 v13, v15;
	v11 =	vld [tilespmem:s24+$0x7E70]  }
0x140: {  	[tilespmem:s24+$0x7E10] =	vst v4;
	v4 =	vld [tilespmem:s24+$0x7E80]  }
0x141: {  	[tilespmem:s24+$0x7850] =	vst v12;
	v10 =	vmul.f32 v10, v15;
	v12 =	vld [tilespmem:s24+$0x7E90]  }
0x142: {  	[tilespmem:s24+$0x7DE0] =	vst v6;
	v6 =	vmul.f32 v8, v15;
	v8 =	vld [tilespmem:s24+$0x7EA0]  }
0x143: {  	[tilespmem:s24+$0x7E40] =	vst v10;
	v9 =	vmul.f32 v9, v15;
	v10 =	vbroadcast v2, $0xD;
	v13 =	vld [tilespmem:s24+$0x7EB0]  }
0x144: {  	[tilespmem:s24+$0x7E50] =	vst v6;
	v6 =	vmul.f32 v11, v15;
	v11 =	vld [tilespmem:s24+$0x7EC0]  }
0x145: {  	[tilespmem:s24+$0x7E60] =	vst v9;
	v4 =	vmul.f32 v4, v10;
	v9 =	vld [tilespmem:s24+$0x7ED0]  }
0x146: {  	[tilespmem:s24+$0x7E70] =	vst v6;
	v6 =	vmul.f32 v12, v10;
	v12 =	vld [tilespmem:s24+$0x7EE0]  }
0x147: {  	[tilespmem:s24+$0x7E80] =	vst v4;
	v4 =	vmul.f32 v8, v10;
	v8 =	vld [tilespmem:s24+$0x7EF0]  }
0x148: {  	[tilespmem:s24+$0x7E90] =	vst v6;
	v6 =	vmul.f32 v13, v10;
	v13 =	vld [tilespmem:s24+$0x7F00]  }
0x149: {  	[tilespmem:s24+$0x7EA0] =	vst v4;
	v4 =	vmul.f32 v11, v10;
	v11 =	vld [tilespmem:s24+$0x7F10]  }
0x14a: {  	[tilespmem:s24+$0x7EB0] =	vst v6;
	v6 =	vmul.f32 v9, v10;
	v9 =	vld [tilespmem:s24+$0x7F20]  }
0x14b: {  	v2 =	vbroadcast v2, $0xE;
	[tilespmem:s24+$0x7DF0] =	vst v7;
	v7 =	vmul.f32 v12, v10;
	v12 =	vld [tilespmem:s24+$0x7F30]  }
0x14c: {  	[tilespmem:s24+$0x7ED0] =	vst v6;
	v6 =	vmul.f32 v8, v10;
	v8 =	vld [tilespmem:s24+$0x7F40]  }
0x14d: {  	[tilespmem:s24+$0x7EE0] =	vst v7;
	v7 =	vmul.f32 v13, v2;
	v10 =	vld [tilespmem:s24+$0x7F50]  }
0x14e: {  	[tilespmem:s24+$0x7EF0] =	vst v6;
	v6 =	vmul.f32 v11, v2;
	v11 =	vld [tilespmem:s24+$0x7F60]  }
0x14f: {  	[tilespmem:s24+$0x7F00] =	vst v7;
	v7 =	vmul.f32 v9, v2;
	v9 =	vld [tilespmem:s24+$0x7F70]  }
0x150: {  	[tilespmem:s24+$0x7F10] =	vst v6;
	v6 =	vmul.f32 v12, v2;
	v12 =	vld [tilespmem:s24+$0x7F80]  }
0x151: {  	[tilespmem:s24+$0x7F20] =	vst v7;
	v7 =	vmul.f32 v8, v2;
	v8 =	vld [tilespmem:s24+$0x7F90]  }
0x152: {  	[tilespmem:s24+$0x7F30] =	vst v6;
	v6 =	vmul.f32 v10, v2;
	v10 =	vld [tilespmem:s24+$0x7FA0]  }
0x153: {  	[tilespmem:s24+$0x7F40] =	vst v7;
	v7 =	vmul.f32 v11, v2;
	v11 =	vld [tilespmem:s24+$0x7FB0]  }
0x154: {  	[tilespmem:s24+$0x7EC0] =	vst v4;
	v2 =	vmul.f32 v9, v2;
	v4 =	vld [tilespmem:s24+$0x7FC0]  }
0x155: {  	[tilespmem:s24+$0x7F60] =	vst v7;
	v7 =	vmul.f32 v12, v5;
	v9 =	vld [tilespmem:s24+$0x7FE0]  }
0x156: {  	[tilespmem:s24+$0x7F70] =	vst v2;
	v2 =	vmul.f32 v8, v5;
	v8 =	vld [tilespmem:s24+$0x7FF0]  }
0x157: {  	[tilespmem:s24+$0x7F80] =	vst v7;
	v7 =	vmul.f32 v10, v5  }
0x158: {  	[tilespmem:s24+$0x7F90] =	vst v2;
	v2 =	vmul.f32 v11, v5  }
0x159: {  	v10 =	vmul.f32 v16, v15;
	[tilespmem:s24+$0x7FA0] =	vst v7  }
0x15a: {  	[tilespmem:s24+$0x7FB0] =	vst v2;
	v2 =	vmul.f32 v4, v5  }
.Ltmp1:
0x15b: {  	[tilespmem:s24+$0x7E30] =	vst v10;
	v4 =	vmul.f32 v8, v5;
	(pc) =	sbr.rel @p0 .LBB2_5-.Ltmp1, $4  }
0x15c: {  	[tilespmem:s24+$0x7FC0] =	vst v2  }
0x15d: {  	v2 =	vmul.f32 v9, v5;
	[tilespmem:s24+$0x7FF0] =	vst v4  }
0x15e: {  	[tilespmem:s24+$0x7F50] =	vst v6  }
0x15f: {  	[tilespmem:s24+$0x7FE0] =	vst v2  }
0x160: {  	s22 =	sadd.s32 $0x1, s22  }
0x161: {  	p0 =	sne.s32 s22, $0x4F  }
.Ltmp2:
0x162: {  	[tilespmem:s24+$0x7E20] =	vst v3;
	s23 =	sadd.s32 $0x2800, s23;
	(pc) =	sbr.rel @p0 .LBB2_4-.Ltmp2, $4  }
0x163: {  	[spmem:s3] =	stream.indirect.scatter.add.f32 [tilespmem:s15], [sflag:$0x1], $0x80, s23, s19, $0xb8;
	[tilespmem:$0x1F800] =	vst v63  }
0x164: {  	_ =	swait.ge [sflag:s16], $0x4000  }
0x165: {  	[sflag:s16] =	ssyncset.done $0x0  }
0x166: {  	[sflag:s16] =	ssyncadd.s32 $0xFFFFC000  }
0x167: {  	s4 =	sadd.s32 $0x1, s4  }
0x168: {  	p0 =	sne.s32 s4, s14  }
.Ltmp3:
0x169: {  	[bflag:$0x0] =	sbarrier.arrive $0xFFFF;
	(pc) =	sbr.rel @p0 .LBB2_1-.Ltmp3, $4  }
0x16a: {  	[hbm:s13], [sflag:s20] =	dma.local [spmem:s21], $0x2800  }
0x16b: {  	_ =	swait.ge [sflag:s16], $0x2800  }
0x16c: {  	[sflag:s16] =	ssyncset.done $0x0  }
0x16d: {  	[sflag:s16] =	ssyncadd.s32 $0xFFFFD800  }
0x16e: {  	_ =	sfence.sel $0x180000  }
0x16f: {  	[bflag:$0x0] =	sbarrier.arrive $0xFFFF  }
0x170: {  	p0 =	sne.s32 s0, $0x0;
	_ =	strace $0x9000004A  }
0x171: {  	s0 =	sadd.s32 @!p0 $0x100000, s1;
	[bflag:$0x2] =	sbarrier.arrive $0xFFFF  }
0x172: {  	[sflag:s0] =	ssyncadd.tile.s32 @!p0 $0x1;
	_ =	shalt  }
.Lfunc_end2:
_tile_overlayer_lowered:
.L_overlay_start_2:
0x173: {  	(tag) =	ssettag $0x2  }
0x174: {  	s0 =	rddreg [dreg:$0x0];
	s2 =	stileid.u32  }
0x175: {  	s1 =	rddreg [dreg:$0x1];
	p0 =	sne.s32 s2, $0x0  }
0x176: {  	s3 =	rddreg [dreg:$0x2];
	[bflag:$0x3] =	sbarrier.arrive $0xFFFF;
	s2 =	simm.s32 @!p0 $0x1C01  }
0x177: {  	[timem:s3], [sflag:s2] =	dma.local @!p0 [hbm:s0], s1  }
0x178: {  	s0 =	simm.s32 @!p0 $0x1  }
0x179: {  	_ =	swait.ge @!p0 [sflag:s0], s1  }
0x17a: {  	s1 =	ssub.s32 @!p0 $0x0, s1;
	[sflag:s0] =	ssyncset.done @!p0 $0x0  }
0x17b: {  	[sflag:s0] =	ssyncadd.s32 @!p0 s1  }
0x17c: {  	[bflag:$0x3] =	sbarrier.arrive $0xFFFF  }
0x17d: {  	_ =	shalt  }

// kernel: kernel.7.cloned.1.call-start
scs
__scs_entry_jumppad:
0x0: {  	(pc) =	sbr.rel $0x88, $3  }
0x1: {  	(tag) =	ssettag $0x0;
	lr =	simm.s32 $0x1  }
0x2: {  	[smem:$0x3F98] =	sst lr;
	_ =	strace $0xD0000000  }
0x3: {  	_ = 	snop  }
0x4: {  	_ = 	snop  }
0x5: {  	_ = 	snop  }
0x6: {  	_ = 	snop  }
0x7: {  	_ = 	snop  }
__scs_overlays_trampoline_lowered:
0x8: {  	[smem:$0x3FA7] =	sst s0  }
0x9: {  	[smem:$0x3FA8] =	sst s1  }
0xa: {  	[smem:$0x3FA9] =	sst s2  }
0xb: {  	[smem:$0x3FAA] =	sst s3  }
0xc: {  	[smem:$0x3FAB] =	sst s4  }
0xd: {  	[smem:$0x3FAC] =	sst s5  }
0xe: {  	[smem:$0x3FAD] =	sst s6  }
0xf: {  	[smem:$0x3FAE] =	sst s7  }
0x10: {  	[smem:$0x3FAF] =	sst s8  }
0x11: {  	[smem:$0x3FB0] =	sst s9;
	s0 =	simm.s32 @!p0 $0x0  }
0x12: {  	s1 =	sld [smem:$0x3F96];
	s0 =	simm.s32 @p0 $0x1  }
0x13: {  	[smem:$0x3FB1] =	sst s0;
	s0 =	simm.s32 @!p1 $0x0  }
0x14: {  	s2 =	sld [smem:$0x3F95];
	s0 =	simm.s32 @p1 $0x1  }
0x15: {  	[smem:$0x3FB2] =	sst s0;
	s0 =	simm.s32 @!p2 $0x0  }
0x16: {  	s3 =	sld [smem:$0x3FDB];
	s0 =	simm.s32 @p2 $0x1  }
0x17: {  	s4 =	simm.s32 $0x1BF5;
	[smem:$0x3FB4] =	sst s0  }
0x18: {  	s0 =	sld [smem:$0x3F97];
	_ =	swait.ge [sflag:s4], $0x0  }
0x19: {  	s7 =	sld [smem:$0x3F98]  }
0x1a: {  	s8 =	sadd.s32 $0xFFFFE003, lr  }
0x1b: {  	s9 =	sadd.s32 $0xFFFFFEF7, lr;
	s5 =	simm.s32 $0xFFFFFFFF;
	p2 =	slt.u32 s8, $0xFFFFF086  }
0x1c: {  	p1 =	slt.u32 s9, $0xF7A;
	s5 =	simm.s32 @!p2 $0x0  }
0x1d: {  	s5 =	simm.s32 @p1 $0x1;
	p0 =	seq.s32 s7, s2  }
0x1e: {  	s7 =	smul.u32 @!p0 $0xF7A, s2;
	p2 =	seq.s32 @!p0 s5, $0x0  }
0x1f: {  	s9 =	smul.u32 $0xF7A, s1;
	s8 =	simm.s32 @!p0 $0x1BF5;
	p2 =	por !p2, p0  }
0x20: {  	[sflag:s8] =	ssyncset.s32 @!p0 $0xFFFFF086;
	s6 =	sadd.s32 @!p0 s3, s7;
	s7 =	simm.s32 @!p0 $0x108  }
0x21: {  	s3 =	sadd.s32 s3, s9;
	s6 =	sadd.s32 @!p0 $0x88, s6;
	s7 =	simm.s32 @p2 $0x1082  }
0x22: {  	[simem:s7], [sflag:s8] =	dma.local @!p0 [hbm:s6], $0xF7A  }
0x23: {  	s9 =	sor.u32 $0xD0000000, s2;
	s6 =	simm.s32 $0x108;
	_ =	swait.ge @!p0 [sflag:s8], $0x0  }
0x24: {  	s3 =	sadd.s32 $0x88, s3;
	s6 =	simm.s32 @!p1 $0x1082;
	[sflag:s4] =	ssyncset.s32 $0xFFFFF086  }
0x25: {  	[simem:s6], [sflag:s4] =	dma.local [hbm:s3], $0xF7A  }
0x26: {  	[smem:$0x3F98] =	sst s1;
	(tag) =	ssettag s2;
	_ =	strace s9  }
0x27: {  	s1 =	sld [smem:$0x3FA8]  }
0x28: {  	s2 =	sld [smem:$0x3FA9]  }
0x29: {  	s4 =	sld [smem:$0x3FAB]  }
0x2a: {  	p0 =	seq.s32 s5, $0x0;
	s5 =	sld [smem:$0x3FAC]  }
0x2b: {  	s6 =	sld [smem:$0x3FAD]  }
0x2c: {  	s7 =	sld [smem:$0x3FAE]  }
0x2d: {  	s3 =	simm.s32 $0x108;
	s8 =	sld [smem:$0x3FAF]  }
0x2e: {  	s3 =	simm.s32 @!p0 $0x1082;
	s9 =	sld [smem:$0x3FB0]  }
0x2f: {  	lr =	sadd.s32 s0, s3;
	s0 =	sld [smem:$0x3FA7]  }
0x30: {  	s3 =	sld [smem:$0x3FAA]  }
0x31: {  	[smem:$0x3FB3] =	sst s10  }
0x32: {  	s10 =	sld [smem:$0x3FB1];
	_ =	sdelay $0x3  }
0x33: {  	p0 =	seq.s32 s10, $0x1;
	s10 =	sld [smem:$0x3FB3];
	_ =	sdelay $0x3  }
0x34: {  	[smem:$0x3FB3] =	sst s10  }
0x35: {  	s10 =	sld [smem:$0x3FB2];
	_ =	sdelay $0x3  }
0x36: {  	p1 =	seq.s32 s10, $0x1;
	s10 =	sld [smem:$0x3FB3];
	_ =	sdelay $0x3  }
0x37: {  	[smem:$0x3FB3] =	sst s10  }
0x38: {  	s10 =	sld [smem:$0x3FB4]  }
0x39: {  	_ = 	snop;
	(pc) =	sbr.ind lr, $3  }
0x3a: {  	_ = 	snop  }
0x3b: {  	_ = 	snop  }
0x3c: {  	p2 =	seq.s32 s10, $0x1;
	s10 =	sld [smem:$0x3FB3]  }
0x3d: {  	_ =	shalt  }
0x3e: {  	_ =	shalt  }
0x3f: {  	_ =	shalt  }
0x40: {  	_ =	shalt  }
0x41: {  	_ =	shalt  }
0x42: {  	_ =	shalt  }
0x43: {  	_ =	shalt  }
0x44: {  	_ =	shalt  }
0x45: {  	_ =	shalt  }
0x46: {  	_ =	shalt  }
0x47: {  	_ =	shalt  }
0x48: {  	_ =	shalt  }
0x49: {  	_ =	shalt  }
0x4a: {  	_ =	shalt  }
0x4b: {  	_ =	shalt  }
0x4c: {  	_ =	shalt  }
0x4d: {  	_ =	shalt  }
0x4e: {  	_ =	shalt  }
0x4f: {  	_ =	shalt  }
0x50: {  	_ =	shalt  }
0x51: {  	_ =	shalt  }
0x52: {  	_ =	shalt  }
0x53: {  	_ =	shalt  }
0x54: {  	_ =	shalt  }
0x55: {  	_ =	shalt  }
0x56: {  	_ =	shalt  }
0x57: {  	_ =	shalt  }
0x58: {  	_ =	shalt  }
0x59: {  	_ =	shalt  }
0x5a: {  	_ =	shalt  }
0x5b: {  	_ =	shalt  }
0x5c: {  	_ =	shalt  }
0x5d: {  	_ =	shalt  }
0x5e: {  	_ =	shalt  }
0x5f: {  	_ =	shalt  }
0x60: {  	_ =	shalt  }
0x61: {  	_ =	shalt  }
0x62: {  	_ =	shalt  }
0x63: {  	_ =	shalt  }
0x64: {  	_ =	shalt  }
0x65: {  	_ =	shalt  }
0x66: {  	_ =	shalt  }
0x67: {  	_ =	shalt  }
0x68: {  	_ =	shalt  }
0x69: {  	_ =	shalt  }
0x6a: {  	_ =	shalt  }
0x6b: {  	_ =	shalt  }
0x6c: {  	_ =	shalt  }
0x6d: {  	_ =	shalt  }
0x6e: {  	_ =	shalt  }
0x6f: {  	_ =	shalt  }
0x70: {  	_ =	shalt  }
0x71: {  	_ =	shalt  }
0x72: {  	_ =	shalt  }
0x73: {  	_ =	shalt  }
0x74: {  	_ =	shalt  }
0x75: {  	_ =	shalt  }
0x76: {  	_ =	shalt  }
0x77: {  	_ =	shalt  }
0x78: {  	_ =	shalt  }
0x79: {  	_ =	shalt  }
0x7a: {  	_ =	shalt  }
0x7b: {  	_ =	shalt  }
0x7c: {  	_ =	shalt  }
0x7d: {  	_ =	shalt  }
0x7e: {  	_ =	shalt  }
0x7f: {  	_ =	shalt  }
0x80: {  	_ =	shalt  }
0x81: {  	_ =	shalt  }
0x82: {  	_ =	shalt  }
0x83: {  	_ =	shalt  }
0x84: {  	_ =	shalt  }
0x85: {  	_ =	shalt  }
0x86: {  	_ =	shalt  }
0x87: {  	_ =	shalt  }
.Lfunc_end0:
.L_simem_size_0:
called_computation_lowered:
.L_overlay_start_0:
0x88: {  	s2 =	sld [smem:$0x3FD9]  }
0x89: {  	s3 =	sld [smem:$0x3FFE];
	_ =	sdelay $0x1  }
0x8a: {  	s1 =	srdreg.scid  }
0x8b: {  	s0 =	sand.u32 $0x1, s1  }
0x8c: {  	s17 =	sshll.u32 s0, $0xA;
	s2 =	sadd.s32 s3, s2  }
0x8d: {  	s2 =	sadd.s32 s2, s17  }
0x8e: {  	[smem:$0x3FBF] =	sst s2  }
0x8f: {  	_ = 	snop  }
0x90: {  	s2 =	sld [smem:$0x3FD0];
	(tm) =	ssettm $0x1  }
0x91: {  	s18 =	sld [smem:$0x3FFB];
	_ =	sdelay $0x3  }
0x92: {  	_ =	strace s18  }
0x93: {  	s3 =	sld [smem:$0x3FFC];
	_ =	sdelay $0x3  }
0x94: {  	_ =	strace s3  }
0x95: {  	s3 =	sld [smem:$0x3FFD];
	_ =	sdelay $0x3  }
0x96: {  	_ =	strace s3  }
0x97: {  	_ =	strace $0x8FFFFFFF  }
0x98: {  	s19 =	sld [smem:$0x3FDB];
	_ =	sdelay $0x1  }
0x99: {  	s4 =	simm.s32 $_scs_section_size  }
0x9a: {  	s5 =	simm.s32 $_size__tile_overlayer_lowered;
	s6 =	simm.s32 $_tile_overlayer_lowered  }
0x9b: {  	s22 =	simm.s32 $0x1BFF;
	s21 =	sshll.u32 s6, $0x1;
	s3 =	sadd.s32 s4, s19  }
0x9c: {  	s7 =	simm.s32 $0x0;
	s20 =	sshll.u32 s5, $0x1;
	s5 =	sadd.s32 s21, s3  }
0x9d: {  	[timem:s7], [sflag:s22] =	dma.local [hbm:s5], s20  }
0x9e: {  	_ =	swait.ge [sflag:s22], s20  }
0x9f: {  	s4 =	ssub.s32 $0x0, s20;
	[sflag:s22] =	ssyncset.done $0x0  }
0xa0: {  	[sflag:s22] =	ssyncadd.s32 s4;
	_ =	sdelay $0x1  }
0xa1: {  	s23 =	simm.s32 $0x1B8B  }
0xa2: {  	_ =	swait.ge [sflag:s23], $0x1  }
0xa3: {  	[sflag:s23] =	ssyncset.done $0x0  }
0xa4: {  	s25 =	simm.s32 $0x1B8E;
	s24 =	sld [smem:$0x3FFE];
	[sflag:s23] =	ssyncadd.s32 $0xFFFFFFFF  }
0xa5: {  	s26 =	simm.s32 $execute0_lowered;
	[smem:$0x3FD2] =	sst s25  }
0xa6: {  	s5 =	sshll.u32 s26, $0x1;
	_ =	strace $0x80000046;
	[dreg:$0x1] =	wrdreg $0xFFFFFFFF  }
0xa7: {  	s28 =	simm.s32 $_size_execute0_lowered;
	s3 =	sadd.s32 s3, s5;
	[dreg:$0x0] =	wrdreg $0x0  }
0xa8: {  	s5 =	sshll.u32 s28, $0x1;
	[dreg:$0x2] =	wrdreg s3  }
0xa9: {  	[dreg:$0x3] =	wrdreg s5  }
0xaa: {  	[dreg:$0x4] =	wrdreg $0xC0  }
0xab: {  	_ =	task [dreg:s7], $0x5FFFF  }
0xac: {  	[dreg:$0x1] =	wrdreg $0xFFFFFFFF  }
0xad: {  	[dreg:$0x0] =	wrdreg $0x60  }
0xae: {  	[dreg:$0x2] =	wrdreg s2  }
0xaf: {  	[dreg:$0x3] =	wrdreg s24  }
0xb0: {  	[dreg:$0x4] =	wrdreg $0xB8000  }
0xb1: {  	[dreg:$0x5] =	wrdreg $0x9  }
0xb2: {  	_ =	task.clear_ibuf [dreg:s7], $0x6FFFF;
	_ =	strace $0x90000046  }
0xb3: {  	s29 =	simm.s32 $0x9;
	_ =	strace $0x80000048  }
0xb4: {  	_ =	swait.ge [sflag:s29], $0x1  }
0xb5: {  	[sflag:s29] =	ssyncadd.s32 $0xFFFFFFFF  }
0xb6: {  	_ =	strace $0x90000048  }
0xb7: {  	_ =	sfence  }
0xb8: {  	s30 =	sld [smem:$0x0];
	_ =	sdelay $0x2  }
0xb9: {  	s31 =	sshll.u32 s1, $0xD;
	s1 =	sshrl.u32 s1, $0x2  }
0xba: {  	s3 =	sand.u32 $0x4000, s31;
	s1 =	sadd.s32 s1, s30  }
0xbb: {  	s0 =	sor.u32 s3, s0;
	s1 =	sshll.u32 s1, $0x11  }
0xbc: {  	s0 =	sor.u32 s1, s0  }
0xbd: {  	s0 =	sadd.s32 $0x8F2B, s0  }
0xbe: {  	[sflag:s0] =	ssyncadd.remote.s32 $0x1  }
0xbf: {  	_ =	sfence.sel $0xFFFF  }
0xc0: {  	[dreg:$0x0] =	wrdreg $0xFFFFFFFF;
	(pc) =	sbr.abs _section_cstart, $3  }
0xc1: {  	[dreg:$0x1] =	wrdreg $0xFFFFFFFF  }
0xc2: {  	_ =	task.clear_ibuf [dreg:s7], $0x2FFFF;
	_ =	strace $0x9FFFFFFF  }
0xc3: {  	(tm) =	ssettm $0x7FFFFFFF  }
tec
execute0_lowered:
.L_overlay_start_1:
0x0: {  	(tag) =	ssettag $0x1  }
0x1: {  	s2 =	rddreg [dreg:$0x0]  }
0x2: {  	s0 =	srdreg.scid;
	s6 =	rddreg [dreg:$0x1]  }
0x3: {  	s3 =	rddreg [dreg:$0x2];
	s4 =	simm.s32 $0x0;
	s15 =	simm.s32 $0x7800  }
0x4: {  	s16 =	simm.s32 $0x1;
	s17 =	simm.s32 $0x2800;
	s5 =	sand.u32 $0x1, s0  }
0x5: {  	s18 =	simm.s32 $0x5000;
	s0 =	stileid.u32;
	s8 =	smul.u32 $0x140000, s5  }
0x6: {  	s19 =	simm.s32 $0x80;
	[smem:$0x7FF] =	sst s4;
	s9 =	smul.u32 $0x14000, s0  }
0x7: {  	s1 =	sshll.u32 s5, $0x4;
	s10 =	smul.u32 $0x50000, s0;
	s29 =	ssub.s32 $0x2, s5  }
0x8: {  	s20 =	sshll.u32 s0, $0x6;
	s1 =	sor.u32 s0, s1;
	s31 =	sshrl.u32 s29, $0x1  }
0x9: {  	s20 =	sor.u32 $0x1C01, s20;
	s7 =	smul.u32 $0x500, s1;
	s1 =	rddreg [dreg:$0x3]  }
0xa: {  	_ =	strace $0x80000047;
	s30 =	sshrl.u32 s10, $0x2;
	s14 =	ssub.s32 s29, s31  }
0xb: {  	s28 =	sadd.s32 s9, s8;
	s5 =	sadd.s32 s30, s3;
	s14 =	smax.u32 s14, $0x1  }
0xc: {  	s12 =	sadd.s32 s7, s6;
	s7 =	sshrl.u32 s28, $0x3;
	s8 =	sadd.s32 $0xC000, s5  }
0xd: {  	s9 =	sadd.s32 $0x10000, s5;
	s21 =	sshrl.u32 s5, $0x3;
	s13 =	sadd.s32 s7, s6  }
0xe: {  	s6 =	sadd.s32 $0x4000, s5;
	s7 =	sadd.s32 $0x8000, s5;
	s10 =	sadd.s32 $0xBE00, s12  }
0xf: {  	v0 =	vimm.f32 $0.0e+00;
	s11 =	sadd.s32 $0x15E00, s12;
	s12 =	sadd.s32 $0x1E00, s12;
	s13 =	sadd.s32 $0x1FE00, s13  }
.LBB2_1:
0x10: {  	s22 =	simm.s32 $0x0;
	s23 =	simm.s32 $0x200  }
.LBB2_2:
0x11: {  	p0 =	sne.s32 s23, $0xFE00;
	[tilespmem:s22+$0x7870] =	vst v0  }
0x12: {  	[tilespmem:s22+$0x7800] =	vst v0  }
0x13: {  	[tilespmem:s22+$0x7810] =	vst v0  }
.Ltmp0:
0x14: {  	[tilespmem:s22+$0x7820] =	vst v0;
	(pc) =	sbr.rel @p0 .LBB2_2-.Ltmp0, $4  }
0x15: {  	[tilespmem:s22+$0x7830] =	vst v0  }
0x16: {  	[tilespmem:s22+$0x7840] =	vst v0  }
0x17: {  	[tilespmem:s22+$0x7850] =	vst v0  }
0x18: {  	[tilespmem:s22+$0x7860] =	vst v0;
	s22 =	sshra.s32 s23, $0x2;
	s23 =	sadd.s32 $0x200, s23  }
0x19: {  	[tilespmem:s22+$0x7870] =	vst v0  }
0x1a: {  	[tilespmem:s22+$0x7800] =	vst v0  }
0x1b: {  	[tilespmem:s22+$0x7810] =	vst v0  }
0x1c: {  	[tilespmem:s22+$0x7820] =	vst v0  }
0x1d: {  	[tilespmem:s22+$0x7830] =	vst v0  }
0x1e: {  	[tilespmem:s22+$0x7840] =	vst v0  }
0x1f: {  	[tilespmem:s22+$0x7850] =	vst v0  }
0x20: {  	[tilespmem:s22+$0x7860] =	vst v0  }
0x21: {  	[spmem:s5] =	stream.linear.scatter [tilespmem:s15], [sflag:$0x1], $0x4000, $0x38;
	[tilespmem:$0x1F800] =	vst v63  }
0x22: {  	_ =	swait.ge [sflag:s16], $0x4000  }
0x23: {  	[sflag:s16] =	ssyncset.done $0x0  }
0x24: {  	[sflag:s16] =	ssyncadd.s32 $0xFFFFC000  }
0x25: {  	[spmem:s6] =	stream.linear.scatter [tilespmem:s15], [sflag:$0x1], $0x4000, $0x38;
	[tilespmem:$0x1F800] =	vst v63  }
0x26: {  	_ =	swait.ge [sflag:s16], $0x4000  }
0x27: {  	[sflag:s16] =	ssyncset.done $0x0  }
0x28: {  	[sflag:s16] =	ssyncadd.s32 $0xFFFFC000  }
0x29: {  	[spmem:s7] =	stream.linear.scatter [tilespmem:s15], [sflag:$0x1], $0x4000, $0x38;
	[tilespmem:$0x1F800] =	vst v63  }
0x2a: {  	_ =	swait.ge [sflag:s16], $0x4000  }
0x2b: {  	[sflag:s16] =	ssyncset.done $0x0  }
0x2c: {  	[sflag:s16] =	ssyncadd.s32 $0xFFFFC000  }
0x2d: {  	[spmem:s8] =	stream.linear.scatter [tilespmem:s15], [sflag:$0x1], $0x4000, $0x38;
	[tilespmem:$0x1F800] =	vst v63  }
0x2e: {  	_ =	swait.ge [sflag:s16], $0x4000  }
0x2f: {  	[sflag:s16] =	ssyncset.done $0x0  }
0x30: {  	[sflag:s16] =	ssyncadd.s32 $0xFFFFC000  }
0x31: {  	[spmem:s9] =	stream.linear.scatter [tilespmem:s15], [sflag:$0x1], $0x4000, $0x38;
	[tilespmem:$0x1F800] =	vst v63  }
0x32: {  	_ =	swait.ge [sflag:s16], $0x4000  }
0x33: {  	[sflag:s16] =	ssyncset.done $0x0  }
0x34: {  	[sflag:s16] =	ssyncadd.s32 $0xFFFFC000  }
0x35: {  	s22 =	simm.s32 $0x0;
	[bflag:$0x0] =	sbarrier.arrive $0xFFFF  }
0x36: {  	[tilespmem:s22], [sflag:$0x1] =	stream.linear.gather [hbm4b:s10+s22], $0x2780, $0x38;
	[tilespmem:$0x1F800] =	vst v63  }
0x37: {  	_ =	swait.ge [sflag:s16], $0x2780  }
0x38: {  	[sflag:s16] =	ssyncset.done $0x0  }
0x39: {  	[sflag:s16] =	ssyncadd.s32 $0xFFFFD880  }
0x3a: {  	[tilespmem:s17], [sflag:$0x1] =	stream.linear.gather [hbm4b:s11+s22], $0x2780, $0x38;
	[tilespmem:$0x1F800] =	vst v63  }
0x3b: {  	_ =	swait.ge [sflag:s16], $0x2780  }
0x3c: {  	[sflag:s16] =	ssyncset.done $0x0  }
0x3d: {  	[sflag:s16] =	ssyncadd.s32 $0xFFFFD880  }
0x3e: {  	[tilespmem:s18], [sflag:$0x1] =	stream.linear.gather [hbm4b:s12+s22], $0x2780, $0x38;
	[tilespmem:$0x1F800] =	vst v63  }
0x3f: {  	_ =	swait.ge [sflag:s16], $0x2780  }
0x40: {  	[sflag:s16] =	ssyncset.done $0x0  }
0x41: {  	[sflag:s16] =	ssyncadd.s32 $0xFFFFD880  }
.LBB2_4:
0x42: {  	s23 =	sshll.u32 s22, $0x7  }
0x43: {  	s24 =	sadd.s32 $0x5000, s23  }
0x44: {  	v1 =	vmov s24  }
0x45: {  	[tilespmem:s15], [sflag:$0x1] =	stream.indirect.gather [hbm4b:s2+s19], $0x80, s23, s19, $0xb8;
	[tilespmem:$0x1F800] =	vst v63  }
0x46: {  	_ =	swait.ge [sflag:s16], $0x4000  }
0x47: {  	s31 =	simm.s32 $0x0;
	[sflag:s16] =	ssyncset.done $0x0  }
0x48: {  	s25 =	simm.s32 $0x0;
	s24 =	sand.u32 $0x3FFFFFF0, s31;
	[sflag:s16] =	ssyncadd.s32 $0xFFFFC000  }
0x49: {  	v2 =	vld.idx.msk [tilespmem:v1+s24+$0x0 ss:$0x1], $0xffff;
	s24 =	sand.u32 $0x3FFFF800, s25  }
0x4a: {  	v8 =	vld [tilespmem:s24+$0x78C0]  }
0x4b: {  	v4 =	vld [tilespmem:s24+$0x7820]  }
0x4c: {  	v5 =	vld [tilespmem:s24+$0x7830]  }
0x4d: {  	v11 =	vld [tilespmem:s24+$0x7860]  }
0x4e: {  	v12 =	vld [tilespmem:s24+$0x7870];
	v3 =	vbroadcast v2, $0x0  }
0x4f: {  	v13 =	vld [tilespmem:s24+$0x7880]  }
0x50: {  	v14 =	vld [tilespmem:s24+$0x7890];
	v4 =	vmul.f32 v4, v3  }
0x51: {  	v15 =	vld [tilespmem:s24+$0x78A0];
	v5 =	vmul.f32 v5, v3  }
0x52: {  	v10 =	vld [tilespmem:s24+$0x78B0];
	v21 =	vbroadcast v2, $0x1;
	v20 =	vmul.f32 v11, v3;
	[tilespmem:s24+$0x7820] =	vst v4  }
0x53: {  	v9 =	vld [tilespmem:s24+$0x78D0];
	v12 =	vmul.f32 v12, v3;
	[tilespmem:s24+$0x7830] =	vst v5  }
0x54: {  	v7 =	vld [tilespmem:s24+$0x7D70];
	v13 =	vmul.f32 v13, v21;
	[tilespmem:s24+$0x7860] =	vst v20  }
0x55: {  	v23 =	vld [tilespmem:s24+$0x78F0];
	v14 =	vmul.f32 v14, v21;
	[tilespmem:s24+$0x7870] =	vst v12  }
0x56: {  	v24 =	vld [tilespmem:s24+$0x7900];
	v15 =	vmul.f32 v15, v21;
	[tilespmem:s24+$0x7880] =	vst v13  }
0x57: {  	v25 =	vld [tilespmem:s24+$0x7910];
	v10 =	vmul.f32 v10, v21;
	[tilespmem:s24+$0x7890] =	vst v14  }
0x58: {  	v22 =	vld [tilespmem:s24+$0x78E0];
	v8 =	vmul.f32 v8, v21;
	[tilespmem:s24+$0x78A0] =	vst v15  }
0x59: {  	v26 =	vld [tilespmem:s24+$0x7920];
	v16 =	vbroadcast v2, $0x2;
	v9 =	vmul.f32 v9, v21;
	[tilespmem:s24+$0x78B0] =	vst v10  }
0x5a: {  	v27 =	vld [tilespmem:s24+$0x7930];
	v11 =	vmul.f32 v23, v21;
	[tilespmem:s24+$0x78C0] =	vst v8  }
0x5b: {  	v28 =	vld [tilespmem:s24+$0x7940];
	v6 =	vbroadcast v2, $0xA;
	v30 =	vmul.f32 v24, v16;
	[tilespmem:s24+$0x78D0] =	vst v9  }
0x5c: {  	v29 =	vld [tilespmem:s24+$0x7950];
	v32 =	vmul.f32 v25, v16;
	[tilespmem:s24+$0x78F0] =	vst v11  }
0x5d: {  	v31 =	vld [tilespmem:s24+$0x7960];
	v4 =	vmul.f32 v7, v6;
	[tilespmem:s24+$0x7900] =	vst v30  }
0x5e: {  	v33 =	vld [tilespmem:s24+$0x7970];
	v12 =	vmul.f32 v22, v21;
	[tilespmem:s24+$0x7910] =	vst v32  }
0x5f: {  	v34 =	vld [tilespmem:s24+$0x7980];
	v10 =	vmul.f32 v26, v16;
	[tilespmem:s24+$0x7D70] =	vst v4  }
0x60: {  	v35 =	vld [tilespmem:s24+$0x7990];
	v8 =	vmul.f32 v27, v16;
	[tilespmem:s24+$0x78E0] =	vst v12  }
0x61: {  	v36 =	vld [tilespmem:s24+$0x79A0];
	v9 =	vmul.f32 v28, v16;
	[tilespmem:s24+$0x7920] =	vst v10  }
0x62: {  	v37 =	vld [tilespmem:s24+$0x79B0];
	v39 =	vbroadcast v2, $0x3;
	v11 =	vmul.f32 v31, v16;
	[tilespmem:s24+$0x7930] =	vst v8  }
0x63: {  	v38 =	vld [tilespmem:s24+$0x79C0];
	v13 =	vmul.f32 v33, v16;
	[tilespmem:s24+$0x7940] =	vst v9  }
0x64: {  	v40 =	vld [tilespmem:s24+$0x79D0];
	v14 =	vmul.f32 v34, v39;
	[tilespmem:s24+$0x7960] =	vst v11  }
0x65: {  	v41 =	vld [tilespmem:s24+$0x79E0];
	v12 =	vmul.f32 v29, v16;
	[tilespmem:s24+$0x7970] =	vst v13  }
0x66: {  	v42 =	vld [tilespmem:s24+$0x79F0];
	v10 =	vmul.f32 v35, v39;
	[tilespmem:s24+$0x7980] =	vst v14  }
0x67: {  	v43 =	vld [tilespmem:s24+$0x7A00];
	v8 =	vmul.f32 v36, v39;
	[tilespmem:s24+$0x7950] =	vst v12  }
0x68: {  	v44 =	vld [tilespmem:s24+$0x7A10];
	v9 =	vmul.f32 v37, v39;
	[tilespmem:s24+$0x7990] =	vst v10  }
0x69: {  	v45 =	vld [tilespmem:s24+$0x7A20];
	v11 =	vmul.f32 v40, v39;
	[tilespmem:s24+$0x79A0] =	vst v8  }
0x6a: {  	v46 =	vld [tilespmem:s24+$0x7A30];
	v13 =	vmul.f32 v41, v39;
	[tilespmem:s24+$0x79B0] =	vst v9  }
0x6b: {  	v47 =	vld [tilespmem:s24+$0x7A40];
	v48 =	vbroadcast v2, $0x4;
	v14 =	vmul.f32 v42, v39;
	[tilespmem:s24+$0x79D0] =	vst v11  }
0x6c: {  	v49 =	vld [tilespmem:s24+$0x7A50];
	v12 =	vmul.f32 v38, v39;
	[tilespmem:s24+$0x79E0] =	vst v13  }
0x6d: {  	v50 =	vld [tilespmem:s24+$0x7A60];
	v10 =	vmul.f32 v43, v48;
	[tilespmem:s24+$0x79F0] =	vst v14  }
0x6e: {  	v51 =	vld [tilespmem:s24+$0x7A70];
	v8 =	vmul.f32 v44, v48;
	[tilespmem:s24+$0x79C0] =	vst v12  }
0x6f: {  	v52 =	vld [tilespmem:s24+$0x7A80];
	v9 =	vmul.f32 v45, v48;
	[tilespmem:s24+$0x7A00] =	vst v10  }
0x70: {  	v53 =	vld [tilespmem:s24+$0x7A90];
	v11 =	vmul.f32 v47, v48;
	[tilespmem:s24+$0x7A10] =	vst v8  }
0x71: {  	v54 =	vld [tilespmem:s24+$0x7AA0];
	v13 =	vmul.f32 v49, v48;
	[tilespmem:s24+$0x7A20] =	vst v9  }
0x72: {  	v55 =	vld [tilespmem:s24+$0x7AB0];
	v14 =	vmul.f32 v50, v48;
	[tilespmem:s24+$0x7A40] =	vst v11  }
0x73: {  	v56 =	vld [tilespmem:s24+$0x7AC0];
	v57 =	vbroadcast v2, $0x5;
	v12 =	vmul.f32 v46, v48;
	[tilespmem:s24+$0x7A50] =	vst v13  }
0x74: {  	v58 =	vld [tilespmem:s24+$0x7AD0];
	v10 =	vmul.f32 v51, v48;
	[tilespmem:s24+$0x7A60] =	vst v14  }
0x75: {  	v59 =	vld [tilespmem:s24+$0x7AE0];
	v8 =	vmul.f32 v52, v57;
	[tilespmem:s24+$0x7A30] =	vst v12  }
0x76: {  	v60 =	vld [tilespmem:s24+$0x7AF0];
	v9 =	vmul.f32 v53, v57;
	[tilespmem:s24+$0x7A70] =	vst v10  }
0x77: {  	v61 =	vld [tilespmem:s24+$0x7B00];
	v11 =	vmul.f32 v55, v57;
	[tilespmem:s24+$0x7A80] =	vst v8  }
0x78: {  	v62 =	vld [tilespmem:s24+$0x7B10];
	v13 =	vmul.f32 v56, v57;
	[tilespmem:s24+$0x7A90] =	vst v9  }
0x79: {  	v63 =	vld [tilespmem:s24+$0x7B20];
	v14 =	vmul.f32 v58, v57;
	[tilespmem:s24+$0x7AB0] =	vst v11  }
0x7a: {  	v20 =	vld [tilespmem:s24+$0x7B30];
	v12 =	vmul.f32 v54, v57;
	[tilespmem:s24+$0x7AC0] =	vst v13  }
0x7b: {  	v21 =	vld [tilespmem:s24+$0x7B40];
	v22 =	vbroadcast v2, $0x6;
	v10 =	vmul.f32 v59, v57;
	[tilespmem:s24+$0x7AD0] =	vst v14  }
0x7c: {  	v23 =	vld [tilespmem:s24+$0x7B50];
	v8 =	vmul.f32 v60, v57;
	[tilespmem:s24+$0x7AA0] =	vst v12  }
0x7d: {  	v24 =	vld [tilespmem:s24+$0x7B60];
	v9 =	vmul.f32 v61, v22;
	[tilespmem:s24+$0x7AE0] =	vst v10  }
0x7e: {  	v25 =	vld [tilespmem:s24+$0x7B70];
	v11 =	vmul.f32 v63, v22;
	[tilespmem:s24+$0x7AF0] =	vst v8  }
0x7f: {  	v5 =	vld [tilespmem:s24+$0x7D80];
	v13 =	vmul.f32 v20, v22;
	[tilespmem:s24+$0x7B00] =	vst v9  }
0x80: {  	v27 =	vld [tilespmem:s24+$0x7B90];
	v14 =	vmul.f32 v21, v22;
	[tilespmem:s24+$0x7B20] =	vst v11  }
0x81: {  	v28 =	vld [tilespmem:s24+$0x7BA0];
	v12 =	vmul.f32 v62, v22;
	[tilespmem:s24+$0x7B30] =	vst v13  }
0x82: {  	v29 =	vld [tilespmem:s24+$0x7BB0];
	v10 =	vmul.f32 v23, v22;
	[tilespmem:s24+$0x7B40] =	vst v14  }
0x83: {  	v31 =	vbroadcast v2, $0x7;
	v53 =	vld [tilespmem:s24+$0x7D00];
	v8 =	vmul.f32 v24, v22;
	[tilespmem:s24+$0x7B10] =	vst v12  }
0x84: {  	v58 =	vld [tilespmem:s24+$0x7D50];
	v9 =	vmul.f32 v25, v22;
	[tilespmem:s24+$0x7B50] =	vst v10  }
0x85: {  	v26 =	vld [tilespmem:s24+$0x7B80];
	v11 =	vmul.f32 v27, v31;
	[tilespmem:s24+$0x7B60] =	vst v8  }
0x86: {  	v30 =	vld [tilespmem:s24+$0x7BC0];
	v13 =	vmul.f32 v28, v31;
	[tilespmem:s24+$0x7B70] =	vst v9  }
0x87: {  	v32 =	vld [tilespmem:s24+$0x7BD0];
	v14 =	vmul.f32 v29, v31;
	[tilespmem:s24+$0x7B90] =	vst v11  }
0x88: {  	v33 =	vld [tilespmem:s24+$0x7BE0];
	v59 =	vmul.f32 v53, v6;
	[tilespmem:s24+$0x7BA0] =	vst v13  }
0x89: {  	v35 =	vld [tilespmem:s24+$0x7C00];
	v21 =	vmul.f32 v58, v6;
	[tilespmem:s24+$0x7BB0] =	vst v14  }
0x8a: {  	v36 =	vld [tilespmem:s24+$0x7C10];
	v12 =	vmul.f32 v26, v31;
	[tilespmem:s24+$0x7D00] =	vst v59  }
0x8b: {  	v37 =	vld [tilespmem:s24+$0x7C20];
	v10 =	vmul.f32 v30, v31;
	[tilespmem:s24+$0x7D50] =	vst v21  }
0x8c: {  	v7 =	vld [tilespmem:s24+$0x7D90];
	v40 =	vbroadcast v2, $0x8;
	v8 =	vmul.f32 v32, v31;
	[tilespmem:s24+$0x7B80] =	vst v12  }
0x8d: {  	v34 =	vld [tilespmem:s24+$0x7BF0];
	v9 =	vmul.f32 v33, v31;
	[tilespmem:s24+$0x7BC0] =	vst v10  }
0x8e: {  	v57 =	vld [tilespmem:s24+$0x7D40];
	v11 =	vmul.f32 v35, v40;
	[tilespmem:s24+$0x7BD0] =	vst v8  }
0x8f: {  	v61 =	vld [tilespmem:s24+$0x7800];
	v24 =	vbroadcast v2, $0xB;
	v13 =	vmul.f32 v36, v40;
	[tilespmem:s24+$0x7BE0] =	vst v9  }
0x90: {  	v4 =	vld [tilespmem:s24+$0x7FD0];
	v14 =	vmul.f32 v37, v40;
	[tilespmem:s24+$0x7C00] =	vst v11  }
0x91: {  	v38 =	vld [tilespmem:s24+$0x7C30];
	v5 =	vmul.f32 v5, v24;
	[tilespmem:s24+$0x7C10] =	vst v13  }
0x92: {  	v39 =	vld [tilespmem:s24+$0x7C40];
	v7 =	vmul.f32 v7, v24;
	[tilespmem:s24+$0x7C20] =	vst v14  }
0x93: {  	v41 =	vld [tilespmem:s24+$0x7C50];
	v19 =	vmul.f32 v57, v6;
	[tilespmem:s24+$0x7D80] =	vst v5  }
0x94: {  	v43 =	vld [tilespmem:s24+$0x7C70];
	v25 =	vmul.f32 v3, v61;
	[tilespmem:s24+$0x7D90] =	vst v7  }
0x95: {  	v44 =	vld [tilespmem:s24+$0x7C80];
	v12 =	vmul.f32 v34, v31;
	[tilespmem:s24+$0x7D40] =	vst v19  }
0x96: {  	v45 =	vld [tilespmem:s24+$0x7C90];
	v10 =	vmul.f32 v38, v40;
	[tilespmem:s24+$0x7800] =	vst v25  }
0x97: {  	v27 =	vld [tilespmem:s24+$0x7DD0];
	v8 =	vmul.f32 v39, v40;
	[tilespmem:s24+$0x7BF0] =	vst v12  }
0x98: {  	v49 =	vbroadcast v2, $0x9;
	v29 =	vld [tilespmem:s24+$0x7DF0];
	v9 =	vmul.f32 v41, v40;
	[tilespmem:s24+$0x7C30] =	vst v10  }
0x99: {  	v42 =	vld [tilespmem:s24+$0x7C60];
	v11 =	vmul.f32 v43, v40;
	[tilespmem:s24+$0x7C40] =	vst v8  }
0x9a: {  	v46 =	vld [tilespmem:s24+$0x7CA0];
	v13 =	vmul.f32 v44, v49;
	[tilespmem:s24+$0x7C50] =	vst v9  }
0x9b: {  	v47 =	vld [tilespmem:s24+$0x7CB0];
	v14 =	vmul.f32 v45, v49;
	[tilespmem:s24+$0x7C70] =	vst v11  }
0x9c: {  	v48 =	vld [tilespmem:s24+$0x7CC0];
	v32 =	vmul.f32 v27, v24;
	[tilespmem:s24+$0x7C80] =	vst v13  }
0x9d: {  	v51 =	vld [tilespmem:s24+$0x7CE0];
	v7 =	vmul.f32 v29, v24;
	[tilespmem:s24+$0x7C90] =	vst v14  }
0x9e: {  	v52 =	vld [tilespmem:s24+$0x7CF0];
	v12 =	vmul.f32 v42, v40;
	[tilespmem:s24+$0x7DD0] =	vst v32  }
0x9f: {  	v10 =	vmul.f32 v46, v49;
	[tilespmem:s24+$0x7DF0] =	vst v7  }
0xa0: {  	v28 =	vld [tilespmem:s24+$0x7DE0];
	v8 =	vmul.f32 v47, v49;
	[tilespmem:s24+$0x7C60] =	vst v12  }
0xa1: {  	v30 =	vld [tilespmem:s24+$0x7E00];
	v9 =	vmul.f32 v48, v49;
	[tilespmem:s24+$0x7CA0] =	vst v10  }
0xa2: {  	v50 =	vld [tilespmem:s24+$0x7CD0];
	v5 =	vbroadcast v2, $0xF;
	v11 =	vmul.f32 v51, v49;
	[tilespmem:s24+$0x7CB0] =	vst v8  }
0xa3: {  	v54 =	vld [tilespmem:s24+$0x7D10];
	v13 =	vmul.f32 v52, v49;
	[tilespmem:s24+$0x7CC0] =	vst v9  }
0xa4: {  	v55 =	vld [tilespmem:s24+$0x7D20];
	v35 =	vbroadcast v2, $0xC;
	v4 =	vmul.f32 v4, v5;
	[tilespmem:s24+$0x7CE0] =	vst v11  }
0xa5: {  	v56 =	vld [tilespmem:s24+$0x7D30];
	v40 =	vmul.f32 v28, v24;
	[tilespmem:s24+$0x7CF0] =	vst v13  }
0xa6: {  	v60 =	vld [tilespmem:s24+$0x7D60];
	v16 =	vmul.f32 v30, v35;
	[tilespmem:s24+$0x7FD0] =	vst v4  }
0xa7: {  	v62 =	vld [tilespmem:s24+$0x7810];
	v12 =	vmul.f32 v50, v49;
	[tilespmem:s24+$0x7DE0] =	vst v40  }
0xa8: {  	v63 =	vld [tilespmem:s24+$0x7840];
	v10 =	vmul.f32 v54, v6;
	[tilespmem:s24+$0x7E00] =	vst v16  }
0xa9: {  	v20 =	vld [tilespmem:s24+$0x7850];
	v8 =	vmul.f32 v55, v6;
	[tilespmem:s24+$0x7CD0] =	vst v12  }
0xaa: {  	v33 =	vld [tilespmem:s24+$0x7E30];
	v9 =	vmul.f32 v56, v6;
	[tilespmem:s24+$0x7D10] =	vst v10  }
0xab: {  	v61 =	vld [tilespmem:s24+$0x7FF0];
	v6 =	vmul.f32 v60, v6;
	[tilespmem:s24+$0x7D20] =	vst v8  }
0xac: {  	v38 =	vld [tilespmem:s24+$0x7E70];
	v13 =	vmul.f32 v62, v3;
	[tilespmem:s24+$0x7D30] =	vst v9  }
0xad: {  	v22 =	vld [tilespmem:s24+$0x7DA0];
	v4 =	vmul.f32 v63, v3;
	[tilespmem:s24+$0x7D60] =	vst v6  }
0xae: {  	v23 =	vld [tilespmem:s24+$0x7DB0];
	v3 =	vmul.f32 v20, v3;
	[tilespmem:s24+$0x7810] =	vst v13  }
0xaf: {  	v26 =	vld [tilespmem:s24+$0x7DC0];
	v62 =	vmul.f32 v33, v35;
	[tilespmem:s24+$0x7840] =	vst v4  }
0xb0: {  	v31 =	vld [tilespmem:s24+$0x7E10];
	v63 =	vmul.f32 v61, v5;
	[tilespmem:s24+$0x7850] =	vst v3  }
0xb1: {  	v34 =	vld [tilespmem:s24+$0x7E40];
	v16 =	vmul.f32 v38, v35;
	[tilespmem:s24+$0x7E30] =	vst v62  }
0xb2: {  	v41 =	vld [tilespmem:s24+$0x7EA0];
	v8 =	vmul.f32 v22, v24;
	[tilespmem:s24+$0x7FF0] =	vst v63  }
0xb3: {  	v46 =	vld [tilespmem:s24+$0x7EE0];
	v9 =	vmul.f32 v23, v24;
	[tilespmem:s24+$0x7E70] =	vst v16  }
0xb4: {  	v6 =	vmul.f32 v26, v24;
	v3 =	vld [tilespmem:s24+$0x7E90];
	[tilespmem:s24+$0x7DA0] =	vst v8  }
0xb5: {  	v36 =	vld [tilespmem:s24+$0x7E50];
	v44 =	vbroadcast v2, $0xD;
	v10 =	vmul.f32 v31, v35;
	[tilespmem:s24+$0x7DB0] =	vst v9  }
0xb6: {  	v37 =	vld [tilespmem:s24+$0x7E60];
	v13 =	vmul.f32 v34, v35;
	[tilespmem:s24+$0x7DC0] =	vst v6  }
0xb7: {  	v39 =	vld [tilespmem:s24+$0x7E80];
	v12 =	vmul.f32 v41, v44;
	[tilespmem:s24+$0x7E10] =	vst v10  }
0xb8: {  	v42 =	vld [tilespmem:s24+$0x7EB0];
	v51 =	vmul.f32 v46, v44;
	[tilespmem:s24+$0x7E40] =	vst v13  }
0xb9: {  	v48 =	vld [tilespmem:s24+$0x7F10];
	[tilespmem:s24+$0x7EA0] =	vst v12;
	v3 =	vmul.f32 v3, v44  }
0xba: {  	v49 =	vld [tilespmem:s24+$0x7F20];
	v9 =	vmul.f32 v36, v35;
	[tilespmem:s24+$0x7EE0] =	vst v51  }
0xbb: {  	v6 =	vmul.f32 v37, v35;
	[tilespmem:s24+$0x7E90] =	vst v3;
	v3 =	vld [tilespmem:s24+$0x7F00]  }
0xbc: {  	v2 =	vbroadcast v2, $0xE;
	v50 =	vld [tilespmem:s24+$0x7F30];
	v10 =	vmul.f32 v39, v44;
	[tilespmem:s24+$0x7E50] =	vst v9  }
0xbd: {  	v45 =	vld [tilespmem:s24+$0x7ED0];
	v13 =	vmul.f32 v42, v44;
	[tilespmem:s24+$0x7E60] =	vst v6  }
0xbe: {  	v47 =	vld [tilespmem:s24+$0x7EF0];
	v12 =	vmul.f32 v48, v2;
	[tilespmem:s24+$0x7E80] =	vst v10  }
0xbf: {  	v43 =	vld [tilespmem:s24+$0x7EC0];
	v11 =	vmul.f32 v49, v2;
	[tilespmem:s24+$0x7EB0] =	vst v13  }
0xc0: {  	v55 =	vld [tilespmem:s24+$0x7F80];
	[tilespmem:s24+$0x7F10] =	vst v12;
	v3 =	vmul.f32 v3, v2  }
0xc1: {  	v57 =	vld [tilespmem:s24+$0x7FA0];
	v7 =	vmul.f32 v50, v2;
	[tilespmem:s24+$0x7F20] =	vst v11  }
0xc2: {  	v6 =	vmul.f32 v45, v44;
	[tilespmem:s24+$0x7F00] =	vst v3;
	v3 =	vld [tilespmem:s24+$0x7F70]  }
0xc3: {  	v52 =	vld [tilespmem:s24+$0x7F40];
	v10 =	vmul.f32 v47, v44;
	[tilespmem:s24+$0x7F30] =	vst v7  }
0xc4: {  	v56 =	vld [tilespmem:s24+$0x7F90];
	v9 =	vmul.f32 v43, v44;
	[tilespmem:s24+$0x7ED0] =	vst v6  }
0xc5: {  	v54 =	vld [tilespmem:s24+$0x7F60];
	v12 =	vmul.f32 v55, v5;
	[tilespmem:s24+$0x7EF0] =	vst v10  }
0xc6: {  	v58 =	vld [tilespmem:s24+$0x7FB0];
	v7 =	vmul.f32 v57, v5;
	[tilespmem:s24+$0x7EC0] =	vst v9  }
0xc7: {  	v53 =	vld [tilespmem:s24+$0x7F50];
	[tilespmem:s24+$0x7F80] =	vst v12;
	v3 =	vmul.f32 v3, v2  }
0xc8: {  	v59 =	vld [tilespmem:s24+$0x7FC0];
	v6 =	vmul.f32 v52, v2;
	[tilespmem:s24+$0x7FA0] =	vst v7  }
0xc9: {  	v60 =	vld [tilespmem:s24+$0x7FE0];
	[tilespmem:s24+$0x7F70] =	vst v3;
	v3 =	vmul.f32 v56, v5  }
0xca: {  	v10 =	vmul.f32 v54, v2;
	[tilespmem:s24+$0x7F40] =	vst v6  }
0xcb: {  	v4 =	vld [tilespmem:s24+$0x7E20];
	[tilespmem:s24+$0x7F90] =	vst v3;
	v3 =	vmul.f32 v58, v5  }
0xcc: {  	[tilespmem:s24+$0x7F60] =	vst v10;
	v2 =	vmul.f32 v53, v2  }
0xcd: {  	[tilespmem:s24+$0x7FB0] =	vst v3;
	v3 =	vmul.f32 v59, v5  }
0xce: {  	[tilespmem:s24+$0x7F50] =	vst v2;
	v5 =	vmul.f32 v60, v5  }
0xcf: {  	[tilespmem:s24+$0x7FC0] =	vst v3  }
0xd0: {  	s25 =	simm.s32 $0x1;
	v3 =	vmul.f32 v4, v35;
	[tilespmem:s24+$0x7FE0] =	vst v5  }
.LBB2_5:
0xd1: {  	s26 =	sshll.u32 s25, $0x4  }
0xd2: {  	p0 =	sne.s32 s25, $0x7;
	[tilespmem:s24+$0x7E20] =	vst v3;
	s24 =	smov.u32 s25;
	s25 =	sadd.s32 $0x1, s25  }
0xd3: {  	s26 =	sand.u32 $0x3FFFFFF0, s26  }
0xd4: {  	v2 =	vld.idx.msk [tilespmem:v1+s26+$0x0 ss:$0x1], $0xffff  }
0xd5: {  	s24 =	sshll.u32 s24, $0xB  }
0xd6: {  	s24 =	sand.u32 $0x3FFFF800, s24  }
0xd7: {  	v9 =	vld [tilespmem:s24+$0x78C0]  }
0xd8: {  	v10 =	vld [tilespmem:s24+$0x78D0]  }
0xd9: {  	v11 =	vld [tilespmem:s24+$0x78B0]  }
0xda: {  	v3 =	vbroadcast v2, $0x0;
	v8 =	vbroadcast v2, $0x4;
	v4 =	vld [tilespmem:s24+$0x7820]  }
0xdb: {  	v6 =	vld [tilespmem:s24+$0x7830]  }
0xdc: {  	v7 =	vld [tilespmem:s24+$0x7D70]  }
0xdd: {  	v12 =	vld [tilespmem:s24+$0x7860]  }
0xde: {  	v13 =	vld [tilespmem:s24+$0x7870]  }
0xdf: {  	v5 =	vbroadcast v2, $0xA;
	v4 =	vmul.f32 v4, v3;
	v14 =	vld [tilespmem:s24+$0x7880]  }
0xe0: {  	v6 =	vmul.f32 v6, v3;
	v15 =	vld [tilespmem:s24+$0x7890]  }
0xe1: {  	[tilespmem:s24+$0x7820] =	vst v4;
	v16 =	vld [tilespmem:s24+$0x78A0];
	v4 =	vmul.f32 v7, v5  }
0xe2: {  	[tilespmem:s24+$0x7830] =	vst v6;
	v7 =	vmul.f32 v12, v3;
	v12 =	vbroadcast v2, $0x1;
	v6 =	vld [tilespmem:s24+$0x7D80]  }
0xe3: {  	v13 =	vmul.f32 v13, v3;
	[tilespmem:s24+$0x7D70] =	vst v4;
	v4 =	vld [tilespmem:s24+$0x7FD0]  }
0xe4: {  	[tilespmem:s24+$0x7860] =	vst v7;
	v14 =	vmul.f32 v14, v12;
	v7 =	vld [tilespmem:s24+$0x7D90]  }
0xe5: {  	[tilespmem:s24+$0x7870] =	vst v13;
	v13 =	vmul.f32 v15, v12;
	v15 =	vld [tilespmem:s24+$0x78E0]  }
0xe6: {  	[tilespmem:s24+$0x7880] =	vst v14;
	v14 =	vmul.f32 v16, v12;
	v16 =	vld [tilespmem:s24+$0x78F0]  }
0xe7: {  	v11 =	vmul.f32 v11, v12;
	[tilespmem:s24+$0x7890] =	vst v13;
	v13 =	vld [tilespmem:s24+$0x7900]  }
0xe8: {  	v9 =	vmul.f32 v9, v12;
	[tilespmem:s24+$0x78A0] =	vst v14;
	v14 =	vld [tilespmem:s24+$0x7910]  }
0xe9: {  	v10 =	vmul.f32 v10, v12;
	[tilespmem:s24+$0x78B0] =	vst v11;
	v11 =	vld [tilespmem:s24+$0x7920]  }
0xea: {  	[tilespmem:s24+$0x78C0] =	vst v9;
	v9 =	vmul.f32 v15, v12;
	v15 =	vbroadcast v2, $0x2;
	v17 =	vld [tilespmem:s24+$0x7930]  }
0xeb: {  	[tilespmem:s24+$0x78D0] =	vst v10;
	v10 =	vmul.f32 v16, v12;
	v12 =	vld [tilespmem:s24+$0x7940]  }
0xec: {  	[tilespmem:s24+$0x78E0] =	vst v9;
	v9 =	vmul.f32 v13, v15;
	v13 =	vld [tilespmem:s24+$0x7950]  }
0xed: {  	[tilespmem:s24+$0x78F0] =	vst v10;
	v10 =	vmul.f32 v14, v15;
	v14 =	vld [tilespmem:s24+$0x7960]  }
0xee: {  	[tilespmem:s24+$0x7900] =	vst v9;
	v9 =	vmul.f32 v11, v15;
	v11 =	vld [tilespmem:s24+$0x7970]  }
0xef: {  	[tilespmem:s24+$0x7910] =	vst v10;
	v10 =	vmul.f32 v17, v15;
	v16 =	vld [tilespmem:s24+$0x7980]  }
0xf0: {  	[tilespmem:s24+$0x7920] =	vst v9;
	v9 =	vmul.f32 v12, v15;
	v12 =	vld [tilespmem:s24+$0x7990]  }
0xf1: {  	[tilespmem:s24+$0x7930] =	vst v10;
	v10 =	vmul.f32 v13, v15;
	v13 =	vld [tilespmem:s24+$0x79A0]  }
0xf2: {  	[tilespmem:s24+$0x7940] =	vst v9;
	v9 =	vmul.f32 v14, v15;
	v14 =	vbroadcast v2, $0x3;
	v17 =	vld [tilespmem:s24+$0x79B0]  }
0xf3: {  	[tilespmem:s24+$0x7950] =	vst v10;
	v10 =	vmul.f32 v11, v15;
	v11 =	vld [tilespmem:s24+$0x79C0]  }
0xf4: {  	[tilespmem:s24+$0x7960] =	vst v9;
	v9 =	vmul.f32 v16, v14;
	v15 =	vld [tilespmem:s24+$0x79D0]  }
0xf5: {  	[tilespmem:s24+$0x7970] =	vst v10;
	v10 =	vmul.f32 v12, v14;
	v12 =	vld [tilespmem:s24+$0x79E0]  }
0xf6: {  	[tilespmem:s24+$0x7980] =	vst v9;
	v9 =	vmul.f32 v13, v14;
	v13 =	vld [tilespmem:s24+$0x79F0]  }
0xf7: {  	[tilespmem:s24+$0x7990] =	vst v10;
	v10 =	vmul.f32 v17, v14;
	v16 =	vld [tilespmem:s24+$0x7A00]  }
0xf8: {  	[tilespmem:s24+$0x79A0] =	vst v9;
	v9 =	vmul.f32 v11, v14;
	v11 =	vld [tilespmem:s24+$0x7A10]  }
0xf9: {  	[tilespmem:s24+$0x79B0] =	vst v10;
	v10 =	vmul.f32 v15, v14;
	v15 =	vld [tilespmem:s24+$0x7A20]  }
0xfa: {  	[tilespmem:s24+$0x79C0] =	vst v9;
	v9 =	vmul.f32 v12, v14;
	v12 =	vld [tilespmem:s24+$0x7A30]  }
0xfb: {  	[tilespmem:s24+$0x79D0] =	vst v10;
	v10 =	vmul.f32 v13, v14;
	v13 =	vld [tilespmem:s24+$0x7A40]  }
0xfc: {  	[tilespmem:s24+$0x79E0] =	vst v9;
	v9 =	vmul.f32 v16, v8;
	v14 =	vld [tilespmem:s24+$0x7A50]  }
0xfd: {  	[tilespmem:s24+$0x79F0] =	vst v10;
	v10 =	vmul.f32 v11, v8;
	v11 =	vld [tilespmem:s24+$0x7A60]  }
0xfe: {  	[tilespmem:s24+$0x7A00] =	vst v9;
	v9 =	vmul.f32 v15, v8;
	v15 =	vld [tilespmem:s24+$0x7A70]  }
0xff: {  	[tilespmem:s24+$0x7A10] =	vst v10;
	v10 =	vmul.f32 v12, v8;
	v12 =	vld [tilespmem:s24+$0x7A80]  }
0x100: {  	[tilespmem:s24+$0x7A20] =	vst v9;
	v9 =	vmul.f32 v13, v8;
	v13 =	vld [tilespmem:s24+$0x7A90]  }
0x101: {  	[tilespmem:s24+$0x7A30] =	vst v10;
	v10 =	vmul.f32 v14, v8;
	v14 =	vld [tilespmem:s24+$0x7AA0]  }
0x102: {  	[tilespmem:s24+$0x7A40] =	vst v9;
	v9 =	vmul.f32 v11, v8;
	v11 =	vbroadcast v2, $0x5;
	v16 =	vld [tilespmem:s24+$0x7AB0]  }
0x103: {  	[tilespmem:s24+$0x7A50] =	vst v10;
	v8 =	vmul.f32 v15, v8;
	v10 =	vld [tilespmem:s24+$0x7AC0]  }
0x104: {  	[tilespmem:s24+$0x7A60] =	vst v9;
	v9 =	vmul.f32 v12, v11;
	v12 =	vld [tilespmem:s24+$0x7AD0]  }
0x105: {  	[tilespmem:s24+$0x7A70] =	vst v8;
	v8 =	vmul.f32 v13, v11;
	v13 =	vld [tilespmem:s24+$0x7AE0]  }
0x106: {  	[tilespmem:s24+$0x7A80] =	vst v9;
	v9 =	vmul.f32 v14, v11;
	v14 =	vld [tilespmem:s24+$0x7AF0]  }
0x107: {  	[tilespmem:s24+$0x7A90] =	vst v8;
	v8 =	vmul.f32 v16, v11;
	v15 =	vld [tilespmem:s24+$0x7B00]  }
0x108: {  	[tilespmem:s24+$0x7AA0] =	vst v9;
	v9 =	vmul.f32 v10, v11;
	v10 =	vld [tilespmem:s24+$0x7B10]  }
0x109: {  	[tilespmem:s24+$0x7AB0] =	vst v8;
	v8 =	vmul.f32 v12, v11;
	v12 =	vld [tilespmem:s24+$0x7B20]  }
0x10a: {  	[tilespmem:s24+$0x7AC0] =	vst v9;
	v9 =	vmul.f32 v13, v11;
	v13 =	vbroadcast v2, $0x6;
	v16 =	vld [tilespmem:s24+$0x7B30]  }
0x10b: {  	[tilespmem:s24+$0x7AD0] =	vst v8;
	v8 =	vmul.f32 v14, v11;
	v11 =	vld [tilespmem:s24+$0x7B40]  }
0x10c: {  	[tilespmem:s24+$0x7AE0] =	vst v9;
	v9 =	vmul.f32 v15, v13;
	v14 =	vld [tilespmem:s24+$0x7B50]  }
0x10d: {  	[tilespmem:s24+$0x7AF0] =	vst v8;
	v8 =	vmul.f32 v10, v13;
	v10 =	vld [tilespmem:s24+$0x7B60]  }
0x10e: {  	[tilespmem:s24+$0x7B00] =	vst v9;
	v9 =	vmul.f32 v12, v13;
	v12 =	vld [tilespmem:s24+$0x7B70]  }
0x10f: {  	[tilespmem:s24+$0x7B10] =	vst v8;
	v8 =	vmul.f32 v16, v13;
	v15 =	vld [tilespmem:s24+$0x7B80]  }
0x110: {  	[tilespmem:s24+$0x7B20] =	vst v9;
	v9 =	vmul.f32 v11, v13;
	v11 =	vld [tilespmem:s24+$0x7B90]  }
0x111: {  	[tilespmem:s24+$0x7B30] =	vst v8;
	v8 =	vmul.f32 v14, v13;
	v14 =	vld [tilespmem:s24+$0x7BA0]  }
0x112: {  	[tilespmem:s24+$0x7B40] =	vst v9;
	v9 =	vmul.f32 v10, v13;
	v10 =	vbroadcast v2, $0x7;
	v16 =	vld [tilespmem:s24+$0x7BB0]  }
0x113: {  	[tilespmem:s24+$0x7B50] =	vst v8;
	v8 =	vmul.f32 v12, v13;
	v12 =	vld [tilespmem:s24+$0x7BC0]  }
0x114: {  	[tilespmem:s24+$0x7B60] =	vst v9;
	v9 =	vmul.f32 v15, v10;
	v13 =	vld [tilespmem:s24+$0x7BD0]  }
0x115: {  	[tilespmem:s24+$0x7B70] =	vst v8;
	v8 =	vmul.f32 v11, v10;
	v11 =	vld [tilespmem:s24+$0x7BE0]  }
0x116: {  	[tilespmem:s24+$0x7B80] =	vst v9;
	v9 =	vmul.f32 v14, v10;
	v14 =	vld [tilespmem:s24+$0x7BF0]  }
0x117: {  	[tilespmem:s24+$0x7B90] =	vst v8;
	v8 =	vmul.f32 v16, v10;
	v15 =	vld [tilespmem:s24+$0x7C00]  }
0x118: {  	[tilespmem:s24+$0x7BA0] =	vst v9;
	v9 =	vmul.f32 v12, v10;
	v12 =	vld [tilespmem:s24+$0x7C10]  }
0x119: {  	[tilespmem:s24+$0x7BB0] =	vst v8;
	v8 =	vmul.f32 v13, v10;
	v13 =	vld [tilespmem:s24+$0x7C20]  }
0x11a: {  	[tilespmem:s24+$0x7BC0] =	vst v9;
	v9 =	vmul.f32 v11, v10;
	v11 =	vbroadcast v2, $0x8;
	v16 =	vld [tilespmem:s24+$0x7C30]  }
0x11b: {  	[tilespmem:s24+$0x7BD0] =	vst v8;
	v8 =	vmul.f32 v14, v10;
	v10 =	vld [tilespmem:s24+$0x7C40]  }
0x11c: {  	[tilespmem:s24+$0x7BE0] =	vst v9;
	v9 =	vmul.f32 v15, v11;
	v14 =	vld [tilespmem:s24+$0x7C50]  }
0x11d: {  	[tilespmem:s24+$0x7BF0] =	vst v8;
	v8 =	vmul.f32 v12, v11;
	v12 =	vld [tilespmem:s24+$0x7C60]  }
0x11e: {  	[tilespmem:s24+$0x7C00] =	vst v9;
	v9 =	vmul.f32 v13, v11;
	v13 =	vld [tilespmem:s24+$0x7C70]  }
0x11f: {  	[tilespmem:s24+$0x7C10] =	vst v8;
	v8 =	vmul.f32 v16, v11;
	v15 =	vld [tilespmem:s24+$0x7C80]  }
0x120: {  	[tilespmem:s24+$0x7C20] =	vst v9;
	v9 =	vmul.f32 v10, v11;
	v10 =	vld [tilespmem:s24+$0x7C90]  }
0x121: {  	[tilespmem:s24+$0x7C30] =	vst v8;
	v8 =	vmul.f32 v14, v11;
	v14 =	vld [tilespmem:s24+$0x7CA0]  }
0x122: {  	[tilespmem:s24+$0x7C40] =	vst v9;
	v9 =	vmul.f32 v12, v11;
	v12 =	vbroadcast v2, $0x9;
	v16 =	vld [tilespmem:s24+$0x7CB0]  }
0x123: {  	[tilespmem:s24+$0x7C50] =	vst v8;
	v8 =	vmul.f32 v13, v11;
	v11 =	vld [tilespmem:s24+$0x7CC0]  }
0x124: {  	[tilespmem:s24+$0x7C60] =	vst v9;
	v9 =	vmul.f32 v15, v12;
	v13 =	vld [tilespmem:s24+$0x7CD0]  }
0x125: {  	[tilespmem:s24+$0x7C70] =	vst v8;
	v8 =	vmul.f32 v10, v12;
	v10 =	vld [tilespmem:s24+$0x7CE0]  }
0x126: {  	[tilespmem:s24+$0x7C80] =	vst v9;
	v9 =	vmul.f32 v14, v12;
	v14 =	vld [tilespmem:s24+$0x7CF0]  }
0x127: {  	[tilespmem:s24+$0x7C90] =	vst v8;
	v8 =	vmul.f32 v16, v12;
	v15 =	vld [tilespmem:s24+$0x7D00]  }
0x128: {  	[tilespmem:s24+$0x7CA0] =	vst v9;
	v9 =	vmul.f32 v11, v12;
	v11 =	vld [tilespmem:s24+$0x7D10]  }
0x129: {  	[tilespmem:s24+$0x7CB0] =	vst v8;
	v8 =	vmul.f32 v13, v12;
	v13 =	vld [tilespmem:s24+$0x7D20]  }
0x12a: {  	[tilespmem:s24+$0x7CC0] =	vst v9;
	v9 =	vmul.f32 v10, v12;
	v10 =	vld [tilespmem:s24+$0x7D30]  }
0x12b: {  	[tilespmem:s24+$0x7CD0] =	vst v8;
	v8 =	vmul.f32 v14, v12;
	v12 =	vld [tilespmem:s24+$0x7D40]  }
0x12c: {  	[tilespmem:s24+$0x7CE0] =	vst v9;
	v9 =	vmul.f32 v15, v5;
	v14 =	vld [tilespmem:s24+$0x7D50]  }
0x12d: {  	[tilespmem:s24+$0x7CF0] =	vst v8;
	v8 =	vmul.f32 v11, v5;
	v11 =	vld [tilespmem:s24+$0x7D60]  }
0x12e: {  	v15 =	vld [tilespmem:s24+$0x7800];
	[tilespmem:s24+$0x7D00] =	vst v9;
	v9 =	vmul.f32 v13, v5  }
0x12f: {  	v13 =	vld [tilespmem:s24+$0x7810];
	[tilespmem:s24+$0x7D10] =	vst v8;
	v8 =	vmul.f32 v10, v5  }
0x130: {  	v10 =	vld [tilespmem:s24+$0x7840];
	[tilespmem:s24+$0x7D20] =	vst v9;
	v9 =	vmul.f32 v12, v5  }
0x131: {  	v12 =	vld [tilespmem:s24+$0x7850];
	[tilespmem:s24+$0x7D30] =	vst v8;
	v8 =	vmul.f32 v14, v5  }
0x132: {  	[tilespmem:s24+$0x7D40] =	vst v9;
	v9 =	vmul.f32 v11, v5;
	v11 =	vbroadcast v2, $0xB;
	v14 =	vld [tilespmem:s24+$0x7DA0]  }
0x133: {  	v5 =	vbroadcast v2, $0xF;
	v15 =	vmul.f32 v3, v15;
	[tilespmem:s24+$0x7D50] =	vst v8;
	v8 =	vld [tilespmem:s24+$0x7DB0]  }
0x134: {  	v13 =	vmul.f32 v13, v3;
	[tilespmem:s24+$0x7D60] =	vst v9;
	v6 =	vmul.f32 v6, v11;
	v9 =	vld [tilespmem:s24+$0x7DC0]  }
0x135: {  	v7 =	vmul.f32 v7, v11;
	[tilespmem:s24+$0x7800] =	vst v15;
	v10 =	vmul.f32 v10, v3;
	v15 =	vld [tilespmem:s24+$0x7DD0]  }
0x136: {  	v4 =	vmul.f32 v4, v5;
	v12 =	vmul.f32 v12, v3;
	[tilespmem:s24+$0x7D80] =	vst v6;
	v3 =	vld [tilespmem:s24+$0x7DE0]  }
0x137: {  	[tilespmem:s24+$0x7D90] =	vst v7;
	v6 =	vmul.f32 v14, v11;
	v7 =	vld [tilespmem:s24+$0x7DF0]  }
0x138: {  	v8 =	vmul.f32 v8, v11;
	v14 =	vld [tilespmem:s24+$0x7E00];
	[tilespmem:s24+$0x7FD0] =	vst v4  }
0x139: {  	[tilespmem:s24+$0x7810] =	vst v13;
	v4 =	vmul.f32 v9, v11;
	v9 =	vld [tilespmem:s24+$0x7E10]  }
0x13a: {  	[tilespmem:s24+$0x7840] =	vst v10;
	v10 =	vmul.f32 v15, v11;
	v13 =	vld [tilespmem:s24+$0x7E20]  }
0x13b: {  	v15 =	vbroadcast v2, $0xC;
	[tilespmem:s24+$0x7DA0] =	vst v6;
	v6 =	vmul.f32 v3, v11;
	v16 =	vld [tilespmem:s24+$0x7E30]  }
0x13c: {  	[tilespmem:s24+$0x7DD0] =	vst v10;
	v7 =	vmul.f32 v7, v11;
	v10 =	vld [tilespmem:s24+$0x7E40]  }
0x13d: {  	[tilespmem:s24+$0x7DB0] =	vst v8;
	v3 =	vmul.f32 v14, v15;
	v8 =	vld [tilespmem:s24+$0x7E50]  }
0x13e: {  	[tilespmem:s24+$0x7DC0] =	vst v4;
	v4 =	vmul.f32 v9, v15;
	v9 =	vld [tilespmem:s24+$0x7E60]  }
0x13f: {  	[tilespmem:s24+$0x7E00] =	vst v3;
	v3 =	vmul.f32 v13, v15;
	v11 =	vld [tilespmem:s24+$0x7E70]  }
0x140: {  	[tilespmem:s24+$0x7E10] =	vst v4;
	v4 =	vld [tilespmem:s24+$0x7E80]  }
0x141: {  	[tilespmem:s24+$0x7850] =	vst v12;
	v10 =	vmul.f32 v10, v15;
	v12 =	vld [tilespmem:s24+$0x7E90]  }
0x142: {  	[tilespmem:s24+$0x7DE0] =	vst v6;
	v6 =	vmul.f32 v8, v15;
	v8 =	vld [tilespmem:s24+$0x7EA0]  }
0x143: {  	[tilespmem:s24+$0x7E40] =	vst v10;
	v9 =	vmul.f32 v9, v15;
	v10 =	vbroadcast v2, $0xD;
	v13 =	vld [tilespmem:s24+$0x7EB0]  }
0x144: {  	[tilespmem:s24+$0x7E50] =	vst v6;
	v6 =	vmul.f32 v11, v15;
	v11 =	vld [tilespmem:s24+$0x7EC0]  }
0x145: {  	[tilespmem:s24+$0x7E60] =	vst v9;
	v4 =	vmul.f32 v4, v10;
	v9 =	vld [tilespmem:s24+$0x7ED0]  }
0x146: {  	[tilespmem:s24+$0x7E70] =	vst v6;
	v6 =	vmul.f32 v12, v10;
	v12 =	vld [tilespmem:s24+$0x7EE0]  }
0x147: {  	[tilespmem:s24+$0x7E80] =	vst v4;
	v4 =	vmul.f32 v8, v10;
	v8 =	vld [tilespmem:s24+$0x7EF0]  }
0x148: {  	[tilespmem:s24+$0x7E90] =	vst v6;
	v6 =	vmul.f32 v13, v10;
	v13 =	vld [tilespmem:s24+$0x7F00]  }
0x149: {  	[tilespmem:s24+$0x7EA0] =	vst v4;
	v4 =	vmul.f32 v11, v10;
	v11 =	vld [tilespmem:s24+$0x7F10]  }
0x14a: {  	[tilespmem:s24+$0x7EB0] =	vst v6;
	v6 =	vmul.f32 v9, v10;
	v9 =	vld [tilespmem:s24+$0x7F20]  }
0x14b: {  	v2 =	vbroadcast v2, $0xE;
	[tilespmem:s24+$0x7DF0] =	vst v7;
	v7 =	vmul.f32 v12, v10;
	v12 =	vld [tilespmem:s24+$0x7F30]  }
0x14c: {  	[tilespmem:s24+$0x7ED0] =	vst v6;
	v6 =	vmul.f32 v8, v10;
	v8 =	vld [tilespmem:s24+$0x7F40]  }
0x14d: {  	[tilespmem:s24+$0x7EE0] =	vst v7;
	v7 =	vmul.f32 v13, v2;
	v10 =	vld [tilespmem:s24+$0x7F50]  }
0x14e: {  	[tilespmem:s24+$0x7EF0] =	vst v6;
	v6 =	vmul.f32 v11, v2;
	v11 =	vld [tilespmem:s24+$0x7F60]  }
0x14f: {  	[tilespmem:s24+$0x7F00] =	vst v7;
	v7 =	vmul.f32 v9, v2;
	v9 =	vld [tilespmem:s24+$0x7F70]  }
0x150: {  	[tilespmem:s24+$0x7F10] =	vst v6;
	v6 =	vmul.f32 v12, v2;
	v12 =	vld [tilespmem:s24+$0x7F80]  }
0x151: {  	[tilespmem:s24+$0x7F20] =	vst v7;
	v7 =	vmul.f32 v8, v2;
	v8 =	vld [tilespmem:s24+$0x7F90]  }
0x152: {  	[tilespmem:s24+$0x7F30] =	vst v6;
	v6 =	vmul.f32 v10, v2;
	v10 =	vld [tilespmem:s24+$0x7FA0]  }
0x153: {  	[tilespmem:s24+$0x7F40] =	vst v7;
	v7 =	vmul.f32 v11, v2;
	v11 =	vld [tilespmem:s24+$0x7FB0]  }
0x154: {  	[tilespmem:s24+$0x7EC0] =	vst v4;
	v2 =	vmul.f32 v9, v2;
	v4 =	vld [tilespmem:s24+$0x7FC0]  }
0x155: {  	[tilespmem:s24+$0x7F60] =	vst v7;
	v7 =	vmul.f32 v12, v5;
	v9 =	vld [tilespmem:s24+$0x7FE0]  }
0x156: {  	[tilespmem:s24+$0x7F70] =	vst v2;
	v2 =	vmul.f32 v8, v5;
	v8 =	vld [tilespmem:s24+$0x7FF0]  }
0x157: {  	[tilespmem:s24+$0x7F80] =	vst v7;
	v7 =	vmul.f32 v10, v5  }
0x158: {  	[tilespmem:s24+$0x7F90] =	vst v2;
	v2 =	vmul.f32 v11, v5  }
0x159: {  	v10 =	vmul.f32 v16, v15;
	[tilespmem:s24+$0x7FA0] =	vst v7  }
0x15a: {  	[tilespmem:s24+$0x7FB0] =	vst v2;
	v2 =	vmul.f32 v4, v5  }
.Ltmp1:
0x15b: {  	[tilespmem:s24+$0x7E30] =	vst v10;
	v4 =	vmul.f32 v8, v5;
	(pc) =	sbr.rel @p0 .LBB2_5-.Ltmp1, $4  }
0x15c: {  	[tilespmem:s24+$0x7FC0] =	vst v2  }
0x15d: {  	v2 =	vmul.f32 v9, v5;
	[tilespmem:s24+$0x7FF0] =	vst v4  }
0x15e: {  	[tilespmem:s24+$0x7F50] =	vst v6  }
0x15f: {  	[tilespmem:s24+$0x7FE0] =	vst v2  }
0x160: {  	s22 =	sadd.s32 $0x1, s22  }
0x161: {  	p0 =	sne.s32 s22, $0x4F  }
.Ltmp2:
0x162: {  	[tilespmem:s24+$0x7E20] =	vst v3;
	s23 =	sadd.s32 $0x2800, s23;
	(pc) =	sbr.rel @p0 .LBB2_4-.Ltmp2, $4  }
0x163: {  	[spmem:s3] =	stream.indirect.scatter.add.f32 [tilespmem:s15], [sflag:$0x1], $0x80, s23, s19, $0xb8;
	[tilespmem:$0x1F800] =	vst v63  }
0x164: {  	_ =	swait.ge [sflag:s16], $0x4000  }
0x165: {  	[sflag:s16] =	ssyncset.done $0x0  }
0x166: {  	[sflag:s16] =	ssyncadd.s32 $0xFFFFC000  }
0x167: {  	s4 =	sadd.s32 $0x1, s4  }
0x168: {  	p0 =	sne.s32 s4, s14  }
.Ltmp3:
0x169: {  	[bflag:$0x0] =	sbarrier.arrive $0xFFFF;
	(pc) =	sbr.rel @p0 .LBB2_1-.Ltmp3, $4  }
0x16a: {  	[hbm:s13], [sflag:s20] =	dma.local [spmem:s21], $0x2800  }
0x16b: {  	_ =	swait.ge [sflag:s16], $0x2800  }
0x16c: {  	[sflag:s16] =	ssyncset.done $0x0  }
0x16d: {  	[sflag:s16] =	ssyncadd.s32 $0xFFFFD800  }
0x16e: {  	_ =	sfence.sel $0x180000  }
0x16f: {  	[bflag:$0x0] =	sbarrier.arrive $0xFFFF  }
0x170: {  	p0 =	sne.s32 s0, $0x0;
	_ =	strace $0x90000047  }
0x171: {  	s0 =	sadd.s32 @!p0 $0x100000, s1;
	[bflag:$0x2] =	sbarrier.arrive $0xFFFF  }
0x172: {  	[sflag:s0] =	ssyncadd.tile.s32 @!p0 $0x1;
	_ =	shalt  }
.Lfunc_end2:
_tile_overlayer_lowered:
.L_overlay_start_2:
0x173: {  	(tag) =	ssettag $0x2  }
0x174: {  	s0 =	rddreg [dreg:$0x0];
	s2 =	stileid.u32  }
0x175: {  	s1 =	rddreg [dreg:$0x1];
	p0 =	sne.s32 s2, $0x0  }
0x176: {  	s3 =	rddreg [dreg:$0x2];
	[bflag:$0x3] =	sbarrier.arrive $0xFFFF;
	s2 =	simm.s32 @!p0 $0x1C01  }
0x177: {  	[timem:s3], [sflag:s2] =	dma.local @!p0 [hbm:s0], s1  }
0x178: {  	s0 =	simm.s32 @!p0 $0x1  }
0x179: {  	_ =	swait.ge @!p0 [sflag:s0], s1  }
0x17a: {  	s1 =	ssub.s32 @!p0 $0x0, s1;
	[sflag:s0] =	ssyncset.done @!p0 $0x0  }
0x17b: {  	[sflag:s0] =	ssyncadd.s32 @!p0 s1  }
0x17c: {  	[bflag:$0x3] =	sbarrier.arrive $0xFFFF  }
0x17d: {  	_ =	shalt  }

</sc_bundles>
